<compile_context>
chip_gen: v7x
topology: tpu7x:2x2x1
jax: 0.10.2.dev20260603
libtpu: 0.0.44.dev20260713+nightly
codegen_flags: <defaults>
</compile_context>

<pallas_src>
import functools

import jax
import jax.numpy as jnp
from jax import lax
from jax.experimental import pallas as pl
from jax.experimental.pallas import tpu as pltpu
from jax.experimental.pallas import tpu_sc as plsc

N_CORES = 2
N_SUB = 16
N_WORKERS = N_CORES * N_SUB
EDGE_WIN = 128

def _dot(a, b, precision=None):
    return jax.lax.dot_general(
        a, b, (((1,), (0,)), ((), ())),
        precision=precision, preferred_element_type=jnp.float32)


def _seed_acc(src_ref, acc_sh, s, n, rows_per_sub, tail_rows):
    row0 = s * rows_per_sub
    pltpu.sync_copy(src_ref.at[pl.ds(row0, rows_per_sub)],
                    acc_sh.at[pl.ds(row0, rows_per_sub)])
    if tail_rows:
        @pl.when(s == 0)
        def _():
            pltpu.sync_copy(src_ref.at[pl.ds(n - tail_rows, tail_rows)],
                            acc_sh.at[pl.ds(n - tail_rows, tail_rows)])


def _dump_acc(acc_sh, out_view, s, n, rows_per_sub, tail_rows):
    row0 = s * rows_per_sub
    pltpu.sync_copy(acc_sh.at[pl.ds(row0, rows_per_sub)],
                    out_view.at[pl.ds(row0, rows_per_sub)])
    if tail_rows:
        @pl.when(s == 0)
        def _():
            pltpu.sync_copy(acc_sh.at[pl.ds(n - tail_rows, tail_rows)],
                            out_view.at[pl.ds(n - tail_rows, tail_rows)])


def _edge_loop(table_ref, acc_sh, src_hbm, dst_hbm, ebase0, src_v, dst_v,
               rows_v, st_v, dt_v, sems, n_win, tail, before_loop=None):
    def src_copy(w, b):
        return pltpu.make_async_copy(
            src_hbm.at[pl.ds(ebase0 + w * EDGE_WIN, EDGE_WIN)],
            src_v.at[b], sems.at[0, b])

    def dst_copy(w, b):
        return pltpu.make_async_copy(
            dst_hbm.at[pl.ds(ebase0 + w * EDGE_WIN, EDGE_WIN)],
            dst_v.at[b], sems.at[1, b])

    def gather_copy(w, b):
        return pltpu.make_async_copy(
            table_ref.at[src_v.at[b]], rows_v.at[b], sems.at[2, b])

    def scatter_copy(b):
        return pltpu.make_async_copy(
            rows_v.at[b], acc_sh.at[dst_v.at[b]], sems.at[3, b])

    def scatter_start(b):
        pltpu.async_copy(rows_v.at[b], acc_sh.at[dst_v.at[b]],
                         sems.at[3, b], add=True)

    for j in range(3):
        src_copy(j, j).start()
    for j in range(2):
        dst_copy(j, j).start()
    for j in range(2):
        src_copy(j, j).wait()
        gather_copy(j, j).start()

    if before_loop is not None:
        before_loop()

    @pl.loop(0, n_win // 3)
    def _(i):
        w0 = 3 * i
        for j in range(3):
            w = w0 + j
            b = j
            b2 = (j + 2) % 3
            gather_copy(w, b).wait()

            @pl.when(w + 3 < n_win)
            def _():
                src_copy(w + 3, b).start()

            @pl.when(w >= 1)
            def _():
                scatter_copy(b2).wait()

            @pl.when(w + 2 < n_win)
            def _():
                dst_copy(w + 2, b2).start()
                src_copy(w + 2, b2).wait()
                gather_copy(w + 2, b2).start()

            dst_copy(w, b).wait()
            scatter_start(b)

    scatter_copy((n_win - 1) % 3).wait()

    if tail:
        base = ebase0 + n_win * EDGE_WIN
        st = pltpu.make_async_copy(
            src_hbm.at[pl.ds(base, tail)], st_v, sems.at[0, 0])
        dt = pltpu.make_async_copy(
            dst_hbm.at[pl.ds(base, tail)], dt_v, sems.at[1, 0])
        st.start()
        dt.start()
        st.wait()
        gt = pltpu.make_async_copy(
            table_ref.at[st_v], rows_v.at[0, pl.ds(0, tail)], sems.at[2, 0])
        gt.start()
        gt.wait()
        dt.wait()
        pltpu.sync_copy(rows_v.at[0, pl.ds(0, tail)], acc_sh.at[dt_v],
                        add=True)


def _sc_scratch(n, d, tail):
    return [
        pltpu.VMEM((3, EDGE_WIN), jnp.int32),
        pltpu.VMEM((3, EDGE_WIN), jnp.int32),
        pltpu.VMEM((3, EDGE_WIN, d), jnp.float32),
        pltpu.VMEM((max(tail, 8),), jnp.int32),
        pltpu.VMEM((max(tail, 8),), jnp.int32),
        pltpu.VMEM_SHARED((n, d), jnp.float32),
        pltpu.SemaphoreType.DMA((4, 3)),
    ]


def _sc_seed_plus_segment_sum(table, src, dst):
    n, d = table.shape
    e = src.shape[0]
    per_w = e // N_WORKERS
    n_win = per_w // EDGE_WIN // 3 * 3
    tail = per_w - n_win * EDGE_WIN
    rows_per_sub = (n // N_SUB) // 8 * 8
    tail_rows = n - rows_per_sub * N_SUB
    zeros = jnp.zeros((n, d), jnp.float32)

    mesh = plsc.VectorSubcoreMesh(core_axis_name="c", subcore_axis_name="s")

    @functools.partial(
        pl.kernel,
        out_type=jax.ShapeDtypeStruct((N_CORES, n, d), jnp.float32),
        mesh=mesh,
        scratch_types=_sc_scratch(n, d, tail),
    )
    def k(table_hbm, src_hbm, dst_hbm, zeros_hbm, out_hbm,
          src_v, dst_v, rows_v, st_v, dt_v, acc_sh, sems):
        c = lax.axis_index("c")
        s = lax.axis_index("s")
        wid = c * N_SUB + s
        base0 = wid * per_w

        def seed_and_sync():
            @pl.when(c == 0)
            def _():
                _seed_acc(table_hbm, acc_sh, s, n, rows_per_sub, tail_rows)

            @pl.when(c != 0)
            def _():
                _seed_acc(zeros_hbm, acc_sh, s, n, rows_per_sub, tail_rows)

            plsc.subcore_barrier()

        _edge_loop(table_hbm, acc_sh, src_hbm, dst_hbm, base0, src_v, dst_v,
                   rows_v, st_v, dt_v, sems, n_win, tail,
                   before_loop=seed_and_sync)
        plsc.subcore_barrier()
        _dump_acc(acc_sh, out_hbm.at[c], s, n, rows_per_sub, tail_rows)

    return k(table, src, dst, zeros)


def _sc_seed_plus_segment_sum_halves(tables, src, dst):
    _, n, d = tables.shape
    e = src.shape[0]
    per_s = e // N_SUB
    n_win = per_s // EDGE_WIN // 3 * 3
    tail = per_s - n_win * EDGE_WIN
    rows_per_sub = (n // N_SUB) // 8 * 8
    tail_rows = n - rows_per_sub * N_SUB

    mesh = plsc.VectorSubcoreMesh(core_axis_name="c", subcore_axis_name="s")

    @functools.partial(
        pl.kernel,
        out_type=jax.ShapeDtypeStruct((N_CORES, n, d), jnp.float32),
        mesh=mesh,
        scratch_types=_sc_scratch(n, d, tail),
    )
    def k(tables_hbm, src_hbm, dst_hbm, out_hbm,
          src_v, dst_v, rows_v, st_v, dt_v, acc_sh, sems):
        c = lax.axis_index("c")
        s = lax.axis_index("s")
        base0 = s * per_s

        def run(table_ref):
            def seed_and_sync():
                _seed_acc(table_ref, acc_sh, s, n, rows_per_sub, tail_rows)
                plsc.subcore_barrier()

            _edge_loop(table_ref, acc_sh, src_hbm, dst_hbm, base0, src_v,
                       dst_v, rows_v, st_v, dt_v, sems, n_win, tail,
                       before_loop=seed_and_sync)
            plsc.subcore_barrier()

        @pl.when(c == 0)
        def _():
            run(tables_hbm.at[0])

        @pl.when(c != 0)
        def _():
            run(tables_hbm.at[1])

        _dump_acc(acc_sh, out_hbm.at[c], s, n, rows_per_sub, tail_rows)

    return k(tables, src, dst)


def _tc_mlp1(p, w1, b1, w2, b2, block_rows=5000):
    n = p.shape[1]
    grid = n // block_rows
    h_out = w2.shape[1]
    hh = h_out // 2

    def body(p_ref, w1_ref, b1_ref, w2_ref, b2_ref, out_ref):
        h = p_ref[0] + p_ref[1]
        t = jnp.maximum(_dot(h, w1_ref[...]) + b1_ref[...], 0.0)
        h1 = jnp.maximum(_dot(t, w2_ref[...]) + b2_ref[...], 0.0)
        out_ref[0] = h1[:, :hh]
        out_ref[1] = h1[:, hh:]

    return pl.pallas_call(
        body,
        grid=(grid,),
        in_specs=[
            pl.BlockSpec((2, block_rows, p.shape[2]), lambda i: (0, i, 0)),
            pl.BlockSpec(w1.shape, lambda i: (0, 0)),
            pl.BlockSpec((1, h_out), lambda i: (0, 0)),
            pl.BlockSpec(w2.shape, lambda i: (0, 0)),
            pl.BlockSpec((1, h_out), lambda i: (0, 0)),
        ],
        out_specs=pl.BlockSpec((2, block_rows, hh), lambda i: (0, i, 0)),
        out_shape=jax.ShapeDtypeStruct((2, n, hh), jnp.float32),
    )(p, w1, b1.reshape(1, -1), w2, b2.reshape(1, -1))


def _tc_mlp2_query_head(p2, w3, b3, w4, b4, qx, q_edges, qw, lw,
                        block_rows=5000):
    n = p2.shape[1]
    grid = n // block_rows
    h = w3.shape[0]
    d_out = w4.shape[1]
    n_q = qx.shape[0]
    e_q = q_edges.shape[1]

    def body(p2_ref, w3_ref, b3_ref, w4_ref, b4_ref, qx_ref, ei_ref,
             qw1, qb1, qw2, qb2, qw3, qb3, qw4, qb4,
             lw1, lb1, lw2, lb2, lw3, lb3, out_ref, acc_ref):
        i = pl.program_id(0)
        hf = jnp.concatenate([p2_ref[0], p2_ref[1]], axis=1)
        t = jnp.maximum(_dot(hf, w3_ref[...]) + b3_ref[...], 0.0)
        dx = _dot(t, w4_ref[...]) + b4_ref[...]
        part = jnp.sum(dx, axis=0, keepdims=True)

        @pl.when(i == 0)
        def _():
            acc_ref[...] = part

        @pl.when(i != 0)
        def _():
            acc_ref[...] += part

        @pl.when(i == grid - 1)
        def _():
            src = ei_ref[0, :]
            dst = ei_ref[1, :]
            iota_en = jax.lax.broadcasted_iota(jnp.int32, (e_q, n_q), 1)
            s_oh = (iota_en == src[:, None]).astype(jnp.float32)
            d_oh = (iota_en == dst[:, None]).astype(jnp.float32).T

            def gin_layer(x, w1, b1, w2, b2):
                hi = jax.lax.Precision.HIGHEST
                agg = _dot(d_oh, _dot(s_oh, x, hi), hi)
                tq = jnp.maximum(_dot(x + agg, w1[...]) + b1[...], 0.0)
                return _dot(tq, w2[...]) + b2[...]

            x = qx_ref[...]
            hq = jnp.maximum(gin_layer(x, qw1, qb1, qw2, qb2), 0.0)
            qx2 = gin_layer(hq, qw3, qb3, qw4, qb4)
            qp = jnp.sum(qx2, axis=0, keepdims=True)

            cat = jnp.concatenate([qp, acc_ref[...]], axis=1)
            o = jnp.maximum(_dot(cat, lw1[...]) + lb1[...], 0.0)
            o = jnp.maximum(_dot(o, lw2[...]) + lb2[...], 0.0)
            o = jnp.maximum(_dot(o, lw3[...]) + lb3[...], 0.0)
            out_ref[...] = o

    qw1, qb1, qw2, qb2, qw3, qb3, qw4, qb4 = qw
    lw1, lb1, lw2, lb2, lw3, lb3 = lw
    consts = [qx, q_edges,
              qw1, qb1.reshape(1, -1), qw2, qb2.reshape(1, -1),
              qw3, qb3.reshape(1, -1), qw4, qb4.reshape(1, -1),
              lw1, lb1.reshape(1, -1), lw2, lb2.reshape(1, -1),
              lw3, lb3.reshape(1, -1)]

    def const_spec(a):
        nd = a.ndim
        return pl.BlockSpec(a.shape, (lambda *_, _nd=nd: (0,) * _nd))

    return pl.pallas_call(
        body,
        grid=(grid,),
        in_specs=[
            pl.BlockSpec((2, block_rows, h // 2), lambda i: (0, i, 0)),
            pl.BlockSpec(w3.shape, lambda i: (0, 0)),
            pl.BlockSpec((1, h), lambda i: (0, 0)),
            pl.BlockSpec(w4.shape, lambda i: (0, 0)),
            pl.BlockSpec((1, d_out), lambda i: (0, 0)),
        ] + [const_spec(a) for a in consts],
        out_specs=pl.BlockSpec((1, 8), lambda i: (0, 0)),
        out_shape=jax.ShapeDtypeStruct((1, 8), jnp.float32),
        scratch_shapes=[pltpu.VMEM((1, d_out), jnp.float32)],
    )(p2, w3, b3.reshape(1, -1), w4, b4.reshape(1, -1), *consts)


def kernel(query_in_feat, data_in_feat, query_edge_list, data_edge_list,
           qW1, qb1, qW2, qb2, qW3, qb3, qW4, qb4,
           dW1, db1, dW2, db2, dW3, db3, dW4, db4,
           lW1, lb1, lW2, lb2, lW3, lb3):
    src = data_edge_list[0]
    dst = data_edge_list[1]

    p1 = _sc_seed_plus_segment_sum(data_in_feat, src, dst)
    h1h = _tc_mlp1(p1, dW1, db1, dW2, db2)

    p2 = _sc_seed_plus_segment_sum_halves(h1h, src, dst)
    return _tc_mlp2_query_head(
        p2, dW3, db3, dW4, db4,
        query_in_feat, query_edge_list,
        (qW1, qb1, qW2, qb2, qW3, qb3, qW4, qb4),
        (lW1, lb1, lW2, lb2, lW3, lb3))

# --- scband reference (transcript-rebuilt; emitter-appended) ---
"""Pipeline reference for scband-basic-count-net-6871947674185 (READ-ONLY COPY).

The authoritative reference and input builder live on the scoring server;
editing this copy changes nothing except your own understanding.
"""

import jax, jax.numpy as jnp
import numpy as np

N_Q, E_Q = 64, 256
N_D, E_D = 10000, 320000
D_IN, H_Q, H_D, D_OUT = 128, 128, 256, 128

def setup_inputs(seed: int = 0):
    key = jax.random.key(seed)
    ks = jax.random.split(key, 32)
    def w(i, shape):
        return jax.random.normal(ks[i], shape, dtype=jnp.float32) / np.sqrt(shape[0])
    inp = {}
    inp['query_in_feat'] = jax.random.normal(ks[0], (N_Q, D_IN), dtype=jnp.float32)
    inp['data_in_feat'] = jax.random.normal(ks[1], (N_D, D_IN), dtype=jnp.float32)
    inp['query_edge_list'] = jax.random.randint(ks[2], (2, E_Q), 0, N_Q)
    inp['data_edge_list'] = jax.random.randint(ks[3], (2, E_D), 0, N_D)
    inp['qW1'] = w(4, (D_IN, H_Q)); inp['qb1'] = jnp.zeros((H_Q,), jnp.float32)
    inp['qW2'] = w(5, (H_Q, H_Q)); inp['qb2'] = jnp.zeros((H_Q,), jnp.float32)
    inp['qW3'] = w(6, (H_Q, H_Q)); inp['qb3'] = jnp.zeros((H_Q,), jnp.float32)
    inp['qW4'] = w(7, (H_Q, D_OUT)); inp['qb4'] = jnp.zeros((D_OUT,), jnp.float32)
    inp['dW1'] = w(8, (D_IN, H_D)); inp['db1'] = jnp.zeros((H_D,), jnp.float32)
    inp['dW2'] = w(9, (H_D, H_D)); inp['db2'] = jnp.zeros((H_D,), jnp.float32)
    inp['dW3'] = w(10, (H_D, H_D)); inp['db3'] = jnp.zeros((H_D,), jnp.float32)
    inp['dW4'] = w(11, (H_D, D_OUT)); inp['db4'] = jnp.zeros((D_OUT,), jnp.float32)
    inp['lW1'] = w(12, (2 * D_OUT, D_OUT)); inp['lb1'] = jnp.zeros((D_OUT,), jnp.float32)
    inp['lW2'] = w(13, (D_OUT, D_OUT // 2)); inp['lb2'] = jnp.zeros((D_OUT // 2,), jnp.float32)
    inp['lW3'] = w(14, (D_OUT // 2, 8)); inp['lb3'] = jnp.zeros((8,), jnp.float32)
    return inp

def _gin_layer(x, src, dst, n, W1, b1, W2, b2):
    # GINConv with eps=0: h = MLP(x + sum_{j in N(i)} x_j)
    agg = jax.ops.segment_sum(jnp.take(x, src, axis=0), dst, num_segments=n)
    h = x + agg
    h = jnp.maximum(h @ W1 + b1, 0.0)
    return h @ W2 + b2

def _gin(x, ei, p1, p2):
    n = x.shape[0]
    src, dst = ei[0], ei[1]
    h = jnp.maximum(_gin_layer(x, src, dst, n, *p1), 0.0)
    return _gin_layer(h, src, dst, n, *p2)

def reference(query_in_feat, data_in_feat, query_edge_list, data_edge_list, qW1, qb1, qW2, qb2, qW3, qb3, qW4, qb4, dW1, db1, dW2, db2, dW3, db3, dW4, db4, lW1, lb1, lW2, lb2, lW3, lb3):
    qx = _gin(query_in_feat, query_edge_list, (qW1, qb1, qW2, qb2), (qW3, qb3, qW4, qb4))
    dx = _gin(data_in_feat, data_edge_list, (dW1, db1, dW2, db2), (dW3, db3, dW4, db4))
    # global_add_pool with a single graph per batch (batch ids all zero)
    qp = jnp.sum(qx, axis=0, keepdims=True)
    dp = jnp.sum(dx, axis=0, keepdims=True)
    out = jnp.concatenate([qp, dp], axis=1)
    out = jnp.maximum(out @ lW1 + lb1, 0.0)
    out = jnp.maximum(out @ lW2 + lb2, 0.0)
    out = jnp.maximum(out @ lW3 + lb3, 0.0)
    return out.reshape(1, 8)

if __name__ == "__main__":
    import jax
    _d = setup_inputs()
    print(jax.jit(kernel)(*tuple(_d.values())))

</pallas_src>

<mosaic_0001>
#map = affine_map<(d0, d1) -> (0, 0, 0)>
#map1 = affine_map<(d0, d1) -> (0)>
module attributes {stable_mosaic.version = 14 : i64} {
  func.func @k(%arg0: i32, %arg1: i32, %arg2: memref<2x10000x128xf32, #tpu.memory_space<hbm>>, %arg3: memref<320000xi32, #tpu.memory_space<hbm>>, %arg4: memref<320000xi32, #tpu.memory_space<hbm>>, %arg5: memref<2x10000x128xf32, #tpu.memory_space<hbm>>, %arg6: memref<3x128xi32, #tpu.memory_space<vmem>>, %arg7: memref<3x128xi32, #tpu.memory_space<vmem>>, %arg8: memref<3x128x128xf32, #tpu.memory_space<vmem>>, %arg9: memref<32xi32, #tpu.memory_space<vmem>>, %arg10: memref<32xi32, #tpu.memory_space<vmem>>, %arg11: memref<10000x128xf32, #tpu.memory_space<vmem_shared>>, %arg12: memref<4x3x!tpu.dma_semaphore, #tpu.memory_space<semaphore_mem>>) attributes {dimension_semantics = [#tpu.dimension_semantics<core_parallel>, #tpu.dimension_semantics<subcore_parallel>], iteration_bounds = array<i64: 2, 16>, scalar_prefetch = 0 : i64, scratch_operands = 7 : i64, tpu.core_type = #tpu.core_type<sc_vector_subcore>, window_params = [{transform_indices = #map}, {transform_indices = #map1}, {transform_indices = #map1}, {transform_indices = #map}]} {
    %mul3A = arith.constant 20000 : i32
    %mul3A_0 = arith.muli %arg1, %mul3A : i32
    %eq3A = arith.constant 0 : i32
    %eq3A_1 = arith.cmpi eq, %arg0, %eq3A : i32
    %convert_element_type3A = arith.extui %eq3A_1 : i1 to i32
    %cond3A = arith.constant 0 : i32
    %cond3A_2 = arith.cmpi ne, %convert_element_type3A, %cond3A : i32
    scf.if %cond3A_2 {
      %add3A = arith.constant 0 : i32
      %add3A_14 = arith.addi %mul3A_0, %add3A : i32
      %dma_start3A = arith.constant 0 : i32
      %dma_start3A_15 = arith.constant 0 : i32
      %dma_start3A_16 = arith.constant 0 : i32
      %dma_start3A_17 = arith.constant 0 : i32
      %dma_start3A_18 = tpu.memref_slice %arg6[%dma_start3A, %dma_start3A_17] : memref<3x128xi32, #tpu.memory_space<vmem>> -> memref<1x128xi32, #tpu.memory_space<vmem>>
      %dma_start3A_19 = tpu.memref_squeeze %dma_start3A_18 : memref<1x128xi32, #tpu.memory_space<vmem>> -> memref<128xi32, #tpu.memory_space<vmem>>
      %dma_start3A_20 = tpu.memref_slice %arg3[%add3A_14] : memref<320000xi32, #tpu.memory_space<hbm>> -> memref<128xi32, #tpu.memory_space<hbm>>
      %dma_start3A_21 = tpu.memref_slice %arg12[%dma_start3A_15, %dma_start3A_16] : memref<4x3x!tpu.dma_semaphore, #tpu.memory_space<semaphore_mem>> -> memref<1x1x!tpu.dma_semaphore, #tpu.memory_space<semaphore_mem>>
      %dma_start3A_22 = tpu.memref_squeeze %dma_start3A_21 : memref<1x1x!tpu.dma_semaphore, #tpu.memory_space<semaphore_mem>> -> memref<!tpu.dma_semaphore, #tpu.memory_space<semaphore_mem>>
      %dma_start3A_23 = arith.constant 0 : i32
      %dma_start3A_24 = tpu.memref_slice %arg6[%dma_start3A, %dma_start3A_23] : memref<3x128xi32, #tpu.memory_space<vmem>> -> memref<1x128xi32, #tpu.memory_space<vmem>>
      %dma_start3A_25 = tpu.memref_squeeze %dma_start3A_24 : memref<1x128xi32, #tpu.memory_space<vmem>> -> memref<128xi32, #tpu.memory_space<vmem>>
      %dma_start3A_26 = tpu.memref_slice %arg3[%add3A_14] : memref<320000xi32, #tpu.memory_space<hbm>> -> memref<128xi32, #tpu.memory_space<hbm>>
      tpu.enqueue_dma source(%dma_start3A_26 : memref<128xi32, #tpu.memory_space<hbm>>) target(%dma_start3A_25 : memref<128xi32, #tpu.memory_space<vmem>>) target_semaphore(%dma_start3A_22 : memref<!tpu.dma_semaphore, #tpu.memory_space<semaphore_mem>>)
      %add3A_27 = arith.constant 128 : i32
      %add3A_28 = arith.addi %mul3A_0, %add3A_27 : i32
      %dma_start3A_29 = arith.constant 1 : i32
      %dma_start3A_30 = arith.constant 0 : i32
      %dma_start3A_31 = arith.constant 1 : i32
      %dma_start3A_32 = arith.constant 0 : i32
      %dma_start3A_33 = tpu.memref_slice %arg6[%dma_start3A_29, %dma_start3A_32] : memref<3x128xi32, #tpu.memory_space<vmem>> -> memref<1x128xi32, #tpu.memory_space<vmem>>
      %dma_start3A_34 = tpu.memref_squeeze %dma_start3A_33 : memref<1x128xi32, #tpu.memory_space<vmem>> -> memref<128xi32, #tpu.memory_space<vmem>>
      %dma_start3A_35 = tpu.memref_slice %arg3[%add3A_28] : memref<320000xi32, #tpu.memory_space<hbm>> -> memref<128xi32, #tpu.memory_space<hbm>>
      %dma_start3A_36 = tpu.memref_slice %arg12[%dma_start3A_30, %dma_start3A_31] : memref<4x3x!tpu.dma_semaphore, #tpu.memory_space<semaphore_mem>> -> memref<1x1x!tpu.dma_semaphore, #tpu.memory_space<semaphore_mem>>
      %dma_start3A_37 = tpu.memref_squeeze %dma_start3A_36 : memref<1x1x!tpu.dma_semaphore, #tpu.memory_space<semaphore_mem>> -> memref<!tpu.dma_semaphore, #tpu.memory_space<semaphore_mem>>
      %dma_start3A_38 = arith.constant 0 : i32
      %dma_start3A_39 = tpu.memref_slice %arg6[%dma_start3A_29, %dma_start3A_38] : memref<3x128xi32, #tpu.memory_space<vmem>> -> memref<1x128xi32, #tpu.memory_space<vmem>>
      %dma_start3A_40 = tpu.memref_squeeze %dma_start3A_39 : memref<1x128xi32, #tpu.memory_space<vmem>> -> memref<128xi32, #tpu.memory_space<vmem>>
      %dma_start3A_41 = tpu.memref_slice %arg3[%add3A_28] : memref<320000xi32, #tpu.memory_space<hbm>> -> memref<128xi32, #tpu.memory_space<hbm>>
      tpu.enqueue_dma source(%dma_start3A_41 : memref<128xi32, #tpu.memory_space<hbm>>) target(%dma_start3A_40 : memref<128xi32, #tpu.memory_space<vmem>>) target_semaphore(%dma_start3A_37 : memref<!tpu.dma_semaphore, #tpu.memory_space<semaphore_mem>>)
      %add3A_42 = arith.constant 256 : i32
      %add3A_43 = arith.addi %mul3A_0, %add3A_42 : i32
      %dma_start3A_44 = arith.constant 2 : i32
      %dma_start3A_45 = arith.constant 0 : i32
      %dma_start3A_46 = arith.constant 2 : i32
      %dma_start3A_47 = arith.constant 0 : i32
      %dma_start3A_48 = tpu.memref_slice %arg6[%dma_start3A_44, %dma_start3A_47] : memref<3x128xi32, #tpu.memory_space<vmem>> -> memref<1x128xi32, #tpu.memory_space<vmem>>
      %dma_start3A_49 = tpu.memref_squeeze %dma_start3A_48 : memref<1x128xi32, #tpu.memory_space<vmem>> -> memref<128xi32, #tpu.memory_space<vmem>>
      %dma_start3A_50 = tpu.memref_slice %arg3[%add3A_43] : memref<320000xi32, #tpu.memory_space<hbm>> -> memref<128xi32, #tpu.memory_space<hbm>>
      %dma_start3A_51 = tpu.memref_slice %arg12[%dma_start3A_45, %dma_start3A_46] : memref<4x3x!tpu.dma_semaphore, #tpu.memory_space<semaphore_mem>> -> memref<1x1x!tpu.dma_semaphore, #tpu.memory_space<semaphore_mem>>
      %dma_start3A_52 = tpu.memref_squeeze %dma_start3A_51 : memref<1x1x!tpu.dma_semaphore, #tpu.memory_space<semaphore_mem>> -> memref<!tpu.dma_semaphore, #tpu.memory_space<semaphore_mem>>
      %dma_start3A_53 = arith.constant 0 : i32
      %dma_start3A_54 = tpu.memref_slice %arg6[%dma_start3A_44, %dma_start3A_53] : memref<3x128xi32, #tpu.memory_space<vmem>> -> memref<1x128xi32, #tpu.memory_space<vmem>>
      %dma_start3A_55 = tpu.memref_squeeze %dma_start3A_54 : memref<1x128xi32, #tpu.memory_space<vmem>> -> memref<128xi32, #tpu.memory_space<vmem>>
      %dma_start3A_56 = tpu.memref_slice %arg3[%add3A_43] : memref<320000xi32, #tpu.memory_space<hbm>> -> memref<128xi32, #tpu.memory_space<hbm>>
      tpu.enqueue_dma source(%dma_start3A_56 : memref<128xi32, #tpu.memory_space<hbm>>) target(%dma_start3A_55 : memref<128xi32, #tpu.memory_space<vmem>>) target_semaphore(%dma_start3A_52 : memref<!tpu.dma_semaphore, #tpu.memory_space<semaphore_mem>>)
      %add3A_57 = arith.constant 0 : i32
      %add3A_58 = arith.addi %mul3A_0, %add3A_57 : i32
      %dma_start3A_59 = arith.constant 0 : i32
      %dma_start3A_60 = arith.constant 1 : i32
      %dma_start3A_61 = arith.constant 0 : i32
      %dma_start3A_62 = arith.constant 0 : i32
      %dma_start3A_63 = tpu.memref_slice %arg7[%dma_start3A_59, %dma_start3A_62] : memref<3x128xi32, #tpu.memory_space<vmem>> -> memref<1x128xi32, #tpu.memory_space<vmem>>
      %dma_start3A_64 = tpu.memref_squeeze %dma_start3A_63 : memref<1x128xi32, #tpu.memory_space<vmem>> -> memref<128xi32, #tpu.memory_space<vmem>>
      %dma_start3A_65 = tpu.memref_slice %arg4[%add3A_58] : memref<320000xi32, #tpu.memory_space<hbm>> -> memref<128xi32, #tpu.memory_space<hbm>>
      %dma_start3A_66 = tpu.memref_slice %arg12[%dma_start3A_60, %dma_start3A_61] : memref<4x3x!tpu.dma_semaphore, #tpu.memory_space<semaphore_mem>> -> memref<1x1x!tpu.dma_semaphore, #tpu.memory_space<semaphore_mem>>
      %dma_start3A_67 = tpu.memref_squeeze %dma_start3A_66 : memref<1x1x!tpu.dma_semaphore, #tpu.memory_space<semaphore_mem>> -> memref<!tpu.dma_semaphore, #tpu.memory_space<semaphore_mem>>
      %dma_start3A_68 = arith.constant 0 : i32
      %dma_start3A_69 = tpu.memref_slice %arg7[%dma_start3A_59, %dma_start3A_68] : memref<3x128xi32, #tpu.memory_space<vmem>> -> memref<1x128xi32, #tpu.memory_space<vmem>>
      %dma_start3A_70 = tpu.memref_squeeze %dma_start3A_69 : memref<1x128xi32, #tpu.memory_space<vmem>> -> memref<128xi32, #tpu.memory_space<vmem>>
      %dma_start3A_71 = tpu.memref_slice %arg4[%add3A_58] : memref<320000xi32, #tpu.memory_space<hbm>> -> memref<128xi32, #tpu.memory_space<hbm>>
      tpu.enqueue_dma source(%dma_start3A_71 : memref<128xi32, #tpu.memory_space<hbm>>) target(%dma_start3A_70 : memref<128xi32, #tpu.memory_space<vmem>>) target_semaphore(%dma_start3A_67 : memref<!tpu.dma_semaphore, #tpu.memory_space<semaphore_mem>>)
      %add3A_72 = arith.constant 128 : i32
      %add3A_73 = arith.addi %mul3A_0, %add3A_72 : i32
      %dma_start3A_74 = arith.constant 1 : i32
      %dma_start3A_75 = arith.constant 1 : i32
      %dma_start3A_76 = arith.constant 1 : i32
      %dma_start3A_77 = arith.constant 0 : i32
      %dma_start3A_78 = tpu.memref_slice %arg7[%dma_start3A_74, %dma_start3A_77] : memref<3x128xi32, #tpu.memory_space<vmem>> -> memref<1x128xi32, #tpu.memory_space<vmem>>
      %dma_start3A_79 = tpu.memref_squeeze %dma_start3A_78 : memref<1x128xi32, #tpu.memory_space<vmem>> -> memref<128xi32, #tpu.memory_space<vmem>>
      %dma_start3A_80 = tpu.memref_slice %arg4[%add3A_73] : memref<320000xi32, #tpu.memory_space<hbm>> -> memref<128xi32, #tpu.memory_space<hbm>>
      %dma_start3A_81 = tpu.memref_slice %arg12[%dma_start3A_75, %dma_start3A_76] : memref<4x3x!tpu.dma_semaphore, #tpu.memory_space<semaphore_mem>> -> memref<1x1x!tpu.dma_semaphore, #tpu.memory_space<semaphore_mem>>
      %dma_start3A_82 = tpu.memref_squeeze %dma_start3A_81 : memref<1x1x!tpu.dma_semaphore, #tpu.memory_space<semaphore_mem>> -> memref<!tpu.dma_semaphore, #tpu.memory_space<semaphore_mem>>
      %dma_start3A_83 = arith.constant 0 : i32
      %dma_start3A_84 = tpu.memref_slice %arg7[%dma_start3A_74, %dma_start3A_83] : memref<3x128xi32, #tpu.memory_space<vmem>> -> memref<1x128xi32, #tpu.memory_space<vmem>>
      %dma_start3A_85 = tpu.memref_squeeze %dma_start3A_84 : memref<1x128xi32, #tpu.memory_space<vmem>> -> memref<128xi32, #tpu.memory_space<vmem>>
      %dma_start3A_86 = tpu.memref_slice %arg4[%add3A_73] : memref<320000xi32, #tpu.memory_space<hbm>> -> memref<128xi32, #tpu.memory_space<hbm>>
      tpu.enqueue_dma source(%dma_start3A_86 : memref<128xi32, #tpu.memory_space<hbm>>) target(%dma_start3A_85 : memref<128xi32, #tpu.memory_space<vmem>>) target_semaphore(%dma_start3A_82 : memref<!tpu.dma_semaphore, #tpu.memory_space<semaphore_mem>>)
      %add3A_87 = arith.constant 0 : i32
      %add3A_88 = arith.addi %mul3A_0, %add3A_87 : i32
      %dma_wait3A = arith.constant 0 : i32
      %dma_wait3A_89 = arith.constant 0 : i32
      %dma_wait3A_90 = arith.constant 0 : i32
      %dma_wait3A_91 = arith.constant 0 : i32
      %dma_wait3A_92 = tpu.memref_slice %arg6[%dma_wait3A, %dma_wait3A_91] : memref<3x128xi32, #tpu.memory_space<vmem>> -> memref<1x128xi32, #tpu.memory_space<vmem>>
      %dma_wait3A_93 = tpu.memref_squeeze %dma_wait3A_92 : memref<1x128xi32, #tpu.memory_space<vmem>> -> memref<128xi32, #tpu.memory_space<vmem>>
      %dma_wait3A_94 = tpu.memref_slice %arg3[%add3A_88] : memref<320000xi32, #tpu.memory_space<hbm>> -> memref<128xi32, #tpu.memory_space<hbm>>
      %dma_wait3A_95 = tpu.memref_slice %arg12[%dma_wait3A_89, %dma_wait3A_90] : memref<4x3x!tpu.dma_semaphore, #tpu.memory_space<semaphore_mem>> -> memref<1x1x!tpu.dma_semaphore, #tpu.memory_space<semaphore_mem>>
      %dma_wait3A_96 = tpu.memref_squeeze %dma_wait3A_95 : memref<1x1x!tpu.dma_semaphore, #tpu.memory_space<semaphore_mem>> -> memref<!tpu.dma_semaphore, #tpu.memory_space<semaphore_mem>>
      %dma_wait3A_97 = arith.constant 0 : i32
      %dma_wait3A_98 = tpu.memref_slice %arg6[%dma_wait3A, %dma_wait3A_97] : memref<3x128xi32, #tpu.memory_space<vmem>> -> memref<1x128xi32, #tpu.memory_space<vmem>>
      %dma_wait3A_99 = tpu.memref_squeeze %dma_wait3A_98 : memref<1x128xi32, #tpu.memory_space<vmem>> -> memref<128xi32, #tpu.memory_space<vmem>>
      %dma_wait3A_100 = tpu.memref_slice %arg3[%add3A_88] : memref<320000xi32, #tpu.memory_space<hbm>> -> memref<128xi32, #tpu.memory_space<hbm>>
      tpu.wait_dma2 semaphore(%dma_wait3A_96 : memref<!tpu.dma_semaphore, #tpu.memory_space<semaphore_mem>>) src(%dma_wait3A_100 : memref<128xi32, #tpu.memory_space<hbm>>) dst(%dma_wait3A_99 : memref<128xi32, #tpu.memory_space<vmem>>)
      %dma_start3A_101 = arith.constant 0 : i32
      %dma_start3A_102 = arith.constant 0 : i32
      %dma_start3A_103 = arith.constant 0 : i32
      %dma_start3A_104 = arith.constant 2 : i32
      %dma_start3A_105 = arith.constant 0 : i32
      %dma_start3A_106 = arith.constant 0 : i32
      %dma_start3A_107 = arith.constant 0 : i32
      %dma_start3A_108 = tpu.memref_slice %arg8[%dma_start3A_103, %dma_start3A_106, %dma_start3A_107] : memref<3x128x128xf32, #tpu.memory_space<vmem>> -> memref<1x128x128xf32, #tpu.memory_space<vmem>>
      %dma_start3A_109 = tpu.memref_squeeze %dma_start3A_108 : memref<1x128x128xf32, #tpu.memory_space<vmem>> -> memref<128x128xf32, #tpu.memory_space<vmem>>
      %dma_start3A_110 = arith.constant 0 : i32
      %dma_start3A_111 = tpu.memref_slice %arg6[%dma_start3A_102, %dma_start3A_110] : memref<3x128xi32, #tpu.memory_space<vmem>> -> memref<1x128xi32, #tpu.memory_space<vmem>>
      %dma_start3A_112 = tpu.memref_squeeze %dma_start3A_111 : memref<1x128xi32, #tpu.memory_space<vmem>> -> memref<128xi32, #tpu.memory_space<vmem>>
      %dma_start3A_113 = arith.constant 0 : i32
      %dma_start3A_114 = arith.constant 0 : i32
      %dma_start3A_115 = tpu.memref_slice %arg2[%dma_start3A_101, %dma_start3A_113, %dma_start3A_114] : memref<2x10000x128xf32, #tpu.memory_space<hbm>> -> memref<1x10000x128xf32, #tpu.memory_space<hbm>>
      %dma_start3A_116 = tpu.memref_squeeze %dma_start3A_115 : memref<1x10000x128xf32, #tpu.memory_space<hbm>> -> memref<10000x128xf32, #tpu.memory_space<hbm>>
      %dma_start3A_117 = arith.constant 0 : i32
      %dma_start3A_118 = arith.constant 0 : i32
      %dma_start3A_119 = tpu.memref_slice %dma_start3A_116[%dma_start3A_117, %dma_start3A_118] : memref<10000x128xf32, #tpu.memory_space<hbm>> -> memref<10000x128xf32, #tpu.memory_space<hbm>>
      %dma_start3A_120 = tpu.memref_slice %arg12[%dma_start3A_104, %dma_start3A_105] : memref<4x3x!tpu.dma_semaphore, #tpu.memory_space<semaphore_mem>> -> memref<1x1x!tpu.dma_semaphore, #tpu.memory_space<semaphore_mem>>
      %dma_start3A_121 = tpu.memref_squeeze %dma_start3A_120 : memref<1x1x!tpu.dma_semaphore, #tpu.memory_space<semaphore_mem>> -> memref<!tpu.dma_semaphore, #tpu.memory_space<semaphore_mem>>
      tpu.enqueue_indirect_dma source(%dma_start3A_119 : memref<10000x128xf32, #tpu.memory_space<hbm>>) target(%dma_start3A_109 : memref<128x128xf32, #tpu.memory_space<vmem>>) offsets(%dma_start3A_112 : memref<128xi32, #tpu.memory_space<vmem>>) semaphore(%dma_start3A_121 : memref<!tpu.dma_semaphore, #tpu.memory_space<semaphore_mem>>)
      %add3A_122 = arith.constant 128 : i32
      %add3A_123 = arith.addi %mul3A_0, %add3A_122 : i32
      %dma_wait3A_124 = arith.constant 1 : i32
      %dma_wait3A_125 = arith.constant 0 : i32
      %dma_wait3A_126 = arith.constant 1 : i32
      %dma_wait3A_127 = arith.constant 0 : i32
      %dma_wait3A_128 = tpu.memref_slice %arg6[%dma_wait3A_124, %dma_wait3A_127] : memref<3x128xi32, #tpu.memory_space<vmem>> -> memref<1x128xi32, #tpu.memory_space<vmem>>
      %dma_wait3A_129 = tpu.memref_squeeze %dma_wait3A_128 : memref<1x128xi32, #tpu.memory_space<vmem>> -> memref<128xi32, #tpu.memory_space<vmem>>
      %dma_wait3A_130 = tpu.memref_slice %arg3[%add3A_123] : memref<320000xi32, #tpu.memory_space<hbm>> -> memref<128xi32, #tpu.memory_space<hbm>>
      %dma_wait3A_131 = tpu.memref_slice %arg12[%dma_wait3A_125, %dma_wait3A_126] : memref<4x3x!tpu.dma_semaphore, #tpu.memory_space<semaphore_mem>> -> memref<1x1x!tpu.dma_semaphore, #tpu.memory_space<semaphore_mem>>
      %dma_wait3A_132 = tpu.memref_squeeze %dma_wait3A_131 : memref<1x1x!tpu.dma_semaphore, #tpu.memory_space<semaphore_mem>> -> memref<!tpu.dma_semaphore, #tpu.memory_space<semaphore_mem>>
      %dma_wait3A_133 = arith.constant 0 : i32
      %dma_wait3A_134 = tpu.memref_slice %arg6[%dma_wait3A_124, %dma_wait3A_133] : memref<3x128xi32, #tpu.memory_space<vmem>> -> memref<1x128xi32, #tpu.memory_space<vmem>>
      %dma_wait3A_135 = tpu.memref_squeeze %dma_wait3A_134 : memref<1x128xi32, #tpu.memory_space<vmem>> -> memref<128xi32, #tpu.memory_space<vmem>>
      %dma_wait3A_136 = tpu.memref_slice %arg3[%add3A_123] : memref<320000xi32, #tpu.memory_space<hbm>> -> memref<128xi32, #tpu.memory_space<hbm>>
      tpu.wait_dma2 semaphore(%dma_wait3A_132 : memref<!tpu.dma_semaphore, #tpu.memory_space<semaphore_mem>>) src(%dma_wait3A_136 : memref<128xi32, #tpu.memory_space<hbm>>) dst(%dma_wait3A_135 : memref<128xi32, #tpu.memory_space<vmem>>)
      %dma_start3A_137 = arith.constant 0 : i32
      %dma_start3A_138 = arith.constant 1 : i32
      %dma_start3A_139 = arith.constant 1 : i32
      %dma_start3A_140 = arith.constant 2 : i32
      %dma_start3A_141 = arith.constant 1 : i32
      %dma_start3A_142 = arith.constant 0 : i32
      %dma_start3A_143 = arith.constant 0 : i32
      %dma_start3A_144 = tpu.memref_slice %arg8[%dma_start3A_139, %dma_start3A_142, %dma_start3A_143] : memref<3x128x128xf32, #tpu.memory_space<vmem>> -> memref<1x128x128xf32, #tpu.memory_space<vmem>>
      %dma_start3A_145 = tpu.memref_squeeze %dma_start3A_144 : memref<1x128x128xf32, #tpu.memory_space<vmem>> -> memref<128x128xf32, #tpu.memory_space<vmem>>
      %dma_start3A_146 = arith.constant 0 : i32
      %dma_start3A_147 = tpu.memref_slice %arg6[%dma_start3A_138, %dma_start3A_146] : memref<3x128xi32, #tpu.memory_space<vmem>> -> memref<1x128xi32, #tpu.memory_space<vmem>>
      %dma_start3A_148 = tpu.memref_squeeze %dma_start3A_147 : memref<1x128xi32, #tpu.memory_space<vmem>> -> memref<128xi32, #tpu.memory_space<vmem>>
      %dma_start3A_149 = arith.constant 0 : i32
      %dma_start3A_150 = arith.constant 0 : i32
      %dma_start3A_151 = tpu.memref_slice %arg2[%dma_start3A_137, %dma_start3A_149, %dma_start3A_150] : memref<2x10000x128xf32, #tpu.memory_space<hbm>> -> memref<1x10000x128xf32, #tpu.memory_space<hbm>>
      %dma_start3A_152 = tpu.memref_squeeze %dma_start3A_151 : memref<1x10000x128xf32, #tpu.memory_space<hbm>> -> memref<10000x128xf32, #tpu.memory_space<hbm>>
      %dma_start3A_153 = arith.constant 0 : i32
      %dma_start3A_154 = arith.constant 0 : i32
      %dma_start3A_155 = tpu.memref_slice %dma_start3A_152[%dma_start3A_153, %dma_start3A_154] : memref<10000x128xf32, #tpu.memory_space<hbm>> -> memref<10000x128xf32, #tpu.memory_space<hbm>>
      %dma_start3A_156 = tpu.memref_slice %arg12[%dma_start3A_140, %dma_start3A_141] : memref<4x3x!tpu.dma_semaphore, #tpu.memory_space<semaphore_mem>> -> memref<1x1x!tpu.dma_semaphore, #tpu.memory_space<semaphore_mem>>
      %dma_start3A_157 = tpu.memref_squeeze %dma_start3A_156 : memref<1x1x!tpu.dma_semaphore, #tpu.memory_space<semaphore_mem>> -> memref<!tpu.dma_semaphore, #tpu.memory_space<semaphore_mem>>
      tpu.enqueue_indirect_dma source(%dma_start3A_155 : memref<10000x128xf32, #tpu.memory_space<hbm>>) target(%dma_start3A_145 : memref<128x128xf32, #tpu.memory_space<vmem>>) offsets(%dma_start3A_148 : memref<128xi32, #tpu.memory_space<vmem>>) semaphore(%dma_start3A_157 : memref<!tpu.dma_semaphore, #tpu.memory_space<semaphore_mem>>)
      %mul3A_158 = arith.constant 624 : i32
      %mul3A_159 = arith.muli %arg1, %mul3A_158 : i32
      %run_scoped3A = arith.constant 0 : i32
      "tpu.region"() ({
        %run_scoped3A_249 = tpu.sem_alloc : memref<!tpu.dma_semaphore, #tpu.memory_space<semaphore_mem>>
        %dma_start3A_250 = arith.constant 0 : i32
        %dma_start3A_251 = tpu.memref_slice %arg11[%mul3A_159, %dma_start3A_250] : memref<10000x128xf32, #tpu.memory_space<vmem_shared>> -> memref<624x128xf32, #tpu.memory_space<vmem_shared>>
        %dma_start3A_252 = arith.constant 0 : i32
        %dma_start3A_253 = arith.constant 0 : i32
        %dma_start3A_254 = tpu.memref_slice %arg2[%run_scoped3A, %dma_start3A_252, %dma_start3A_253] : memref<2x10000x128xf32, #tpu.memory_space<hbm>> -> memref<1x10000x128xf32, #tpu.memory_space<hbm>>
        %dma_start3A_255 = tpu.memref_squeeze %dma_start3A_254 : memref<1x10000x128xf32, #tpu.memory_space<hbm>> -> memref<10000x128xf32, #tpu.memory_space<hbm>>
        %dma_start3A_256 = arith.constant 0 : i32
        %dma_start3A_257 = tpu.memref_slice %dma_start3A_255[%mul3A_159, %dma_start3A_256] : memref<10000x128xf32, #tpu.memory_space<hbm>> -> memref<624x128xf32, #tpu.memory_space<hbm>>
        tpu.enqueue_dma source(%dma_start3A_257 : memref<624x128xf32, #tpu.memory_space<hbm>>) target(%dma_start3A_251 : memref<624x128xf32, #tpu.memory_space<vmem_shared>>) target_semaphore(%run_scoped3A_249 : memref<!tpu.dma_semaphore, #tpu.memory_space<semaphore_mem>>)
        %dma_wait3A_258 = arith.constant 0 : i32
        %dma_wait3A_259 = tpu.memref_slice %arg11[%mul3A_159, %dma_wait3A_258] : memref<10000x128xf32, #tpu.memory_space<vmem_shared>> -> memref<624x128xf32, #tpu.memory_space<vmem_shared>>
        %dma_wait3A_260 = arith.constant 0 : i32
        %dma_wait3A_261 = arith.constant 0 : i32
        %dma_wait3A_262 = tpu.memref_slice %arg2[%run_scoped3A, %dma_wait3A_260, %dma_wait3A_261] : memref<2x10000x128xf32, #tpu.memory_space<hbm>> -> memref<1x10000x128xf32, #tpu.memory_space<hbm>>
        %dma_wait3A_263 = tpu.memref_squeeze %dma_wait3A_262 : memref<1x10000x128xf32, #tpu.memory_space<hbm>> -> memref<10000x128xf32, #tpu.memory_space<hbm>>
        %dma_wait3A_264 = arith.constant 0 : i32
        %dma_wait3A_265 = tpu.memref_slice %dma_wait3A_263[%mul3A_159, %dma_wait3A_264] : memref<10000x128xf32, #tpu.memory_space<hbm>> -> memref<624x128xf32, #tpu.memory_space<hbm>>
        tpu.wait_dma2 semaphore(%run_scoped3A_249 : memref<!tpu.dma_semaphore, #tpu.memory_space<semaphore_mem>>) src(%dma_wait3A_265 : memref<624x128xf32, #tpu.memory_space<hbm>>) dst(%dma_wait3A_259 : memref<624x128xf32, #tpu.memory_space<vmem_shared>>)
        tpu.yield
      }) : () -> ()
      %eq3A_160 = arith.constant 0 : i32
      %eq3A_161 = arith.cmpi eq, %arg1, %eq3A_160 : i32
      %convert_element_type3A_162 = arith.extui %eq3A_161 : i1 to i32
      %cond3A_163 = arith.constant 0 : i32
      %cond3A_164 = arith.constant 0 : i32
      %cond3A_165 = arith.cmpi ne, %convert_element_type3A_162, %cond3A_164 : i32
      scf.if %cond3A_165 {
        "tpu.region"() ({
          %run_scoped3A_249 = tpu.sem_alloc : memref<!tpu.dma_semaphore, #tpu.memory_space<semaphore_mem>>
          %dma_start3A_250 = arith.constant 9984 : i32
          %dma_start3A_251 = arith.constant 0 : i32
          %dma_start3A_252 = tpu.memref_slice %arg11[%dma_start3A_250, %dma_start3A_251] : memref<10000x128xf32, #tpu.memory_space<vmem_shared>> -> memref<16x128xf32, #tpu.memory_space<vmem_shared>>
          %dma_start3A_253 = arith.constant 0 : i32
          %dma_start3A_254 = arith.constant 0 : i32
          %dma_start3A_255 = tpu.memref_slice %arg2[%cond3A_163, %dma_start3A_253, %dma_start3A_254] : memref<2x10000x128xf32, #tpu.memory_space<hbm>> -> memref<1x10000x128xf32, #tpu.memory_space<hbm>>
          %dma_start3A_256 = tpu.memref_squeeze %dma_start3A_255 : memref<1x10000x128xf32, #tpu.memory_space<hbm>> -> memref<10000x128xf32, #tpu.memory_space<hbm>>
          %dma_start3A_257 = arith.constant 9984 : i32
          %dma_start3A_258 = arith.constant 0 : i32
          %dma_start3A_259 = tpu.memref_slice %dma_start3A_256[%dma_start3A_257, %dma_start3A_258] : memref<10000x128xf32, #tpu.memory_space<hbm>> -> memref<16x128xf32, #tpu.memory_space<hbm>>
          tpu.enqueue_dma source(%dma_start3A_259 : memref<16x128xf32, #tpu.memory_space<hbm>>) target(%dma_start3A_252 : memref<16x128xf32, #tpu.memory_space<vmem_shared>>) target_semaphore(%run_scoped3A_249 : memref<!tpu.dma_semaphore, #tpu.memory_space<semaphore_mem>>)
          %dma_wait3A_260 = arith.constant 9984 : i32
          %dma_wait3A_261 = arith.constant 0 : i32
          %dma_wait3A_262 = tpu.memref_slice %arg11[%dma_wait3A_260, %dma_wait3A_261] : memref<10000x128xf32, #tpu.memory_space<vmem_shared>> -> memref<16x128xf32, #tpu.memory_space<vmem_shared>>
          %dma_wait3A_263 = arith.constant 0 : i32
          %dma_wait3A_264 = arith.constant 0 : i32
          %dma_wait3A_265 = tpu.memref_slice %arg2[%cond3A_163, %dma_wait3A_263, %dma_wait3A_264] : memref<2x10000x128xf32, #tpu.memory_space<hbm>> -> memref<1x10000x128xf32, #tpu.memory_space<hbm>>
          %dma_wait3A_266 = tpu.memref_squeeze %dma_wait3A_265 : memref<1x10000x128xf32, #tpu.memory_space<hbm>> -> memref<10000x128xf32, #tpu.memory_space<hbm>>
          %dma_wait3A_267 = arith.constant 9984 : i32
          %dma_wait3A_268 = arith.constant 0 : i32
          %dma_wait3A_269 = tpu.memref_slice %dma_wait3A_266[%dma_wait3A_267, %dma_wait3A_268] : memref<10000x128xf32, #tpu.memory_space<hbm>> -> memref<16x128xf32, #tpu.memory_space<hbm>>
          tpu.wait_dma2 semaphore(%run_scoped3A_249 : memref<!tpu.dma_semaphore, #tpu.memory_space<semaphore_mem>>) src(%dma_wait3A_269 : memref<16x128xf32, #tpu.memory_space<hbm>>) dst(%dma_wait3A_262 : memref<16x128xf32, #tpu.memory_space<vmem_shared>>)
          tpu.yield
        }) : () -> ()
      } else {
      }
      %barrier3A = arith.constant 0 : index
      tpu.barrier barrier_id(%barrier3A)
      %scan3A = arith.constant 0 : i32
      %scan3A_166 = arith.constant 0 : i32
      %scan3A_167 = arith.constant 52 : i32
      %scan3A_168 = arith.addi %scan3A_166, %scan3A_167 : i32
      %scan3A_169 = arith.constant 1 : i32
      scf.for %scan3A_249 = %scan3A_166 to %scan3A_168 step %scan3A_169  : i32 {
        %mul3A_250 = arith.constant 1 : i32
        %mul3A_251 = arith.muli %scan3A_249, %mul3A_250 : i32
        %add3A_252 = arith.constant 0 : i32
        %add3A_253 = arith.addi %add3A_252, %mul3A_251 : i32
        %mul3A_254 = arith.constant 3 : i32
        %mul3A_255 = arith.muli %mul3A_254, %add3A_253 : i32
        %add3A_256 = arith.constant 0 : i32
        %add3A_257 = arith.addi %mul3A_255, %add3A_256 : i32
        %dma_wait3A_258 = arith.constant 0 : i32
        %dma_wait3A_259 = arith.constant 0 : i32
        %dma_wait3A_260 = arith.constant 2 : i32
        %dma_wait3A_261 = arith.constant 0 : i32
        %dma_wait3A_262 = arith.constant 0 : i32
        %dma_wait3A_263 = arith.constant 0 : i32
        %dma_wait3A_264 = tpu.memref_slice %arg8[%dma_wait3A_259, %dma_wait3A_262, %dma_wait3A_263] : memref<3x128x128xf32, #tpu.memory_space<vmem>> -> memref<1x128x128xf32, #tpu.memory_space<vmem>>
        %dma_wait3A_265 = tpu.memref_squeeze %dma_wait3A_264 : memref<1x128x128xf32, #tpu.memory_space<vmem>> -> memref<128x128xf32, #tpu.memory_space<vmem>>
        %dma_wait3A_266 = arith.constant 0 : i32
        %dma_wait3A_267 = tpu.memref_slice %arg6[%dma_wait3A_258, %dma_wait3A_266] : memref<3x128xi32, #tpu.memory_space<vmem>> -> memref<1x128xi32, #tpu.memory_space<vmem>>
        %dma_wait3A_268 = tpu.memref_squeeze %dma_wait3A_267 : memref<1x128xi32, #tpu.memory_space<vmem>> -> memref<128xi32, #tpu.memory_space<vmem>>
        %dma_wait3A_269 = arith.constant 0 : i32
        %dma_wait3A_270 = arith.constant 0 : i32
        %dma_wait3A_271 = tpu.memref_slice %arg2[%scan3A, %dma_wait3A_269, %dma_wait3A_270] : memref<2x10000x128xf32, #tpu.memory_space<hbm>> -> memref<1x10000x128xf32, #tpu.memory_space<hbm>>
        %dma_wait3A_272 = tpu.memref_squeeze %dma_wait3A_271 : memref<1x10000x128xf32, #tpu.memory_space<hbm>> -> memref<10000x128xf32, #tpu.memory_space<hbm>>
        %dma_wait3A_273 = arith.constant 0 : i32
        %dma_wait3A_274 = arith.constant 0 : i32
        %dma_wait3A_275 = tpu.memref_slice %dma_wait3A_272[%dma_wait3A_273, %dma_wait3A_274] : memref<10000x128xf32, #tpu.memory_space<hbm>> -> memref<10000x128xf32, #tpu.memory_space<hbm>>
        %dma_wait3A_276 = tpu.memref_slice %arg12[%dma_wait3A_260, %dma_wait3A_261] : memref<4x3x!tpu.dma_semaphore, #tpu.memory_space<semaphore_mem>> -> memref<1x1x!tpu.dma_semaphore, #tpu.memory_space<semaphore_mem>>
        %dma_wait3A_277 = tpu.memref_squeeze %dma_wait3A_276 : memref<1x1x!tpu.dma_semaphore, #tpu.memory_space<semaphore_mem>> -> memref<!tpu.dma_semaphore, #tpu.memory_space<semaphore_mem>>
        tpu.wait_indirect_dma semaphore(%dma_wait3A_277 : memref<!tpu.dma_semaphore, #tpu.memory_space<semaphore_mem>>) src(%dma_wait3A_275 : memref<10000x128xf32, #tpu.memory_space<hbm>>) dst(%dma_wait3A_265 : memref<128x128xf32, #tpu.memory_space<vmem>>)
        %add3A_278 = arith.constant 3 : i32
        %add3A_279 = arith.addi %add3A_257, %add3A_278 : i32
        %lt3A = arith.constant 156 : i32
        %lt3A_280 = arith.cmpi slt, %add3A_279, %lt3A : i32
        %convert_element_type3A_281 = arith.extui %lt3A_280 : i1 to i32
        %cond3A_282 = arith.constant 0 : i32
        %cond3A_283 = arith.cmpi ne, %convert_element_type3A_281, %cond3A_282 : i32
        scf.if %cond3A_283 {
          %add3A_473 = arith.constant 3 : i32
          %add3A_474 = arith.addi %add3A_257, %add3A_473 : i32
          %mul3A_475 = arith.constant 128 : i32
          %mul3A_476 = arith.muli %add3A_474, %mul3A_475 : i32
          %add3A_477 = arith.addi %mul3A_0, %mul3A_476 : i32
          %dma_start3A_478 = arith.constant 0 : i32
          %dma_start3A_479 = arith.constant 0 : i32
          %dma_start3A_480 = arith.constant 0 : i32
          %dma_start3A_481 = arith.constant 0 : i32
          %dma_start3A_482 = tpu.memref_slice %arg6[%dma_start3A_478, %dma_start3A_481] : memref<3x128xi32, #tpu.memory_space<vmem>> -> memref<1x128xi32, #tpu.memory_space<vmem>>
          %dma_start3A_483 = tpu.memref_squeeze %dma_start3A_482 : memref<1x128xi32, #tpu.memory_space<vmem>> -> memref<128xi32, #tpu.memory_space<vmem>>
          %dma_start3A_484 = tpu.memref_slice %arg3[%add3A_477] : memref<320000xi32, #tpu.memory_space<hbm>> -> memref<128xi32, #tpu.memory_space<hbm>>
          %dma_start3A_485 = tpu.memref_slice %arg12[%dma_start3A_479, %dma_start3A_480] : memref<4x3x!tpu.dma_semaphore, #tpu.memory_space<semaphore_mem>> -> memref<1x1x!tpu.dma_semaphore, #tpu.memory_space<semaphore_mem>>
          %dma_start3A_486 = tpu.memref_squeeze %dma_start3A_485 : memref<1x1x!tpu.dma_semaphore, #tpu.memory_space<semaphore_mem>> -> memref<!tpu.dma_semaphore, #tpu.memory_space<semaphore_mem>>
          %dma_start3A_487 = arith.constant 0 : i32
          %dma_start3A_488 = tpu.memref_slice %arg6[%dma_start3A_478, %dma_start3A_487] : memref<3x128xi32, #tpu.memory_space<vmem>> -> memref<1x128xi32, #tpu.memory_space<vmem>>
          %dma_start3A_489 = tpu.memref_squeeze %dma_start3A_488 : memref<1x128xi32, #tpu.memory_space<vmem>> -> memref<128xi32, #tpu.memory_space<vmem>>
          %dma_start3A_490 = tpu.memref_slice %arg3[%add3A_477] : memref<320000xi32, #tpu.memory_space<hbm>> -> memref<128xi32, #tpu.memory_space<hbm>>
          tpu.enqueue_dma source(%dma_start3A_490 : memref<128xi32, #tpu.memory_space<hbm>>) target(%dma_start3A_489 : memref<128xi32, #tpu.memory_space<vmem>>) target_semaphore(%dma_start3A_486 : memref<!tpu.dma_semaphore, #tpu.memory_space<semaphore_mem>>)
        } else {
        }
        %ge3A = arith.constant 1 : i32
        %ge3A_284 = arith.cmpi sge, %add3A_257, %ge3A : i32
        %convert_element_type3A_285 = arith.extui %ge3A_284 : i1 to i32
        %cond3A_286 = arith.constant 0 : i32
        %cond3A_287 = arith.cmpi ne, %convert_element_type3A_285, %cond3A_286 : i32
        scf.if %cond3A_287 {
          %dma_wait3A_473 = arith.constant 2 : i32
          %dma_wait3A_474 = arith.constant 2 : i32
          %dma_wait3A_475 = arith.constant 3 : i32
          %dma_wait3A_476 = arith.constant 2 : i32
          %dma_wait3A_477 = arith.constant 0 : i32
          %dma_wait3A_478 = arith.constant 0 : i32
          %dma_wait3A_479 = tpu.memref_slice %arg8[%dma_wait3A_473, %dma_wait3A_477, %dma_wait3A_478] : memref<3x128x128xf32, #tpu.memory_space<vmem>> -> memref<1x128x128xf32, #tpu.memory_space<vmem>>
          %dma_wait3A_480 = tpu.memref_squeeze %dma_wait3A_479 : memref<1x128x128xf32, #tpu.memory_space<vmem>> -> memref<128x128xf32, #tpu.memory_space<vmem>>
          %dma_wait3A_481 = arith.constant 0 : i32
          %dma_wait3A_482 = tpu.memref_slice %arg7[%dma_wait3A_474, %dma_wait3A_481] : memref<3x128xi32, #tpu.memory_space<vmem>> -> memref<1x128xi32, #tpu.memory_space<vmem>>
          %dma_wait3A_483 = tpu.memref_squeeze %dma_wait3A_482 : memref<1x128xi32, #tpu.memory_space<vmem>> -> memref<128xi32, #tpu.memory_space<vmem>>
          %dma_wait3A_484 = arith.constant 0 : i32
          %dma_wait3A_485 = arith.constant 0 : i32
          %dma_wait3A_486 = tpu.memref_slice %arg11[%dma_wait3A_484, %dma_wait3A_485] : memref<10000x128xf32, #tpu.memory_space<vmem_shared>> -> memref<10000x128xf32, #tpu.memory_space<vmem_shared>>
          %dma_wait3A_487 = tpu.memref_slice %arg12[%dma_wait3A_475, %dma_wait3A_476] : memref<4x3x!tpu.dma_semaphore, #tpu.memory_space<semaphore_mem>> -> memref<1x1x!tpu.dma_semaphore, #tpu.memory_space<semaphore_mem>>
          %dma_wait3A_488 = tpu.memref_squeeze %dma_wait3A_487 : memref<1x1x!tpu.dma_semaphore, #tpu.memory_space<semaphore_mem>> -> memref<!tpu.dma_semaphore, #tpu.memory_space<semaphore_mem>>
          tpu.wait_indirect_dma semaphore(%dma_wait3A_488 : memref<!tpu.dma_semaphore, #tpu.memory_space<semaphore_mem>>) src(%dma_wait3A_480 : memref<128x128xf32, #tpu.memory_space<vmem>>) dst(%dma_wait3A_486 : memref<10000x128xf32, #tpu.memory_space<vmem_shared>>)
        } else {
        }
        %add3A_288 = arith.constant 2 : i32
        %add3A_289 = arith.addi %add3A_257, %add3A_288 : i32
        %lt3A_290 = arith.constant 156 : i32
        %lt3A_291 = arith.cmpi slt, %add3A_289, %lt3A_290 : i32
        %convert_element_type3A_292 = arith.extui %lt3A_291 : i1 to i32
        %cond3A_293 = arith.constant 0 : i32
        %cond3A_294 = arith.cmpi ne, %convert_element_type3A_292, %cond3A_293 : i32
        scf.if %cond3A_294 {
          %add3A_473 = arith.constant 2 : i32
          %add3A_474 = arith.addi %add3A_257, %add3A_473 : i32
          %mul3A_475 = arith.constant 128 : i32
          %mul3A_476 = arith.muli %add3A_474, %mul3A_475 : i32
          %add3A_477 = arith.addi %mul3A_0, %mul3A_476 : i32
          %dma_start3A_478 = arith.constant 2 : i32
          %dma_start3A_479 = arith.constant 1 : i32
          %dma_start3A_480 = arith.constant 2 : i32
          %dma_start3A_481 = arith.constant 0 : i32
          %dma_start3A_482 = tpu.memref_slice %arg7[%dma_start3A_478, %dma_start3A_481] : memref<3x128xi32, #tpu.memory_space<vmem>> -> memref<1x128xi32, #tpu.memory_space<vmem>>
          %dma_start3A_483 = tpu.memref_squeeze %dma_start3A_482 : memref<1x128xi32, #tpu.memory_space<vmem>> -> memref<128xi32, #tpu.memory_space<vmem>>
          %dma_start3A_484 = tpu.memref_slice %arg4[%add3A_477] : memref<320000xi32, #tpu.memory_space<hbm>> -> memref<128xi32, #tpu.memory_space<hbm>>
          %dma_start3A_485 = tpu.memref_slice %arg12[%dma_start3A_479, %dma_start3A_480] : memref<4x3x!tpu.dma_semaphore, #tpu.memory_space<semaphore_mem>> -> memref<1x1x!tpu.dma_semaphore, #tpu.memory_space<semaphore_mem>>
          %dma_start3A_486 = tpu.memref_squeeze %dma_start3A_485 : memref<1x1x!tpu.dma_semaphore, #tpu.memory_space<semaphore_mem>> -> memref<!tpu.dma_semaphore, #tpu.memory_space<semaphore_mem>>
          %dma_start3A_487 = arith.constant 0 : i32
          %dma_start3A_488 = tpu.memref_slice %arg7[%dma_start3A_478, %dma_start3A_487] : memref<3x128xi32, #tpu.memory_space<vmem>> -> memref<1x128xi32, #tpu.memory_space<vmem>>
          %dma_start3A_489 = tpu.memref_squeeze %dma_start3A_488 : memref<1x128xi32, #tpu.memory_space<vmem>> -> memref<128xi32, #tpu.memory_space<vmem>>
          %dma_start3A_490 = tpu.memref_slice %arg4[%add3A_477] : memref<320000xi32, #tpu.memory_space<hbm>> -> memref<128xi32, #tpu.memory_space<hbm>>
          tpu.enqueue_dma source(%dma_start3A_490 : memref<128xi32, #tpu.memory_space<hbm>>) target(%dma_start3A_489 : memref<128xi32, #tpu.memory_space<vmem>>) target_semaphore(%dma_start3A_486 : memref<!tpu.dma_semaphore, #tpu.memory_space<semaphore_mem>>)
          %add3A_491 = arith.constant 2 : i32
          %add3A_492 = arith.addi %add3A_257, %add3A_491 : i32
          %mul3A_493 = arith.constant 128 : i32
          %mul3A_494 = arith.muli %add3A_492, %mul3A_493 : i32
          %add3A_495 = arith.addi %mul3A_0, %mul3A_494 : i32
          %dma_wait3A_496 = arith.constant 2 : i32
          %dma_wait3A_497 = arith.constant 0 : i32
          %dma_wait3A_498 = arith.constant 2 : i32
          %dma_wait3A_499 = arith.constant 0 : i32
          %dma_wait3A_500 = tpu.memref_slice %arg6[%dma_wait3A_496, %dma_wait3A_499] : memref<3x128xi32, #tpu.memory_space<vmem>> -> memref<1x128xi32, #tpu.memory_space<vmem>>
          %dma_wait3A_501 = tpu.memref_squeeze %dma_wait3A_500 : memref<1x128xi32, #tpu.memory_space<vmem>> -> memref<128xi32, #tpu.memory_space<vmem>>
          %dma_wait3A_502 = tpu.memref_slice %arg3[%add3A_495] : memref<320000xi32, #tpu.memory_space<hbm>> -> memref<128xi32, #tpu.memory_space<hbm>>
          %dma_wait3A_503 = tpu.memref_slice %arg12[%dma_wait3A_497, %dma_wait3A_498] : memref<4x3x!tpu.dma_semaphore, #tpu.memory_space<semaphore_mem>> -> memref<1x1x!tpu.dma_semaphore, #tpu.memory_space<semaphore_mem>>
          %dma_wait3A_504 = tpu.memref_squeeze %dma_wait3A_503 : memref<1x1x!tpu.dma_semaphore, #tpu.memory_space<semaphore_mem>> -> memref<!tpu.dma_semaphore, #tpu.memory_space<semaphore_mem>>
          %dma_wait3A_505 = arith.constant 0 : i32
          %dma_wait3A_506 = tpu.memref_slice %arg6[%dma_wait3A_496, %dma_wait3A_505] : memref<3x128xi32, #tpu.memory_space<vmem>> -> memref<1x128xi32, #tpu.memory_space<vmem>>
          %dma_wait3A_507 = tpu.memref_squeeze %dma_wait3A_506 : memref<1x128xi32, #tpu.memory_space<vmem>> -> memref<128xi32, #tpu.memory_space<vmem>>
          %dma_wait3A_508 = tpu.memref_slice %arg3[%add3A_495] : memref<320000xi32, #tpu.memory_space<hbm>> -> memref<128xi32, #tpu.memory_space<hbm>>
          tpu.wait_dma2 semaphore(%dma_wait3A_504 : memref<!tpu.dma_semaphore, #tpu.memory_space<semaphore_mem>>) src(%dma_wait3A_508 : memref<128xi32, #tpu.memory_space<hbm>>) dst(%dma_wait3A_507 : memref<128xi32, #tpu.memory_space<vmem>>)
          %add3A_509 = arith.constant 2 : i32
          %add3A_510 = arith.addi %add3A_257, %add3A_509 : i32
          %dma_start3A_511 = arith.constant 2 : i32
          %dma_start3A_512 = arith.constant 2 : i32
          %dma_start3A_513 = arith.constant 2 : i32
          %dma_start3A_514 = arith.constant 2 : i32
          %dma_start3A_515 = arith.constant 0 : i32
          %dma_start3A_516 = arith.constant 0 : i32
          %dma_start3A_517 = tpu.memref_slice %arg8[%dma_start3A_512, %dma_start3A_515, %dma_start3A_516] : memref<3x128x128xf32, #tpu.memory_space<vmem>> -> memref<1x128x128xf32, #tpu.memory_space<vmem>>
          %dma_start3A_518 = tpu.memref_squeeze %dma_start3A_517 : memref<1x128x128xf32, #tpu.memory_space<vmem>> -> memref<128x128xf32, #tpu.memory_space<vmem>>
          %dma_start3A_519 = arith.constant 0 : i32
          %dma_start3A_520 = tpu.memref_slice %arg6[%dma_start3A_511, %dma_start3A_519] : memref<3x128xi32, #tpu.memory_space<vmem>> -> memref<1x128xi32, #tpu.memory_space<vmem>>
          %dma_start3A_521 = tpu.memref_squeeze %dma_start3A_520 : memref<1x128xi32, #tpu.memory_space<vmem>> -> memref<128xi32, #tpu.memory_space<vmem>>
          %dma_start3A_522 = arith.constant 0 : i32
          %dma_start3A_523 = arith.constant 0 : i32
          %dma_start3A_524 = tpu.memref_slice %arg2[%scan3A, %dma_start3A_522, %dma_start3A_523] : memref<2x10000x128xf32, #tpu.memory_space<hbm>> -> memref<1x10000x128xf32, #tpu.memory_space<hbm>>
          %dma_start3A_525 = tpu.memref_squeeze %dma_start3A_524 : memref<1x10000x128xf32, #tpu.memory_space<hbm>> -> memref<10000x128xf32, #tpu.memory_space<hbm>>
          %dma_start3A_526 = arith.constant 0 : i32
          %dma_start3A_527 = arith.constant 0 : i32
          %dma_start3A_528 = tpu.memref_slice %dma_start3A_525[%dma_start3A_526, %dma_start3A_527] : memref<10000x128xf32, #tpu.memory_space<hbm>> -> memref<10000x128xf32, #tpu.memory_space<hbm>>
          %dma_start3A_529 = tpu.memref_slice %arg12[%dma_start3A_513, %dma_start3A_514] : memref<4x3x!tpu.dma_semaphore, #tpu.memory_space<semaphore_mem>> -> memref<1x1x!tpu.dma_semaphore, #tpu.memory_space<semaphore_mem>>
          %dma_start3A_530 = tpu.memref_squeeze %dma_start3A_529 : memref<1x1x!tpu.dma_semaphore, #tpu.memory_space<semaphore_mem>> -> memref<!tpu.dma_semaphore, #tpu.memory_space<semaphore_mem>>
          tpu.enqueue_indirect_dma source(%dma_start3A_528 : memref<10000x128xf32, #tpu.memory_space<hbm>>) target(%dma_start3A_518 : memref<128x128xf32, #tpu.memory_space<vmem>>) offsets(%dma_start3A_521 : memref<128xi32, #tpu.memory_space<vmem>>) semaphore(%dma_start3A_530 : memref<!tpu.dma_semaphore, #tpu.memory_space<semaphore_mem>>)
        } else {
        }
        %mul3A_295 = arith.constant 128 : i32
        %mul3A_296 = arith.muli %add3A_257, %mul3A_295 : i32
        %add3A_297 = arith.addi %mul3A_0, %mul3A_296 : i32
        %dma_wait3A_298 = arith.constant 0 : i32
        %dma_wait3A_299 = arith.constant 1 : i32
        %dma_wait3A_300 = arith.constant 0 : i32
        %dma_wait3A_301 = arith.constant 0 : i32
        %dma_wait3A_302 = tpu.memref_slice %arg7[%dma_wait3A_298, %dma_wait3A_301] : memref<3x128xi32, #tpu.memory_space<vmem>> -> memref<1x128xi32, #tpu.memory_space<vmem>>
        %dma_wait3A_303 = tpu.memref_squeeze %dma_wait3A_302 : memref<1x128xi32, #tpu.memory_space<vmem>> -> memref<128xi32, #tpu.memory_space<vmem>>
        %dma_wait3A_304 = tpu.memref_slice %arg4[%add3A_297] : memref<320000xi32, #tpu.memory_space<hbm>> -> memref<128xi32, #tpu.memory_space<hbm>>
        %dma_wait3A_305 = tpu.memref_slice %arg12[%dma_wait3A_299, %dma_wait3A_300] : memref<4x3x!tpu.dma_semaphore, #tpu.memory_space<semaphore_mem>> -> memref<1x1x!tpu.dma_semaphore, #tpu.memory_space<semaphore_mem>>
        %dma_wait3A_306 = tpu.memref_squeeze %dma_wait3A_305 : memref<1x1x!tpu.dma_semaphore, #tpu.memory_space<semaphore_mem>> -> memref<!tpu.dma_semaphore, #tpu.memory_space<semaphore_mem>>
        %dma_wait3A_307 = arith.constant 0 : i32
        %dma_wait3A_308 = tpu.memref_slice %arg7[%dma_wait3A_298, %dma_wait3A_307] : memref<3x128xi32, #tpu.memory_space<vmem>> -> memref<1x128xi32, #tpu.memory_space<vmem>>
        %dma_wait3A_309 = tpu.memref_squeeze %dma_wait3A_308 : memref<1x128xi32, #tpu.memory_space<vmem>> -> memref<128xi32, #tpu.memory_space<vmem>>
        %dma_wait3A_310 = tpu.memref_slice %arg4[%add3A_297] : memref<320000xi32, #tpu.memory_space<hbm>> -> memref<128xi32, #tpu.memory_space<hbm>>
        tpu.wait_dma2 semaphore(%dma_wait3A_306 : memref<!tpu.dma_semaphore, #tpu.memory_space<semaphore_mem>>) src(%dma_wait3A_310 : memref<128xi32, #tpu.memory_space<hbm>>) dst(%dma_wait3A_309 : memref<128xi32, #tpu.memory_space<vmem>>)
        %dma_start3A_311 = arith.constant 0 : i32
        %dma_start3A_312 = arith.constant 0 : i32
        %dma_start3A_313 = arith.constant 3 : i32
        %dma_start3A_314 = arith.constant 0 : i32
        %dma_start3A_315 = arith.constant 0 : i32
        %dma_start3A_316 = arith.constant 0 : i32
        %dma_start3A_317 = tpu.memref_slice %arg8[%dma_start3A_311, %dma_start3A_315, %dma_start3A_316] : memref<3x128x128xf32, #tpu.memory_space<vmem>> -> memref<1x128x128xf32, #tpu.memory_space<vmem>>
        %dma_start3A_318 = tpu.memref_squeeze %dma_start3A_317 : memref<1x128x128xf32, #tpu.memory_space<vmem>> -> memref<128x128xf32, #tpu.memory_space<vmem>>
        %dma_start3A_319 = arith.constant 0 : i32
        %dma_start3A_320 = tpu.memref_slice %arg7[%dma_start3A_312, %dma_start3A_319] : memref<3x128xi32, #tpu.memory_space<vmem>> -> memref<1x128xi32, #tpu.memory_space<vmem>>
        %dma_start3A_321 = tpu.memref_squeeze %dma_start3A_320 : memref<1x128xi32, #tpu.memory_space<vmem>> -> memref<128xi32, #tpu.memory_space<vmem>>
        %dma_start3A_322 = arith.constant 0 : i32
        %dma_start3A_323 = arith.constant 0 : i32
        %dma_start3A_324 = tpu.memref_slice %arg11[%dma_start3A_322, %dma_start3A_323] : memref<10000x128xf32, #tpu.memory_space<vmem_shared>> -> memref<10000x128xf32, #tpu.memory_space<vmem_shared>>
        %dma_start3A_325 = tpu.memref_slice %arg12[%dma_start3A_313, %dma_start3A_314] : memref<4x3x!tpu.dma_semaphore, #tpu.memory_space<semaphore_mem>> -> memref<1x1x!tpu.dma_semaphore, #tpu.memory_space<semaphore_mem>>
        %dma_start3A_326 = tpu.memref_squeeze %dma_start3A_325 : memref<1x1x!tpu.dma_semaphore, #tpu.memory_space<semaphore_mem>> -> memref<!tpu.dma_semaphore, #tpu.memory_space<semaphore_mem>>
        tpu.enqueue_indirect_dma source(%dma_start3A_318 : memref<128x128xf32, #tpu.memory_space<vmem>>) target(%dma_start3A_324 : memref<10000x128xf32, #tpu.memory_space<vmem_shared>>) offsets(%dma_start3A_321 : memref<128xi32, #tpu.memory_space<vmem>>) semaphore(%dma_start3A_326 : memref<!tpu.dma_semaphore, #tpu.memory_space<semaphore_mem>>) {add = true}
        %add3A_327 = arith.constant 1 : i32
        %add3A_328 = arith.addi %mul3A_255, %add3A_327 : i32
        %dma_wait3A_329 = arith.constant 1 : i32
        %dma_wait3A_330 = arith.constant 1 : i32
        %dma_wait3A_331 = arith.constant 2 : i32
        %dma_wait3A_332 = arith.constant 1 : i32
        %dma_wait3A_333 = arith.constant 0 : i32
        %dma_wait3A_334 = arith.constant 0 : i32
        %dma_wait3A_335 = tpu.memref_slice %arg8[%dma_wait3A_330, %dma_wait3A_333, %dma_wait3A_334] : memref<3x128x128xf32, #tpu.memory_space<vmem>> -> memref<1x128x128xf32, #tpu.memory_space<vmem>>
        %dma_wait3A_336 = tpu.memref_squeeze %dma_wait3A_335 : memref<1x128x128xf32, #tpu.memory_space<vmem>> -> memref<128x128xf32, #tpu.memory_space<vmem>>
        %dma_wait3A_337 = arith.constant 0 : i32
        %dma_wait3A_338 = tpu.memref_slice %arg6[%dma_wait3A_329, %dma_wait3A_337] : memref<3x128xi32, #tpu.memory_space<vmem>> -> memref<1x128xi32, #tpu.memory_space<vmem>>
        %dma_wait3A_339 = tpu.memref_squeeze %dma_wait3A_338 : memref<1x128xi32, #tpu.memory_space<vmem>> -> memref<128xi32, #tpu.memory_space<vmem>>
        %dma_wait3A_340 = arith.constant 0 : i32
        %dma_wait3A_341 = arith.constant 0 : i32
        %dma_wait3A_342 = tpu.memref_slice %arg2[%scan3A, %dma_wait3A_340, %dma_wait3A_341] : memref<2x10000x128xf32, #tpu.memory_space<hbm>> -> memref<1x10000x128xf32, #tpu.memory_space<hbm>>
        %dma_wait3A_343 = tpu.memref_squeeze %dma_wait3A_342 : memref<1x10000x128xf32, #tpu.memory_space<hbm>> -> memref<10000x128xf32, #tpu.memory_space<hbm>>
        %dma_wait3A_344 = arith.constant 0 : i32
        %dma_wait3A_345 = arith.constant 0 : i32
        %dma_wait3A_346 = tpu.memref_slice %dma_wait3A_343[%dma_wait3A_344, %dma_wait3A_345] : memref<10000x128xf32, #tpu.memory_space<hbm>> -> memref<10000x128xf32, #tpu.memory_space<hbm>>
        %dma_wait3A_347 = tpu.memref_slice %arg12[%dma_wait3A_331, %dma_wait3A_332] : memref<4x3x!tpu.dma_semaphore, #tpu.memory_space<semaphore_mem>> -> memref<1x1x!tpu.dma_semaphore, #tpu.memory_space<semaphore_mem>>
        %dma_wait3A_348 = tpu.memref_squeeze %dma_wait3A_347 : memref<1x1x!tpu.dma_semaphore, #tpu.memory_space<semaphore_mem>> -> memref<!tpu.dma_semaphore, #tpu.memory_space<semaphore_mem>>
        tpu.wait_indirect_dma semaphore(%dma_wait3A_348 : memref<!tpu.dma_semaphore, #tpu.memory_space<semaphore_mem>>) src(%dma_wait3A_346 : memref<10000x128xf32, #tpu.memory_space<hbm>>) dst(%dma_wait3A_336 : memref<128x128xf32, #tpu.memory_space<vmem>>)
        %add3A_349 = arith.constant 3 : i32
        %add3A_350 = arith.addi %add3A_328, %add3A_349 : i32
        %lt3A_351 = arith.constant 156 : i32
        %lt3A_352 = arith.cmpi slt, %add3A_350, %lt3A_351 : i32
        %convert_element_type3A_353 = arith.extui %lt3A_352 : i1 to i32
        %cond3A_354 = arith.constant 0 : i32
        %cond3A_355 = arith.cmpi ne, %convert_element_type3A_353, %cond3A_354 : i32
        scf.if %cond3A_355 {
          %add3A_473 = arith.constant 3 : i32
          %add3A_474 = arith.addi %add3A_328, %add3A_473 : i32
          %mul3A_475 = arith.constant 128 : i32
          %mul3A_476 = arith.muli %add3A_474, %mul3A_475 : i32
          %add3A_477 = arith.addi %mul3A_0, %mul3A_476 : i32
          %dma_start3A_478 = arith.constant 1 : i32
          %dma_start3A_479 = arith.constant 0 : i32
          %dma_start3A_480 = arith.constant 1 : i32
          %dma_start3A_481 = arith.constant 0 : i32
          %dma_start3A_482 = tpu.memref_slice %arg6[%dma_start3A_478, %dma_start3A_481] : memref<3x128xi32, #tpu.memory_space<vmem>> -> memref<1x128xi32, #tpu.memory_space<vmem>>
          %dma_start3A_483 = tpu.memref_squeeze %dma_start3A_482 : memref<1x128xi32, #tpu.memory_space<vmem>> -> memref<128xi32, #tpu.memory_space<vmem>>
          %dma_start3A_484 = tpu.memref_slice %arg3[%add3A_477] : memref<320000xi32, #tpu.memory_space<hbm>> -> memref<128xi32, #tpu.memory_space<hbm>>
          %dma_start3A_485 = tpu.memref_slice %arg12[%dma_start3A_479, %dma_start3A_480] : memref<4x3x!tpu.dma_semaphore, #tpu.memory_space<semaphore_mem>> -> memref<1x1x!tpu.dma_semaphore, #tpu.memory_space<semaphore_mem>>
          %dma_start3A_486 = tpu.memref_squeeze %dma_start3A_485 : memref<1x1x!tpu.dma_semaphore, #tpu.memory_space<semaphore_mem>> -> memref<!tpu.dma_semaphore, #tpu.memory_space<semaphore_mem>>
          %dma_start3A_487 = arith.constant 0 : i32
          %dma_start3A_488 = tpu.memref_slice %arg6[%dma_start3A_478, %dma_start3A_487] : memref<3x128xi32, #tpu.memory_space<vmem>> -> memref<1x128xi32, #tpu.memory_space<vmem>>
          %dma_start3A_489 = tpu.memref_squeeze %dma_start3A_488 : memref<1x128xi32, #tpu.memory_space<vmem>> -> memref<128xi32, #tpu.memory_space<vmem>>
          %dma_start3A_490 = tpu.memref_slice %arg3[%add3A_477] : memref<320000xi32, #tpu.memory_space<hbm>> -> memref<128xi32, #tpu.memory_space<hbm>>
          tpu.enqueue_dma source(%dma_start3A_490 : memref<128xi32, #tpu.memory_space<hbm>>) target(%dma_start3A_489 : memref<128xi32, #tpu.memory_space<vmem>>) target_semaphore(%dma_start3A_486 : memref<!tpu.dma_semaphore, #tpu.memory_space<semaphore_mem>>)
        } else {
        }
        %ge3A_356 = arith.constant 1 : i32
        %ge3A_357 = arith.cmpi sge, %add3A_328, %ge3A_356 : i32
        %convert_element_type3A_358 = arith.extui %ge3A_357 : i1 to i32
        %cond3A_359 = arith.constant 0 : i32
        %cond3A_360 = arith.cmpi ne, %convert_element_type3A_358, %cond3A_359 : i32
        scf.if %cond3A_360 {
          %dma_wait3A_473 = arith.constant 0 : i32
          %dma_wait3A_474 = arith.constant 0 : i32
          %dma_wait3A_475 = arith.constant 3 : i32
          %dma_wait3A_476 = arith.constant 0 : i32
          %dma_wait3A_477 = arith.constant 0 : i32
          %dma_wait3A_478 = arith.constant 0 : i32
          %dma_wait3A_479 = tpu.memref_slice %arg8[%dma_wait3A_473, %dma_wait3A_477, %dma_wait3A_478] : memref<3x128x128xf32, #tpu.memory_space<vmem>> -> memref<1x128x128xf32, #tpu.memory_space<vmem>>
          %dma_wait3A_480 = tpu.memref_squeeze %dma_wait3A_479 : memref<1x128x128xf32, #tpu.memory_space<vmem>> -> memref<128x128xf32, #tpu.memory_space<vmem>>
          %dma_wait3A_481 = arith.constant 0 : i32
          %dma_wait3A_482 = tpu.memref_slice %arg7[%dma_wait3A_474, %dma_wait3A_481] : memref<3x128xi32, #tpu.memory_space<vmem>> -> memref<1x128xi32, #tpu.memory_space<vmem>>
          %dma_wait3A_483 = tpu.memref_squeeze %dma_wait3A_482 : memref<1x128xi32, #tpu.memory_space<vmem>> -> memref<128xi32, #tpu.memory_space<vmem>>
          %dma_wait3A_484 = arith.constant 0 : i32
          %dma_wait3A_485 = arith.constant 0 : i32
          %dma_wait3A_486 = tpu.memref_slice %arg11[%dma_wait3A_484, %dma_wait3A_485] : memref<10000x128xf32, #tpu.memory_space<vmem_shared>> -> memref<10000x128xf32, #tpu.memory_space<vmem_shared>>
          %dma_wait3A_487 = tpu.memref_slice %arg12[%dma_wait3A_475, %dma_wait3A_476] : memref<4x3x!tpu.dma_semaphore, #tpu.memory_space<semaphore_mem>> -> memref<1x1x!tpu.dma_semaphore, #tpu.memory_space<semaphore_mem>>
          %dma_wait3A_488 = tpu.memref_squeeze %dma_wait3A_487 : memref<1x1x!tpu.dma_semaphore, #tpu.memory_space<semaphore_mem>> -> memref<!tpu.dma_semaphore, #tpu.memory_space<semaphore_mem>>
          tpu.wait_indirect_dma semaphore(%dma_wait3A_488 : memref<!tpu.dma_semaphore, #tpu.memory_space<semaphore_mem>>) src(%dma_wait3A_480 : memref<128x128xf32, #tpu.memory_space<vmem>>) dst(%dma_wait3A_486 : memref<10000x128xf32, #tpu.memory_space<vmem_shared>>)
        } else {
        }
        %add3A_361 = arith.constant 2 : i32
        %add3A_362 = arith.addi %add3A_328, %add3A_361 : i32
        %lt3A_363 = arith.constant 156 : i32
        %lt3A_364 = arith.cmpi slt, %add3A_362, %lt3A_363 : i32
        %convert_element_type3A_365 = arith.extui %lt3A_364 : i1 to i32
        %cond3A_366 = arith.constant 0 : i32
        %cond3A_367 = arith.cmpi ne, %convert_element_type3A_365, %cond3A_366 : i32
        scf.if %cond3A_367 {
          %add3A_473 = arith.constant 2 : i32
          %add3A_474 = arith.addi %add3A_328, %add3A_473 : i32
          %mul3A_475 = arith.constant 128 : i32
          %mul3A_476 = arith.muli %add3A_474, %mul3A_475 : i32
          %add3A_477 = arith.addi %mul3A_0, %mul3A_476 : i32
          %dma_start3A_478 = arith.constant 0 : i32
          %dma_start3A_479 = arith.constant 1 : i32
          %dma_start3A_480 = arith.constant 0 : i32
          %dma_start3A_481 = arith.constant 0 : i32
          %dma_start3A_482 = tpu.memref_slice %arg7[%dma_start3A_478, %dma_start3A_481] : memref<3x128xi32, #tpu.memory_space<vmem>> -> memref<1x128xi32, #tpu.memory_space<vmem>>
          %dma_start3A_483 = tpu.memref_squeeze %dma_start3A_482 : memref<1x128xi32, #tpu.memory_space<vmem>> -> memref<128xi32, #tpu.memory_space<vmem>>
          %dma_start3A_484 = tpu.memref_slice %arg4[%add3A_477] : memref<320000xi32, #tpu.memory_space<hbm>> -> memref<128xi32, #tpu.memory_space<hbm>>
          %dma_start3A_485 = tpu.memref_slice %arg12[%dma_start3A_479, %dma_start3A_480] : memref<4x3x!tpu.dma_semaphore, #tpu.memory_space<semaphore_mem>> -> memref<1x1x!tpu.dma_semaphore, #tpu.memory_space<semaphore_mem>>
          %dma_start3A_486 = tpu.memref_squeeze %dma_start3A_485 : memref<1x1x!tpu.dma_semaphore, #tpu.memory_space<semaphore_mem>> -> memref<!tpu.dma_semaphore, #tpu.memory_space<semaphore_mem>>
          %dma_start3A_487 = arith.constant 0 : i32
          %dma_start3A_488 = tpu.memref_slice %arg7[%dma_start3A_478, %dma_start3A_487] : memref<3x128xi32, #tpu.memory_space<vmem>> -> memref<1x128xi32, #tpu.memory_space<vmem>>
          %dma_start3A_489 = tpu.memref_squeeze %dma_start3A_488 : memref<1x128xi32, #tpu.memory_space<vmem>> -> memref<128xi32, #tpu.memory_space<vmem>>
          %dma_start3A_490 = tpu.memref_slice %arg4[%add3A_477] : memref<320000xi32, #tpu.memory_space<hbm>> -> memref<128xi32, #tpu.memory_space<hbm>>
          tpu.enqueue_dma source(%dma_start3A_490 : memref<128xi32, #tpu.memory_space<hbm>>) target(%dma_start3A_489 : memref<128xi32, #tpu.memory_space<vmem>>) target_semaphore(%dma_start3A_486 : memref<!tpu.dma_semaphore, #tpu.memory_space<semaphore_mem>>)
          %add3A_491 = arith.constant 2 : i32
          %add3A_492 = arith.addi %add3A_328, %add3A_491 : i32
          %mul3A_493 = arith.constant 128 : i32
          %mul3A_494 = arith.muli %add3A_492, %mul3A_493 : i32
          %add3A_495 = arith.addi %mul3A_0, %mul3A_494 : i32
          %dma_wait3A_496 = arith.constant 0 : i32
          %dma_wait3A_497 = arith.constant 0 : i32
          %dma_wait3A_498 = arith.constant 0 : i32
          %dma_wait3A_499 = arith.constant 0 : i32
          %dma_wait3A_500 = tpu.memref_slice %arg6[%dma_wait3A_496, %dma_wait3A_499] : memref<3x128xi32, #tpu.memory_space<vmem>> -> memref<1x128xi32, #tpu.memory_space<vmem>>
          %dma_wait3A_501 = tpu.memref_squeeze %dma_wait3A_500 : memref<1x128xi32, #tpu.memory_space<vmem>> -> memref<128xi32, #tpu.memory_space<vmem>>
          %dma_wait3A_502 = tpu.memref_slice %arg3[%add3A_495] : memref<320000xi32, #tpu.memory_space<hbm>> -> memref<128xi32, #tpu.memory_space<hbm>>
          %dma_wait3A_503 = tpu.memref_slice %arg12[%dma_wait3A_497, %dma_wait3A_498] : memref<4x3x!tpu.dma_semaphore, #tpu.memory_space<semaphore_mem>> -> memref<1x1x!tpu.dma_semaphore, #tpu.memory_space<semaphore_mem>>
          %dma_wait3A_504 = tpu.memref_squeeze %dma_wait3A_503 : memref<1x1x!tpu.dma_semaphore, #tpu.memory_space<semaphore_mem>> -> memref<!tpu.dma_semaphore, #tpu.memory_space<semaphore_mem>>
          %dma_wait3A_505 = arith.constant 0 : i32
          %dma_wait3A_506 = tpu.memref_slice %arg6[%dma_wait3A_496, %dma_wait3A_505] : memref<3x128xi32, #tpu.memory_space<vmem>> -> memref<1x128xi32, #tpu.memory_space<vmem>>
          %dma_wait3A_507 = tpu.memref_squeeze %dma_wait3A_506 : memref<1x128xi32, #tpu.memory_space<vmem>> -> memref<128xi32, #tpu.memory_space<vmem>>
          %dma_wait3A_508 = tpu.memref_slice %arg3[%add3A_495] : memref<320000xi32, #tpu.memory_space<hbm>> -> memref<128xi32, #tpu.memory_space<hbm>>
          tpu.wait_dma2 semaphore(%dma_wait3A_504 : memref<!tpu.dma_semaphore, #tpu.memory_space<semaphore_mem>>) src(%dma_wait3A_508 : memref<128xi32, #tpu.memory_space<hbm>>) dst(%dma_wait3A_507 : memref<128xi32, #tpu.memory_space<vmem>>)
          %add3A_509 = arith.constant 2 : i32
          %add3A_510 = arith.addi %add3A_328, %add3A_509 : i32
          %dma_start3A_511 = arith.constant 0 : i32
          %dma_start3A_512 = arith.constant 0 : i32
          %dma_start3A_513 = arith.constant 2 : i32
          %dma_start3A_514 = arith.constant 0 : i32
          %dma_start3A_515 = arith.constant 0 : i32
          %dma_start3A_516 = arith.constant 0 : i32
          %dma_start3A_517 = tpu.memref_slice %arg8[%dma_start3A_512, %dma_start3A_515, %dma_start3A_516] : memref<3x128x128xf32, #tpu.memory_space<vmem>> -> memref<1x128x128xf32, #tpu.memory_space<vmem>>
          %dma_start3A_518 = tpu.memref_squeeze %dma_start3A_517 : memref<1x128x128xf32, #tpu.memory_space<vmem>> -> memref<128x128xf32, #tpu.memory_space<vmem>>
          %dma_start3A_519 = arith.constant 0 : i32
          %dma_start3A_520 = tpu.memref_slice %arg6[%dma_start3A_511, %dma_start3A_519] : memref<3x128xi32, #tpu.memory_space<vmem>> -> memref<1x128xi32, #tpu.memory_space<vmem>>
          %dma_start3A_521 = tpu.memref_squeeze %dma_start3A_520 : memref<1x128xi32, #tpu.memory_space<vmem>> -> memref<128xi32, #tpu.memory_space<vmem>>
          %dma_start3A_522 = arith.constant 0 : i32
          %dma_start3A_523 = arith.constant 0 : i32
          %dma_start3A_524 = tpu.memref_slice %arg2[%scan3A, %dma_start3A_522, %dma_start3A_523] : memref<2x10000x128xf32, #tpu.memory_space<hbm>> -> memref<1x10000x128xf32, #tpu.memory_space<hbm>>
          %dma_start3A_525 = tpu.memref_squeeze %dma_start3A_524 : memref<1x10000x128xf32, #tpu.memory_space<hbm>> -> memref<10000x128xf32, #tpu.memory_space<hbm>>
          %dma_start3A_526 = arith.constant 0 : i32
          %dma_start3A_527 = arith.constant 0 : i32
          %dma_start3A_528 = tpu.memref_slice %dma_start3A_525[%dma_start3A_526, %dma_start3A_527] : memref<10000x128xf32, #tpu.memory_space<hbm>> -> memref<10000x128xf32, #tpu.memory_space<hbm>>
          %dma_start3A_529 = tpu.memref_slice %arg12[%dma_start3A_513, %dma_start3A_514] : memref<4x3x!tpu.dma_semaphore, #tpu.memory_space<semaphore_mem>> -> memref<1x1x!tpu.dma_semaphore, #tpu.memory_space<semaphore_mem>>
          %dma_start3A_530 = tpu.memref_squeeze %dma_start3A_529 : memref<1x1x!tpu.dma_semaphore, #tpu.memory_space<semaphore_mem>> -> memref<!tpu.dma_semaphore, #tpu.memory_space<semaphore_mem>>
          tpu.enqueue_indirect_dma source(%dma_start3A_528 : memref<10000x128xf32, #tpu.memory_space<hbm>>) target(%dma_start3A_518 : memref<128x128xf32, #tpu.memory_space<vmem>>) offsets(%dma_start3A_521 : memref<128xi32, #tpu.memory_space<vmem>>) semaphore(%dma_start3A_530 : memref<!tpu.dma_semaphore, #tpu.memory_space<semaphore_mem>>)
        } else {
        }
        %mul3A_368 = arith.constant 128 : i32
        %mul3A_369 = arith.muli %add3A_328, %mul3A_368 : i32
        %add3A_370 = arith.addi %mul3A_0, %mul3A_369 : i32
        %dma_wait3A_371 = arith.constant 1 : i32
        %dma_wait3A_372 = arith.constant 1 : i32
        %dma_wait3A_373 = arith.constant 1 : i32
        %dma_wait3A_374 = arith.constant 0 : i32
        %dma_wait3A_375 = tpu.memref_slice %arg7[%dma_wait3A_371, %dma_wait3A_374] : memref<3x128xi32, #tpu.memory_space<vmem>> -> memref<1x128xi32, #tpu.memory_space<vmem>>
        %dma_wait3A_376 = tpu.memref_squeeze %dma_wait3A_375 : memref<1x128xi32, #tpu.memory_space<vmem>> -> memref<128xi32, #tpu.memory_space<vmem>>
        %dma_wait3A_377 = tpu.memref_slice %arg4[%add3A_370] : memref<320000xi32, #tpu.memory_space<hbm>> -> memref<128xi32, #tpu.memory_space<hbm>>
        %dma_wait3A_378 = tpu.memref_slice %arg12[%dma_wait3A_372, %dma_wait3A_373] : memref<4x3x!tpu.dma_semaphore, #tpu.memory_space<semaphore_mem>> -> memref<1x1x!tpu.dma_semaphore, #tpu.memory_space<semaphore_mem>>
        %dma_wait3A_379 = tpu.memref_squeeze %dma_wait3A_378 : memref<1x1x!tpu.dma_semaphore, #tpu.memory_space<semaphore_mem>> -> memref<!tpu.dma_semaphore, #tpu.memory_space<semaphore_mem>>
        %dma_wait3A_380 = arith.constant 0 : i32
        %dma_wait3A_381 = tpu.memref_slice %arg7[%dma_wait3A_371, %dma_wait3A_380] : memref<3x128xi32, #tpu.memory_space<vmem>> -> memref<1x128xi32, #tpu.memory_space<vmem>>
        %dma_wait3A_382 = tpu.memref_squeeze %dma_wait3A_381 : memref<1x128xi32, #tpu.memory_space<vmem>> -> memref<128xi32, #tpu.memory_space<vmem>>
        %dma_wait3A_383 = tpu.memref_slice %arg4[%add3A_370] : memref<320000xi32, #tpu.memory_space<hbm>> -> memref<128xi32, #tpu.memory_space<hbm>>
        tpu.wait_dma2 semaphore(%dma_wait3A_379 : memref<!tpu.dma_semaphore, #tpu.memory_space<semaphore_mem>>) src(%dma_wait3A_383 : memref<128xi32, #tpu.memory_space<hbm>>) dst(%dma_wait3A_382 : memref<128xi32, #tpu.memory_space<vmem>>)
        %dma_start3A_384 = arith.constant 1 : i32
        %dma_start3A_385 = arith.constant 1 : i32
        %dma_start3A_386 = arith.constant 3 : i32
        %dma_start3A_387 = arith.constant 1 : i32
        %dma_start3A_388 = arith.constant 0 : i32
        %dma_start3A_389 = arith.constant 0 : i32
        %dma_start3A_390 = tpu.memref_slice %arg8[%dma_start3A_384, %dma_start3A_388, %dma_start3A_389] : memref<3x128x128xf32, #tpu.memory_space<vmem>> -> memref<1x128x128xf32, #tpu.memory_space<vmem>>
        %dma_start3A_391 = tpu.memref_squeeze %dma_start3A_390 : memref<1x128x128xf32, #tpu.memory_space<vmem>> -> memref<128x128xf32, #tpu.memory_space<vmem>>
        %dma_start3A_392 = arith.constant 0 : i32
        %dma_start3A_393 = tpu.memref_slice %arg7[%dma_start3A_385, %dma_start3A_392] : memref<3x128xi32, #tpu.memory_space<vmem>> -> memref<1x128xi32, #tpu.memory_space<vmem>>
        %dma_start3A_394 = tpu.memref_squeeze %dma_start3A_393 : memref<1x128xi32, #tpu.memory_space<vmem>> -> memref<128xi32, #tpu.memory_space<vmem>>
        %dma_start3A_395 = arith.constant 0 : i32
        %dma_start3A_396 = arith.constant 0 : i32
        %dma_start3A_397 = tpu.memref_slice %arg11[%dma_start3A_395, %dma_start3A_396] : memref<10000x128xf32, #tpu.memory_space<vmem_shared>> -> memref<10000x128xf32, #tpu.memory_space<vmem_shared>>
        %dma_start3A_398 = tpu.memref_slice %arg12[%dma_start3A_386, %dma_start3A_387] : memref<4x3x!tpu.dma_semaphore, #tpu.memory_space<semaphore_mem>> -> memref<1x1x!tpu.dma_semaphore, #tpu.memory_space<semaphore_mem>>
        %dma_start3A_399 = tpu.memref_squeeze %dma_start3A_398 : memref<1x1x!tpu.dma_semaphore, #tpu.memory_space<semaphore_mem>> -> memref<!tpu.dma_semaphore, #tpu.memory_space<semaphore_mem>>
        tpu.enqueue_indirect_dma source(%dma_start3A_391 : memref<128x128xf32, #tpu.memory_space<vmem>>) target(%dma_start3A_397 : memref<10000x128xf32, #tpu.memory_space<vmem_shared>>) offsets(%dma_start3A_394 : memref<128xi32, #tpu.memory_space<vmem>>) semaphore(%dma_start3A_399 : memref<!tpu.dma_semaphore, #tpu.memory_space<semaphore_mem>>) {add = true}
        %add3A_400 = arith.constant 2 : i32
        %add3A_401 = arith.addi %mul3A_255, %add3A_400 : i32
        %dma_wait3A_402 = arith.constant 2 : i32
        %dma_wait3A_403 = arith.constant 2 : i32
        %dma_wait3A_404 = arith.constant 2 : i32
        %dma_wait3A_405 = arith.constant 2 : i32
        %dma_wait3A_406 = arith.constant 0 : i32
        %dma_wait3A_407 = arith.constant 0 : i32
        %dma_wait3A_408 = tpu.memref_slice %arg8[%dma_wait3A_403, %dma_wait3A_406, %dma_wait3A_407] : memref<3x128x128xf32, #tpu.memory_space<vmem>> -> memref<1x128x128xf32, #tpu.memory_space<vmem>>
        %dma_wait3A_409 = tpu.memref_squeeze %dma_wait3A_408 : memref<1x128x128xf32, #tpu.memory_space<vmem>> -> memref<128x128xf32, #tpu.memory_space<vmem>>
        %dma_wait3A_410 = arith.constant 0 : i32
        %dma_wait3A_411 = tpu.memref_slice %arg6[%dma_wait3A_402, %dma_wait3A_410] : memref<3x128xi32, #tpu.memory_space<vmem>> -> memref<1x128xi32, #tpu.memory_space<vmem>>
        %dma_wait3A_412 = tpu.memref_squeeze %dma_wait3A_411 : memref<1x128xi32, #tpu.memory_space<vmem>> -> memref<128xi32, #tpu.memory_space<vmem>>
        %dma_wait3A_413 = arith.constant 0 : i32
        %dma_wait3A_414 = arith.constant 0 : i32
        %dma_wait3A_415 = tpu.memref_slice %arg2[%scan3A, %dma_wait3A_413, %dma_wait3A_414] : memref<2x10000x128xf32, #tpu.memory_space<hbm>> -> memref<1x10000x128xf32, #tpu.memory_space<hbm>>
        %dma_wait3A_416 = tpu.memref_squeeze %dma_wait3A_415 : memref<1x10000x128xf32, #tpu.memory_space<hbm>> -> memref<10000x128xf32, #tpu.memory_space<hbm>>
        %dma_wait3A_417 = arith.constant 0 : i32
        %dma_wait3A_418 = arith.constant 0 : i32
        %dma_wait3A_419 = tpu.memref_slice %dma_wait3A_416[%dma_wait3A_417, %dma_wait3A_418] : memref<10000x128xf32, #tpu.memory_space<hbm>> -> memref<10000x128xf32, #tpu.memory_space<hbm>>
        %dma_wait3A_420 = tpu.memref_slice %arg12[%dma_wait3A_404, %dma_wait3A_405] : memref<4x3x!tpu.dma_semaphore, #tpu.memory_space<semaphore_mem>> -> memref<1x1x!tpu.dma_semaphore, #tpu.memory_space<semaphore_mem>>
        %dma_wait3A_421 = tpu.memref_squeeze %dma_wait3A_420 : memref<1x1x!tpu.dma_semaphore, #tpu.memory_space<semaphore_mem>> -> memref<!tpu.dma_semaphore, #tpu.memory_space<semaphore_mem>>
        tpu.wait_indirect_dma semaphore(%dma_wait3A_421 : memref<!tpu.dma_semaphore, #tpu.memory_space<semaphore_mem>>) src(%dma_wait3A_419 : memref<10000x128xf32, #tpu.memory_space<hbm>>) dst(%dma_wait3A_409 : memref<128x128xf32, #tpu.memory_space<vmem>>)
        %add3A_422 = arith.constant 3 : i32
        %add3A_423 = arith.addi %add3A_401, %add3A_422 : i32
        %lt3A_424 = arith.constant 156 : i32
        %lt3A_425 = arith.cmpi slt, %add3A_423, %lt3A_424 : i32
        %convert_element_type3A_426 = arith.extui %lt3A_425 : i1 to i32
        %cond3A_427 = arith.constant 0 : i32
        %cond3A_428 = arith.cmpi ne, %convert_element_type3A_426, %cond3A_427 : i32
        scf.if %cond3A_428 {
          %add3A_473 = arith.constant 3 : i32
          %add3A_474 = arith.addi %add3A_401, %add3A_473 : i32
          %mul3A_475 = arith.constant 128 : i32
          %mul3A_476 = arith.muli %add3A_474, %mul3A_475 : i32
          %add3A_477 = arith.addi %mul3A_0, %mul3A_476 : i32
          %dma_start3A_478 = arith.constant 2 : i32
          %dma_start3A_479 = arith.constant 0 : i32
          %dma_start3A_480 = arith.constant 2 : i32
          %dma_start3A_481 = arith.constant 0 : i32
          %dma_start3A_482 = tpu.memref_slice %arg6[%dma_start3A_478, %dma_start3A_481] : memref<3x128xi32, #tpu.memory_space<vmem>> -> memref<1x128xi32, #tpu.memory_space<vmem>>
          %dma_start3A_483 = tpu.memref_squeeze %dma_start3A_482 : memref<1x128xi32, #tpu.memory_space<vmem>> -> memref<128xi32, #tpu.memory_space<vmem>>
          %dma_start3A_484 = tpu.memref_slice %arg3[%add3A_477] : memref<320000xi32, #tpu.memory_space<hbm>> -> memref<128xi32, #tpu.memory_space<hbm>>
          %dma_start3A_485 = tpu.memref_slice %arg12[%dma_start3A_479, %dma_start3A_480] : memref<4x3x!tpu.dma_semaphore, #tpu.memory_space<semaphore_mem>> -> memref<1x1x!tpu.dma_semaphore, #tpu.memory_space<semaphore_mem>>
          %dma_start3A_486 = tpu.memref_squeeze %dma_start3A_485 : memref<1x1x!tpu.dma_semaphore, #tpu.memory_space<semaphore_mem>> -> memref<!tpu.dma_semaphore, #tpu.memory_space<semaphore_mem>>
          %dma_start3A_487 = arith.constant 0 : i32
          %dma_start3A_488 = tpu.memref_slice %arg6[%dma_start3A_478, %dma_start3A_487] : memref<3x128xi32, #tpu.memory_space<vmem>> -> memref<1x128xi32, #tpu.memory_space<vmem>>
          %dma_start3A_489 = tpu.memref_squeeze %dma_start3A_488 : memref<1x128xi32, #tpu.memory_space<vmem>> -> memref<128xi32, #tpu.memory_space<vmem>>
          %dma_start3A_490 = tpu.memref_slice %arg3[%add3A_477] : memref<320000xi32, #tpu.memory_space<hbm>> -> memref<128xi32, #tpu.memory_space<hbm>>
          tpu.enqueue_dma source(%dma_start3A_490 : memref<128xi32, #tpu.memory_space<hbm>>) target(%dma_start3A_489 : memref<128xi32, #tpu.memory_space<vmem>>) target_semaphore(%dma_start3A_486 : memref<!tpu.dma_semaphore, #tpu.memory_space<semaphore_mem>>)
        } else {
        }
        %ge3A_429 = arith.constant 1 : i32
        %ge3A_430 = arith.cmpi sge, %add3A_401, %ge3A_429 : i32
        %convert_element_type3A_431 = arith.extui %ge3A_430 : i1 to i32
        %cond3A_432 = arith.constant 0 : i32
        %cond3A_433 = arith.cmpi ne, %convert_element_type3A_431, %cond3A_432 : i32
        scf.if %cond3A_433 {
          %dma_wait3A_473 = arith.constant 1 : i32
          %dma_wait3A_474 = arith.constant 1 : i32
          %dma_wait3A_475 = arith.constant 3 : i32
          %dma_wait3A_476 = arith.constant 1 : i32
          %dma_wait3A_477 = arith.constant 0 : i32
          %dma_wait3A_478 = arith.constant 0 : i32
          %dma_wait3A_479 = tpu.memref_slice %arg8[%dma_wait3A_473, %dma_wait3A_477, %dma_wait3A_478] : memref<3x128x128xf32, #tpu.memory_space<vmem>> -> memref<1x128x128xf32, #tpu.memory_space<vmem>>
          %dma_wait3A_480 = tpu.memref_squeeze %dma_wait3A_479 : memref<1x128x128xf32, #tpu.memory_space<vmem>> -> memref<128x128xf32, #tpu.memory_space<vmem>>
          %dma_wait3A_481 = arith.constant 0 : i32
          %dma_wait3A_482 = tpu.memref_slice %arg7[%dma_wait3A_474, %dma_wait3A_481] : memref<3x128xi32, #tpu.memory_space<vmem>> -> memref<1x128xi32, #tpu.memory_space<vmem>>
          %dma_wait3A_483 = tpu.memref_squeeze %dma_wait3A_482 : memref<1x128xi32, #tpu.memory_space<vmem>> -> memref<128xi32, #tpu.memory_space<vmem>>
          %dma_wait3A_484 = arith.constant 0 : i32
          %dma_wait3A_485 = arith.constant 0 : i32
          %dma_wait3A_486 = tpu.memref_slice %arg11[%dma_wait3A_484, %dma_wait3A_485] : memref<10000x128xf32, #tpu.memory_space<vmem_shared>> -> memref<10000x128xf32, #tpu.memory_space<vmem_shared>>
          %dma_wait3A_487 = tpu.memref_slice %arg12[%dma_wait3A_475, %dma_wait3A_476] : memref<4x3x!tpu.dma_semaphore, #tpu.memory_space<semaphore_mem>> -> memref<1x1x!tpu.dma_semaphore, #tpu.memory_space<semaphore_mem>>
          %dma_wait3A_488 = tpu.memref_squeeze %dma_wait3A_487 : memref<1x1x!tpu.dma_semaphore, #tpu.memory_space<semaphore_mem>> -> memref<!tpu.dma_semaphore, #tpu.memory_space<semaphore_mem>>
          tpu.wait_indirect_dma semaphore(%dma_wait3A_488 : memref<!tpu.dma_semaphore, #tpu.memory_space<semaphore_mem>>) src(%dma_wait3A_480 : memref<128x128xf32, #tpu.memory_space<vmem>>) dst(%dma_wait3A_486 : memref<10000x128xf32, #tpu.memory_space<vmem_shared>>)
        } else {
        }
        %add3A_434 = arith.constant 2 : i32
        %add3A_435 = arith.addi %add3A_401, %add3A_434 : i32
        %lt3A_436 = arith.constant 156 : i32
        %lt3A_437 = arith.cmpi slt, %add3A_435, %lt3A_436 : i32
        %convert_element_type3A_438 = arith.extui %lt3A_437 : i1 to i32
        %cond3A_439 = arith.constant 0 : i32
        %cond3A_440 = arith.cmpi ne, %convert_element_type3A_438, %cond3A_439 : i32
        scf.if %cond3A_440 {
          %add3A_473 = arith.constant 2 : i32
          %add3A_474 = arith.addi %add3A_401, %add3A_473 : i32
          %mul3A_475 = arith.constant 128 : i32
          %mul3A_476 = arith.muli %add3A_474, %mul3A_475 : i32
          %add3A_477 = arith.addi %mul3A_0, %mul3A_476 : i32
          %dma_start3A_478 = arith.constant 1 : i32
          %dma_start3A_479 = arith.constant 1 : i32
          %dma_start3A_480 = arith.constant 1 : i32
          %dma_start3A_481 = arith.constant 0 : i32
          %dma_start3A_482 = tpu.memref_slice %arg7[%dma_start3A_478, %dma_start3A_481] : memref<3x128xi32, #tpu.memory_space<vmem>> -> memref<1x128xi32, #tpu.memory_space<vmem>>
          %dma_start3A_483 = tpu.memref_squeeze %dma_start3A_482 : memref<1x128xi32, #tpu.memory_space<vmem>> -> memref<128xi32, #tpu.memory_space<vmem>>
          %dma_start3A_484 = tpu.memref_slice %arg4[%add3A_477] : memref<320000xi32, #tpu.memory_space<hbm>> -> memref<128xi32, #tpu.memory_space<hbm>>
          %dma_start3A_485 = tpu.memref_slice %arg12[%dma_start3A_479, %dma_start3A_480] : memref<4x3x!tpu.dma_semaphore, #tpu.memory_space<semaphore_mem>> -> memref<1x1x!tpu.dma_semaphore, #tpu.memory_space<semaphore_mem>>
          %dma_start3A_486 = tpu.memref_squeeze %dma_start3A_485 : memref<1x1x!tpu.dma_semaphore, #tpu.memory_space<semaphore_mem>> -> memref<!tpu.dma_semaphore, #tpu.memory_space<semaphore_mem>>
          %dma_start3A_487 = arith.constant 0 : i32
          %dma_start3A_488 = tpu.memref_slice %arg7[%dma_start3A_478, %dma_start3A_487] : memref<3x128xi32, #tpu.memory_space<vmem>> -> memref<1x128xi32, #tpu.memory_space<vmem>>
          %dma_start3A_489 = tpu.memref_squeeze %dma_start3A_488 : memref<1x128xi32, #tpu.memory_space<vmem>> -> memref<128xi32, #tpu.memory_space<vmem>>
          %dma_start3A_490 = tpu.memref_slice %arg4[%add3A_477] : memref<320000xi32, #tpu.memory_space<hbm>> -> memref<128xi32, #tpu.memory_space<hbm>>
          tpu.enqueue_dma source(%dma_start3A_490 : memref<128xi32, #tpu.memory_space<hbm>>) target(%dma_start3A_489 : memref<128xi32, #tpu.memory_space<vmem>>) target_semaphore(%dma_start3A_486 : memref<!tpu.dma_semaphore, #tpu.memory_space<semaphore_mem>>)
          %add3A_491 = arith.constant 2 : i32
          %add3A_492 = arith.addi %add3A_401, %add3A_491 : i32
          %mul3A_493 = arith.constant 128 : i32
          %mul3A_494 = arith.muli %add3A_492, %mul3A_493 : i32
          %add3A_495 = arith.addi %mul3A_0, %mul3A_494 : i32
          %dma_wait3A_496 = arith.constant 1 : i32
          %dma_wait3A_497 = arith.constant 0 : i32
          %dma_wait3A_498 = arith.constant 1 : i32
          %dma_wait3A_499 = arith.constant 0 : i32
          %dma_wait3A_500 = tpu.memref_slice %arg6[%dma_wait3A_496, %dma_wait3A_499] : memref<3x128xi32, #tpu.memory_space<vmem>> -> memref<1x128xi32, #tpu.memory_space<vmem>>
          %dma_wait3A_501 = tpu.memref_squeeze %dma_wait3A_500 : memref<1x128xi32, #tpu.memory_space<vmem>> -> memref<128xi32, #tpu.memory_space<vmem>>
          %dma_wait3A_502 = tpu.memref_slice %arg3[%add3A_495] : memref<320000xi32, #tpu.memory_space<hbm>> -> memref<128xi32, #tpu.memory_space<hbm>>
          %dma_wait3A_503 = tpu.memref_slice %arg12[%dma_wait3A_497, %dma_wait3A_498] : memref<4x3x!tpu.dma_semaphore, #tpu.memory_space<semaphore_mem>> -> memref<1x1x!tpu.dma_semaphore, #tpu.memory_space<semaphore_mem>>
          %dma_wait3A_504 = tpu.memref_squeeze %dma_wait3A_503 : memref<1x1x!tpu.dma_semaphore, #tpu.memory_space<semaphore_mem>> -> memref<!tpu.dma_semaphore, #tpu.memory_space<semaphore_mem>>
          %dma_wait3A_505 = arith.constant 0 : i32
          %dma_wait3A_506 = tpu.memref_slice %arg6[%dma_wait3A_496, %dma_wait3A_505] : memref<3x128xi32, #tpu.memory_space<vmem>> -> memref<1x128xi32, #tpu.memory_space<vmem>>
          %dma_wait3A_507 = tpu.memref_squeeze %dma_wait3A_506 : memref<1x128xi32, #tpu.memory_space<vmem>> -> memref<128xi32, #tpu.memory_space<vmem>>
          %dma_wait3A_508 = tpu.memref_slice %arg3[%add3A_495] : memref<320000xi32, #tpu.memory_space<hbm>> -> memref<128xi32, #tpu.memory_space<hbm>>
          tpu.wait_dma2 semaphore(%dma_wait3A_504 : memref<!tpu.dma_semaphore, #tpu.memory_space<semaphore_mem>>) src(%dma_wait3A_508 : memref<128xi32, #tpu.memory_space<hbm>>) dst(%dma_wait3A_507 : memref<128xi32, #tpu.memory_space<vmem>>)
          %add3A_509 = arith.constant 2 : i32
          %add3A_510 = arith.addi %add3A_401, %add3A_509 : i32
          %dma_start3A_511 = arith.constant 1 : i32
          %dma_start3A_512 = arith.constant 1 : i32
          %dma_start3A_513 = arith.constant 2 : i32
          %dma_start3A_514 = arith.constant 1 : i32
          %dma_start3A_515 = arith.constant 0 : i32
          %dma_start3A_516 = arith.constant 0 : i32
          %dma_start3A_517 = tpu.memref_slice %arg8[%dma_start3A_512, %dma_start3A_515, %dma_start3A_516] : memref<3x128x128xf32, #tpu.memory_space<vmem>> -> memref<1x128x128xf32, #tpu.memory_space<vmem>>
          %dma_start3A_518 = tpu.memref_squeeze %dma_start3A_517 : memref<1x128x128xf32, #tpu.memory_space<vmem>> -> memref<128x128xf32, #tpu.memory_space<vmem>>
          %dma_start3A_519 = arith.constant 0 : i32
          %dma_start3A_520 = tpu.memref_slice %arg6[%dma_start3A_511, %dma_start3A_519] : memref<3x128xi32, #tpu.memory_space<vmem>> -> memref<1x128xi32, #tpu.memory_space<vmem>>
          %dma_start3A_521 = tpu.memref_squeeze %dma_start3A_520 : memref<1x128xi32, #tpu.memory_space<vmem>> -> memref<128xi32, #tpu.memory_space<vmem>>
          %dma_start3A_522 = arith.constant 0 : i32
          %dma_start3A_523 = arith.constant 0 : i32
          %dma_start3A_524 = tpu.memref_slice %arg2[%scan3A, %dma_start3A_522, %dma_start3A_523] : memref<2x10000x128xf32, #tpu.memory_space<hbm>> -> memref<1x10000x128xf32, #tpu.memory_space<hbm>>
          %dma_start3A_525 = tpu.memref_squeeze %dma_start3A_524 : memref<1x10000x128xf32, #tpu.memory_space<hbm>> -> memref<10000x128xf32, #tpu.memory_space<hbm>>
          %dma_start3A_526 = arith.constant 0 : i32
          %dma_start3A_527 = arith.constant 0 : i32
          %dma_start3A_528 = tpu.memref_slice %dma_start3A_525[%dma_start3A_526, %dma_start3A_527] : memref<10000x128xf32, #tpu.memory_space<hbm>> -> memref<10000x128xf32, #tpu.memory_space<hbm>>
          %dma_start3A_529 = tpu.memref_slice %arg12[%dma_start3A_513, %dma_start3A_514] : memref<4x3x!tpu.dma_semaphore, #tpu.memory_space<semaphore_mem>> -> memref<1x1x!tpu.dma_semaphore, #tpu.memory_space<semaphore_mem>>
          %dma_start3A_530 = tpu.memref_squeeze %dma_start3A_529 : memref<1x1x!tpu.dma_semaphore, #tpu.memory_space<semaphore_mem>> -> memref<!tpu.dma_semaphore, #tpu.memory_space<semaphore_mem>>
          tpu.enqueue_indirect_dma source(%dma_start3A_528 : memref<10000x128xf32, #tpu.memory_space<hbm>>) target(%dma_start3A_518 : memref<128x128xf32, #tpu.memory_space<vmem>>) offsets(%dma_start3A_521 : memref<128xi32, #tpu.memory_space<vmem>>) semaphore(%dma_start3A_530 : memref<!tpu.dma_semaphore, #tpu.memory_space<semaphore_mem>>)
        } else {
        }
        %mul3A_441 = arith.constant 128 : i32
        %mul3A_442 = arith.muli %add3A_401, %mul3A_441 : i32
        %add3A_443 = arith.addi %mul3A_0, %mul3A_442 : i32
        %dma_wait3A_444 = arith.constant 2 : i32
        %dma_wait3A_445 = arith.constant 1 : i32
        %dma_wait3A_446 = arith.constant 2 : i32
        %dma_wait3A_447 = arith.constant 0 : i32
        %dma_wait3A_448 = tpu.memref_slice %arg7[%dma_wait3A_444, %dma_wait3A_447] : memref<3x128xi32, #tpu.memory_space<vmem>> -> memref<1x128xi32, #tpu.memory_space<vmem>>
        %dma_wait3A_449 = tpu.memref_squeeze %dma_wait3A_448 : memref<1x128xi32, #tpu.memory_space<vmem>> -> memref<128xi32, #tpu.memory_space<vmem>>
        %dma_wait3A_450 = tpu.memref_slice %arg4[%add3A_443] : memref<320000xi32, #tpu.memory_space<hbm>> -> memref<128xi32, #tpu.memory_space<hbm>>
        %dma_wait3A_451 = tpu.memref_slice %arg12[%dma_wait3A_445, %dma_wait3A_446] : memref<4x3x!tpu.dma_semaphore, #tpu.memory_space<semaphore_mem>> -> memref<1x1x!tpu.dma_semaphore, #tpu.memory_space<semaphore_mem>>
        %dma_wait3A_452 = tpu.memref_squeeze %dma_wait3A_451 : memref<1x1x!tpu.dma_semaphore, #tpu.memory_space<semaphore_mem>> -> memref<!tpu.dma_semaphore, #tpu.memory_space<semaphore_mem>>
        %dma_wait3A_453 = arith.constant 0 : i32
        %dma_wait3A_454 = tpu.memref_slice %arg7[%dma_wait3A_444, %dma_wait3A_453] : memref<3x128xi32, #tpu.memory_space<vmem>> -> memref<1x128xi32, #tpu.memory_space<vmem>>
        %dma_wait3A_455 = tpu.memref_squeeze %dma_wait3A_454 : memref<1x128xi32, #tpu.memory_space<vmem>> -> memref<128xi32, #tpu.memory_space<vmem>>
        %dma_wait3A_456 = tpu.memref_slice %arg4[%add3A_443] : memref<320000xi32, #tpu.memory_space<hbm>> -> memref<128xi32, #tpu.memory_space<hbm>>
        tpu.wait_dma2 semaphore(%dma_wait3A_452 : memref<!tpu.dma_semaphore, #tpu.memory_space<semaphore_mem>>) src(%dma_wait3A_456 : memref<128xi32, #tpu.memory_space<hbm>>) dst(%dma_wait3A_455 : memref<128xi32, #tpu.memory_space<vmem>>)
        %dma_start3A_457 = arith.constant 2 : i32
        %dma_start3A_458 = arith.constant 2 : i32
        %dma_start3A_459 = arith.constant 3 : i32
        %dma_start3A_460 = arith.constant 2 : i32
        %dma_start3A_461 = arith.constant 0 : i32
        %dma_start3A_462 = arith.constant 0 : i32
        %dma_start3A_463 = tpu.memref_slice %arg8[%dma_start3A_457, %dma_start3A_461, %dma_start3A_462] : memref<3x128x128xf32, #tpu.memory_space<vmem>> -> memref<1x128x128xf32, #tpu.memory_space<vmem>>
        %dma_start3A_464 = tpu.memref_squeeze %dma_start3A_463 : memref<1x128x128xf32, #tpu.memory_space<vmem>> -> memref<128x128xf32, #tpu.memory_space<vmem>>
        %dma_start3A_465 = arith.constant 0 : i32
        %dma_start3A_466 = tpu.memref_slice %arg7[%dma_start3A_458, %dma_start3A_465] : memref<3x128xi32, #tpu.memory_space<vmem>> -> memref<1x128xi32, #tpu.memory_space<vmem>>
        %dma_start3A_467 = tpu.memref_squeeze %dma_start3A_466 : memref<1x128xi32, #tpu.memory_space<vmem>> -> memref<128xi32, #tpu.memory_space<vmem>>
        %dma_start3A_468 = arith.constant 0 : i32
        %dma_start3A_469 = arith.constant 0 : i32
        %dma_start3A_470 = tpu.memref_slice %arg11[%dma_start3A_468, %dma_start3A_469] : memref<10000x128xf32, #tpu.memory_space<vmem_shared>> -> memref<10000x128xf32, #tpu.memory_space<vmem_shared>>
        %dma_start3A_471 = tpu.memref_slice %arg12[%dma_start3A_459, %dma_start3A_460] : memref<4x3x!tpu.dma_semaphore, #tpu.memory_space<semaphore_mem>> -> memref<1x1x!tpu.dma_semaphore, #tpu.memory_space<semaphore_mem>>
        %dma_start3A_472 = tpu.memref_squeeze %dma_start3A_471 : memref<1x1x!tpu.dma_semaphore, #tpu.memory_space<semaphore_mem>> -> memref<!tpu.dma_semaphore, #tpu.memory_space<semaphore_mem>>
        tpu.enqueue_indirect_dma source(%dma_start3A_464 : memref<128x128xf32, #tpu.memory_space<vmem>>) target(%dma_start3A_470 : memref<10000x128xf32, #tpu.memory_space<vmem_shared>>) offsets(%dma_start3A_467 : memref<128xi32, #tpu.memory_space<vmem>>) semaphore(%dma_start3A_472 : memref<!tpu.dma_semaphore, #tpu.memory_space<semaphore_mem>>) {add = true}
      }
      %scan3A_170 = arith.constant 52 : i32
      %dma_wait3A_171 = arith.constant 2 : i32
      %dma_wait3A_172 = arith.constant 2 : i32
      %dma_wait3A_173 = arith.constant 3 : i32
      %dma_wait3A_174 = arith.constant 2 : i32
      %dma_wait3A_175 = arith.constant 0 : i32
      %dma_wait3A_176 = arith.constant 0 : i32
      %dma_wait3A_177 = tpu.memref_slice %arg8[%dma_wait3A_171, %dma_wait3A_175, %dma_wait3A_176] : memref<3x128x128xf32, #tpu.memory_space<vmem>> -> memref<1x128x128xf32, #tpu.memory_space<vmem>>
      %dma_wait3A_178 = tpu.memref_squeeze %dma_wait3A_177 : memref<1x128x128xf32, #tpu.memory_space<vmem>> -> memref<128x128xf32, #tpu.memory_space<vmem>>
      %dma_wait3A_179 = arith.constant 0 : i32
      %dma_wait3A_180 = tpu.memref_slice %arg7[%dma_wait3A_172, %dma_wait3A_179] : memref<3x128xi32, #tpu.memory_space<vmem>> -> memref<1x128xi32, #tpu.memory_space<vmem>>
      %dma_wait3A_181 = tpu.memref_squeeze %dma_wait3A_180 : memref<1x128xi32, #tpu.memory_space<vmem>> -> memref<128xi32, #tpu.memory_space<vmem>>
      %dma_wait3A_182 = arith.constant 0 : i32
      %dma_wait3A_183 = arith.constant 0 : i32
      %dma_wait3A_184 = tpu.memref_slice %arg11[%dma_wait3A_182, %dma_wait3A_183] : memref<10000x128xf32, #tpu.memory_space<vmem_shared>> -> memref<10000x128xf32, #tpu.memory_space<vmem_shared>>
      %dma_wait3A_185 = tpu.memref_slice %arg12[%dma_wait3A_173, %dma_wait3A_174] : memref<4x3x!tpu.dma_semaphore, #tpu.memory_space<semaphore_mem>> -> memref<1x1x!tpu.dma_semaphore, #tpu.memory_space<semaphore_mem>>
      %dma_wait3A_186 = tpu.memref_squeeze %dma_wait3A_185 : memref<1x1x!tpu.dma_semaphore, #tpu.memory_space<semaphore_mem>> -> memref<!tpu.dma_semaphore, #tpu.memory_space<semaphore_mem>>
      tpu.wait_indirect_dma semaphore(%dma_wait3A_186 : memref<!tpu.dma_semaphore, #tpu.memory_space<semaphore_mem>>) src(%dma_wait3A_178 : memref<128x128xf32, #tpu.memory_space<vmem>>) dst(%dma_wait3A_184 : memref<10000x128xf32, #tpu.memory_space<vmem_shared>>)
      %add3A_187 = arith.constant 19968 : i32
      %add3A_188 = arith.addi %mul3A_0, %add3A_187 : i32
      %dma_start3A_189 = arith.constant 0 : i32
      %dma_start3A_190 = arith.constant 0 : i32
      %dma_start3A_191 = tpu.memref_slice %arg3[%add3A_188] : memref<320000xi32, #tpu.memory_space<hbm>> -> memref<32xi32, #tpu.memory_space<hbm>>
      %dma_start3A_192 = tpu.memref_slice %arg12[%dma_start3A_189, %dma_start3A_190] : memref<4x3x!tpu.dma_semaphore, #tpu.memory_space<semaphore_mem>> -> memref<1x1x!tpu.dma_semaphore, #tpu.memory_space<semaphore_mem>>
      %dma_start3A_193 = tpu.memref_squeeze %dma_start3A_192 : memref<1x1x!tpu.dma_semaphore, #tpu.memory_space<semaphore_mem>> -> memref<!tpu.dma_semaphore, #tpu.memory_space<semaphore_mem>>
      %dma_start3A_194 = tpu.memref_slice %arg3[%add3A_188] : memref<320000xi32, #tpu.memory_space<hbm>> -> memref<32xi32, #tpu.memory_space<hbm>>
      tpu.enqueue_dma source(%dma_start3A_194 : memref<32xi32, #tpu.memory_space<hbm>>) target(%arg9 : memref<32xi32, #tpu.memory_space<vmem>>) target_semaphore(%dma_start3A_193 : memref<!tpu.dma_semaphore, #tpu.memory_space<semaphore_mem>>)
      %dma_start3A_195 = arith.constant 1 : i32
      %dma_start3A_196 = arith.constant 0 : i32
      %dma_start3A_197 = tpu.memref_slice %arg4[%add3A_188] : memref<320000xi32, #tpu.memory_space<hbm>> -> memref<32xi32, #tpu.memory_space<hbm>>
      %dma_start3A_198 = tpu.memref_slice %arg12[%dma_start3A_195, %dma_start3A_196] : memref<4x3x!tpu.dma_semaphore, #tpu.memory_space<semaphore_mem>> -> memref<1x1x!tpu.dma_semaphore, #tpu.memory_space<semaphore_mem>>
      %dma_start3A_199 = tpu.memref_squeeze %dma_start3A_198 : memref<1x1x!tpu.dma_semaphore, #tpu.memory_space<semaphore_mem>> -> memref<!tpu.dma_semaphore, #tpu.memory_space<semaphore_mem>>
      %dma_start3A_200 = tpu.memref_slice %arg4[%add3A_188] : memref<320000xi32, #tpu.memory_space<hbm>> -> memref<32xi32, #tpu.memory_space<hbm>>
      tpu.enqueue_dma source(%dma_start3A_200 : memref<32xi32, #tpu.memory_space<hbm>>) target(%arg10 : memref<32xi32, #tpu.memory_space<vmem>>) target_semaphore(%dma_start3A_199 : memref<!tpu.dma_semaphore, #tpu.memory_space<semaphore_mem>>)
      %dma_wait3A_201 = arith.constant 0 : i32
      %dma_wait3A_202 = arith.constant 0 : i32
      %dma_wait3A_203 = tpu.memref_slice %arg3[%add3A_188] : memref<320000xi32, #tpu.memory_space<hbm>> -> memref<32xi32, #tpu.memory_space<hbm>>
      %dma_wait3A_204 = tpu.memref_slice %arg12[%dma_wait3A_201, %dma_wait3A_202] : memref<4x3x!tpu.dma_semaphore, #tpu.memory_space<semaphore_mem>> -> memref<1x1x!tpu.dma_semaphore, #tpu.memory_space<semaphore_mem>>
      %dma_wait3A_205 = tpu.memref_squeeze %dma_wait3A_204 : memref<1x1x!tpu.dma_semaphore, #tpu.memory_space<semaphore_mem>> -> memref<!tpu.dma_semaphore, #tpu.memory_space<semaphore_mem>>
      %dma_wait3A_206 = tpu.memref_slice %arg3[%add3A_188] : memref<320000xi32, #tpu.memory_space<hbm>> -> memref<32xi32, #tpu.memory_space<hbm>>
      tpu.wait_dma2 semaphore(%dma_wait3A_205 : memref<!tpu.dma_semaphore, #tpu.memory_space<semaphore_mem>>) src(%dma_wait3A_206 : memref<32xi32, #tpu.memory_space<hbm>>) dst(%arg9 : memref<32xi32, #tpu.memory_space<vmem>>)
      %dma_start3A_207 = arith.constant 0 : i32
      %dma_start3A_208 = arith.constant 0 : i32
      %dma_start3A_209 = arith.constant 2 : i32
      %dma_start3A_210 = arith.constant 0 : i32
      %dma_start3A_211 = arith.constant 0 : i32
      %dma_start3A_212 = arith.constant 0 : i32
      %dma_start3A_213 = tpu.memref_slice %arg8[%dma_start3A_208, %dma_start3A_211, %dma_start3A_212] : memref<3x128x128xf32, #tpu.memory_space<vmem>> -> memref<1x32x128xf32, #tpu.memory_space<vmem>>
      %dma_start3A_214 = tpu.memref_squeeze %dma_start3A_213 : memref<1x32x128xf32, #tpu.memory_space<vmem>> -> memref<32x128xf32, #tpu.memory_space<vmem>>
      %dma_start3A_215 = arith.constant 0 : i32
      %dma_start3A_216 = arith.constant 0 : i32
      %dma_start3A_217 = tpu.memref_slice %arg2[%dma_start3A_207, %dma_start3A_215, %dma_start3A_216] : memref<2x10000x128xf32, #tpu.memory_space<hbm>> -> memref<1x10000x128xf32, #tpu.memory_space<hbm>>
      %dma_start3A_218 = tpu.memref_squeeze %dma_start3A_217 : memref<1x10000x128xf32, #tpu.memory_space<hbm>> -> memref<10000x128xf32, #tpu.memory_space<hbm>>
      %dma_start3A_219 = arith.constant 0 : i32
      %dma_start3A_220 = arith.constant 0 : i32
      %dma_start3A_221 = tpu.memref_slice %dma_start3A_218[%dma_start3A_219, %dma_start3A_220] : memref<10000x128xf32, #tpu.memory_space<hbm>> -> memref<10000x128xf32, #tpu.memory_space<hbm>>
      %dma_start3A_222 = tpu.memref_slice %arg12[%dma_start3A_209, %dma_start3A_210] : memref<4x3x!tpu.dma_semaphore, #tpu.memory_space<semaphore_mem>> -> memref<1x1x!tpu.dma_semaphore, #tpu.memory_space<semaphore_mem>>
      %dma_start3A_223 = tpu.memref_squeeze %dma_start3A_222 : memref<1x1x!tpu.dma_semaphore, #tpu.memory_space<semaphore_mem>> -> memref<!tpu.dma_semaphore, #tpu.memory_space<semaphore_mem>>
      tpu.enqueue_indirect_dma source(%dma_start3A_221 : memref<10000x128xf32, #tpu.memory_space<hbm>>) target(%dma_start3A_214 : memref<32x128xf32, #tpu.memory_space<vmem>>) offsets(%arg9 : memref<32xi32, #tpu.memory_space<vmem>>) semaphore(%dma_start3A_223 : memref<!tpu.dma_semaphore, #tpu.memory_space<semaphore_mem>>)
      %dma_wait3A_224 = arith.constant 0 : i32
      %dma_wait3A_225 = arith.constant 0 : i32
      %dma_wait3A_226 = arith.constant 2 : i32
      %dma_wait3A_227 = arith.constant 0 : i32
      %dma_wait3A_228 = arith.constant 0 : i32
      %dma_wait3A_229 = arith.constant 0 : i32
      %dma_wait3A_230 = tpu.memref_slice %arg8[%dma_wait3A_225, %dma_wait3A_228, %dma_wait3A_229] : memref<3x128x128xf32, #tpu.memory_space<vmem>> -> memref<1x32x128xf32, #tpu.memory_space<vmem>>
      %dma_wait3A_231 = tpu.memref_squeeze %dma_wait3A_230 : memref<1x32x128xf32, #tpu.memory_space<vmem>> -> memref<32x128xf32, #tpu.memory_space<vmem>>
      %dma_wait3A_232 = arith.constant 0 : i32
      %dma_wait3A_233 = arith.constant 0 : i32
      %dma_wait3A_234 = tpu.memref_slice %arg2[%dma_wait3A_224, %dma_wait3A_232, %dma_wait3A_233] : memref<2x10000x128xf32, #tpu.memory_space<hbm>> -> memref<1x10000x128xf32, #tpu.memory_space<hbm>>
      %dma_wait3A_235 = tpu.memref_squeeze %dma_wait3A_234 : memref<1x10000x128xf32, #tpu.memory_space<hbm>> -> memref<10000x128xf32, #tpu.memory_space<hbm>>
      %dma_wait3A_236 = arith.constant 0 : i32
      %dma_wait3A_237 = arith.constant 0 : i32
      %dma_wait3A_238 = tpu.memref_slice %dma_wait3A_235[%dma_wait3A_236, %dma_wait3A_237] : memref<10000x128xf32, #tpu.memory_space<hbm>> -> memref<10000x128xf32, #tpu.memory_space<hbm>>
      %dma_wait3A_239 = tpu.memref_slice %arg12[%dma_wait3A_226, %dma_wait3A_227] : memref<4x3x!tpu.dma_semaphore, #tpu.memory_space<semaphore_mem>> -> memref<1x1x!tpu.dma_semaphore, #tpu.memory_space<semaphore_mem>>
      %dma_wait3A_240 = tpu.memref_squeeze %dma_wait3A_239 : memref<1x1x!tpu.dma_semaphore, #tpu.memory_space<semaphore_mem>> -> memref<!tpu.dma_semaphore, #tpu.memory_space<semaphore_mem>>
      tpu.wait_indirect_dma semaphore(%dma_wait3A_240 : memref<!tpu.dma_semaphore, #tpu.memory_space<semaphore_mem>>) src(%dma_wait3A_238 : memref<10000x128xf32, #tpu.memory_space<hbm>>) dst(%dma_wait3A_231 : memref<32x128xf32, #tpu.memory_space<vmem>>)
      %dma_wait3A_241 = arith.constant 1 : i32
      %dma_wait3A_242 = arith.constant 0 : i32
      %dma_wait3A_243 = tpu.memref_slice %arg4[%add3A_188] : memref<320000xi32, #tpu.memory_space<hbm>> -> memref<32xi32, #tpu.memory_space<hbm>>
      %dma_wait3A_244 = tpu.memref_slice %arg12[%dma_wait3A_241, %dma_wait3A_242] : memref<4x3x!tpu.dma_semaphore, #tpu.memory_space<semaphore_mem>> -> memref<1x1x!tpu.dma_semaphore, #tpu.memory_space<semaphore_mem>>
      %dma_wait3A_245 = tpu.memref_squeeze %dma_wait3A_244 : memref<1x1x!tpu.dma_semaphore, #tpu.memory_space<semaphore_mem>> -> memref<!tpu.dma_semaphore, #tpu.memory_space<semaphore_mem>>
      %dma_wait3A_246 = tpu.memref_slice %arg4[%add3A_188] : memref<320000xi32, #tpu.memory_space<hbm>> -> memref<32xi32, #tpu.memory_space<hbm>>
      tpu.wait_dma2 semaphore(%dma_wait3A_245 : memref<!tpu.dma_semaphore, #tpu.memory_space<semaphore_mem>>) src(%dma_wait3A_246 : memref<32xi32, #tpu.memory_space<hbm>>) dst(%arg10 : memref<32xi32, #tpu.memory_space<vmem>>)
      %run_scoped3A_247 = arith.constant 0 : i32
      "tpu.region"() ({
        %run_scoped3A_249 = tpu.sem_alloc : memref<!tpu.dma_semaphore, #tpu.memory_space<semaphore_mem>>
        %dma_start3A_250 = arith.constant 0 : i32
        %dma_start3A_251 = arith.constant 0 : i32
        %dma_start3A_252 = tpu.memref_slice %arg8[%run_scoped3A_247, %dma_start3A_250, %dma_start3A_251] : memref<3x128x128xf32, #tpu.memory_space<vmem>> -> memref<1x32x128xf32, #tpu.memory_space<vmem>>
        %dma_start3A_253 = tpu.memref_squeeze %dma_start3A_252 : memref<1x32x128xf32, #tpu.memory_space<vmem>> -> memref<32x128xf32, #tpu.memory_space<vmem>>
        %dma_start3A_254 = arith.constant 0 : i32
        %dma_start3A_255 = arith.constant 0 : i32
        %dma_start3A_256 = tpu.memref_slice %arg11[%dma_start3A_254, %dma_start3A_255] : memref<10000x128xf32, #tpu.memory_space<vmem_shared>> -> memref<10000x128xf32, #tpu.memory_space<vmem_shared>>
        tpu.enqueue_indirect_dma source(%dma_start3A_253 : memref<32x128xf32, #tpu.memory_space<vmem>>) target(%dma_start3A_256 : memref<10000x128xf32, #tpu.memory_space<vmem_shared>>) offsets(%arg10 : memref<32xi32, #tpu.memory_space<vmem>>) semaphore(%run_scoped3A_249 : memref<!tpu.dma_semaphore, #tpu.memory_space<semaphore_mem>>) {add = true}
        %dma_wait3A_257 = arith.constant 0 : i32
        %dma_wait3A_258 = arith.constant 0 : i32
        %dma_wait3A_259 = tpu.memref_slice %arg8[%run_scoped3A_247, %dma_wait3A_257, %dma_wait3A_258] : memref<3x128x128xf32, #tpu.memory_space<vmem>> -> memref<1x32x128xf32, #tpu.memory_space<vmem>>
        %dma_wait3A_260 = tpu.memref_squeeze %dma_wait3A_259 : memref<1x32x128xf32, #tpu.memory_space<vmem>> -> memref<32x128xf32, #tpu.memory_space<vmem>>
        %dma_wait3A_261 = arith.constant 0 : i32
        %dma_wait3A_262 = arith.constant 0 : i32
        %dma_wait3A_263 = tpu.memref_slice %arg11[%dma_wait3A_261, %dma_wait3A_262] : memref<10000x128xf32, #tpu.memory_space<vmem_shared>> -> memref<10000x128xf32, #tpu.memory_space<vmem_shared>>
        tpu.wait_indirect_dma semaphore(%run_scoped3A_249 : memref<!tpu.dma_semaphore, #tpu.memory_space<semaphore_mem>>) src(%dma_wait3A_260 : memref<32x128xf32, #tpu.memory_space<vmem>>) dst(%dma_wait3A_263 : memref<10000x128xf32, #tpu.memory_space<vmem_shared>>)
        tpu.yield
      }) : () -> ()
      %barrier3A_248 = arith.constant 0 : index
      tpu.barrier barrier_id(%barrier3A_248)
    } else {
    }
    %ne3A = arith.constant 0 : i32
    %ne3A_3 = arith.cmpi ne, %arg0, %ne3A : i32
    %convert_element_type3A_4 = arith.extui %ne3A_3 : i1 to i32
    %cond3A_5 = arith.constant 0 : i32
    %cond3A_6 = arith.cmpi ne, %convert_element_type3A_4, %cond3A_5 : i32
    scf.if %cond3A_6 {
      %add3A = arith.constant 0 : i32
      %add3A_14 = arith.addi %mul3A_0, %add3A : i32
      %dma_start3A = arith.constant 0 : i32
      %dma_start3A_15 = arith.constant 0 : i32
      %dma_start3A_16 = arith.constant 0 : i32
      %dma_start3A_17 = arith.constant 0 : i32
      %dma_start3A_18 = tpu.memref_slice %arg6[%dma_start3A, %dma_start3A_17] : memref<3x128xi32, #tpu.memory_space<vmem>> -> memref<1x128xi32, #tpu.memory_space<vmem>>
      %dma_start3A_19 = tpu.memref_squeeze %dma_start3A_18 : memref<1x128xi32, #tpu.memory_space<vmem>> -> memref<128xi32, #tpu.memory_space<vmem>>
      %dma_start3A_20 = tpu.memref_slice %arg3[%add3A_14] : memref<320000xi32, #tpu.memory_space<hbm>> -> memref<128xi32, #tpu.memory_space<hbm>>
      %dma_start3A_21 = tpu.memref_slice %arg12[%dma_start3A_15, %dma_start3A_16] : memref<4x3x!tpu.dma_semaphore, #tpu.memory_space<semaphore_mem>> -> memref<1x1x!tpu.dma_semaphore, #tpu.memory_space<semaphore_mem>>
      %dma_start3A_22 = tpu.memref_squeeze %dma_start3A_21 : memref<1x1x!tpu.dma_semaphore, #tpu.memory_space<semaphore_mem>> -> memref<!tpu.dma_semaphore, #tpu.memory_space<semaphore_mem>>
      %dma_start3A_23 = arith.constant 0 : i32
      %dma_start3A_24 = tpu.memref_slice %arg6[%dma_start3A, %dma_start3A_23] : memref<3x128xi32, #tpu.memory_space<vmem>> -> memref<1x128xi32, #tpu.memory_space<vmem>>
      %dma_start3A_25 = tpu.memref_squeeze %dma_start3A_24 : memref<1x128xi32, #tpu.memory_space<vmem>> -> memref<128xi32, #tpu.memory_space<vmem>>
      %dma_start3A_26 = tpu.memref_slice %arg3[%add3A_14] : memref<320000xi32, #tpu.memory_space<hbm>> -> memref<128xi32, #tpu.memory_space<hbm>>
      tpu.enqueue_dma source(%dma_start3A_26 : memref<128xi32, #tpu.memory_space<hbm>>) target(%dma_start3A_25 : memref<128xi32, #tpu.memory_space<vmem>>) target_semaphore(%dma_start3A_22 : memref<!tpu.dma_semaphore, #tpu.memory_space<semaphore_mem>>)
      %add3A_27 = arith.constant 128 : i32
      %add3A_28 = arith.addi %mul3A_0, %add3A_27 : i32
      %dma_start3A_29 = arith.constant 1 : i32
      %dma_start3A_30 = arith.constant 0 : i32
      %dma_start3A_31 = arith.constant 1 : i32
      %dma_start3A_32 = arith.constant 0 : i32
      %dma_start3A_33 = tpu.memref_slice %arg6[%dma_start3A_29, %dma_start3A_32] : memref<3x128xi32, #tpu.memory_space<vmem>> -> memref<1x128xi32, #tpu.memory_space<vmem>>
      %dma_start3A_34 = tpu.memref_squeeze %dma_start3A_33 : memref<1x128xi32, #tpu.memory_space<vmem>> -> memref<128xi32, #tpu.memory_space<vmem>>
      %dma_start3A_35 = tpu.memref_slice %arg3[%add3A_28] : memref<320000xi32, #tpu.memory_space<hbm>> -> memref<128xi32, #tpu.memory_space<hbm>>
      %dma_start3A_36 = tpu.memref_slice %arg12[%dma_start3A_30, %dma_start3A_31] : memref<4x3x!tpu.dma_semaphore, #tpu.memory_space<semaphore_mem>> -> memref<1x1x!tpu.dma_semaphore, #tpu.memory_space<semaphore_mem>>
      %dma_start3A_37 = tpu.memref_squeeze %dma_start3A_36 : memref<1x1x!tpu.dma_semaphore, #tpu.memory_space<semaphore_mem>> -> memref<!tpu.dma_semaphore, #tpu.memory_space<semaphore_mem>>
      %dma_start3A_38 = arith.constant 0 : i32
      %dma_start3A_39 = tpu.memref_slice %arg6[%dma_start3A_29, %dma_start3A_38] : memref<3x128xi32, #tpu.memory_space<vmem>> -> memref<1x128xi32, #tpu.memory_space<vmem>>
      %dma_start3A_40 = tpu.memref_squeeze %dma_start3A_39 : memref<1x128xi32, #tpu.memory_space<vmem>> -> memref<128xi32, #tpu.memory_space<vmem>>
      %dma_start3A_41 = tpu.memref_slice %arg3[%add3A_28] : memref<320000xi32, #tpu.memory_space<hbm>> -> memref<128xi32, #tpu.memory_space<hbm>>
      tpu.enqueue_dma source(%dma_start3A_41 : memref<128xi32, #tpu.memory_space<hbm>>) target(%dma_start3A_40 : memref<128xi32, #tpu.memory_space<vmem>>) target_semaphore(%dma_start3A_37 : memref<!tpu.dma_semaphore, #tpu.memory_space<semaphore_mem>>)
      %add3A_42 = arith.constant 256 : i32
      %add3A_43 = arith.addi %mul3A_0, %add3A_42 : i32
      %dma_start3A_44 = arith.constant 2 : i32
      %dma_start3A_45 = arith.constant 0 : i32
      %dma_start3A_46 = arith.constant 2 : i32
      %dma_start3A_47 = arith.constant 0 : i32
      %dma_start3A_48 = tpu.memref_slice %arg6[%dma_start3A_44, %dma_start3A_47] : memref<3x128xi32, #tpu.memory_space<vmem>> -> memref<1x128xi32, #tpu.memory_space<vmem>>
      %dma_start3A_49 = tpu.memref_squeeze %dma_start3A_48 : memref<1x128xi32, #tpu.memory_space<vmem>> -> memref<128xi32, #tpu.memory_space<vmem>>
      %dma_start3A_50 = tpu.memref_slice %arg3[%add3A_43] : memref<320000xi32, #tpu.memory_space<hbm>> -> memref<128xi32, #tpu.memory_space<hbm>>
      %dma_start3A_51 = tpu.memref_slice %arg12[%dma_start3A_45, %dma_start3A_46] : memref<4x3x!tpu.dma_semaphore, #tpu.memory_space<semaphore_mem>> -> memref<1x1x!tpu.dma_semaphore, #tpu.memory_space<semaphore_mem>>
      %dma_start3A_52 = tpu.memref_squeeze %dma_start3A_51 : memref<1x1x!tpu.dma_semaphore, #tpu.memory_space<semaphore_mem>> -> memref<!tpu.dma_semaphore, #tpu.memory_space<semaphore_mem>>
      %dma_start3A_53 = arith.constant 0 : i32
      %dma_start3A_54 = tpu.memref_slice %arg6[%dma_start3A_44, %dma_start3A_53] : memref<3x128xi32, #tpu.memory_space<vmem>> -> memref<1x128xi32, #tpu.memory_space<vmem>>
      %dma_start3A_55 = tpu.memref_squeeze %dma_start3A_54 : memref<1x128xi32, #tpu.memory_space<vmem>> -> memref<128xi32, #tpu.memory_space<vmem>>
      %dma_start3A_56 = tpu.memref_slice %arg3[%add3A_43] : memref<320000xi32, #tpu.memory_space<hbm>> -> memref<128xi32, #tpu.memory_space<hbm>>
      tpu.enqueue_dma source(%dma_start3A_56 : memref<128xi32, #tpu.memory_space<hbm>>) target(%dma_start3A_55 : memref<128xi32, #tpu.memory_space<vmem>>) target_semaphore(%dma_start3A_52 : memref<!tpu.dma_semaphore, #tpu.memory_space<semaphore_mem>>)
      %add3A_57 = arith.constant 0 : i32
      %add3A_58 = arith.addi %mul3A_0, %add3A_57 : i32
      %dma_start3A_59 = arith.constant 0 : i32
      %dma_start3A_60 = arith.constant 1 : i32
      %dma_start3A_61 = arith.constant 0 : i32
      %dma_start3A_62 = arith.constant 0 : i32
      %dma_start3A_63 = tpu.memref_slice %arg7[%dma_start3A_59, %dma_start3A_62] : memref<3x128xi32, #tpu.memory_space<vmem>> -> memref<1x128xi32, #tpu.memory_space<vmem>>
      %dma_start3A_64 = tpu.memref_squeeze %dma_start3A_63 : memref<1x128xi32, #tpu.memory_space<vmem>> -> memref<128xi32, #tpu.memory_space<vmem>>
      %dma_start3A_65 = tpu.memref_slice %arg4[%add3A_58] : memref<320000xi32, #tpu.memory_space<hbm>> -> memref<128xi32, #tpu.memory_space<hbm>>
      %dma_start3A_66 = tpu.memref_slice %arg12[%dma_start3A_60, %dma_start3A_61] : memref<4x3x!tpu.dma_semaphore, #tpu.memory_space<semaphore_mem>> -> memref<1x1x!tpu.dma_semaphore, #tpu.memory_space<semaphore_mem>>
      %dma_start3A_67 = tpu.memref_squeeze %dma_start3A_66 : memref<1x1x!tpu.dma_semaphore, #tpu.memory_space<semaphore_mem>> -> memref<!tpu.dma_semaphore, #tpu.memory_space<semaphore_mem>>
      %dma_start3A_68 = arith.constant 0 : i32
      %dma_start3A_69 = tpu.memref_slice %arg7[%dma_start3A_59, %dma_start3A_68] : memref<3x128xi32, #tpu.memory_space<vmem>> -> memref<1x128xi32, #tpu.memory_space<vmem>>
      %dma_start3A_70 = tpu.memref_squeeze %dma_start3A_69 : memref<1x128xi32, #tpu.memory_space<vmem>> -> memref<128xi32, #tpu.memory_space<vmem>>
      %dma_start3A_71 = tpu.memref_slice %arg4[%add3A_58] : memref<320000xi32, #tpu.memory_space<hbm>> -> memref<128xi32, #tpu.memory_space<hbm>>
      tpu.enqueue_dma source(%dma_start3A_71 : memref<128xi32, #tpu.memory_space<hbm>>) target(%dma_start3A_70 : memref<128xi32, #tpu.memory_space<vmem>>) target_semaphore(%dma_start3A_67 : memref<!tpu.dma_semaphore, #tpu.memory_space<semaphore_mem>>)
      %add3A_72 = arith.constant 128 : i32
      %add3A_73 = arith.addi %mul3A_0, %add3A_72 : i32
      %dma_start3A_74 = arith.constant 1 : i32
      %dma_start3A_75 = arith.constant 1 : i32
      %dma_start3A_76 = arith.constant 1 : i32
      %dma_start3A_77 = arith.constant 0 : i32
      %dma_start3A_78 = tpu.memref_slice %arg7[%dma_start3A_74, %dma_start3A_77] : memref<3x128xi32, #tpu.memory_space<vmem>> -> memref<1x128xi32, #tpu.memory_space<vmem>>
      %dma_start3A_79 = tpu.memref_squeeze %dma_start3A_78 : memref<1x128xi32, #tpu.memory_space<vmem>> -> memref<128xi32, #tpu.memory_space<vmem>>
      %dma_start3A_80 = tpu.memref_slice %arg4[%add3A_73] : memref<320000xi32, #tpu.memory_space<hbm>> -> memref<128xi32, #tpu.memory_space<hbm>>
      %dma_start3A_81 = tpu.memref_slice %arg12[%dma_start3A_75, %dma_start3A_76] : memref<4x3x!tpu.dma_semaphore, #tpu.memory_space<semaphore_mem>> -> memref<1x1x!tpu.dma_semaphore, #tpu.memory_space<semaphore_mem>>
      %dma_start3A_82 = tpu.memref_squeeze %dma_start3A_81 : memref<1x1x!tpu.dma_semaphore, #tpu.memory_space<semaphore_mem>> -> memref<!tpu.dma_semaphore, #tpu.memory_space<semaphore_mem>>
      %dma_start3A_83 = arith.constant 0 : i32
      %dma_start3A_84 = tpu.memref_slice %arg7[%dma_start3A_74, %dma_start3A_83] : memref<3x128xi32, #tpu.memory_space<vmem>> -> memref<1x128xi32, #tpu.memory_space<vmem>>
      %dma_start3A_85 = tpu.memref_squeeze %dma_start3A_84 : memref<1x128xi32, #tpu.memory_space<vmem>> -> memref<128xi32, #tpu.memory_space<vmem>>
      %dma_start3A_86 = tpu.memref_slice %arg4[%add3A_73] : memref<320000xi32, #tpu.memory_space<hbm>> -> memref<128xi32, #tpu.memory_space<hbm>>
      tpu.enqueue_dma source(%dma_start3A_86 : memref<128xi32, #tpu.memory_space<hbm>>) target(%dma_start3A_85 : memref<128xi32, #tpu.memory_space<vmem>>) target_semaphore(%dma_start3A_82 : memref<!tpu.dma_semaphore, #tpu.memory_space<semaphore_mem>>)
      %add3A_87 = arith.constant 0 : i32
      %add3A_88 = arith.addi %mul3A_0, %add3A_87 : i32
      %dma_wait3A = arith.constant 0 : i32
      %dma_wait3A_89 = arith.constant 0 : i32
      %dma_wait3A_90 = arith.constant 0 : i32
      %dma_wait3A_91 = arith.constant 0 : i32
      %dma_wait3A_92 = tpu.memref_slice %arg6[%dma_wait3A, %dma_wait3A_91] : memref<3x128xi32, #tpu.memory_space<vmem>> -> memref<1x128xi32, #tpu.memory_space<vmem>>
      %dma_wait3A_93 = tpu.memref_squeeze %dma_wait3A_92 : memref<1x128xi32, #tpu.memory_space<vmem>> -> memref<128xi32, #tpu.memory_space<vmem>>
      %dma_wait3A_94 = tpu.memref_slice %arg3[%add3A_88] : memref<320000xi32, #tpu.memory_space<hbm>> -> memref<128xi32, #tpu.memory_space<hbm>>
      %dma_wait3A_95 = tpu.memref_slice %arg12[%dma_wait3A_89, %dma_wait3A_90] : memref<4x3x!tpu.dma_semaphore, #tpu.memory_space<semaphore_mem>> -> memref<1x1x!tpu.dma_semaphore, #tpu.memory_space<semaphore_mem>>
      %dma_wait3A_96 = tpu.memref_squeeze %dma_wait3A_95 : memref<1x1x!tpu.dma_semaphore, #tpu.memory_space<semaphore_mem>> -> memref<!tpu.dma_semaphore, #tpu.memory_space<semaphore_mem>>
      %dma_wait3A_97 = arith.constant 0 : i32
      %dma_wait3A_98 = tpu.memref_slice %arg6[%dma_wait3A, %dma_wait3A_97] : memref<3x128xi32, #tpu.memory_space<vmem>> -> memref<1x128xi32, #tpu.memory_space<vmem>>
      %dma_wait3A_99 = tpu.memref_squeeze %dma_wait3A_98 : memref<1x128xi32, #tpu.memory_space<vmem>> -> memref<128xi32, #tpu.memory_space<vmem>>
      %dma_wait3A_100 = tpu.memref_slice %arg3[%add3A_88] : memref<320000xi32, #tpu.memory_space<hbm>> -> memref<128xi32, #tpu.memory_space<hbm>>
      tpu.wait_dma2 semaphore(%dma_wait3A_96 : memref<!tpu.dma_semaphore, #tpu.memory_space<semaphore_mem>>) src(%dma_wait3A_100 : memref<128xi32, #tpu.memory_space<hbm>>) dst(%dma_wait3A_99 : memref<128xi32, #tpu.memory_space<vmem>>)
      %dma_start3A_101 = arith.constant 1 : i32
      %dma_start3A_102 = arith.constant 0 : i32
      %dma_start3A_103 = arith.constant 0 : i32
      %dma_start3A_104 = arith.constant 2 : i32
      %dma_start3A_105 = arith.constant 0 : i32
      %dma_start3A_106 = arith.constant 0 : i32
      %dma_start3A_107 = arith.constant 0 : i32
      %dma_start3A_108 = tpu.memref_slice %arg8[%dma_start3A_103, %dma_start3A_106, %dma_start3A_107] : memref<3x128x128xf32, #tpu.memory_space<vmem>> -> memref<1x128x128xf32, #tpu.memory_space<vmem>>
      %dma_start3A_109 = tpu.memref_squeeze %dma_start3A_108 : memref<1x128x128xf32, #tpu.memory_space<vmem>> -> memref<128x128xf32, #tpu.memory_space<vmem>>
      %dma_start3A_110 = arith.constant 0 : i32
      %dma_start3A_111 = tpu.memref_slice %arg6[%dma_start3A_102, %dma_start3A_110] : memref<3x128xi32, #tpu.memory_space<vmem>> -> memref<1x128xi32, #tpu.memory_space<vmem>>
      %dma_start3A_112 = tpu.memref_squeeze %dma_start3A_111 : memref<1x128xi32, #tpu.memory_space<vmem>> -> memref<128xi32, #tpu.memory_space<vmem>>
      %dma_start3A_113 = arith.constant 0 : i32
      %dma_start3A_114 = arith.constant 0 : i32
      %dma_start3A_115 = tpu.memref_slice %arg2[%dma_start3A_101, %dma_start3A_113, %dma_start3A_114] : memref<2x10000x128xf32, #tpu.memory_space<hbm>> -> memref<1x10000x128xf32, #tpu.memory_space<hbm>>
      %dma_start3A_116 = tpu.memref_squeeze %dma_start3A_115 : memref<1x10000x128xf32, #tpu.memory_space<hbm>> -> memref<10000x128xf32, #tpu.memory_space<hbm>>
      %dma_start3A_117 = arith.constant 0 : i32
      %dma_start3A_118 = arith.constant 0 : i32
      %dma_start3A_119 = tpu.memref_slice %dma_start3A_116[%dma_start3A_117, %dma_start3A_118] : memref<10000x128xf32, #tpu.memory_space<hbm>> -> memref<10000x128xf32, #tpu.memory_space<hbm>>
      %dma_start3A_120 = tpu.memref_slice %arg12[%dma_start3A_104, %dma_start3A_105] : memref<4x3x!tpu.dma_semaphore, #tpu.memory_space<semaphore_mem>> -> memref<1x1x!tpu.dma_semaphore, #tpu.memory_space<semaphore_mem>>
      %dma_start3A_121 = tpu.memref_squeeze %dma_start3A_120 : memref<1x1x!tpu.dma_semaphore, #tpu.memory_space<semaphore_mem>> -> memref<!tpu.dma_semaphore, #tpu.memory_space<semaphore_mem>>
      tpu.enqueue_indirect_dma source(%dma_start3A_119 : memref<10000x128xf32, #tpu.memory_space<hbm>>) target(%dma_start3A_109 : memref<128x128xf32, #tpu.memory_space<vmem>>) offsets(%dma_start3A_112 : memref<128xi32, #tpu.memory_space<vmem>>) semaphore(%dma_start3A_121 : memref<!tpu.dma_semaphore, #tpu.memory_space<semaphore_mem>>)
      %add3A_122 = arith.constant 128 : i32
      %add3A_123 = arith.addi %mul3A_0, %add3A_122 : i32
      %dma_wait3A_124 = arith.constant 1 : i32
      %dma_wait3A_125 = arith.constant 0 : i32
      %dma_wait3A_126 = arith.constant 1 : i32
      %dma_wait3A_127 = arith.constant 0 : i32
      %dma_wait3A_128 = tpu.memref_slice %arg6[%dma_wait3A_124, %dma_wait3A_127] : memref<3x128xi32, #tpu.memory_space<vmem>> -> memref<1x128xi32, #tpu.memory_space<vmem>>
      %dma_wait3A_129 = tpu.memref_squeeze %dma_wait3A_128 : memref<1x128xi32, #tpu.memory_space<vmem>> -> memref<128xi32, #tpu.memory_space<vmem>>
      %dma_wait3A_130 = tpu.memref_slice %arg3[%add3A_123] : memref<320000xi32, #tpu.memory_space<hbm>> -> memref<128xi32, #tpu.memory_space<hbm>>
      %dma_wait3A_131 = tpu.memref_slice %arg12[%dma_wait3A_125, %dma_wait3A_126] : memref<4x3x!tpu.dma_semaphore, #tpu.memory_space<semaphore_mem>> -> memref<1x1x!tpu.dma_semaphore, #tpu.memory_space<semaphore_mem>>
      %dma_wait3A_132 = tpu.memref_squeeze %dma_wait3A_131 : memref<1x1x!tpu.dma_semaphore, #tpu.memory_space<semaphore_mem>> -> memref<!tpu.dma_semaphore, #tpu.memory_space<semaphore_mem>>
      %dma_wait3A_133 = arith.constant 0 : i32
      %dma_wait3A_134 = tpu.memref_slice %arg6[%dma_wait3A_124, %dma_wait3A_133] : memref<3x128xi32, #tpu.memory_space<vmem>> -> memref<1x128xi32, #tpu.memory_space<vmem>>
      %dma_wait3A_135 = tpu.memref_squeeze %dma_wait3A_134 : memref<1x128xi32, #tpu.memory_space<vmem>> -> memref<128xi32, #tpu.memory_space<vmem>>
      %dma_wait3A_136 = tpu.memref_slice %arg3[%add3A_123] : memref<320000xi32, #tpu.memory_space<hbm>> -> memref<128xi32, #tpu.memory_space<hbm>>
      tpu.wait_dma2 semaphore(%dma_wait3A_132 : memref<!tpu.dma_semaphore, #tpu.memory_space<semaphore_mem>>) src(%dma_wait3A_136 : memref<128xi32, #tpu.memory_space<hbm>>) dst(%dma_wait3A_135 : memref<128xi32, #tpu.memory_space<vmem>>)
      %dma_start3A_137 = arith.constant 1 : i32
      %dma_start3A_138 = arith.constant 1 : i32
      %dma_start3A_139 = arith.constant 1 : i32
      %dma_start3A_140 = arith.constant 2 : i32
      %dma_start3A_141 = arith.constant 1 : i32
      %dma_start3A_142 = arith.constant 0 : i32
      %dma_start3A_143 = arith.constant 0 : i32
      %dma_start3A_144 = tpu.memref_slice %arg8[%dma_start3A_139, %dma_start3A_142, %dma_start3A_143] : memref<3x128x128xf32, #tpu.memory_space<vmem>> -> memref<1x128x128xf32, #tpu.memory_space<vmem>>
      %dma_start3A_145 = tpu.memref_squeeze %dma_start3A_144 : memref<1x128x128xf32, #tpu.memory_space<vmem>> -> memref<128x128xf32, #tpu.memory_space<vmem>>
      %dma_start3A_146 = arith.constant 0 : i32
      %dma_start3A_147 = tpu.memref_slice %arg6[%dma_start3A_138, %dma_start3A_146] : memref<3x128xi32, #tpu.memory_space<vmem>> -> memref<1x128xi32, #tpu.memory_space<vmem>>
      %dma_start3A_148 = tpu.memref_squeeze %dma_start3A_147 : memref<1x128xi32, #tpu.memory_space<vmem>> -> memref<128xi32, #tpu.memory_space<vmem>>
      %dma_start3A_149 = arith.constant 0 : i32
      %dma_start3A_150 = arith.constant 0 : i32
      %dma_start3A_151 = tpu.memref_slice %arg2[%dma_start3A_137, %dma_start3A_149, %dma_start3A_150] : memref<2x10000x128xf32, #tpu.memory_space<hbm>> -> memref<1x10000x128xf32, #tpu.memory_space<hbm>>
      %dma_start3A_152 = tpu.memref_squeeze %dma_start3A_151 : memref<1x10000x128xf32, #tpu.memory_space<hbm>> -> memref<10000x128xf32, #tpu.memory_space<hbm>>
      %dma_start3A_153 = arith.constant 0 : i32
      %dma_start3A_154 = arith.constant 0 : i32
      %dma_start3A_155 = tpu.memref_slice %dma_start3A_152[%dma_start3A_153, %dma_start3A_154] : memref<10000x128xf32, #tpu.memory_space<hbm>> -> memref<10000x128xf32, #tpu.memory_space<hbm>>
      %dma_start3A_156 = tpu.memref_slice %arg12[%dma_start3A_140, %dma_start3A_141] : memref<4x3x!tpu.dma_semaphore, #tpu.memory_space<semaphore_mem>> -> memref<1x1x!tpu.dma_semaphore, #tpu.memory_space<semaphore_mem>>
      %dma_start3A_157 = tpu.memref_squeeze %dma_start3A_156 : memref<1x1x!tpu.dma_semaphore, #tpu.memory_space<semaphore_mem>> -> memref<!tpu.dma_semaphore, #tpu.memory_space<semaphore_mem>>
      tpu.enqueue_indirect_dma source(%dma_start3A_155 : memref<10000x128xf32, #tpu.memory_space<hbm>>) target(%dma_start3A_145 : memref<128x128xf32, #tpu.memory_space<vmem>>) offsets(%dma_start3A_148 : memref<128xi32, #tpu.memory_space<vmem>>) semaphore(%dma_start3A_157 : memref<!tpu.dma_semaphore, #tpu.memory_space<semaphore_mem>>)
      %mul3A_158 = arith.constant 624 : i32
      %mul3A_159 = arith.muli %arg1, %mul3A_158 : i32
      %run_scoped3A = arith.constant 1 : i32
      "tpu.region"() ({
        %run_scoped3A_249 = tpu.sem_alloc : memref<!tpu.dma_semaphore, #tpu.memory_space<semaphore_mem>>
        %dma_start3A_250 = arith.constant 0 : i32
        %dma_start3A_251 = tpu.memref_slice %arg11[%mul3A_159, %dma_start3A_250] : memref<10000x128xf32, #tpu.memory_space<vmem_shared>> -> memref<624x128xf32, #tpu.memory_space<vmem_shared>>
        %dma_start3A_252 = arith.constant 0 : i32
        %dma_start3A_253 = arith.constant 0 : i32
        %dma_start3A_254 = tpu.memref_slice %arg2[%run_scoped3A, %dma_start3A_252, %dma_start3A_253] : memref<2x10000x128xf32, #tpu.memory_space<hbm>> -> memref<1x10000x128xf32, #tpu.memory_space<hbm>>
        %dma_start3A_255 = tpu.memref_squeeze %dma_start3A_254 : memref<1x10000x128xf32, #tpu.memory_space<hbm>> -> memref<10000x128xf32, #tpu.memory_space<hbm>>
        %dma_start3A_256 = arith.constant 0 : i32
        %dma_start3A_257 = tpu.memref_slice %dma_start3A_255[%mul3A_159, %dma_start3A_256] : memref<10000x128xf32, #tpu.memory_space<hbm>> -> memref<624x128xf32, #tpu.memory_space<hbm>>
        tpu.enqueue_dma source(%dma_start3A_257 : memref<624x128xf32, #tpu.memory_space<hbm>>) target(%dma_start3A_251 : memref<624x128xf32, #tpu.memory_space<vmem_shared>>) target_semaphore(%run_scoped3A_249 : memref<!tpu.dma_semaphore, #tpu.memory_space<semaphore_mem>>)
        %dma_wait3A_258 = arith.constant 0 : i32
        %dma_wait3A_259 = tpu.memref_slice %arg11[%mul3A_159, %dma_wait3A_258] : memref<10000x128xf32, #tpu.memory_space<vmem_shared>> -> memref<624x128xf32, #tpu.memory_space<vmem_shared>>
        %dma_wait3A_260 = arith.constant 0 : i32
        %dma_wait3A_261 = arith.constant 0 : i32
        %dma_wait3A_262 = tpu.memref_slice %arg2[%run_scoped3A, %dma_wait3A_260, %dma_wait3A_261] : memref<2x10000x128xf32, #tpu.memory_space<hbm>> -> memref<1x10000x128xf32, #tpu.memory_space<hbm>>
        %dma_wait3A_263 = tpu.memref_squeeze %dma_wait3A_262 : memref<1x10000x128xf32, #tpu.memory_space<hbm>> -> memref<10000x128xf32, #tpu.memory_space<hbm>>
        %dma_wait3A_264 = arith.constant 0 : i32
        %dma_wait3A_265 = tpu.memref_slice %dma_wait3A_263[%mul3A_159, %dma_wait3A_264] : memref<10000x128xf32, #tpu.memory_space<hbm>> -> memref<624x128xf32, #tpu.memory_space<hbm>>
        tpu.wait_dma2 semaphore(%run_scoped3A_249 : memref<!tpu.dma_semaphore, #tpu.memory_space<semaphore_mem>>) src(%dma_wait3A_265 : memref<624x128xf32, #tpu.memory_space<hbm>>) dst(%dma_wait3A_259 : memref<624x128xf32, #tpu.memory_space<vmem_shared>>)
        tpu.yield
      }) : () -> ()
      %eq3A_160 = arith.constant 0 : i32
      %eq3A_161 = arith.cmpi eq, %arg1, %eq3A_160 : i32
      %convert_element_type3A_162 = arith.extui %eq3A_161 : i1 to i32
      %cond3A_163 = arith.constant 1 : i32
      %cond3A_164 = arith.constant 0 : i32
      %cond3A_165 = arith.cmpi ne, %convert_element_type3A_162, %cond3A_164 : i32
      scf.if %cond3A_165 {
        "tpu.region"() ({
          %run_scoped3A_249 = tpu.sem_alloc : memref<!tpu.dma_semaphore, #tpu.memory_space<semaphore_mem>>
          %dma_start3A_250 = arith.constant 9984 : i32
          %dma_start3A_251 = arith.constant 0 : i32
          %dma_start3A_252 = tpu.memref_slice %arg11[%dma_start3A_250, %dma_start3A_251] : memref<10000x128xf32, #tpu.memory_space<vmem_shared>> -> memref<16x128xf32, #tpu.memory_space<vmem_shared>>
          %dma_start3A_253 = arith.constant 0 : i32
          %dma_start3A_254 = arith.constant 0 : i32
          %dma_start3A_255 = tpu.memref_slice %arg2[%cond3A_163, %dma_start3A_253, %dma_start3A_254] : memref<2x10000x128xf32, #tpu.memory_space<hbm>> -> memref<1x10000x128xf32, #tpu.memory_space<hbm>>
          %dma_start3A_256 = tpu.memref_squeeze %dma_start3A_255 : memref<1x10000x128xf32, #tpu.memory_space<hbm>> -> memref<10000x128xf32, #tpu.memory_space<hbm>>
          %dma_start3A_257 = arith.constant 9984 : i32
          %dma_start3A_258 = arith.constant 0 : i32
          %dma_start3A_259 = tpu.memref_slice %dma_start3A_256[%dma_start3A_257, %dma_start3A_258] : memref<10000x128xf32, #tpu.memory_space<hbm>> -> memref<16x128xf32, #tpu.memory_space<hbm>>
          tpu.enqueue_dma source(%dma_start3A_259 : memref<16x128xf32, #tpu.memory_space<hbm>>) target(%dma_start3A_252 : memref<16x128xf32, #tpu.memory_space<vmem_shared>>) target_semaphore(%run_scoped3A_249 : memref<!tpu.dma_semaphore, #tpu.memory_space<semaphore_mem>>)
          %dma_wait3A_260 = arith.constant 9984 : i32
          %dma_wait3A_261 = arith.constant 0 : i32
          %dma_wait3A_262 = tpu.memref_slice %arg11[%dma_wait3A_260, %dma_wait3A_261] : memref<10000x128xf32, #tpu.memory_space<vmem_shared>> -> memref<16x128xf32, #tpu.memory_space<vmem_shared>>
          %dma_wait3A_263 = arith.constant 0 : i32
          %dma_wait3A_264 = arith.constant 0 : i32
          %dma_wait3A_265 = tpu.memref_slice %arg2[%cond3A_163, %dma_wait3A_263, %dma_wait3A_264] : memref<2x10000x128xf32, #tpu.memory_space<hbm>> -> memref<1x10000x128xf32, #tpu.memory_space<hbm>>
          %dma_wait3A_266 = tpu.memref_squeeze %dma_wait3A_265 : memref<1x10000x128xf32, #tpu.memory_space<hbm>> -> memref<10000x128xf32, #tpu.memory_space<hbm>>
          %dma_wait3A_267 = arith.constant 9984 : i32
          %dma_wait3A_268 = arith.constant 0 : i32
          %dma_wait3A_269 = tpu.memref_slice %dma_wait3A_266[%dma_wait3A_267, %dma_wait3A_268] : memref<10000x128xf32, #tpu.memory_space<hbm>> -> memref<16x128xf32, #tpu.memory_space<hbm>>
          tpu.wait_dma2 semaphore(%run_scoped3A_249 : memref<!tpu.dma_semaphore, #tpu.memory_space<semaphore_mem>>) src(%dma_wait3A_269 : memref<16x128xf32, #tpu.memory_space<hbm>>) dst(%dma_wait3A_262 : memref<16x128xf32, #tpu.memory_space<vmem_shared>>)
          tpu.yield
        }) : () -> ()
      } else {
      }
      %barrier3A = arith.constant 0 : index
      tpu.barrier barrier_id(%barrier3A)
      %scan3A = arith.constant 1 : i32
      %scan3A_166 = arith.constant 0 : i32
      %scan3A_167 = arith.constant 52 : i32
      %scan3A_168 = arith.addi %scan3A_166, %scan3A_167 : i32
      %scan3A_169 = arith.constant 1 : i32
      scf.for %scan3A_249 = %scan3A_166 to %scan3A_168 step %scan3A_169  : i32 {
        %mul3A_250 = arith.constant 1 : i32
        %mul3A_251 = arith.muli %scan3A_249, %mul3A_250 : i32
        %add3A_252 = arith.constant 0 : i32
        %add3A_253 = arith.addi %add3A_252, %mul3A_251 : i32
        %mul3A_254 = arith.constant 3 : i32
        %mul3A_255 = arith.muli %mul3A_254, %add3A_253 : i32
        %add3A_256 = arith.constant 0 : i32
        %add3A_257 = arith.addi %mul3A_255, %add3A_256 : i32
        %dma_wait3A_258 = arith.constant 0 : i32
        %dma_wait3A_259 = arith.constant 0 : i32
        %dma_wait3A_260 = arith.constant 2 : i32
        %dma_wait3A_261 = arith.constant 0 : i32
        %dma_wait3A_262 = arith.constant 0 : i32
        %dma_wait3A_263 = arith.constant 0 : i32
        %dma_wait3A_264 = tpu.memref_slice %arg8[%dma_wait3A_259, %dma_wait3A_262, %dma_wait3A_263] : memref<3x128x128xf32, #tpu.memory_space<vmem>> -> memref<1x128x128xf32, #tpu.memory_space<vmem>>
        %dma_wait3A_265 = tpu.memref_squeeze %dma_wait3A_264 : memref<1x128x128xf32, #tpu.memory_space<vmem>> -> memref<128x128xf32, #tpu.memory_space<vmem>>
        %dma_wait3A_266 = arith.constant 0 : i32
        %dma_wait3A_267 = tpu.memref_slice %arg6[%dma_wait3A_258, %dma_wait3A_266] : memref<3x128xi32, #tpu.memory_space<vmem>> -> memref<1x128xi32, #tpu.memory_space<vmem>>
        %dma_wait3A_268 = tpu.memref_squeeze %dma_wait3A_267 : memref<1x128xi32, #tpu.memory_space<vmem>> -> memref<128xi32, #tpu.memory_space<vmem>>
        %dma_wait3A_269 = arith.constant 0 : i32
        %dma_wait3A_270 = arith.constant 0 : i32
        %dma_wait3A_271 = tpu.memref_slice %arg2[%scan3A, %dma_wait3A_269, %dma_wait3A_270] : memref<2x10000x128xf32, #tpu.memory_space<hbm>> -> memref<1x10000x128xf32, #tpu.memory_space<hbm>>
        %dma_wait3A_272 = tpu.memref_squeeze %dma_wait3A_271 : memref<1x10000x128xf32, #tpu.memory_space<hbm>> -> memref<10000x128xf32, #tpu.memory_space<hbm>>
        %dma_wait3A_273 = arith.constant 0 : i32
        %dma_wait3A_274 = arith.constant 0 : i32
        %dma_wait3A_275 = tpu.memref_slice %dma_wait3A_272[%dma_wait3A_273, %dma_wait3A_274] : memref<10000x128xf32, #tpu.memory_space<hbm>> -> memref<10000x128xf32, #tpu.memory_space<hbm>>
        %dma_wait3A_276 = tpu.memref_slice %arg12[%dma_wait3A_260, %dma_wait3A_261] : memref<4x3x!tpu.dma_semaphore, #tpu.memory_space<semaphore_mem>> -> memref<1x1x!tpu.dma_semaphore, #tpu.memory_space<semaphore_mem>>
        %dma_wait3A_277 = tpu.memref_squeeze %dma_wait3A_276 : memref<1x1x!tpu.dma_semaphore, #tpu.memory_space<semaphore_mem>> -> memref<!tpu.dma_semaphore, #tpu.memory_space<semaphore_mem>>
        tpu.wait_indirect_dma semaphore(%dma_wait3A_277 : memref<!tpu.dma_semaphore, #tpu.memory_space<semaphore_mem>>) src(%dma_wait3A_275 : memref<10000x128xf32, #tpu.memory_space<hbm>>) dst(%dma_wait3A_265 : memref<128x128xf32, #tpu.memory_space<vmem>>)
        %add3A_278 = arith.constant 3 : i32
        %add3A_279 = arith.addi %add3A_257, %add3A_278 : i32
        %lt3A = arith.constant 156 : i32
        %lt3A_280 = arith.cmpi slt, %add3A_279, %lt3A : i32
        %convert_element_type3A_281 = arith.extui %lt3A_280 : i1 to i32
        %cond3A_282 = arith.constant 0 : i32
        %cond3A_283 = arith.cmpi ne, %convert_element_type3A_281, %cond3A_282 : i32
        scf.if %cond3A_283 {
          %add3A_473 = arith.constant 3 : i32
          %add3A_474 = arith.addi %add3A_257, %add3A_473 : i32
          %mul3A_475 = arith.constant 128 : i32
          %mul3A_476 = arith.muli %add3A_474, %mul3A_475 : i32
          %add3A_477 = arith.addi %mul3A_0, %mul3A_476 : i32
          %dma_start3A_478 = arith.constant 0 : i32
          %dma_start3A_479 = arith.constant 0 : i32
          %dma_start3A_480 = arith.constant 0 : i32
          %dma_start3A_481 = arith.constant 0 : i32
          %dma_start3A_482 = tpu.memref_slice %arg6[%dma_start3A_478, %dma_start3A_481] : memref<3x128xi32, #tpu.memory_space<vmem>> -> memref<1x128xi32, #tpu.memory_space<vmem>>
          %dma_start3A_483 = tpu.memref_squeeze %dma_start3A_482 : memref<1x128xi32, #tpu.memory_space<vmem>> -> memref<128xi32, #tpu.memory_space<vmem>>
          %dma_start3A_484 = tpu.memref_slice %arg3[%add3A_477] : memref<320000xi32, #tpu.memory_space<hbm>> -> memref<128xi32, #tpu.memory_space<hbm>>
          %dma_start3A_485 = tpu.memref_slice %arg12[%dma_start3A_479, %dma_start3A_480] : memref<4x3x!tpu.dma_semaphore, #tpu.memory_space<semaphore_mem>> -> memref<1x1x!tpu.dma_semaphore, #tpu.memory_space<semaphore_mem>>
          %dma_start3A_486 = tpu.memref_squeeze %dma_start3A_485 : memref<1x1x!tpu.dma_semaphore, #tpu.memory_space<semaphore_mem>> -> memref<!tpu.dma_semaphore, #tpu.memory_space<semaphore_mem>>
          %dma_start3A_487 = arith.constant 0 : i32
          %dma_start3A_488 = tpu.memref_slice %arg6[%dma_start3A_478, %dma_start3A_487] : memref<3x128xi32, #tpu.memory_space<vmem>> -> memref<1x128xi32, #tpu.memory_space<vmem>>
          %dma_start3A_489 = tpu.memref_squeeze %dma_start3A_488 : memref<1x128xi32, #tpu.memory_space<vmem>> -> memref<128xi32, #tpu.memory_space<vmem>>
          %dma_start3A_490 = tpu.memref_slice %arg3[%add3A_477] : memref<320000xi32, #tpu.memory_space<hbm>> -> memref<128xi32, #tpu.memory_space<hbm>>
          tpu.enqueue_dma source(%dma_start3A_490 : memref<128xi32, #tpu.memory_space<hbm>>) target(%dma_start3A_489 : memref<128xi32, #tpu.memory_space<vmem>>) target_semaphore(%dma_start3A_486 : memref<!tpu.dma_semaphore, #tpu.memory_space<semaphore_mem>>)
        } else {
        }
        %ge3A = arith.constant 1 : i32
        %ge3A_284 = arith.cmpi sge, %add3A_257, %ge3A : i32
        %convert_element_type3A_285 = arith.extui %ge3A_284 : i1 to i32
        %cond3A_286 = arith.constant 0 : i32
        %cond3A_287 = arith.cmpi ne, %convert_element_type3A_285, %cond3A_286 : i32
        scf.if %cond3A_287 {
          %dma_wait3A_473 = arith.constant 2 : i32
          %dma_wait3A_474 = arith.constant 2 : i32
          %dma_wait3A_475 = arith.constant 3 : i32
          %dma_wait3A_476 = arith.constant 2 : i32
          %dma_wait3A_477 = arith.constant 0 : i32
          %dma_wait3A_478 = arith.constant 0 : i32
          %dma_wait3A_479 = tpu.memref_slice %arg8[%dma_wait3A_473, %dma_wait3A_477, %dma_wait3A_478] : memref<3x128x128xf32, #tpu.memory_space<vmem>> -> memref<1x128x128xf32, #tpu.memory_space<vmem>>
          %dma_wait3A_480 = tpu.memref_squeeze %dma_wait3A_479 : memref<1x128x128xf32, #tpu.memory_space<vmem>> -> memref<128x128xf32, #tpu.memory_space<vmem>>
          %dma_wait3A_481 = arith.constant 0 : i32
          %dma_wait3A_482 = tpu.memref_slice %arg7[%dma_wait3A_474, %dma_wait3A_481] : memref<3x128xi32, #tpu.memory_space<vmem>> -> memref<1x128xi32, #tpu.memory_space<vmem>>
          %dma_wait3A_483 = tpu.memref_squeeze %dma_wait3A_482 : memref<1x128xi32, #tpu.memory_space<vmem>> -> memref<128xi32, #tpu.memory_space<vmem>>
          %dma_wait3A_484 = arith.constant 0 : i32
          %dma_wait3A_485 = arith.constant 0 : i32
          %dma_wait3A_486 = tpu.memref_slice %arg11[%dma_wait3A_484, %dma_wait3A_485] : memref<10000x128xf32, #tpu.memory_space<vmem_shared>> -> memref<10000x128xf32, #tpu.memory_space<vmem_shared>>
          %dma_wait3A_487 = tpu.memref_slice %arg12[%dma_wait3A_475, %dma_wait3A_476] : memref<4x3x!tpu.dma_semaphore, #tpu.memory_space<semaphore_mem>> -> memref<1x1x!tpu.dma_semaphore, #tpu.memory_space<semaphore_mem>>
          %dma_wait3A_488 = tpu.memref_squeeze %dma_wait3A_487 : memref<1x1x!tpu.dma_semaphore, #tpu.memory_space<semaphore_mem>> -> memref<!tpu.dma_semaphore, #tpu.memory_space<semaphore_mem>>
          tpu.wait_indirect_dma semaphore(%dma_wait3A_488 : memref<!tpu.dma_semaphore, #tpu.memory_space<semaphore_mem>>) src(%dma_wait3A_480 : memref<128x128xf32, #tpu.memory_space<vmem>>) dst(%dma_wait3A_486 : memref<10000x128xf32, #tpu.memory_space<vmem_shared>>)
        } else {
        }
        %add3A_288 = arith.constant 2 : i32
        %add3A_289 = arith.addi %add3A_257, %add3A_288 : i32
        %lt3A_290 = arith.constant 156 : i32
        %lt3A_291 = arith.cmpi slt, %add3A_289, %lt3A_290 : i32
        %convert_element_type3A_292 = arith.extui %lt3A_291 : i1 to i32
        %cond3A_293 = arith.constant 0 : i32
        %cond3A_294 = arith.cmpi ne, %convert_element_type3A_292, %cond3A_293 : i32
        scf.if %cond3A_294 {
          %add3A_473 = arith.constant 2 : i32
          %add3A_474 = arith.addi %add3A_257, %add3A_473 : i32
          %mul3A_475 = arith.constant 128 : i32
          %mul3A_476 = arith.muli %add3A_474, %mul3A_475 : i32
          %add3A_477 = arith.addi %mul3A_0, %mul3A_476 : i32
          %dma_start3A_478 = arith.constant 2 : i32
          %dma_start3A_479 = arith.constant 1 : i32
          %dma_start3A_480 = arith.constant 2 : i32
          %dma_start3A_481 = arith.constant 0 : i32
          %dma_start3A_482 = tpu.memref_slice %arg7[%dma_start3A_478, %dma_start3A_481] : memref<3x128xi32, #tpu.memory_space<vmem>> -> memref<1x128xi32, #tpu.memory_space<vmem>>
          %dma_start3A_483 = tpu.memref_squeeze %dma_start3A_482 : memref<1x128xi32, #tpu.memory_space<vmem>> -> memref<128xi32, #tpu.memory_space<vmem>>
          %dma_start3A_484 = tpu.memref_slice %arg4[%add3A_477] : memref<320000xi32, #tpu.memory_space<hbm>> -> memref<128xi32, #tpu.memory_space<hbm>>
          %dma_start3A_485 = tpu.memref_slice %arg12[%dma_start3A_479, %dma_start3A_480] : memref<4x3x!tpu.dma_semaphore, #tpu.memory_space<semaphore_mem>> -> memref<1x1x!tpu.dma_semaphore, #tpu.memory_space<semaphore_mem>>
          %dma_start3A_486 = tpu.memref_squeeze %dma_start3A_485 : memref<1x1x!tpu.dma_semaphore, #tpu.memory_space<semaphore_mem>> -> memref<!tpu.dma_semaphore, #tpu.memory_space<semaphore_mem>>
          %dma_start3A_487 = arith.constant 0 : i32
          %dma_start3A_488 = tpu.memref_slice %arg7[%dma_start3A_478, %dma_start3A_487] : memref<3x128xi32, #tpu.memory_space<vmem>> -> memref<1x128xi32, #tpu.memory_space<vmem>>
          %dma_start3A_489 = tpu.memref_squeeze %dma_start3A_488 : memref<1x128xi32, #tpu.memory_space<vmem>> -> memref<128xi32, #tpu.memory_space<vmem>>
          %dma_start3A_490 = tpu.memref_slice %arg4[%add3A_477] : memref<320000xi32, #tpu.memory_space<hbm>> -> memref<128xi32, #tpu.memory_space<hbm>>
          tpu.enqueue_dma source(%dma_start3A_490 : memref<128xi32, #tpu.memory_space<hbm>>) target(%dma_start3A_489 : memref<128xi32, #tpu.memory_space<vmem>>) target_semaphore(%dma_start3A_486 : memref<!tpu.dma_semaphore, #tpu.memory_space<semaphore_mem>>)
          %add3A_491 = arith.constant 2 : i32
          %add3A_492 = arith.addi %add3A_257, %add3A_491 : i32
          %mul3A_493 = arith.constant 128 : i32
          %mul3A_494 = arith.muli %add3A_492, %mul3A_493 : i32
          %add3A_495 = arith.addi %mul3A_0, %mul3A_494 : i32
          %dma_wait3A_496 = arith.constant 2 : i32
          %dma_wait3A_497 = arith.constant 0 : i32
          %dma_wait3A_498 = arith.constant 2 : i32
          %dma_wait3A_499 = arith.constant 0 : i32
          %dma_wait3A_500 = tpu.memref_slice %arg6[%dma_wait3A_496, %dma_wait3A_499] : memref<3x128xi32, #tpu.memory_space<vmem>> -> memref<1x128xi32, #tpu.memory_space<vmem>>
          %dma_wait3A_501 = tpu.memref_squeeze %dma_wait3A_500 : memref<1x128xi32, #tpu.memory_space<vmem>> -> memref<128xi32, #tpu.memory_space<vmem>>
          %dma_wait3A_502 = tpu.memref_slice %arg3[%add3A_495] : memref<320000xi32, #tpu.memory_space<hbm>> -> memref<128xi32, #tpu.memory_space<hbm>>
          %dma_wait3A_503 = tpu.memref_slice %arg12[%dma_wait3A_497, %dma_wait3A_498] : memref<4x3x!tpu.dma_semaphore, #tpu.memory_space<semaphore_mem>> -> memref<1x1x!tpu.dma_semaphore, #tpu.memory_space<semaphore_mem>>
          %dma_wait3A_504 = tpu.memref_squeeze %dma_wait3A_503 : memref<1x1x!tpu.dma_semaphore, #tpu.memory_space<semaphore_mem>> -> memref<!tpu.dma_semaphore, #tpu.memory_space<semaphore_mem>>
          %dma_wait3A_505 = arith.constant 0 : i32
          %dma_wait3A_506 = tpu.memref_slice %arg6[%dma_wait3A_496, %dma_wait3A_505] : memref<3x128xi32, #tpu.memory_space<vmem>> -> memref<1x128xi32, #tpu.memory_space<vmem>>
          %dma_wait3A_507 = tpu.memref_squeeze %dma_wait3A_506 : memref<1x128xi32, #tpu.memory_space<vmem>> -> memref<128xi32, #tpu.memory_space<vmem>>
          %dma_wait3A_508 = tpu.memref_slice %arg3[%add3A_495] : memref<320000xi32, #tpu.memory_space<hbm>> -> memref<128xi32, #tpu.memory_space<hbm>>
          tpu.wait_dma2 semaphore(%dma_wait3A_504 : memref<!tpu.dma_semaphore, #tpu.memory_space<semaphore_mem>>) src(%dma_wait3A_508 : memref<128xi32, #tpu.memory_space<hbm>>) dst(%dma_wait3A_507 : memref<128xi32, #tpu.memory_space<vmem>>)
          %add3A_509 = arith.constant 2 : i32
          %add3A_510 = arith.addi %add3A_257, %add3A_509 : i32
          %dma_start3A_511 = arith.constant 2 : i32
          %dma_start3A_512 = arith.constant 2 : i32
          %dma_start3A_513 = arith.constant 2 : i32
          %dma_start3A_514 = arith.constant 2 : i32
          %dma_start3A_515 = arith.constant 0 : i32
          %dma_start3A_516 = arith.constant 0 : i32
          %dma_start3A_517 = tpu.memref_slice %arg8[%dma_start3A_512, %dma_start3A_515, %dma_start3A_516] : memref<3x128x128xf32, #tpu.memory_space<vmem>> -> memref<1x128x128xf32, #tpu.memory_space<vmem>>
          %dma_start3A_518 = tpu.memref_squeeze %dma_start3A_517 : memref<1x128x128xf32, #tpu.memory_space<vmem>> -> memref<128x128xf32, #tpu.memory_space<vmem>>
          %dma_start3A_519 = arith.constant 0 : i32
          %dma_start3A_520 = tpu.memref_slice %arg6[%dma_start3A_511, %dma_start3A_519] : memref<3x128xi32, #tpu.memory_space<vmem>> -> memref<1x128xi32, #tpu.memory_space<vmem>>
          %dma_start3A_521 = tpu.memref_squeeze %dma_start3A_520 : memref<1x128xi32, #tpu.memory_space<vmem>> -> memref<128xi32, #tpu.memory_space<vmem>>
          %dma_start3A_522 = arith.constant 0 : i32
          %dma_start3A_523 = arith.constant 0 : i32
          %dma_start3A_524 = tpu.memref_slice %arg2[%scan3A, %dma_start3A_522, %dma_start3A_523] : memref<2x10000x128xf32, #tpu.memory_space<hbm>> -> memref<1x10000x128xf32, #tpu.memory_space<hbm>>
          %dma_start3A_525 = tpu.memref_squeeze %dma_start3A_524 : memref<1x10000x128xf32, #tpu.memory_space<hbm>> -> memref<10000x128xf32, #tpu.memory_space<hbm>>
          %dma_start3A_526 = arith.constant 0 : i32
          %dma_start3A_527 = arith.constant 0 : i32
          %dma_start3A_528 = tpu.memref_slice %dma_start3A_525[%dma_start3A_526, %dma_start3A_527] : memref<10000x128xf32, #tpu.memory_space<hbm>> -> memref<10000x128xf32, #tpu.memory_space<hbm>>
          %dma_start3A_529 = tpu.memref_slice %arg12[%dma_start3A_513, %dma_start3A_514] : memref<4x3x!tpu.dma_semaphore, #tpu.memory_space<semaphore_mem>> -> memref<1x1x!tpu.dma_semaphore, #tpu.memory_space<semaphore_mem>>
          %dma_start3A_530 = tpu.memref_squeeze %dma_start3A_529 : memref<1x1x!tpu.dma_semaphore, #tpu.memory_space<semaphore_mem>> -> memref<!tpu.dma_semaphore, #tpu.memory_space<semaphore_mem>>
          tpu.enqueue_indirect_dma source(%dma_start3A_528 : memref<10000x128xf32, #tpu.memory_space<hbm>>) target(%dma_start3A_518 : memref<128x128xf32, #tpu.memory_space<vmem>>) offsets(%dma_start3A_521 : memref<128xi32, #tpu.memory_space<vmem>>) semaphore(%dma_start3A_530 : memref<!tpu.dma_semaphore, #tpu.memory_space<semaphore_mem>>)
        } else {
        }
        %mul3A_295 = arith.constant 128 : i32
        %mul3A_296 = arith.muli %add3A_257, %mul3A_295 : i32
        %add3A_297 = arith.addi %mul3A_0, %mul3A_296 : i32
        %dma_wait3A_298 = arith.constant 0 : i32
        %dma_wait3A_299 = arith.constant 1 : i32
        %dma_wait3A_300 = arith.constant 0 : i32
        %dma_wait3A_301 = arith.constant 0 : i32
        %dma_wait3A_302 = tpu.memref_slice %arg7[%dma_wait3A_298, %dma_wait3A_301] : memref<3x128xi32, #tpu.memory_space<vmem>> -> memref<1x128xi32, #tpu.memory_space<vmem>>
        %dma_wait3A_303 = tpu.memref_squeeze %dma_wait3A_302 : memref<1x128xi32, #tpu.memory_space<vmem>> -> memref<128xi32, #tpu.memory_space<vmem>>
        %dma_wait3A_304 = tpu.memref_slice %arg4[%add3A_297] : memref<320000xi32, #tpu.memory_space<hbm>> -> memref<128xi32, #tpu.memory_space<hbm>>
        %dma_wait3A_305 = tpu.memref_slice %arg12[%dma_wait3A_299, %dma_wait3A_300] : memref<4x3x!tpu.dma_semaphore, #tpu.memory_space<semaphore_mem>> -> memref<1x1x!tpu.dma_semaphore, #tpu.memory_space<semaphore_mem>>
        %dma_wait3A_306 = tpu.memref_squeeze %dma_wait3A_305 : memref<1x1x!tpu.dma_semaphore, #tpu.memory_space<semaphore_mem>> -> memref<!tpu.dma_semaphore, #tpu.memory_space<semaphore_mem>>
        %dma_wait3A_307 = arith.constant 0 : i32
        %dma_wait3A_308 = tpu.memref_slice %arg7[%dma_wait3A_298, %dma_wait3A_307] : memref<3x128xi32, #tpu.memory_space<vmem>> -> memref<1x128xi32, #tpu.memory_space<vmem>>
        %dma_wait3A_309 = tpu.memref_squeeze %dma_wait3A_308 : memref<1x128xi32, #tpu.memory_space<vmem>> -> memref<128xi32, #tpu.memory_space<vmem>>
        %dma_wait3A_310 = tpu.memref_slice %arg4[%add3A_297] : memref<320000xi32, #tpu.memory_space<hbm>> -> memref<128xi32, #tpu.memory_space<hbm>>
        tpu.wait_dma2 semaphore(%dma_wait3A_306 : memref<!tpu.dma_semaphore, #tpu.memory_space<semaphore_mem>>) src(%dma_wait3A_310 : memref<128xi32, #tpu.memory_space<hbm>>) dst(%dma_wait3A_309 : memref<128xi32, #tpu.memory_space<vmem>>)
        %dma_start3A_311 = arith.constant 0 : i32
        %dma_start3A_312 = arith.constant 0 : i32
        %dma_start3A_313 = arith.constant 3 : i32
        %dma_start3A_314 = arith.constant 0 : i32
        %dma_start3A_315 = arith.constant 0 : i32
        %dma_start3A_316 = arith.constant 0 : i32
        %dma_start3A_317 = tpu.memref_slice %arg8[%dma_start3A_311, %dma_start3A_315, %dma_start3A_316] : memref<3x128x128xf32, #tpu.memory_space<vmem>> -> memref<1x128x128xf32, #tpu.memory_space<vmem>>
        %dma_start3A_318 = tpu.memref_squeeze %dma_start3A_317 : memref<1x128x128xf32, #tpu.memory_space<vmem>> -> memref<128x128xf32, #tpu.memory_space<vmem>>
        %dma_start3A_319 = arith.constant 0 : i32
        %dma_start3A_320 = tpu.memref_slice %arg7[%dma_start3A_312, %dma_start3A_319] : memref<3x128xi32, #tpu.memory_space<vmem>> -> memref<1x128xi32, #tpu.memory_space<vmem>>
        %dma_start3A_321 = tpu.memref_squeeze %dma_start3A_320 : memref<1x128xi32, #tpu.memory_space<vmem>> -> memref<128xi32, #tpu.memory_space<vmem>>
        %dma_start3A_322 = arith.constant 0 : i32
        %dma_start3A_323 = arith.constant 0 : i32
        %dma_start3A_324 = tpu.memref_slice %arg11[%dma_start3A_322, %dma_start3A_323] : memref<10000x128xf32, #tpu.memory_space<vmem_shared>> -> memref<10000x128xf32, #tpu.memory_space<vmem_shared>>
        %dma_start3A_325 = tpu.memref_slice %arg12[%dma_start3A_313, %dma_start3A_314] : memref<4x3x!tpu.dma_semaphore, #tpu.memory_space<semaphore_mem>> -> memref<1x1x!tpu.dma_semaphore, #tpu.memory_space<semaphore_mem>>
        %dma_start3A_326 = tpu.memref_squeeze %dma_start3A_325 : memref<1x1x!tpu.dma_semaphore, #tpu.memory_space<semaphore_mem>> -> memref<!tpu.dma_semaphore, #tpu.memory_space<semaphore_mem>>
        tpu.enqueue_indirect_dma source(%dma_start3A_318 : memref<128x128xf32, #tpu.memory_space<vmem>>) target(%dma_start3A_324 : memref<10000x128xf32, #tpu.memory_space<vmem_shared>>) offsets(%dma_start3A_321 : memref<128xi32, #tpu.memory_space<vmem>>) semaphore(%dma_start3A_326 : memref<!tpu.dma_semaphore, #tpu.memory_space<semaphore_mem>>) {add = true}
        %add3A_327 = arith.constant 1 : i32
        %add3A_328 = arith.addi %mul3A_255, %add3A_327 : i32
        %dma_wait3A_329 = arith.constant 1 : i32
        %dma_wait3A_330 = arith.constant 1 : i32
        %dma_wait3A_331 = arith.constant 2 : i32
        %dma_wait3A_332 = arith.constant 1 : i32
        %dma_wait3A_333 = arith.constant 0 : i32
        %dma_wait3A_334 = arith.constant 0 : i32
        %dma_wait3A_335 = tpu.memref_slice %arg8[%dma_wait3A_330, %dma_wait3A_333, %dma_wait3A_334] : memref<3x128x128xf32, #tpu.memory_space<vmem>> -> memref<1x128x128xf32, #tpu.memory_space<vmem>>
        %dma_wait3A_336 = tpu.memref_squeeze %dma_wait3A_335 : memref<1x128x128xf32, #tpu.memory_space<vmem>> -> memref<128x128xf32, #tpu.memory_space<vmem>>
        %dma_wait3A_337 = arith.constant 0 : i32
        %dma_wait3A_338 = tpu.memref_slice %arg6[%dma_wait3A_329, %dma_wait3A_337] : memref<3x128xi32, #tpu.memory_space<vmem>> -> memref<1x128xi32, #tpu.memory_space<vmem>>
        %dma_wait3A_339 = tpu.memref_squeeze %dma_wait3A_338 : memref<1x128xi32, #tpu.memory_space<vmem>> -> memref<128xi32, #tpu.memory_space<vmem>>
        %dma_wait3A_340 = arith.constant 0 : i32
        %dma_wait3A_341 = arith.constant 0 : i32
        %dma_wait3A_342 = tpu.memref_slice %arg2[%scan3A, %dma_wait3A_340, %dma_wait3A_341] : memref<2x10000x128xf32, #tpu.memory_space<hbm>> -> memref<1x10000x128xf32, #tpu.memory_space<hbm>>
        %dma_wait3A_343 = tpu.memref_squeeze %dma_wait3A_342 : memref<1x10000x128xf32, #tpu.memory_space<hbm>> -> memref<10000x128xf32, #tpu.memory_space<hbm>>
        %dma_wait3A_344 = arith.constant 0 : i32
        %dma_wait3A_345 = arith.constant 0 : i32
        %dma_wait3A_346 = tpu.memref_slice %dma_wait3A_343[%dma_wait3A_344, %dma_wait3A_345] : memref<10000x128xf32, #tpu.memory_space<hbm>> -> memref<10000x128xf32, #tpu.memory_space<hbm>>
        %dma_wait3A_347 = tpu.memref_slice %arg12[%dma_wait3A_331, %dma_wait3A_332] : memref<4x3x!tpu.dma_semaphore, #tpu.memory_space<semaphore_mem>> -> memref<1x1x!tpu.dma_semaphore, #tpu.memory_space<semaphore_mem>>
        %dma_wait3A_348 = tpu.memref_squeeze %dma_wait3A_347 : memref<1x1x!tpu.dma_semaphore, #tpu.memory_space<semaphore_mem>> -> memref<!tpu.dma_semaphore, #tpu.memory_space<semaphore_mem>>
        tpu.wait_indirect_dma semaphore(%dma_wait3A_348 : memref<!tpu.dma_semaphore, #tpu.memory_space<semaphore_mem>>) src(%dma_wait3A_346 : memref<10000x128xf32, #tpu.memory_space<hbm>>) dst(%dma_wait3A_336 : memref<128x128xf32, #tpu.memory_space<vmem>>)
        %add3A_349 = arith.constant 3 : i32
        %add3A_350 = arith.addi %add3A_328, %add3A_349 : i32
        %lt3A_351 = arith.constant 156 : i32
        %lt3A_352 = arith.cmpi slt, %add3A_350, %lt3A_351 : i32
        %convert_element_type3A_353 = arith.extui %lt3A_352 : i1 to i32
        %cond3A_354 = arith.constant 0 : i32
        %cond3A_355 = arith.cmpi ne, %convert_element_type3A_353, %cond3A_354 : i32
        scf.if %cond3A_355 {
          %add3A_473 = arith.constant 3 : i32
          %add3A_474 = arith.addi %add3A_328, %add3A_473 : i32
          %mul3A_475 = arith.constant 128 : i32
          %mul3A_476 = arith.muli %add3A_474, %mul3A_475 : i32
          %add3A_477 = arith.addi %mul3A_0, %mul3A_476 : i32
          %dma_start3A_478 = arith.constant 1 : i32
          %dma_start3A_479 = arith.constant 0 : i32
          %dma_start3A_480 = arith.constant 1 : i32
          %dma_start3A_481 = arith.constant 0 : i32
          %dma_start3A_482 = tpu.memref_slice %arg6[%dma_start3A_478, %dma_start3A_481] : memref<3x128xi32, #tpu.memory_space<vmem>> -> memref<1x128xi32, #tpu.memory_space<vmem>>
          %dma_start3A_483 = tpu.memref_squeeze %dma_start3A_482 : memref<1x128xi32, #tpu.memory_space<vmem>> -> memref<128xi32, #tpu.memory_space<vmem>>
          %dma_start3A_484 = tpu.memref_slice %arg3[%add3A_477] : memref<320000xi32, #tpu.memory_space<hbm>> -> memref<128xi32, #tpu.memory_space<hbm>>
          %dma_start3A_485 = tpu.memref_slice %arg12[%dma_start3A_479, %dma_start3A_480] : memref<4x3x!tpu.dma_semaphore, #tpu.memory_space<semaphore_mem>> -> memref<1x1x!tpu.dma_semaphore, #tpu.memory_space<semaphore_mem>>
          %dma_start3A_486 = tpu.memref_squeeze %dma_start3A_485 : memref<1x1x!tpu.dma_semaphore, #tpu.memory_space<semaphore_mem>> -> memref<!tpu.dma_semaphore, #tpu.memory_space<semaphore_mem>>
          %dma_start3A_487 = arith.constant 0 : i32
          %dma_start3A_488 = tpu.memref_slice %arg6[%dma_start3A_478, %dma_start3A_487] : memref<3x128xi32, #tpu.memory_space<vmem>> -> memref<1x128xi32, #tpu.memory_space<vmem>>
          %dma_start3A_489 = tpu.memref_squeeze %dma_start3A_488 : memref<1x128xi32, #tpu.memory_space<vmem>> -> memref<128xi32, #tpu.memory_space<vmem>>
          %dma_start3A_490 = tpu.memref_slice %arg3[%add3A_477] : memref<320000xi32, #tpu.memory_space<hbm>> -> memref<128xi32, #tpu.memory_space<hbm>>
          tpu.enqueue_dma source(%dma_start3A_490 : memref<128xi32, #tpu.memory_space<hbm>>) target(%dma_start3A_489 : memref<128xi32, #tpu.memory_space<vmem>>) target_semaphore(%dma_start3A_486 : memref<!tpu.dma_semaphore, #tpu.memory_space<semaphore_mem>>)
        } else {
        }
        %ge3A_356 = arith.constant 1 : i32
        %ge3A_357 = arith.cmpi sge, %add3A_328, %ge3A_356 : i32
        %convert_element_type3A_358 = arith.extui %ge3A_357 : i1 to i32
        %cond3A_359 = arith.constant 0 : i32
        %cond3A_360 = arith.cmpi ne, %convert_element_type3A_358, %cond3A_359 : i32
        scf.if %cond3A_360 {
          %dma_wait3A_473 = arith.constant 0 : i32
          %dma_wait3A_474 = arith.constant 0 : i32
          %dma_wait3A_475 = arith.constant 3 : i32
          %dma_wait3A_476 = arith.constant 0 : i32
          %dma_wait3A_477 = arith.constant 0 : i32
          %dma_wait3A_478 = arith.constant 0 : i32
          %dma_wait3A_479 = tpu.memref_slice %arg8[%dma_wait3A_473, %dma_wait3A_477, %dma_wait3A_478] : memref<3x128x128xf32, #tpu.memory_space<vmem>> -> memref<1x128x128xf32, #tpu.memory_space<vmem>>
          %dma_wait3A_480 = tpu.memref_squeeze %dma_wait3A_479 : memref<1x128x128xf32, #tpu.memory_space<vmem>> -> memref<128x128xf32, #tpu.memory_space<vmem>>
          %dma_wait3A_481 = arith.constant 0 : i32
          %dma_wait3A_482 = tpu.memref_slice %arg7[%dma_wait3A_474, %dma_wait3A_481] : memref<3x128xi32, #tpu.memory_space<vmem>> -> memref<1x128xi32, #tpu.memory_space<vmem>>
          %dma_wait3A_483 = tpu.memref_squeeze %dma_wait3A_482 : memref<1x128xi32, #tpu.memory_space<vmem>> -> memref<128xi32, #tpu.memory_space<vmem>>
          %dma_wait3A_484 = arith.constant 0 : i32
          %dma_wait3A_485 = arith.constant 0 : i32
          %dma_wait3A_486 = tpu.memref_slice %arg11[%dma_wait3A_484, %dma_wait3A_485] : memref<10000x128xf32, #tpu.memory_space<vmem_shared>> -> memref<10000x128xf32, #tpu.memory_space<vmem_shared>>
          %dma_wait3A_487 = tpu.memref_slice %arg12[%dma_wait3A_475, %dma_wait3A_476] : memref<4x3x!tpu.dma_semaphore, #tpu.memory_space<semaphore_mem>> -> memref<1x1x!tpu.dma_semaphore, #tpu.memory_space<semaphore_mem>>
          %dma_wait3A_488 = tpu.memref_squeeze %dma_wait3A_487 : memref<1x1x!tpu.dma_semaphore, #tpu.memory_space<semaphore_mem>> -> memref<!tpu.dma_semaphore, #tpu.memory_space<semaphore_mem>>
          tpu.wait_indirect_dma semaphore(%dma_wait3A_488 : memref<!tpu.dma_semaphore, #tpu.memory_space<semaphore_mem>>) src(%dma_wait3A_480 : memref<128x128xf32, #tpu.memory_space<vmem>>) dst(%dma_wait3A_486 : memref<10000x128xf32, #tpu.memory_space<vmem_shared>>)
        } else {
        }
        %add3A_361 = arith.constant 2 : i32
        %add3A_362 = arith.addi %add3A_328, %add3A_361 : i32
        %lt3A_363 = arith.constant 156 : i32
        %lt3A_364 = arith.cmpi slt, %add3A_362, %lt3A_363 : i32
        %convert_element_type3A_365 = arith.extui %lt3A_364 : i1 to i32
        %cond3A_366 = arith.constant 0 : i32
        %cond3A_367 = arith.cmpi ne, %convert_element_type3A_365, %cond3A_366 : i32
        scf.if %cond3A_367 {
          %add3A_473 = arith.constant 2 : i32
          %add3A_474 = arith.addi %add3A_328, %add3A_473 : i32
          %mul3A_475 = arith.constant 128 : i32
          %mul3A_476 = arith.muli %add3A_474, %mul3A_475 : i32
          %add3A_477 = arith.addi %mul3A_0, %mul3A_476 : i32
          %dma_start3A_478 = arith.constant 0 : i32
          %dma_start3A_479 = arith.constant 1 : i32
          %dma_start3A_480 = arith.constant 0 : i32
          %dma_start3A_481 = arith.constant 0 : i32
          %dma_start3A_482 = tpu.memref_slice %arg7[%dma_start3A_478, %dma_start3A_481] : memref<3x128xi32, #tpu.memory_space<vmem>> -> memref<1x128xi32, #tpu.memory_space<vmem>>
          %dma_start3A_483 = tpu.memref_squeeze %dma_start3A_482 : memref<1x128xi32, #tpu.memory_space<vmem>> -> memref<128xi32, #tpu.memory_space<vmem>>
          %dma_start3A_484 = tpu.memref_slice %arg4[%add3A_477] : memref<320000xi32, #tpu.memory_space<hbm>> -> memref<128xi32, #tpu.memory_space<hbm>>
          %dma_start3A_485 = tpu.memref_slice %arg12[%dma_start3A_479, %dma_start3A_480] : memref<4x3x!tpu.dma_semaphore, #tpu.memory_space<semaphore_mem>> -> memref<1x1x!tpu.dma_semaphore, #tpu.memory_space<semaphore_mem>>
          %dma_start3A_486 = tpu.memref_squeeze %dma_start3A_485 : memref<1x1x!tpu.dma_semaphore, #tpu.memory_space<semaphore_mem>> -> memref<!tpu.dma_semaphore, #tpu.memory_space<semaphore_mem>>
          %dma_start3A_487 = arith.constant 0 : i32
          %dma_start3A_488 = tpu.memref_slice %arg7[%dma_start3A_478, %dma_start3A_487] : memref<3x128xi32, #tpu.memory_space<vmem>> -> memref<1x128xi32, #tpu.memory_space<vmem>>
          %dma_start3A_489 = tpu.memref_squeeze %dma_start3A_488 : memref<1x128xi32, #tpu.memory_space<vmem>> -> memref<128xi32, #tpu.memory_space<vmem>>
          %dma_start3A_490 = tpu.memref_slice %arg4[%add3A_477] : memref<320000xi32, #tpu.memory_space<hbm>> -> memref<128xi32, #tpu.memory_space<hbm>>
          tpu.enqueue_dma source(%dma_start3A_490 : memref<128xi32, #tpu.memory_space<hbm>>) target(%dma_start3A_489 : memref<128xi32, #tpu.memory_space<vmem>>) target_semaphore(%dma_start3A_486 : memref<!tpu.dma_semaphore, #tpu.memory_space<semaphore_mem>>)
          %add3A_491 = arith.constant 2 : i32
          %add3A_492 = arith.addi %add3A_328, %add3A_491 : i32
          %mul3A_493 = arith.constant 128 : i32
          %mul3A_494 = arith.muli %add3A_492, %mul3A_493 : i32
          %add3A_495 = arith.addi %mul3A_0, %mul3A_494 : i32
          %dma_wait3A_496 = arith.constant 0 : i32
          %dma_wait3A_497 = arith.constant 0 : i32
          %dma_wait3A_498 = arith.constant 0 : i32
          %dma_wait3A_499 = arith.constant 0 : i32
          %dma_wait3A_500 = tpu.memref_slice %arg6[%dma_wait3A_496, %dma_wait3A_499] : memref<3x128xi32, #tpu.memory_space<vmem>> -> memref<1x128xi32, #tpu.memory_space<vmem>>
          %dma_wait3A_501 = tpu.memref_squeeze %dma_wait3A_500 : memref<1x128xi32, #tpu.memory_space<vmem>> -> memref<128xi32, #tpu.memory_space<vmem>>
          %dma_wait3A_502 = tpu.memref_slice %arg3[%add3A_495] : memref<320000xi32, #tpu.memory_space<hbm>> -> memref<128xi32, #tpu.memory_space<hbm>>
          %dma_wait3A_503 = tpu.memref_slice %arg12[%dma_wait3A_497, %dma_wait3A_498] : memref<4x3x!tpu.dma_semaphore, #tpu.memory_space<semaphore_mem>> -> memref<1x1x!tpu.dma_semaphore, #tpu.memory_space<semaphore_mem>>
          %dma_wait3A_504 = tpu.memref_squeeze %dma_wait3A_503 : memref<1x1x!tpu.dma_semaphore, #tpu.memory_space<semaphore_mem>> -> memref<!tpu.dma_semaphore, #tpu.memory_space<semaphore_mem>>
          %dma_wait3A_505 = arith.constant 0 : i32
          %dma_wait3A_506 = tpu.memref_slice %arg6[%dma_wait3A_496, %dma_wait3A_505] : memref<3x128xi32, #tpu.memory_space<vmem>> -> memref<1x128xi32, #tpu.memory_space<vmem>>
          %dma_wait3A_507 = tpu.memref_squeeze %dma_wait3A_506 : memref<1x128xi32, #tpu.memory_space<vmem>> -> memref<128xi32, #tpu.memory_space<vmem>>
          %dma_wait3A_508 = tpu.memref_slice %arg3[%add3A_495] : memref<320000xi32, #tpu.memory_space<hbm>> -> memref<128xi32, #tpu.memory_space<hbm>>
          tpu.wait_dma2 semaphore(%dma_wait3A_504 : memref<!tpu.dma_semaphore, #tpu.memory_space<semaphore_mem>>) src(%dma_wait3A_508 : memref<128xi32, #tpu.memory_space<hbm>>) dst(%dma_wait3A_507 : memref<128xi32, #tpu.memory_space<vmem>>)
          %add3A_509 = arith.constant 2 : i32
          %add3A_510 = arith.addi %add3A_328, %add3A_509 : i32
          %dma_start3A_511 = arith.constant 0 : i32
          %dma_start3A_512 = arith.constant 0 : i32
          %dma_start3A_513 = arith.constant 2 : i32
          %dma_start3A_514 = arith.constant 0 : i32
          %dma_start3A_515 = arith.constant 0 : i32
          %dma_start3A_516 = arith.constant 0 : i32
          %dma_start3A_517 = tpu.memref_slice %arg8[%dma_start3A_512, %dma_start3A_515, %dma_start3A_516] : memref<3x128x128xf32, #tpu.memory_space<vmem>> -> memref<1x128x128xf32, #tpu.memory_space<vmem>>
          %dma_start3A_518 = tpu.memref_squeeze %dma_start3A_517 : memref<1x128x128xf32, #tpu.memory_space<vmem>> -> memref<128x128xf32, #tpu.memory_space<vmem>>
          %dma_start3A_519 = arith.constant 0 : i32
          %dma_start3A_520 = tpu.memref_slice %arg6[%dma_start3A_511, %dma_start3A_519] : memref<3x128xi32, #tpu.memory_space<vmem>> -> memref<1x128xi32, #tpu.memory_space<vmem>>
          %dma_start3A_521 = tpu.memref_squeeze %dma_start3A_520 : memref<1x128xi32, #tpu.memory_space<vmem>> -> memref<128xi32, #tpu.memory_space<vmem>>
          %dma_start3A_522 = arith.constant 0 : i32
          %dma_start3A_523 = arith.constant 0 : i32
          %dma_start3A_524 = tpu.memref_slice %arg2[%scan3A, %dma_start3A_522, %dma_start3A_523] : memref<2x10000x128xf32, #tpu.memory_space<hbm>> -> memref<1x10000x128xf32, #tpu.memory_space<hbm>>
          %dma_start3A_525 = tpu.memref_squeeze %dma_start3A_524 : memref<1x10000x128xf32, #tpu.memory_space<hbm>> -> memref<10000x128xf32, #tpu.memory_space<hbm>>
          %dma_start3A_526 = arith.constant 0 : i32
          %dma_start3A_527 = arith.constant 0 : i32
          %dma_start3A_528 = tpu.memref_slice %dma_start3A_525[%dma_start3A_526, %dma_start3A_527] : memref<10000x128xf32, #tpu.memory_space<hbm>> -> memref<10000x128xf32, #tpu.memory_space<hbm>>
          %dma_start3A_529 = tpu.memref_slice %arg12[%dma_start3A_513, %dma_start3A_514] : memref<4x3x!tpu.dma_semaphore, #tpu.memory_space<semaphore_mem>> -> memref<1x1x!tpu.dma_semaphore, #tpu.memory_space<semaphore_mem>>
          %dma_start3A_530 = tpu.memref_squeeze %dma_start3A_529 : memref<1x1x!tpu.dma_semaphore, #tpu.memory_space<semaphore_mem>> -> memref<!tpu.dma_semaphore, #tpu.memory_space<semaphore_mem>>
          tpu.enqueue_indirect_dma source(%dma_start3A_528 : memref<10000x128xf32, #tpu.memory_space<hbm>>) target(%dma_start3A_518 : memref<128x128xf32, #tpu.memory_space<vmem>>) offsets(%dma_start3A_521 : memref<128xi32, #tpu.memory_space<vmem>>) semaphore(%dma_start3A_530 : memref<!tpu.dma_semaphore, #tpu.memory_space<semaphore_mem>>)
        } else {
        }
        %mul3A_368 = arith.constant 128 : i32
        %mul3A_369 = arith.muli %add3A_328, %mul3A_368 : i32
        %add3A_370 = arith.addi %mul3A_0, %mul3A_369 : i32
        %dma_wait3A_371 = arith.constant 1 : i32
        %dma_wait3A_372 = arith.constant 1 : i32
        %dma_wait3A_373 = arith.constant 1 : i32
        %dma_wait3A_374 = arith.constant 0 : i32
        %dma_wait3A_375 = tpu.memref_slice %arg7[%dma_wait3A_371, %dma_wait3A_374] : memref<3x128xi32, #tpu.memory_space<vmem>> -> memref<1x128xi32, #tpu.memory_space<vmem>>
        %dma_wait3A_376 = tpu.memref_squeeze %dma_wait3A_375 : memref<1x128xi32, #tpu.memory_space<vmem>> -> memref<128xi32, #tpu.memory_space<vmem>>
        %dma_wait3A_377 = tpu.memref_slice %arg4[%add3A_370] : memref<320000xi32, #tpu.memory_space<hbm>> -> memref<128xi32, #tpu.memory_space<hbm>>
        %dma_wait3A_378 = tpu.memref_slice %arg12[%dma_wait3A_372, %dma_wait3A_373] : memref<4x3x!tpu.dma_semaphore, #tpu.memory_space<semaphore_mem>> -> memref<1x1x!tpu.dma_semaphore, #tpu.memory_space<semaphore_mem>>
        %dma_wait3A_379 = tpu.memref_squeeze %dma_wait3A_378 : memref<1x1x!tpu.dma_semaphore, #tpu.memory_space<semaphore_mem>> -> memref<!tpu.dma_semaphore, #tpu.memory_space<semaphore_mem>>
        %dma_wait3A_380 = arith.constant 0 : i32
        %dma_wait3A_381 = tpu.memref_slice %arg7[%dma_wait3A_371, %dma_wait3A_380] : memref<3x128xi32, #tpu.memory_space<vmem>> -> memref<1x128xi32, #tpu.memory_space<vmem>>
        %dma_wait3A_382 = tpu.memref_squeeze %dma_wait3A_381 : memref<1x128xi32, #tpu.memory_space<vmem>> -> memref<128xi32, #tpu.memory_space<vmem>>
        %dma_wait3A_383 = tpu.memref_slice %arg4[%add3A_370] : memref<320000xi32, #tpu.memory_space<hbm>> -> memref<128xi32, #tpu.memory_space<hbm>>
        tpu.wait_dma2 semaphore(%dma_wait3A_379 : memref<!tpu.dma_semaphore, #tpu.memory_space<semaphore_mem>>) src(%dma_wait3A_383 : memref<128xi32, #tpu.memory_space<hbm>>) dst(%dma_wait3A_382 : memref<128xi32, #tpu.memory_space<vmem>>)
        %dma_start3A_384 = arith.constant 1 : i32
        %dma_start3A_385 = arith.constant 1 : i32
        %dma_start3A_386 = arith.constant 3 : i32
        %dma_start3A_387 = arith.constant 1 : i32
        %dma_start3A_388 = arith.constant 0 : i32
        %dma_start3A_389 = arith.constant 0 : i32
        %dma_start3A_390 = tpu.memref_slice %arg8[%dma_start3A_384, %dma_start3A_388, %dma_start3A_389] : memref<3x128x128xf32, #tpu.memory_space<vmem>> -> memref<1x128x128xf32, #tpu.memory_space<vmem>>
        %dma_start3A_391 = tpu.memref_squeeze %dma_start3A_390 : memref<1x128x128xf32, #tpu.memory_space<vmem>> -> memref<128x128xf32, #tpu.memory_space<vmem>>
        %dma_start3A_392 = arith.constant 0 : i32
        %dma_start3A_393 = tpu.memref_slice %arg7[%dma_start3A_385, %dma_start3A_392] : memref<3x128xi32, #tpu.memory_space<vmem>> -> memref<1x128xi32, #tpu.memory_space<vmem>>
        %dma_start3A_394 = tpu.memref_squeeze %dma_start3A_393 : memref<1x128xi32, #tpu.memory_space<vmem>> -> memref<128xi32, #tpu.memory_space<vmem>>
        %dma_start3A_395 = arith.constant 0 : i32
        %dma_start3A_396 = arith.constant 0 : i32
        %dma_start3A_397 = tpu.memref_slice %arg11[%dma_start3A_395, %dma_start3A_396] : memref<10000x128xf32, #tpu.memory_space<vmem_shared>> -> memref<10000x128xf32, #tpu.memory_space<vmem_shared>>
        %dma_start3A_398 = tpu.memref_slice %arg12[%dma_start3A_386, %dma_start3A_387] : memref<4x3x!tpu.dma_semaphore, #tpu.memory_space<semaphore_mem>> -> memref<1x1x!tpu.dma_semaphore, #tpu.memory_space<semaphore_mem>>
        %dma_start3A_399 = tpu.memref_squeeze %dma_start3A_398 : memref<1x1x!tpu.dma_semaphore, #tpu.memory_space<semaphore_mem>> -> memref<!tpu.dma_semaphore, #tpu.memory_space<semaphore_mem>>
        tpu.enqueue_indirect_dma source(%dma_start3A_391 : memref<128x128xf32, #tpu.memory_space<vmem>>) target(%dma_start3A_397 : memref<10000x128xf32, #tpu.memory_space<vmem_shared>>) offsets(%dma_start3A_394 : memref<128xi32, #tpu.memory_space<vmem>>) semaphore(%dma_start3A_399 : memref<!tpu.dma_semaphore, #tpu.memory_space<semaphore_mem>>) {add = true}
        %add3A_400 = arith.constant 2 : i32
        %add3A_401 = arith.addi %mul3A_255, %add3A_400 : i32
        %dma_wait3A_402 = arith.constant 2 : i32
        %dma_wait3A_403 = arith.constant 2 : i32
        %dma_wait3A_404 = arith.constant 2 : i32
        %dma_wait3A_405 = arith.constant 2 : i32
        %dma_wait3A_406 = arith.constant 0 : i32
        %dma_wait3A_407 = arith.constant 0 : i32
        %dma_wait3A_408 = tpu.memref_slice %arg8[%dma_wait3A_403, %dma_wait3A_406, %dma_wait3A_407] : memref<3x128x128xf32, #tpu.memory_space<vmem>> -> memref<1x128x128xf32, #tpu.memory_space<vmem>>
        %dma_wait3A_409 = tpu.memref_squeeze %dma_wait3A_408 : memref<1x128x128xf32, #tpu.memory_space<vmem>> -> memref<128x128xf32, #tpu.memory_space<vmem>>
        %dma_wait3A_410 = arith.constant 0 : i32
        %dma_wait3A_411 = tpu.memref_slice %arg6[%dma_wait3A_402, %dma_wait3A_410] : memref<3x128xi32, #tpu.memory_space<vmem>> -> memref<1x128xi32, #tpu.memory_space<vmem>>
        %dma_wait3A_412 = tpu.memref_squeeze %dma_wait3A_411 : memref<1x128xi32, #tpu.memory_space<vmem>> -> memref<128xi32, #tpu.memory_space<vmem>>
        %dma_wait3A_413 = arith.constant 0 : i32
        %dma_wait3A_414 = arith.constant 0 : i32
        %dma_wait3A_415 = tpu.memref_slice %arg2[%scan3A, %dma_wait3A_413, %dma_wait3A_414] : memref<2x10000x128xf32, #tpu.memory_space<hbm>> -> memref<1x10000x128xf32, #tpu.memory_space<hbm>>
        %dma_wait3A_416 = tpu.memref_squeeze %dma_wait3A_415 : memref<1x10000x128xf32, #tpu.memory_space<hbm>> -> memref<10000x128xf32, #tpu.memory_space<hbm>>
        %dma_wait3A_417 = arith.constant 0 : i32
        %dma_wait3A_418 = arith.constant 0 : i32
        %dma_wait3A_419 = tpu.memref_slice %dma_wait3A_416[%dma_wait3A_417, %dma_wait3A_418] : memref<10000x128xf32, #tpu.memory_space<hbm>> -> memref<10000x128xf32, #tpu.memory_space<hbm>>
        %dma_wait3A_420 = tpu.memref_slice %arg12[%dma_wait3A_404, %dma_wait3A_405] : memref<4x3x!tpu.dma_semaphore, #tpu.memory_space<semaphore_mem>> -> memref<1x1x!tpu.dma_semaphore, #tpu.memory_space<semaphore_mem>>
        %dma_wait3A_421 = tpu.memref_squeeze %dma_wait3A_420 : memref<1x1x!tpu.dma_semaphore, #tpu.memory_space<semaphore_mem>> -> memref<!tpu.dma_semaphore, #tpu.memory_space<semaphore_mem>>
        tpu.wait_indirect_dma semaphore(%dma_wait3A_421 : memref<!tpu.dma_semaphore, #tpu.memory_space<semaphore_mem>>) src(%dma_wait3A_419 : memref<10000x128xf32, #tpu.memory_space<hbm>>) dst(%dma_wait3A_409 : memref<128x128xf32, #tpu.memory_space<vmem>>)
        %add3A_422 = arith.constant 3 : i32
        %add3A_423 = arith.addi %add3A_401, %add3A_422 : i32
        %lt3A_424 = arith.constant 156 : i32
        %lt3A_425 = arith.cmpi slt, %add3A_423, %lt3A_424 : i32
        %convert_element_type3A_426 = arith.extui %lt3A_425 : i1 to i32
        %cond3A_427 = arith.constant 0 : i32
        %cond3A_428 = arith.cmpi ne, %convert_element_type3A_426, %cond3A_427 : i32
        scf.if %cond3A_428 {
          %add3A_473 = arith.constant 3 : i32
          %add3A_474 = arith.addi %add3A_401, %add3A_473 : i32
          %mul3A_475 = arith.constant 128 : i32
          %mul3A_476 = arith.muli %add3A_474, %mul3A_475 : i32
          %add3A_477 = arith.addi %mul3A_0, %mul3A_476 : i32
          %dma_start3A_478 = arith.constant 2 : i32
          %dma_start3A_479 = arith.constant 0 : i32
          %dma_start3A_480 = arith.constant 2 : i32
          %dma_start3A_481 = arith.constant 0 : i32
          %dma_start3A_482 = tpu.memref_slice %arg6[%dma_start3A_478, %dma_start3A_481] : memref<3x128xi32, #tpu.memory_space<vmem>> -> memref<1x128xi32, #tpu.memory_space<vmem>>
          %dma_start3A_483 = tpu.memref_squeeze %dma_start3A_482 : memref<1x128xi32, #tpu.memory_space<vmem>> -> memref<128xi32, #tpu.memory_space<vmem>>
          %dma_start3A_484 = tpu.memref_slice %arg3[%add3A_477] : memref<320000xi32, #tpu.memory_space<hbm>> -> memref<128xi32, #tpu.memory_space<hbm>>
          %dma_start3A_485 = tpu.memref_slice %arg12[%dma_start3A_479, %dma_start3A_480] : memref<4x3x!tpu.dma_semaphore, #tpu.memory_space<semaphore_mem>> -> memref<1x1x!tpu.dma_semaphore, #tpu.memory_space<semaphore_mem>>
          %dma_start3A_486 = tpu.memref_squeeze %dma_start3A_485 : memref<1x1x!tpu.dma_semaphore, #tpu.memory_space<semaphore_mem>> -> memref<!tpu.dma_semaphore, #tpu.memory_space<semaphore_mem>>
          %dma_start3A_487 = arith.constant 0 : i32
          %dma_start3A_488 = tpu.memref_slice %arg6[%dma_start3A_478, %dma_start3A_487] : memref<3x128xi32, #tpu.memory_space<vmem>> -> memref<1x128xi32, #tpu.memory_space<vmem>>
          %dma_start3A_489 = tpu.memref_squeeze %dma_start3A_488 : memref<1x128xi32, #tpu.memory_space<vmem>> -> memref<128xi32, #tpu.memory_space<vmem>>
          %dma_start3A_490 = tpu.memref_slice %arg3[%add3A_477] : memref<320000xi32, #tpu.memory_space<hbm>> -> memref<128xi32, #tpu.memory_space<hbm>>
          tpu.enqueue_dma source(%dma_start3A_490 : memref<128xi32, #tpu.memory_space<hbm>>) target(%dma_start3A_489 : memref<128xi32, #tpu.memory_space<vmem>>) target_semaphore(%dma_start3A_486 : memref<!tpu.dma_semaphore, #tpu.memory_space<semaphore_mem>>)
        } else {
        }
        %ge3A_429 = arith.constant 1 : i32
        %ge3A_430 = arith.cmpi sge, %add3A_401, %ge3A_429 : i32
        %convert_element_type3A_431 = arith.extui %ge3A_430 : i1 to i32
        %cond3A_432 = arith.constant 0 : i32
        %cond3A_433 = arith.cmpi ne, %convert_element_type3A_431, %cond3A_432 : i32
        scf.if %cond3A_433 {
          %dma_wait3A_473 = arith.constant 1 : i32
          %dma_wait3A_474 = arith.constant 1 : i32
          %dma_wait3A_475 = arith.constant 3 : i32
          %dma_wait3A_476 = arith.constant 1 : i32
          %dma_wait3A_477 = arith.constant 0 : i32
          %dma_wait3A_478 = arith.constant 0 : i32
          %dma_wait3A_479 = tpu.memref_slice %arg8[%dma_wait3A_473, %dma_wait3A_477, %dma_wait3A_478] : memref<3x128x128xf32, #tpu.memory_space<vmem>> -> memref<1x128x128xf32, #tpu.memory_space<vmem>>
          %dma_wait3A_480 = tpu.memref_squeeze %dma_wait3A_479 : memref<1x128x128xf32, #tpu.memory_space<vmem>> -> memref<128x128xf32, #tpu.memory_space<vmem>>
          %dma_wait3A_481 = arith.constant 0 : i32
          %dma_wait3A_482 = tpu.memref_slice %arg7[%dma_wait3A_474, %dma_wait3A_481] : memref<3x128xi32, #tpu.memory_space<vmem>> -> memref<1x128xi32, #tpu.memory_space<vmem>>
          %dma_wait3A_483 = tpu.memref_squeeze %dma_wait3A_482 : memref<1x128xi32, #tpu.memory_space<vmem>> -> memref<128xi32, #tpu.memory_space<vmem>>
          %dma_wait3A_484 = arith.constant 0 : i32
          %dma_wait3A_485 = arith.constant 0 : i32
          %dma_wait3A_486 = tpu.memref_slice %arg11[%dma_wait3A_484, %dma_wait3A_485] : memref<10000x128xf32, #tpu.memory_space<vmem_shared>> -> memref<10000x128xf32, #tpu.memory_space<vmem_shared>>
          %dma_wait3A_487 = tpu.memref_slice %arg12[%dma_wait3A_475, %dma_wait3A_476] : memref<4x3x!tpu.dma_semaphore, #tpu.memory_space<semaphore_mem>> -> memref<1x1x!tpu.dma_semaphore, #tpu.memory_space<semaphore_mem>>
          %dma_wait3A_488 = tpu.memref_squeeze %dma_wait3A_487 : memref<1x1x!tpu.dma_semaphore, #tpu.memory_space<semaphore_mem>> -> memref<!tpu.dma_semaphore, #tpu.memory_space<semaphore_mem>>
          tpu.wait_indirect_dma semaphore(%dma_wait3A_488 : memref<!tpu.dma_semaphore, #tpu.memory_space<semaphore_mem>>) src(%dma_wait3A_480 : memref<128x128xf32, #tpu.memory_space<vmem>>) dst(%dma_wait3A_486 : memref<10000x128xf32, #tpu.memory_space<vmem_shared>>)
        } else {
        }
        %add3A_434 = arith.constant 2 : i32
        %add3A_435 = arith.addi %add3A_401, %add3A_434 : i32
        %lt3A_436 = arith.constant 156 : i32
        %lt3A_437 = arith.cmpi slt, %add3A_435, %lt3A_436 : i32
        %convert_element_type3A_438 = arith.extui %lt3A_437 : i1 to i32
        %cond3A_439 = arith.constant 0 : i32
        %cond3A_440 = arith.cmpi ne, %convert_element_type3A_438, %cond3A_439 : i32
        scf.if %cond3A_440 {
          %add3A_473 = arith.constant 2 : i32
          %add3A_474 = arith.addi %add3A_401, %add3A_473 : i32
          %mul3A_475 = arith.constant 128 : i32
          %mul3A_476 = arith.muli %add3A_474, %mul3A_475 : i32
          %add3A_477 = arith.addi %mul3A_0, %mul3A_476 : i32
          %dma_start3A_478 = arith.constant 1 : i32
          %dma_start3A_479 = arith.constant 1 : i32
          %dma_start3A_480 = arith.constant 1 : i32
          %dma_start3A_481 = arith.constant 0 : i32
          %dma_start3A_482 = tpu.memref_slice %arg7[%dma_start3A_478, %dma_start3A_481] : memref<3x128xi32, #tpu.memory_space<vmem>> -> memref<1x128xi32, #tpu.memory_space<vmem>>
          %dma_start3A_483 = tpu.memref_squeeze %dma_start3A_482 : memref<1x128xi32, #tpu.memory_space<vmem>> -> memref<128xi32, #tpu.memory_space<vmem>>
          %dma_start3A_484 = tpu.memref_slice %arg4[%add3A_477] : memref<320000xi32, #tpu.memory_space<hbm>> -> memref<128xi32, #tpu.memory_space<hbm>>
          %dma_start3A_485 = tpu.memref_slice %arg12[%dma_start3A_479, %dma_start3A_480] : memref<4x3x!tpu.dma_semaphore, #tpu.memory_space<semaphore_mem>> -> memref<1x1x!tpu.dma_semaphore, #tpu.memory_space<semaphore_mem>>
          %dma_start3A_486 = tpu.memref_squeeze %dma_start3A_485 : memref<1x1x!tpu.dma_semaphore, #tpu.memory_space<semaphore_mem>> -> memref<!tpu.dma_semaphore, #tpu.memory_space<semaphore_mem>>
          %dma_start3A_487 = arith.constant 0 : i32
          %dma_start3A_488 = tpu.memref_slice %arg7[%dma_start3A_478, %dma_start3A_487] : memref<3x128xi32, #tpu.memory_space<vmem>> -> memref<1x128xi32, #tpu.memory_space<vmem>>
          %dma_start3A_489 = tpu.memref_squeeze %dma_start3A_488 : memref<1x128xi32, #tpu.memory_space<vmem>> -> memref<128xi32, #tpu.memory_space<vmem>>
          %dma_start3A_490 = tpu.memref_slice %arg4[%add3A_477] : memref<320000xi32, #tpu.memory_space<hbm>> -> memref<128xi32, #tpu.memory_space<hbm>>
          tpu.enqueue_dma source(%dma_start3A_490 : memref<128xi32, #tpu.memory_space<hbm>>) target(%dma_start3A_489 : memref<128xi32, #tpu.memory_space<vmem>>) target_semaphore(%dma_start3A_486 : memref<!tpu.dma_semaphore, #tpu.memory_space<semaphore_mem>>)
          %add3A_491 = arith.constant 2 : i32
          %add3A_492 = arith.addi %add3A_401, %add3A_491 : i32
          %mul3A_493 = arith.constant 128 : i32
          %mul3A_494 = arith.muli %add3A_492, %mul3A_493 : i32
          %add3A_495 = arith.addi %mul3A_0, %mul3A_494 : i32
          %dma_wait3A_496 = arith.constant 1 : i32
          %dma_wait3A_497 = arith.constant 0 : i32
          %dma_wait3A_498 = arith.constant 1 : i32
          %dma_wait3A_499 = arith.constant 0 : i32
          %dma_wait3A_500 = tpu.memref_slice %arg6[%dma_wait3A_496, %dma_wait3A_499] : memref<3x128xi32, #tpu.memory_space<vmem>> -> memref<1x128xi32, #tpu.memory_space<vmem>>
          %dma_wait3A_501 = tpu.memref_squeeze %dma_wait3A_500 : memref<1x128xi32, #tpu.memory_space<vmem>> -> memref<128xi32, #tpu.memory_space<vmem>>
          %dma_wait3A_502 = tpu.memref_slice %arg3[%add3A_495] : memref<320000xi32, #tpu.memory_space<hbm>> -> memref<128xi32, #tpu.memory_space<hbm>>
          %dma_wait3A_503 = tpu.memref_slice %arg12[%dma_wait3A_497, %dma_wait3A_498] : memref<4x3x!tpu.dma_semaphore, #tpu.memory_space<semaphore_mem>> -> memref<1x1x!tpu.dma_semaphore, #tpu.memory_space<semaphore_mem>>
          %dma_wait3A_504 = tpu.memref_squeeze %dma_wait3A_503 : memref<1x1x!tpu.dma_semaphore, #tpu.memory_space<semaphore_mem>> -> memref<!tpu.dma_semaphore, #tpu.memory_space<semaphore_mem>>
          %dma_wait3A_505 = arith.constant 0 : i32
          %dma_wait3A_506 = tpu.memref_slice %arg6[%dma_wait3A_496, %dma_wait3A_505] : memref<3x128xi32, #tpu.memory_space<vmem>> -> memref<1x128xi32, #tpu.memory_space<vmem>>
          %dma_wait3A_507 = tpu.memref_squeeze %dma_wait3A_506 : memref<1x128xi32, #tpu.memory_space<vmem>> -> memref<128xi32, #tpu.memory_space<vmem>>
          %dma_wait3A_508 = tpu.memref_slice %arg3[%add3A_495] : memref<320000xi32, #tpu.memory_space<hbm>> -> memref<128xi32, #tpu.memory_space<hbm>>
          tpu.wait_dma2 semaphore(%dma_wait3A_504 : memref<!tpu.dma_semaphore, #tpu.memory_space<semaphore_mem>>) src(%dma_wait3A_508 : memref<128xi32, #tpu.memory_space<hbm>>) dst(%dma_wait3A_507 : memref<128xi32, #tpu.memory_space<vmem>>)
          %add3A_509 = arith.constant 2 : i32
          %add3A_510 = arith.addi %add3A_401, %add3A_509 : i32
          %dma_start3A_511 = arith.constant 1 : i32
          %dma_start3A_512 = arith.constant 1 : i32
          %dma_start3A_513 = arith.constant 2 : i32
          %dma_start3A_514 = arith.constant 1 : i32
          %dma_start3A_515 = arith.constant 0 : i32
          %dma_start3A_516 = arith.constant 0 : i32
          %dma_start3A_517 = tpu.memref_slice %arg8[%dma_start3A_512, %dma_start3A_515, %dma_start3A_516] : memref<3x128x128xf32, #tpu.memory_space<vmem>> -> memref<1x128x128xf32, #tpu.memory_space<vmem>>
          %dma_start3A_518 = tpu.memref_squeeze %dma_start3A_517 : memref<1x128x128xf32, #tpu.memory_space<vmem>> -> memref<128x128xf32, #tpu.memory_space<vmem>>
          %dma_start3A_519 = arith.constant 0 : i32
          %dma_start3A_520 = tpu.memref_slice %arg6[%dma_start3A_511, %dma_start3A_519] : memref<3x128xi32, #tpu.memory_space<vmem>> -> memref<1x128xi32, #tpu.memory_space<vmem>>
          %dma_start3A_521 = tpu.memref_squeeze %dma_start3A_520 : memref<1x128xi32, #tpu.memory_space<vmem>> -> memref<128xi32, #tpu.memory_space<vmem>>
          %dma_start3A_522 = arith.constant 0 : i32
          %dma_start3A_523 = arith.constant 0 : i32
          %dma_start3A_524 = tpu.memref_slice %arg2[%scan3A, %dma_start3A_522, %dma_start3A_523] : memref<2x10000x128xf32, #tpu.memory_space<hbm>> -> memref<1x10000x128xf32, #tpu.memory_space<hbm>>
          %dma_start3A_525 = tpu.memref_squeeze %dma_start3A_524 : memref<1x10000x128xf32, #tpu.memory_space<hbm>> -> memref<10000x128xf32, #tpu.memory_space<hbm>>
          %dma_start3A_526 = arith.constant 0 : i32
          %dma_start3A_527 = arith.constant 0 : i32
          %dma_start3A_528 = tpu.memref_slice %dma_start3A_525[%dma_start3A_526, %dma_start3A_527] : memref<10000x128xf32, #tpu.memory_space<hbm>> -> memref<10000x128xf32, #tpu.memory_space<hbm>>
          %dma_start3A_529 = tpu.memref_slice %arg12[%dma_start3A_513, %dma_start3A_514] : memref<4x3x!tpu.dma_semaphore, #tpu.memory_space<semaphore_mem>> -> memref<1x1x!tpu.dma_semaphore, #tpu.memory_space<semaphore_mem>>
          %dma_start3A_530 = tpu.memref_squeeze %dma_start3A_529 : memref<1x1x!tpu.dma_semaphore, #tpu.memory_space<semaphore_mem>> -> memref<!tpu.dma_semaphore, #tpu.memory_space<semaphore_mem>>
          tpu.enqueue_indirect_dma source(%dma_start3A_528 : memref<10000x128xf32, #tpu.memory_space<hbm>>) target(%dma_start3A_518 : memref<128x128xf32, #tpu.memory_space<vmem>>) offsets(%dma_start3A_521 : memref<128xi32, #tpu.memory_space<vmem>>) semaphore(%dma_start3A_530 : memref<!tpu.dma_semaphore, #tpu.memory_space<semaphore_mem>>)
        } else {
        }
        %mul3A_441 = arith.constant 128 : i32
        %mul3A_442 = arith.muli %add3A_401, %mul3A_441 : i32
        %add3A_443 = arith.addi %mul3A_0, %mul3A_442 : i32
        %dma_wait3A_444 = arith.constant 2 : i32
        %dma_wait3A_445 = arith.constant 1 : i32
        %dma_wait3A_446 = arith.constant 2 : i32
        %dma_wait3A_447 = arith.constant 0 : i32
        %dma_wait3A_448 = tpu.memref_slice %arg7[%dma_wait3A_444, %dma_wait3A_447] : memref<3x128xi32, #tpu.memory_space<vmem>> -> memref<1x128xi32, #tpu.memory_space<vmem>>
        %dma_wait3A_449 = tpu.memref_squeeze %dma_wait3A_448 : memref<1x128xi32, #tpu.memory_space<vmem>> -> memref<128xi32, #tpu.memory_space<vmem>>
        %dma_wait3A_450 = tpu.memref_slice %arg4[%add3A_443] : memref<320000xi32, #tpu.memory_space<hbm>> -> memref<128xi32, #tpu.memory_space<hbm>>
        %dma_wait3A_451 = tpu.memref_slice %arg12[%dma_wait3A_445, %dma_wait3A_446] : memref<4x3x!tpu.dma_semaphore, #tpu.memory_space<semaphore_mem>> -> memref<1x1x!tpu.dma_semaphore, #tpu.memory_space<semaphore_mem>>
        %dma_wait3A_452 = tpu.memref_squeeze %dma_wait3A_451 : memref<1x1x!tpu.dma_semaphore, #tpu.memory_space<semaphore_mem>> -> memref<!tpu.dma_semaphore, #tpu.memory_space<semaphore_mem>>
        %dma_wait3A_453 = arith.constant 0 : i32
        %dma_wait3A_454 = tpu.memref_slice %arg7[%dma_wait3A_444, %dma_wait3A_453] : memref<3x128xi32, #tpu.memory_space<vmem>> -> memref<1x128xi32, #tpu.memory_space<vmem>>
        %dma_wait3A_455 = tpu.memref_squeeze %dma_wait3A_454 : memref<1x128xi32, #tpu.memory_space<vmem>> -> memref<128xi32, #tpu.memory_space<vmem>>
        %dma_wait3A_456 = tpu.memref_slice %arg4[%add3A_443] : memref<320000xi32, #tpu.memory_space<hbm>> -> memref<128xi32, #tpu.memory_space<hbm>>
        tpu.wait_dma2 semaphore(%dma_wait3A_452 : memref<!tpu.dma_semaphore, #tpu.memory_space<semaphore_mem>>) src(%dma_wait3A_456 : memref<128xi32, #tpu.memory_space<hbm>>) dst(%dma_wait3A_455 : memref<128xi32, #tpu.memory_space<vmem>>)
        %dma_start3A_457 = arith.constant 2 : i32
        %dma_start3A_458 = arith.constant 2 : i32
        %dma_start3A_459 = arith.constant 3 : i32
        %dma_start3A_460 = arith.constant 2 : i32
        %dma_start3A_461 = arith.constant 0 : i32
        %dma_start3A_462 = arith.constant 0 : i32
        %dma_start3A_463 = tpu.memref_slice %arg8[%dma_start3A_457, %dma_start3A_461, %dma_start3A_462] : memref<3x128x128xf32, #tpu.memory_space<vmem>> -> memref<1x128x128xf32, #tpu.memory_space<vmem>>
        %dma_start3A_464 = tpu.memref_squeeze %dma_start3A_463 : memref<1x128x128xf32, #tpu.memory_space<vmem>> -> memref<128x128xf32, #tpu.memory_space<vmem>>
        %dma_start3A_465 = arith.constant 0 : i32
        %dma_start3A_466 = tpu.memref_slice %arg7[%dma_start3A_458, %dma_start3A_465] : memref<3x128xi32, #tpu.memory_space<vmem>> -> memref<1x128xi32, #tpu.memory_space<vmem>>
        %dma_start3A_467 = tpu.memref_squeeze %dma_start3A_466 : memref<1x128xi32, #tpu.memory_space<vmem>> -> memref<128xi32, #tpu.memory_space<vmem>>
        %dma_start3A_468 = arith.constant 0 : i32
        %dma_start3A_469 = arith.constant 0 : i32
        %dma_start3A_470 = tpu.memref_slice %arg11[%dma_start3A_468, %dma_start3A_469] : memref<10000x128xf32, #tpu.memory_space<vmem_shared>> -> memref<10000x128xf32, #tpu.memory_space<vmem_shared>>
        %dma_start3A_471 = tpu.memref_slice %arg12[%dma_start3A_459, %dma_start3A_460] : memref<4x3x!tpu.dma_semaphore, #tpu.memory_space<semaphore_mem>> -> memref<1x1x!tpu.dma_semaphore, #tpu.memory_space<semaphore_mem>>
        %dma_start3A_472 = tpu.memref_squeeze %dma_start3A_471 : memref<1x1x!tpu.dma_semaphore, #tpu.memory_space<semaphore_mem>> -> memref<!tpu.dma_semaphore, #tpu.memory_space<semaphore_mem>>
        tpu.enqueue_indirect_dma source(%dma_start3A_464 : memref<128x128xf32, #tpu.memory_space<vmem>>) target(%dma_start3A_470 : memref<10000x128xf32, #tpu.memory_space<vmem_shared>>) offsets(%dma_start3A_467 : memref<128xi32, #tpu.memory_space<vmem>>) semaphore(%dma_start3A_472 : memref<!tpu.dma_semaphore, #tpu.memory_space<semaphore_mem>>) {add = true}
      }
      %scan3A_170 = arith.constant 52 : i32
      %dma_wait3A_171 = arith.constant 2 : i32
      %dma_wait3A_172 = arith.constant 2 : i32
      %dma_wait3A_173 = arith.constant 3 : i32
      %dma_wait3A_174 = arith.constant 2 : i32
      %dma_wait3A_175 = arith.constant 0 : i32
      %dma_wait3A_176 = arith.constant 0 : i32
      %dma_wait3A_177 = tpu.memref_slice %arg8[%dma_wait3A_171, %dma_wait3A_175, %dma_wait3A_176] : memref<3x128x128xf32, #tpu.memory_space<vmem>> -> memref<1x128x128xf32, #tpu.memory_space<vmem>>
      %dma_wait3A_178 = tpu.memref_squeeze %dma_wait3A_177 : memref<1x128x128xf32, #tpu.memory_space<vmem>> -> memref<128x128xf32, #tpu.memory_space<vmem>>
      %dma_wait3A_179 = arith.constant 0 : i32
      %dma_wait3A_180 = tpu.memref_slice %arg7[%dma_wait3A_172, %dma_wait3A_179] : memref<3x128xi32, #tpu.memory_space<vmem>> -> memref<1x128xi32, #tpu.memory_space<vmem>>
      %dma_wait3A_181 = tpu.memref_squeeze %dma_wait3A_180 : memref<1x128xi32, #tpu.memory_space<vmem>> -> memref<128xi32, #tpu.memory_space<vmem>>
      %dma_wait3A_182 = arith.constant 0 : i32
      %dma_wait3A_183 = arith.constant 0 : i32
      %dma_wait3A_184 = tpu.memref_slice %arg11[%dma_wait3A_182, %dma_wait3A_183] : memref<10000x128xf32, #tpu.memory_space<vmem_shared>> -> memref<10000x128xf32, #tpu.memory_space<vmem_shared>>
      %dma_wait3A_185 = tpu.memref_slice %arg12[%dma_wait3A_173, %dma_wait3A_174] : memref<4x3x!tpu.dma_semaphore, #tpu.memory_space<semaphore_mem>> -> memref<1x1x!tpu.dma_semaphore, #tpu.memory_space<semaphore_mem>>
      %dma_wait3A_186 = tpu.memref_squeeze %dma_wait3A_185 : memref<1x1x!tpu.dma_semaphore, #tpu.memory_space<semaphore_mem>> -> memref<!tpu.dma_semaphore, #tpu.memory_space<semaphore_mem>>
      tpu.wait_indirect_dma semaphore(%dma_wait3A_186 : memref<!tpu.dma_semaphore, #tpu.memory_space<semaphore_mem>>) src(%dma_wait3A_178 : memref<128x128xf32, #tpu.memory_space<vmem>>) dst(%dma_wait3A_184 : memref<10000x128xf32, #tpu.memory_space<vmem_shared>>)
      %add3A_187 = arith.constant 19968 : i32
      %add3A_188 = arith.addi %mul3A_0, %add3A_187 : i32
      %dma_start3A_189 = arith.constant 0 : i32
      %dma_start3A_190 = arith.constant 0 : i32
      %dma_start3A_191 = tpu.memref_slice %arg3[%add3A_188] : memref<320000xi32, #tpu.memory_space<hbm>> -> memref<32xi32, #tpu.memory_space<hbm>>
      %dma_start3A_192 = tpu.memref_slice %arg12[%dma_start3A_189, %dma_start3A_190] : memref<4x3x!tpu.dma_semaphore, #tpu.memory_space<semaphore_mem>> -> memref<1x1x!tpu.dma_semaphore, #tpu.memory_space<semaphore_mem>>
      %dma_start3A_193 = tpu.memref_squeeze %dma_start3A_192 : memref<1x1x!tpu.dma_semaphore, #tpu.memory_space<semaphore_mem>> -> memref<!tpu.dma_semaphore, #tpu.memory_space<semaphore_mem>>
      %dma_start3A_194 = tpu.memref_slice %arg3[%add3A_188] : memref<320000xi32, #tpu.memory_space<hbm>> -> memref<32xi32, #tpu.memory_space<hbm>>
      tpu.enqueue_dma source(%dma_start3A_194 : memref<32xi32, #tpu.memory_space<hbm>>) target(%arg9 : memref<32xi32, #tpu.memory_space<vmem>>) target_semaphore(%dma_start3A_193 : memref<!tpu.dma_semaphore, #tpu.memory_space<semaphore_mem>>)
      %dma_start3A_195 = arith.constant 1 : i32
      %dma_start3A_196 = arith.constant 0 : i32
      %dma_start3A_197 = tpu.memref_slice %arg4[%add3A_188] : memref<320000xi32, #tpu.memory_space<hbm>> -> memref<32xi32, #tpu.memory_space<hbm>>
      %dma_start3A_198 = tpu.memref_slice %arg12[%dma_start3A_195, %dma_start3A_196] : memref<4x3x!tpu.dma_semaphore, #tpu.memory_space<semaphore_mem>> -> memref<1x1x!tpu.dma_semaphore, #tpu.memory_space<semaphore_mem>>
      %dma_start3A_199 = tpu.memref_squeeze %dma_start3A_198 : memref<1x1x!tpu.dma_semaphore, #tpu.memory_space<semaphore_mem>> -> memref<!tpu.dma_semaphore, #tpu.memory_space<semaphore_mem>>
      %dma_start3A_200 = tpu.memref_slice %arg4[%add3A_188] : memref<320000xi32, #tpu.memory_space<hbm>> -> memref<32xi32, #tpu.memory_space<hbm>>
      tpu.enqueue_dma source(%dma_start3A_200 : memref<32xi32, #tpu.memory_space<hbm>>) target(%arg10 : memref<32xi32, #tpu.memory_space<vmem>>) target_semaphore(%dma_start3A_199 : memref<!tpu.dma_semaphore, #tpu.memory_space<semaphore_mem>>)
      %dma_wait3A_201 = arith.constant 0 : i32
      %dma_wait3A_202 = arith.constant 0 : i32
      %dma_wait3A_203 = tpu.memref_slice %arg3[%add3A_188] : memref<320000xi32, #tpu.memory_space<hbm>> -> memref<32xi32, #tpu.memory_space<hbm>>
      %dma_wait3A_204 = tpu.memref_slice %arg12[%dma_wait3A_201, %dma_wait3A_202] : memref<4x3x!tpu.dma_semaphore, #tpu.memory_space<semaphore_mem>> -> memref<1x1x!tpu.dma_semaphore, #tpu.memory_space<semaphore_mem>>
      %dma_wait3A_205 = tpu.memref_squeeze %dma_wait3A_204 : memref<1x1x!tpu.dma_semaphore, #tpu.memory_space<semaphore_mem>> -> memref<!tpu.dma_semaphore, #tpu.memory_space<semaphore_mem>>
      %dma_wait3A_206 = tpu.memref_slice %arg3[%add3A_188] : memref<320000xi32, #tpu.memory_space<hbm>> -> memref<32xi32, #tpu.memory_space<hbm>>
      tpu.wait_dma2 semaphore(%dma_wait3A_205 : memref<!tpu.dma_semaphore, #tpu.memory_space<semaphore_mem>>) src(%dma_wait3A_206 : memref<32xi32, #tpu.memory_space<hbm>>) dst(%arg9 : memref<32xi32, #tpu.memory_space<vmem>>)
      %dma_start3A_207 = arith.constant 1 : i32
      %dma_start3A_208 = arith.constant 0 : i32
      %dma_start3A_209 = arith.constant 2 : i32
      %dma_start3A_210 = arith.constant 0 : i32
      %dma_start3A_211 = arith.constant 0 : i32
      %dma_start3A_212 = arith.constant 0 : i32
      %dma_start3A_213 = tpu.memref_slice %arg8[%dma_start3A_208, %dma_start3A_211, %dma_start3A_212] : memref<3x128x128xf32, #tpu.memory_space<vmem>> -> memref<1x32x128xf32, #tpu.memory_space<vmem>>
      %dma_start3A_214 = tpu.memref_squeeze %dma_start3A_213 : memref<1x32x128xf32, #tpu.memory_space<vmem>> -> memref<32x128xf32, #tpu.memory_space<vmem>>
      %dma_start3A_215 = arith.constant 0 : i32
      %dma_start3A_216 = arith.constant 0 : i32
      %dma_start3A_217 = tpu.memref_slice %arg2[%dma_start3A_207, %dma_start3A_215, %dma_start3A_216] : memref<2x10000x128xf32, #tpu.memory_space<hbm>> -> memref<1x10000x128xf32, #tpu.memory_space<hbm>>
      %dma_start3A_218 = tpu.memref_squeeze %dma_start3A_217 : memref<1x10000x128xf32, #tpu.memory_space<hbm>> -> memref<10000x128xf32, #tpu.memory_space<hbm>>
      %dma_start3A_219 = arith.constant 0 : i32
      %dma_start3A_220 = arith.constant 0 : i32
      %dma_start3A_221 = tpu.memref_slice %dma_start3A_218[%dma_start3A_219, %dma_start3A_220] : memref<10000x128xf32, #tpu.memory_space<hbm>> -> memref<10000x128xf32, #tpu.memory_space<hbm>>
      %dma_start3A_222 = tpu.memref_slice %arg12[%dma_start3A_209, %dma_start3A_210] : memref<4x3x!tpu.dma_semaphore, #tpu.memory_space<semaphore_mem>> -> memref<1x1x!tpu.dma_semaphore, #tpu.memory_space<semaphore_mem>>
      %dma_start3A_223 = tpu.memref_squeeze %dma_start3A_222 : memref<1x1x!tpu.dma_semaphore, #tpu.memory_space<semaphore_mem>> -> memref<!tpu.dma_semaphore, #tpu.memory_space<semaphore_mem>>
      tpu.enqueue_indirect_dma source(%dma_start3A_221 : memref<10000x128xf32, #tpu.memory_space<hbm>>) target(%dma_start3A_214 : memref<32x128xf32, #tpu.memory_space<vmem>>) offsets(%arg9 : memref<32xi32, #tpu.memory_space<vmem>>) semaphore(%dma_start3A_223 : memref<!tpu.dma_semaphore, #tpu.memory_space<semaphore_mem>>)
      %dma_wait3A_224 = arith.constant 1 : i32
      %dma_wait3A_225 = arith.constant 0 : i32
      %dma_wait3A_226 = arith.constant 2 : i32
      %dma_wait3A_227 = arith.constant 0 : i32
      %dma_wait3A_228 = arith.constant 0 : i32
      %dma_wait3A_229 = arith.constant 0 : i32
      %dma_wait3A_230 = tpu.memref_slice %arg8[%dma_wait3A_225, %dma_wait3A_228, %dma_wait3A_229] : memref<3x128x128xf32, #tpu.memory_space<vmem>> -> memref<1x32x128xf32, #tpu.memory_space<vmem>>
      %dma_wait3A_231 = tpu.memref_squeeze %dma_wait3A_230 : memref<1x32x128xf32, #tpu.memory_space<vmem>> -> memref<32x128xf32, #tpu.memory_space<vmem>>
      %dma_wait3A_232 = arith.constant 0 : i32
      %dma_wait3A_233 = arith.constant 0 : i32
      %dma_wait3A_234 = tpu.memref_slice %arg2[%dma_wait3A_224, %dma_wait3A_232, %dma_wait3A_233] : memref<2x10000x128xf32, #tpu.memory_space<hbm>> -> memref<1x10000x128xf32, #tpu.memory_space<hbm>>
      %dma_wait3A_235 = tpu.memref_squeeze %dma_wait3A_234 : memref<1x10000x128xf32, #tpu.memory_space<hbm>> -> memref<10000x128xf32, #tpu.memory_space<hbm>>
      %dma_wait3A_236 = arith.constant 0 : i32
      %dma_wait3A_237 = arith.constant 0 : i32
      %dma_wait3A_238 = tpu.memref_slice %dma_wait3A_235[%dma_wait3A_236, %dma_wait3A_237] : memref<10000x128xf32, #tpu.memory_space<hbm>> -> memref<10000x128xf32, #tpu.memory_space<hbm>>
      %dma_wait3A_239 = tpu.memref_slice %arg12[%dma_wait3A_226, %dma_wait3A_227] : memref<4x3x!tpu.dma_semaphore, #tpu.memory_space<semaphore_mem>> -> memref<1x1x!tpu.dma_semaphore, #tpu.memory_space<semaphore_mem>>
      %dma_wait3A_240 = tpu.memref_squeeze %dma_wait3A_239 : memref<1x1x!tpu.dma_semaphore, #tpu.memory_space<semaphore_mem>> -> memref<!tpu.dma_semaphore, #tpu.memory_space<semaphore_mem>>
      tpu.wait_indirect_dma semaphore(%dma_wait3A_240 : memref<!tpu.dma_semaphore, #tpu.memory_space<semaphore_mem>>) src(%dma_wait3A_238 : memref<10000x128xf32, #tpu.memory_space<hbm>>) dst(%dma_wait3A_231 : memref<32x128xf32, #tpu.memory_space<vmem>>)
      %dma_wait3A_241 = arith.constant 1 : i32
      %dma_wait3A_242 = arith.constant 0 : i32
      %dma_wait3A_243 = tpu.memref_slice %arg4[%add3A_188] : memref<320000xi32, #tpu.memory_space<hbm>> -> memref<32xi32, #tpu.memory_space<hbm>>
      %dma_wait3A_244 = tpu.memref_slice %arg12[%dma_wait3A_241, %dma_wait3A_242] : memref<4x3x!tpu.dma_semaphore, #tpu.memory_space<semaphore_mem>> -> memref<1x1x!tpu.dma_semaphore, #tpu.memory_space<semaphore_mem>>
      %dma_wait3A_245 = tpu.memref_squeeze %dma_wait3A_244 : memref<1x1x!tpu.dma_semaphore, #tpu.memory_space<semaphore_mem>> -> memref<!tpu.dma_semaphore, #tpu.memory_space<semaphore_mem>>
      %dma_wait3A_246 = tpu.memref_slice %arg4[%add3A_188] : memref<320000xi32, #tpu.memory_space<hbm>> -> memref<32xi32, #tpu.memory_space<hbm>>
      tpu.wait_dma2 semaphore(%dma_wait3A_245 : memref<!tpu.dma_semaphore, #tpu.memory_space<semaphore_mem>>) src(%dma_wait3A_246 : memref<32xi32, #tpu.memory_space<hbm>>) dst(%arg10 : memref<32xi32, #tpu.memory_space<vmem>>)
      %run_scoped3A_247 = arith.constant 0 : i32
      "tpu.region"() ({
        %run_scoped3A_249 = tpu.sem_alloc : memref<!tpu.dma_semaphore, #tpu.memory_space<semaphore_mem>>
        %dma_start3A_250 = arith.constant 0 : i32
        %dma_start3A_251 = arith.constant 0 : i32
        %dma_start3A_252 = tpu.memref_slice %arg8[%run_scoped3A_247, %dma_start3A_250, %dma_start3A_251] : memref<3x128x128xf32, #tpu.memory_space<vmem>> -> memref<1x32x128xf32, #tpu.memory_space<vmem>>
        %dma_start3A_253 = tpu.memref_squeeze %dma_start3A_252 : memref<1x32x128xf32, #tpu.memory_space<vmem>> -> memref<32x128xf32, #tpu.memory_space<vmem>>
        %dma_start3A_254 = arith.constant 0 : i32
        %dma_start3A_255 = arith.constant 0 : i32
        %dma_start3A_256 = tpu.memref_slice %arg11[%dma_start3A_254, %dma_start3A_255] : memref<10000x128xf32, #tpu.memory_space<vmem_shared>> -> memref<10000x128xf32, #tpu.memory_space<vmem_shared>>
        tpu.enqueue_indirect_dma source(%dma_start3A_253 : memref<32x128xf32, #tpu.memory_space<vmem>>) target(%dma_start3A_256 : memref<10000x128xf32, #tpu.memory_space<vmem_shared>>) offsets(%arg10 : memref<32xi32, #tpu.memory_space<vmem>>) semaphore(%run_scoped3A_249 : memref<!tpu.dma_semaphore, #tpu.memory_space<semaphore_mem>>) {add = true}
        %dma_wait3A_257 = arith.constant 0 : i32
        %dma_wait3A_258 = arith.constant 0 : i32
        %dma_wait3A_259 = tpu.memref_slice %arg8[%run_scoped3A_247, %dma_wait3A_257, %dma_wait3A_258] : memref<3x128x128xf32, #tpu.memory_space<vmem>> -> memref<1x32x128xf32, #tpu.memory_space<vmem>>
        %dma_wait3A_260 = tpu.memref_squeeze %dma_wait3A_259 : memref<1x32x128xf32, #tpu.memory_space<vmem>> -> memref<32x128xf32, #tpu.memory_space<vmem>>
        %dma_wait3A_261 = arith.constant 0 : i32
        %dma_wait3A_262 = arith.constant 0 : i32
        %dma_wait3A_263 = tpu.memref_slice %arg11[%dma_wait3A_261, %dma_wait3A_262] : memref<10000x128xf32, #tpu.memory_space<vmem_shared>> -> memref<10000x128xf32, #tpu.memory_space<vmem_shared>>
        tpu.wait_indirect_dma semaphore(%run_scoped3A_249 : memref<!tpu.dma_semaphore, #tpu.memory_space<semaphore_mem>>) src(%dma_wait3A_260 : memref<32x128xf32, #tpu.memory_space<vmem>>) dst(%dma_wait3A_263 : memref<10000x128xf32, #tpu.memory_space<vmem_shared>>)
        tpu.yield
      }) : () -> ()
      %barrier3A_248 = arith.constant 0 : index
      tpu.barrier barrier_id(%barrier3A_248)
    } else {
    }
    %mul3A_7 = arith.constant 624 : i32
    %mul3A_8 = arith.muli %arg1, %mul3A_7 : i32
    "tpu.region"() ({
      %run_scoped3A = tpu.sem_alloc : memref<!tpu.dma_semaphore, #tpu.memory_space<semaphore_mem>>
      %dma_start3A = arith.constant 0 : i32
      %dma_start3A_14 = arith.constant 0 : i32
      %dma_start3A_15 = tpu.memref_slice %arg5[%arg0, %dma_start3A, %dma_start3A_14] : memref<2x10000x128xf32, #tpu.memory_space<hbm>> -> memref<1x10000x128xf32, #tpu.memory_space<hbm>>
      %dma_start3A_16 = tpu.memref_squeeze %dma_start3A_15 : memref<1x10000x128xf32, #tpu.memory_space<hbm>> -> memref<10000x128xf32, #tpu.memory_space<hbm>>
      %dma_start3A_17 = arith.constant 0 : i32
      %dma_start3A_18 = tpu.memref_slice %dma_start3A_16[%mul3A_8, %dma_start3A_17] : memref<10000x128xf32, #tpu.memory_space<hbm>> -> memref<624x128xf32, #tpu.memory_space<hbm>>
      %dma_start3A_19 = arith.constant 0 : i32
      %dma_start3A_20 = tpu.memref_slice %arg11[%mul3A_8, %dma_start3A_19] : memref<10000x128xf32, #tpu.memory_space<vmem_shared>> -> memref<624x128xf32, #tpu.memory_space<vmem_shared>>
      tpu.enqueue_dma source(%dma_start3A_20 : memref<624x128xf32, #tpu.memory_space<vmem_shared>>) target(%dma_start3A_18 : memref<624x128xf32, #tpu.memory_space<hbm>>) target_semaphore(%run_scoped3A : memref<!tpu.dma_semaphore, #tpu.memory_space<semaphore_mem>>)
      %dma_wait3A = arith.constant 0 : i32
      %dma_wait3A_21 = arith.constant 0 : i32
      %dma_wait3A_22 = tpu.memref_slice %arg5[%arg0, %dma_wait3A, %dma_wait3A_21] : memref<2x10000x128xf32, #tpu.memory_space<hbm>> -> memref<1x10000x128xf32, #tpu.memory_space<hbm>>
      %dma_wait3A_23 = tpu.memref_squeeze %dma_wait3A_22 : memref<1x10000x128xf32, #tpu.memory_space<hbm>> -> memref<10000x128xf32, #tpu.memory_space<hbm>>
      %dma_wait3A_24 = arith.constant 0 : i32
      %dma_wait3A_25 = tpu.memref_slice %dma_wait3A_23[%mul3A_8, %dma_wait3A_24] : memref<10000x128xf32, #tpu.memory_space<hbm>> -> memref<624x128xf32, #tpu.memory_space<hbm>>
      %dma_wait3A_26 = arith.constant 0 : i32
      %dma_wait3A_27 = tpu.memref_slice %arg11[%mul3A_8, %dma_wait3A_26] : memref<10000x128xf32, #tpu.memory_space<vmem_shared>> -> memref<624x128xf32, #tpu.memory_space<vmem_shared>>
      tpu.wait_dma2 semaphore(%run_scoped3A : memref<!tpu.dma_semaphore, #tpu.memory_space<semaphore_mem>>) src(%dma_wait3A_27 : memref<624x128xf32, #tpu.memory_space<vmem_shared>>) dst(%dma_wait3A_25 : memref<624x128xf32, #tpu.memory_space<hbm>>)
      tpu.yield
    }) : () -> ()
    %eq3A_9 = arith.constant 0 : i32
    %eq3A_10 = arith.cmpi eq, %arg1, %eq3A_9 : i32
    %convert_element_type3A_11 = arith.extui %eq3A_10 : i1 to i32
    %cond3A_12 = arith.constant 0 : i32
    %cond3A_13 = arith.cmpi ne, %convert_element_type3A_11, %cond3A_12 : i32
    scf.if %cond3A_13 {
      "tpu.region"() ({
        %run_scoped3A = tpu.sem_alloc : memref<!tpu.dma_semaphore, #tpu.memory_space<semaphore_mem>>
        %dma_start3A = arith.constant 0 : i32
        %dma_start3A_14 = arith.constant 0 : i32
        %dma_start3A_15 = tpu.memref_slice %arg5[%arg0, %dma_start3A, %dma_start3A_14] : memref<2x10000x128xf32, #tpu.memory_space<hbm>> -> memref<1x10000x128xf32, #tpu.memory_space<hbm>>
        %dma_start3A_16 = tpu.memref_squeeze %dma_start3A_15 : memref<1x10000x128xf32, #tpu.memory_space<hbm>> -> memref<10000x128xf32, #tpu.memory_space<hbm>>
        %dma_start3A_17 = arith.constant 9984 : i32
        %dma_start3A_18 = arith.constant 0 : i32
        %dma_start3A_19 = tpu.memref_slice %dma_start3A_16[%dma_start3A_17, %dma_start3A_18] : memref<10000x128xf32, #tpu.memory_space<hbm>> -> memref<16x128xf32, #tpu.memory_space<hbm>>
        %dma_start3A_20 = arith.constant 9984 : i32
        %dma_start3A_21 = arith.constant 0 : i32
        %dma_start3A_22 = tpu.memref_slice %arg11[%dma_start3A_20, %dma_start3A_21] : memref<10000x128xf32, #tpu.memory_space<vmem_shared>> -> memref<16x128xf32, #tpu.memory_space<vmem_shared>>
        tpu.enqueue_dma source(%dma_start3A_22 : memref<16x128xf32, #tpu.memory_space<vmem_shared>>) target(%dma_start3A_19 : memref<16x128xf32, #tpu.memory_space<hbm>>) target_semaphore(%run_scoped3A : memref<!tpu.dma_semaphore, #tpu.memory_space<semaphore_mem>>)
        %dma_wait3A = arith.constant 0 : i32
        %dma_wait3A_23 = arith.constant 0 : i32
        %dma_wait3A_24 = tpu.memref_slice %arg5[%arg0, %dma_wait3A, %dma_wait3A_23] : memref<2x10000x128xf32, #tpu.memory_space<hbm>> -> memref<1x10000x128xf32, #tpu.memory_space<hbm>>
        %dma_wait3A_25 = tpu.memref_squeeze %dma_wait3A_24 : memref<1x10000x128xf32, #tpu.memory_space<hbm>> -> memref<10000x128xf32, #tpu.memory_space<hbm>>
        %dma_wait3A_26 = arith.constant 9984 : i32
        %dma_wait3A_27 = arith.constant 0 : i32
        %dma_wait3A_28 = tpu.memref_slice %dma_wait3A_25[%dma_wait3A_26, %dma_wait3A_27] : memref<10000x128xf32, #tpu.memory_space<hbm>> -> memref<16x128xf32, #tpu.memory_space<hbm>>
        %dma_wait3A_29 = arith.constant 9984 : i32
        %dma_wait3A_30 = arith.constant 0 : i32
        %dma_wait3A_31 = tpu.memref_slice %arg11[%dma_wait3A_29, %dma_wait3A_30] : memref<10000x128xf32, #tpu.memory_space<vmem_shared>> -> memref<16x128xf32, #tpu.memory_space<vmem_shared>>
        tpu.wait_dma2 semaphore(%run_scoped3A : memref<!tpu.dma_semaphore, #tpu.memory_space<semaphore_mem>>) src(%dma_wait3A_31 : memref<16x128xf32, #tpu.memory_space<vmem_shared>>) dst(%dma_wait3A_28 : memref<16x128xf32, #tpu.memory_space<hbm>>)
        tpu.yield
      }) : () -> ()
    } else {
    }
    return
  }
}

#map = affine_map<(d0, d1) -> (0, 0)>
#map1 = affine_map<(d0, d1) -> (0)>
#map2 = affine_map<(d0, d1) -> (0, 0, 0)>
module attributes {stable_mosaic.version = 14 : i64} {
  func.func @k(%arg0: i32, %arg1: i32, %arg2: memref<10000x128xf32, #tpu.memory_space<hbm>>, %arg3: memref<320000xi32, #tpu.memory_space<hbm>>, %arg4: memref<320000xi32, #tpu.memory_space<hbm>>, %arg5: memref<10000x128xf32, #tpu.memory_space<hbm>>, %arg6: memref<2x10000x128xf32, #tpu.memory_space<hbm>>, %arg7: memref<3x128xi32, #tpu.memory_space<vmem>>, %arg8: memref<3x128xi32, #tpu.memory_space<vmem>>, %arg9: memref<3x128x128xf32, #tpu.memory_space<vmem>>, %arg10: memref<16xi32, #tpu.memory_space<vmem>>, %arg11: memref<16xi32, #tpu.memory_space<vmem>>, %arg12: memref<10000x128xf32, #tpu.memory_space<vmem_shared>>, %arg13: memref<4x3x!tpu.dma_semaphore, #tpu.memory_space<semaphore_mem>>) attributes {dimension_semantics = [#tpu.dimension_semantics<core_parallel>, #tpu.dimension_semantics<subcore_parallel>], iteration_bounds = array<i64: 2, 16>, scalar_prefetch = 0 : i64, scratch_operands = 7 : i64, tpu.core_type = #tpu.core_type<sc_vector_subcore>, window_params = [{transform_indices = #map}, {transform_indices = #map1}, {transform_indices = #map1}, {transform_indices = #map}, {transform_indices = #map2}]} {
    %mul3A = arith.constant 16 : i32
    %mul3A_0 = arith.muli %arg0, %mul3A : i32
    %add3A = arith.addi %mul3A_0, %arg1 : i32
    %mul3A_1 = arith.constant 10000 : i32
    %mul3A_2 = arith.muli %add3A, %mul3A_1 : i32
    %add3A_3 = arith.constant 0 : i32
    %add3A_4 = arith.addi %mul3A_2, %add3A_3 : i32
    %dma_start3A = arith.constant 0 : i32
    %dma_start3A_5 = arith.constant 0 : i32
    %dma_start3A_6 = arith.constant 0 : i32
    %dma_start3A_7 = arith.constant 0 : i32
    %dma_start3A_8 = tpu.memref_slice %arg7[%dma_start3A, %dma_start3A_7] : memref<3x128xi32, #tpu.memory_space<vmem>> -> memref<1x128xi32, #tpu.memory_space<vmem>>
    %dma_start3A_9 = tpu.memref_squeeze %dma_start3A_8 : memref<1x128xi32, #tpu.memory_space<vmem>> -> memref<128xi32, #tpu.memory_space<vmem>>
    %dma_start3A_10 = tpu.memref_slice %arg3[%add3A_4] : memref<320000xi32, #tpu.memory_space<hbm>> -> memref<128xi32, #tpu.memory_space<hbm>>
    %dma_start3A_11 = tpu.memref_slice %arg13[%dma_start3A_5, %dma_start3A_6] : memref<4x3x!tpu.dma_semaphore, #tpu.memory_space<semaphore_mem>> -> memref<1x1x!tpu.dma_semaphore, #tpu.memory_space<semaphore_mem>>
    %dma_start3A_12 = tpu.memref_squeeze %dma_start3A_11 : memref<1x1x!tpu.dma_semaphore, #tpu.memory_space<semaphore_mem>> -> memref<!tpu.dma_semaphore, #tpu.memory_space<semaphore_mem>>
    %dma_start3A_13 = arith.constant 0 : i32
    %dma_start3A_14 = tpu.memref_slice %arg7[%dma_start3A, %dma_start3A_13] : memref<3x128xi32, #tpu.memory_space<vmem>> -> memref<1x128xi32, #tpu.memory_space<vmem>>
    %dma_start3A_15 = tpu.memref_squeeze %dma_start3A_14 : memref<1x128xi32, #tpu.memory_space<vmem>> -> memref<128xi32, #tpu.memory_space<vmem>>
    %dma_start3A_16 = tpu.memref_slice %arg3[%add3A_4] : memref<320000xi32, #tpu.memory_space<hbm>> -> memref<128xi32, #tpu.memory_space<hbm>>
    tpu.enqueue_dma source(%dma_start3A_16 : memref<128xi32, #tpu.memory_space<hbm>>) target(%dma_start3A_15 : memref<128xi32, #tpu.memory_space<vmem>>) target_semaphore(%dma_start3A_12 : memref<!tpu.dma_semaphore, #tpu.memory_space<semaphore_mem>>)
    %add3A_17 = arith.constant 128 : i32
    %add3A_18 = arith.addi %mul3A_2, %add3A_17 : i32
    %dma_start3A_19 = arith.constant 1 : i32
    %dma_start3A_20 = arith.constant 0 : i32
    %dma_start3A_21 = arith.constant 1 : i32
    %dma_start3A_22 = arith.constant 0 : i32
    %dma_start3A_23 = tpu.memref_slice %arg7[%dma_start3A_19, %dma_start3A_22] : memref<3x128xi32, #tpu.memory_space<vmem>> -> memref<1x128xi32, #tpu.memory_space<vmem>>
    %dma_start3A_24 = tpu.memref_squeeze %dma_start3A_23 : memref<1x128xi32, #tpu.memory_space<vmem>> -> memref<128xi32, #tpu.memory_space<vmem>>
    %dma_start3A_25 = tpu.memref_slice %arg3[%add3A_18] : memref<320000xi32, #tpu.memory_space<hbm>> -> memref<128xi32, #tpu.memory_space<hbm>>
    %dma_start3A_26 = tpu.memref_slice %arg13[%dma_start3A_20, %dma_start3A_21] : memref<4x3x!tpu.dma_semaphore, #tpu.memory_space<semaphore_mem>> -> memref<1x1x!tpu.dma_semaphore, #tpu.memory_space<semaphore_mem>>
    %dma_start3A_27 = tpu.memref_squeeze %dma_start3A_26 : memref<1x1x!tpu.dma_semaphore, #tpu.memory_space<semaphore_mem>> -> memref<!tpu.dma_semaphore, #tpu.memory_space<semaphore_mem>>
    %dma_start3A_28 = arith.constant 0 : i32
    %dma_start3A_29 = tpu.memref_slice %arg7[%dma_start3A_19, %dma_start3A_28] : memref<3x128xi32, #tpu.memory_space<vmem>> -> memref<1x128xi32, #tpu.memory_space<vmem>>
    %dma_start3A_30 = tpu.memref_squeeze %dma_start3A_29 : memref<1x128xi32, #tpu.memory_space<vmem>> -> memref<128xi32, #tpu.memory_space<vmem>>
    %dma_start3A_31 = tpu.memref_slice %arg3[%add3A_18] : memref<320000xi32, #tpu.memory_space<hbm>> -> memref<128xi32, #tpu.memory_space<hbm>>
    tpu.enqueue_dma source(%dma_start3A_31 : memref<128xi32, #tpu.memory_space<hbm>>) target(%dma_start3A_30 : memref<128xi32, #tpu.memory_space<vmem>>) target_semaphore(%dma_start3A_27 : memref<!tpu.dma_semaphore, #tpu.memory_space<semaphore_mem>>)
    %add3A_32 = arith.constant 256 : i32
    %add3A_33 = arith.addi %mul3A_2, %add3A_32 : i32
    %dma_start3A_34 = arith.constant 2 : i32
    %dma_start3A_35 = arith.constant 0 : i32
    %dma_start3A_36 = arith.constant 2 : i32
    %dma_start3A_37 = arith.constant 0 : i32
    %dma_start3A_38 = tpu.memref_slice %arg7[%dma_start3A_34, %dma_start3A_37] : memref<3x128xi32, #tpu.memory_space<vmem>> -> memref<1x128xi32, #tpu.memory_space<vmem>>
    %dma_start3A_39 = tpu.memref_squeeze %dma_start3A_38 : memref<1x128xi32, #tpu.memory_space<vmem>> -> memref<128xi32, #tpu.memory_space<vmem>>
    %dma_start3A_40 = tpu.memref_slice %arg3[%add3A_33] : memref<320000xi32, #tpu.memory_space<hbm>> -> memref<128xi32, #tpu.memory_space<hbm>>
    %dma_start3A_41 = tpu.memref_slice %arg13[%dma_start3A_35, %dma_start3A_36] : memref<4x3x!tpu.dma_semaphore, #tpu.memory_space<semaphore_mem>> -> memref<1x1x!tpu.dma_semaphore, #tpu.memory_space<semaphore_mem>>
    %dma_start3A_42 = tpu.memref_squeeze %dma_start3A_41 : memref<1x1x!tpu.dma_semaphore, #tpu.memory_space<semaphore_mem>> -> memref<!tpu.dma_semaphore, #tpu.memory_space<semaphore_mem>>
    %dma_start3A_43 = arith.constant 0 : i32
    %dma_start3A_44 = tpu.memref_slice %arg7[%dma_start3A_34, %dma_start3A_43] : memref<3x128xi32, #tpu.memory_space<vmem>> -> memref<1x128xi32, #tpu.memory_space<vmem>>
    %dma_start3A_45 = tpu.memref_squeeze %dma_start3A_44 : memref<1x128xi32, #tpu.memory_space<vmem>> -> memref<128xi32, #tpu.memory_space<vmem>>
    %dma_start3A_46 = tpu.memref_slice %arg3[%add3A_33] : memref<320000xi32, #tpu.memory_space<hbm>> -> memref<128xi32, #tpu.memory_space<hbm>>
    tpu.enqueue_dma source(%dma_start3A_46 : memref<128xi32, #tpu.memory_space<hbm>>) target(%dma_start3A_45 : memref<128xi32, #tpu.memory_space<vmem>>) target_semaphore(%dma_start3A_42 : memref<!tpu.dma_semaphore, #tpu.memory_space<semaphore_mem>>)
    %add3A_47 = arith.constant 0 : i32
    %add3A_48 = arith.addi %mul3A_2, %add3A_47 : i32
    %dma_start3A_49 = arith.constant 0 : i32
    %dma_start3A_50 = arith.constant 1 : i32
    %dma_start3A_51 = arith.constant 0 : i32
    %dma_start3A_52 = arith.constant 0 : i32
    %dma_start3A_53 = tpu.memref_slice %arg8[%dma_start3A_49, %dma_start3A_52] : memref<3x128xi32, #tpu.memory_space<vmem>> -> memref<1x128xi32, #tpu.memory_space<vmem>>
    %dma_start3A_54 = tpu.memref_squeeze %dma_start3A_53 : memref<1x128xi32, #tpu.memory_space<vmem>> -> memref<128xi32, #tpu.memory_space<vmem>>
    %dma_start3A_55 = tpu.memref_slice %arg4[%add3A_48] : memref<320000xi32, #tpu.memory_space<hbm>> -> memref<128xi32, #tpu.memory_space<hbm>>
    %dma_start3A_56 = tpu.memref_slice %arg13[%dma_start3A_50, %dma_start3A_51] : memref<4x3x!tpu.dma_semaphore, #tpu.memory_space<semaphore_mem>> -> memref<1x1x!tpu.dma_semaphore, #tpu.memory_space<semaphore_mem>>
    %dma_start3A_57 = tpu.memref_squeeze %dma_start3A_56 : memref<1x1x!tpu.dma_semaphore, #tpu.memory_space<semaphore_mem>> -> memref<!tpu.dma_semaphore, #tpu.memory_space<semaphore_mem>>
    %dma_start3A_58 = arith.constant 0 : i32
    %dma_start3A_59 = tpu.memref_slice %arg8[%dma_start3A_49, %dma_start3A_58] : memref<3x128xi32, #tpu.memory_space<vmem>> -> memref<1x128xi32, #tpu.memory_space<vmem>>
    %dma_start3A_60 = tpu.memref_squeeze %dma_start3A_59 : memref<1x128xi32, #tpu.memory_space<vmem>> -> memref<128xi32, #tpu.memory_space<vmem>>
    %dma_start3A_61 = tpu.memref_slice %arg4[%add3A_48] : memref<320000xi32, #tpu.memory_space<hbm>> -> memref<128xi32, #tpu.memory_space<hbm>>
    tpu.enqueue_dma source(%dma_start3A_61 : memref<128xi32, #tpu.memory_space<hbm>>) target(%dma_start3A_60 : memref<128xi32, #tpu.memory_space<vmem>>) target_semaphore(%dma_start3A_57 : memref<!tpu.dma_semaphore, #tpu.memory_space<semaphore_mem>>)
    %add3A_62 = arith.constant 128 : i32
    %add3A_63 = arith.addi %mul3A_2, %add3A_62 : i32
    %dma_start3A_64 = arith.constant 1 : i32
    %dma_start3A_65 = arith.constant 1 : i32
    %dma_start3A_66 = arith.constant 1 : i32
    %dma_start3A_67 = arith.constant 0 : i32
    %dma_start3A_68 = tpu.memref_slice %arg8[%dma_start3A_64, %dma_start3A_67] : memref<3x128xi32, #tpu.memory_space<vmem>> -> memref<1x128xi32, #tpu.memory_space<vmem>>
    %dma_start3A_69 = tpu.memref_squeeze %dma_start3A_68 : memref<1x128xi32, #tpu.memory_space<vmem>> -> memref<128xi32, #tpu.memory_space<vmem>>
    %dma_start3A_70 = tpu.memref_slice %arg4[%add3A_63] : memref<320000xi32, #tpu.memory_space<hbm>> -> memref<128xi32, #tpu.memory_space<hbm>>
    %dma_start3A_71 = tpu.memref_slice %arg13[%dma_start3A_65, %dma_start3A_66] : memref<4x3x!tpu.dma_semaphore, #tpu.memory_space<semaphore_mem>> -> memref<1x1x!tpu.dma_semaphore, #tpu.memory_space<semaphore_mem>>
    %dma_start3A_72 = tpu.memref_squeeze %dma_start3A_71 : memref<1x1x!tpu.dma_semaphore, #tpu.memory_space<semaphore_mem>> -> memref<!tpu.dma_semaphore, #tpu.memory_space<semaphore_mem>>
    %dma_start3A_73 = arith.constant 0 : i32
    %dma_start3A_74 = tpu.memref_slice %arg8[%dma_start3A_64, %dma_start3A_73] : memref<3x128xi32, #tpu.memory_space<vmem>> -> memref<1x128xi32, #tpu.memory_space<vmem>>
    %dma_start3A_75 = tpu.memref_squeeze %dma_start3A_74 : memref<1x128xi32, #tpu.memory_space<vmem>> -> memref<128xi32, #tpu.memory_space<vmem>>
    %dma_start3A_76 = tpu.memref_slice %arg4[%add3A_63] : memref<320000xi32, #tpu.memory_space<hbm>> -> memref<128xi32, #tpu.memory_space<hbm>>
    tpu.enqueue_dma source(%dma_start3A_76 : memref<128xi32, #tpu.memory_space<hbm>>) target(%dma_start3A_75 : memref<128xi32, #tpu.memory_space<vmem>>) target_semaphore(%dma_start3A_72 : memref<!tpu.dma_semaphore, #tpu.memory_space<semaphore_mem>>)
    %add3A_77 = arith.constant 0 : i32
    %add3A_78 = arith.addi %mul3A_2, %add3A_77 : i32
    %dma_wait3A = arith.constant 0 : i32
    %dma_wait3A_79 = arith.constant 0 : i32
    %dma_wait3A_80 = arith.constant 0 : i32
    %dma_wait3A_81 = arith.constant 0 : i32
    %dma_wait3A_82 = tpu.memref_slice %arg7[%dma_wait3A, %dma_wait3A_81] : memref<3x128xi32, #tpu.memory_space<vmem>> -> memref<1x128xi32, #tpu.memory_space<vmem>>
    %dma_wait3A_83 = tpu.memref_squeeze %dma_wait3A_82 : memref<1x128xi32, #tpu.memory_space<vmem>> -> memref<128xi32, #tpu.memory_space<vmem>>
    %dma_wait3A_84 = tpu.memref_slice %arg3[%add3A_78] : memref<320000xi32, #tpu.memory_space<hbm>> -> memref<128xi32, #tpu.memory_space<hbm>>
    %dma_wait3A_85 = tpu.memref_slice %arg13[%dma_wait3A_79, %dma_wait3A_80] : memref<4x3x!tpu.dma_semaphore, #tpu.memory_space<semaphore_mem>> -> memref<1x1x!tpu.dma_semaphore, #tpu.memory_space<semaphore_mem>>
    %dma_wait3A_86 = tpu.memref_squeeze %dma_wait3A_85 : memref<1x1x!tpu.dma_semaphore, #tpu.memory_space<semaphore_mem>> -> memref<!tpu.dma_semaphore, #tpu.memory_space<semaphore_mem>>
    %dma_wait3A_87 = arith.constant 0 : i32
    %dma_wait3A_88 = tpu.memref_slice %arg7[%dma_wait3A, %dma_wait3A_87] : memref<3x128xi32, #tpu.memory_space<vmem>> -> memref<1x128xi32, #tpu.memory_space<vmem>>
    %dma_wait3A_89 = tpu.memref_squeeze %dma_wait3A_88 : memref<1x128xi32, #tpu.memory_space<vmem>> -> memref<128xi32, #tpu.memory_space<vmem>>
    %dma_wait3A_90 = tpu.memref_slice %arg3[%add3A_78] : memref<320000xi32, #tpu.memory_space<hbm>> -> memref<128xi32, #tpu.memory_space<hbm>>
    tpu.wait_dma2 semaphore(%dma_wait3A_86 : memref<!tpu.dma_semaphore, #tpu.memory_space<semaphore_mem>>) src(%dma_wait3A_90 : memref<128xi32, #tpu.memory_space<hbm>>) dst(%dma_wait3A_89 : memref<128xi32, #tpu.memory_space<vmem>>)
    %dma_start3A_91 = arith.constant 0 : i32
    %dma_start3A_92 = arith.constant 0 : i32
    %dma_start3A_93 = arith.constant 2 : i32
    %dma_start3A_94 = arith.constant 0 : i32
    %dma_start3A_95 = arith.constant 0 : i32
    %dma_start3A_96 = arith.constant 0 : i32
    %dma_start3A_97 = tpu.memref_slice %arg9[%dma_start3A_92, %dma_start3A_95, %dma_start3A_96] : memref<3x128x128xf32, #tpu.memory_space<vmem>> -> memref<1x128x128xf32, #tpu.memory_space<vmem>>
    %dma_start3A_98 = tpu.memref_squeeze %dma_start3A_97 : memref<1x128x128xf32, #tpu.memory_space<vmem>> -> memref<128x128xf32, #tpu.memory_space<vmem>>
    %dma_start3A_99 = arith.constant 0 : i32
    %dma_start3A_100 = tpu.memref_slice %arg7[%dma_start3A_91, %dma_start3A_99] : memref<3x128xi32, #tpu.memory_space<vmem>> -> memref<1x128xi32, #tpu.memory_space<vmem>>
    %dma_start3A_101 = tpu.memref_squeeze %dma_start3A_100 : memref<1x128xi32, #tpu.memory_space<vmem>> -> memref<128xi32, #tpu.memory_space<vmem>>
    %dma_start3A_102 = arith.constant 0 : i32
    %dma_start3A_103 = arith.constant 0 : i32
    %dma_start3A_104 = tpu.memref_slice %arg2[%dma_start3A_102, %dma_start3A_103] : memref<10000x128xf32, #tpu.memory_space<hbm>> -> memref<10000x128xf32, #tpu.memory_space<hbm>>
    %dma_start3A_105 = tpu.memref_slice %arg13[%dma_start3A_93, %dma_start3A_94] : memref<4x3x!tpu.dma_semaphore, #tpu.memory_space<semaphore_mem>> -> memref<1x1x!tpu.dma_semaphore, #tpu.memory_space<semaphore_mem>>
    %dma_start3A_106 = tpu.memref_squeeze %dma_start3A_105 : memref<1x1x!tpu.dma_semaphore, #tpu.memory_space<semaphore_mem>> -> memref<!tpu.dma_semaphore, #tpu.memory_space<semaphore_mem>>
    tpu.enqueue_indirect_dma source(%dma_start3A_104 : memref<10000x128xf32, #tpu.memory_space<hbm>>) target(%dma_start3A_98 : memref<128x128xf32, #tpu.memory_space<vmem>>) offsets(%dma_start3A_101 : memref<128xi32, #tpu.memory_space<vmem>>) semaphore(%dma_start3A_106 : memref<!tpu.dma_semaphore, #tpu.memory_space<semaphore_mem>>)
    %add3A_107 = arith.constant 128 : i32
    %add3A_108 = arith.addi %mul3A_2, %add3A_107 : i32
    %dma_wait3A_109 = arith.constant 1 : i32
    %dma_wait3A_110 = arith.constant 0 : i32
    %dma_wait3A_111 = arith.constant 1 : i32
    %dma_wait3A_112 = arith.constant 0 : i32
    %dma_wait3A_113 = tpu.memref_slice %arg7[%dma_wait3A_109, %dma_wait3A_112] : memref<3x128xi32, #tpu.memory_space<vmem>> -> memref<1x128xi32, #tpu.memory_space<vmem>>
    %dma_wait3A_114 = tpu.memref_squeeze %dma_wait3A_113 : memref<1x128xi32, #tpu.memory_space<vmem>> -> memref<128xi32, #tpu.memory_space<vmem>>
    %dma_wait3A_115 = tpu.memref_slice %arg3[%add3A_108] : memref<320000xi32, #tpu.memory_space<hbm>> -> memref<128xi32, #tpu.memory_space<hbm>>
    %dma_wait3A_116 = tpu.memref_slice %arg13[%dma_wait3A_110, %dma_wait3A_111] : memref<4x3x!tpu.dma_semaphore, #tpu.memory_space<semaphore_mem>> -> memref<1x1x!tpu.dma_semaphore, #tpu.memory_space<semaphore_mem>>
    %dma_wait3A_117 = tpu.memref_squeeze %dma_wait3A_116 : memref<1x1x!tpu.dma_semaphore, #tpu.memory_space<semaphore_mem>> -> memref<!tpu.dma_semaphore, #tpu.memory_space<semaphore_mem>>
    %dma_wait3A_118 = arith.constant 0 : i32
    %dma_wait3A_119 = tpu.memref_slice %arg7[%dma_wait3A_109, %dma_wait3A_118] : memref<3x128xi32, #tpu.memory_space<vmem>> -> memref<1x128xi32, #tpu.memory_space<vmem>>
    %dma_wait3A_120 = tpu.memref_squeeze %dma_wait3A_119 : memref<1x128xi32, #tpu.memory_space<vmem>> -> memref<128xi32, #tpu.memory_space<vmem>>
    %dma_wait3A_121 = tpu.memref_slice %arg3[%add3A_108] : memref<320000xi32, #tpu.memory_space<hbm>> -> memref<128xi32, #tpu.memory_space<hbm>>
    tpu.wait_dma2 semaphore(%dma_wait3A_117 : memref<!tpu.dma_semaphore, #tpu.memory_space<semaphore_mem>>) src(%dma_wait3A_121 : memref<128xi32, #tpu.memory_space<hbm>>) dst(%dma_wait3A_120 : memref<128xi32, #tpu.memory_space<vmem>>)
    %dma_start3A_122 = arith.constant 1 : i32
    %dma_start3A_123 = arith.constant 1 : i32
    %dma_start3A_124 = arith.constant 2 : i32
    %dma_start3A_125 = arith.constant 1 : i32
    %dma_start3A_126 = arith.constant 0 : i32
    %dma_start3A_127 = arith.constant 0 : i32
    %dma_start3A_128 = tpu.memref_slice %arg9[%dma_start3A_123, %dma_start3A_126, %dma_start3A_127] : memref<3x128x128xf32, #tpu.memory_space<vmem>> -> memref<1x128x128xf32, #tpu.memory_space<vmem>>
    %dma_start3A_129 = tpu.memref_squeeze %dma_start3A_128 : memref<1x128x128xf32, #tpu.memory_space<vmem>> -> memref<128x128xf32, #tpu.memory_space<vmem>>
    %dma_start3A_130 = arith.constant 0 : i32
    %dma_start3A_131 = tpu.memref_slice %arg7[%dma_start3A_122, %dma_start3A_130] : memref<3x128xi32, #tpu.memory_space<vmem>> -> memref<1x128xi32, #tpu.memory_space<vmem>>
    %dma_start3A_132 = tpu.memref_squeeze %dma_start3A_131 : memref<1x128xi32, #tpu.memory_space<vmem>> -> memref<128xi32, #tpu.memory_space<vmem>>
    %dma_start3A_133 = arith.constant 0 : i32
    %dma_start3A_134 = arith.constant 0 : i32
    %dma_start3A_135 = tpu.memref_slice %arg2[%dma_start3A_133, %dma_start3A_134] : memref<10000x128xf32, #tpu.memory_space<hbm>> -> memref<10000x128xf32, #tpu.memory_space<hbm>>
    %dma_start3A_136 = tpu.memref_slice %arg13[%dma_start3A_124, %dma_start3A_125] : memref<4x3x!tpu.dma_semaphore, #tpu.memory_space<semaphore_mem>> -> memref<1x1x!tpu.dma_semaphore, #tpu.memory_space<semaphore_mem>>
    %dma_start3A_137 = tpu.memref_squeeze %dma_start3A_136 : memref<1x1x!tpu.dma_semaphore, #tpu.memory_space<semaphore_mem>> -> memref<!tpu.dma_semaphore, #tpu.memory_space<semaphore_mem>>
    tpu.enqueue_indirect_dma source(%dma_start3A_135 : memref<10000x128xf32, #tpu.memory_space<hbm>>) target(%dma_start3A_129 : memref<128x128xf32, #tpu.memory_space<vmem>>) offsets(%dma_start3A_132 : memref<128xi32, #tpu.memory_space<vmem>>) semaphore(%dma_start3A_137 : memref<!tpu.dma_semaphore, #tpu.memory_space<semaphore_mem>>)
    %eq3A = arith.constant 0 : i32
    %eq3A_138 = arith.cmpi eq, %arg0, %eq3A : i32
    %convert_element_type3A = arith.extui %eq3A_138 : i1 to i32
    %cond3A = arith.constant 0 : i32
    %cond3A_139 = arith.cmpi ne, %convert_element_type3A, %cond3A : i32
    scf.if %cond3A_139 {
      %mul3A_222 = arith.constant 624 : i32
      %mul3A_223 = arith.muli %arg1, %mul3A_222 : i32
      "tpu.region"() ({
        %run_scoped3A_229 = tpu.sem_alloc : memref<!tpu.dma_semaphore, #tpu.memory_space<semaphore_mem>>
        %dma_start3A_230 = arith.constant 0 : i32
        %dma_start3A_231 = tpu.memref_slice %arg12[%mul3A_223, %dma_start3A_230] : memref<10000x128xf32, #tpu.memory_space<vmem_shared>> -> memref<624x128xf32, #tpu.memory_space<vmem_shared>>
        %dma_start3A_232 = arith.constant 0 : i32
        %dma_start3A_233 = tpu.memref_slice %arg2[%mul3A_223, %dma_start3A_232] : memref<10000x128xf32, #tpu.memory_space<hbm>> -> memref<624x128xf32, #tpu.memory_space<hbm>>
        tpu.enqueue_dma source(%dma_start3A_233 : memref<624x128xf32, #tpu.memory_space<hbm>>) target(%dma_start3A_231 : memref<624x128xf32, #tpu.memory_space<vmem_shared>>) target_semaphore(%run_scoped3A_229 : memref<!tpu.dma_semaphore, #tpu.memory_space<semaphore_mem>>)
        %dma_wait3A_234 = arith.constant 0 : i32
        %dma_wait3A_235 = tpu.memref_slice %arg12[%mul3A_223, %dma_wait3A_234] : memref<10000x128xf32, #tpu.memory_space<vmem_shared>> -> memref<624x128xf32, #tpu.memory_space<vmem_shared>>
        %dma_wait3A_236 = arith.constant 0 : i32
        %dma_wait3A_237 = tpu.memref_slice %arg2[%mul3A_223, %dma_wait3A_236] : memref<10000x128xf32, #tpu.memory_space<hbm>> -> memref<624x128xf32, #tpu.memory_space<hbm>>
        tpu.wait_dma2 semaphore(%run_scoped3A_229 : memref<!tpu.dma_semaphore, #tpu.memory_space<semaphore_mem>>) src(%dma_wait3A_237 : memref<624x128xf32, #tpu.memory_space<hbm>>) dst(%dma_wait3A_235 : memref<624x128xf32, #tpu.memory_space<vmem_shared>>)
        tpu.yield
      }) : () -> ()
      %eq3A_224 = arith.constant 0 : i32
      %eq3A_225 = arith.cmpi eq, %arg1, %eq3A_224 : i32
      %convert_element_type3A_226 = arith.extui %eq3A_225 : i1 to i32
      %cond3A_227 = arith.constant 0 : i32
      %cond3A_228 = arith.cmpi ne, %convert_element_type3A_226, %cond3A_227 : i32
      scf.if %cond3A_228 {
        "tpu.region"() ({
          %run_scoped3A_229 = tpu.sem_alloc : memref<!tpu.dma_semaphore, #tpu.memory_space<semaphore_mem>>
          %dma_start3A_230 = arith.constant 9984 : i32
          %dma_start3A_231 = arith.constant 0 : i32
          %dma_start3A_232 = tpu.memref_slice %arg12[%dma_start3A_230, %dma_start3A_231] : memref<10000x128xf32, #tpu.memory_space<vmem_shared>> -> memref<16x128xf32, #tpu.memory_space<vmem_shared>>
          %dma_start3A_233 = arith.constant 9984 : i32
          %dma_start3A_234 = arith.constant 0 : i32
          %dma_start3A_235 = tpu.memref_slice %arg2[%dma_start3A_233, %dma_start3A_234] : memref<10000x128xf32, #tpu.memory_space<hbm>> -> memref<16x128xf32, #tpu.memory_space<hbm>>
          tpu.enqueue_dma source(%dma_start3A_235 : memref<16x128xf32, #tpu.memory_space<hbm>>) target(%dma_start3A_232 : memref<16x128xf32, #tpu.memory_space<vmem_shared>>) target_semaphore(%run_scoped3A_229 : memref<!tpu.dma_semaphore, #tpu.memory_space<semaphore_mem>>)
          %dma_wait3A_236 = arith.constant 9984 : i32
          %dma_wait3A_237 = arith.constant 0 : i32
          %dma_wait3A_238 = tpu.memref_slice %arg12[%dma_wait3A_236, %dma_wait3A_237] : memref<10000x128xf32, #tpu.memory_space<vmem_shared>> -> memref<16x128xf32, #tpu.memory_space<vmem_shared>>
          %dma_wait3A_239 = arith.constant 9984 : i32
          %dma_wait3A_240 = arith.constant 0 : i32
          %dma_wait3A_241 = tpu.memref_slice %arg2[%dma_wait3A_239, %dma_wait3A_240] : memref<10000x128xf32, #tpu.memory_space<hbm>> -> memref<16x128xf32, #tpu.memory_space<hbm>>
          tpu.wait_dma2 semaphore(%run_scoped3A_229 : memref<!tpu.dma_semaphore, #tpu.memory_space<semaphore_mem>>) src(%dma_wait3A_241 : memref<16x128xf32, #tpu.memory_space<hbm>>) dst(%dma_wait3A_238 : memref<16x128xf32, #tpu.memory_space<vmem_shared>>)
          tpu.yield
        }) : () -> ()
      } else {
      }
    } else {
    }
    %ne3A = arith.constant 0 : i32
    %ne3A_140 = arith.cmpi ne, %arg0, %ne3A : i32
    %convert_element_type3A_141 = arith.extui %ne3A_140 : i1 to i32
    %cond3A_142 = arith.constant 0 : i32
    %cond3A_143 = arith.cmpi ne, %convert_element_type3A_141, %cond3A_142 : i32
    scf.if %cond3A_143 {
      %mul3A_222 = arith.constant 624 : i32
      %mul3A_223 = arith.muli %arg1, %mul3A_222 : i32
      "tpu.region"() ({
        %run_scoped3A_229 = tpu.sem_alloc : memref<!tpu.dma_semaphore, #tpu.memory_space<semaphore_mem>>
        %dma_start3A_230 = arith.constant 0 : i32
        %dma_start3A_231 = tpu.memref_slice %arg12[%mul3A_223, %dma_start3A_230] : memref<10000x128xf32, #tpu.memory_space<vmem_shared>> -> memref<624x128xf32, #tpu.memory_space<vmem_shared>>
        %dma_start3A_232 = arith.constant 0 : i32
        %dma_start3A_233 = tpu.memref_slice %arg5[%mul3A_223, %dma_start3A_232] : memref<10000x128xf32, #tpu.memory_space<hbm>> -> memref<624x128xf32, #tpu.memory_space<hbm>>
        tpu.enqueue_dma source(%dma_start3A_233 : memref<624x128xf32, #tpu.memory_space<hbm>>) target(%dma_start3A_231 : memref<624x128xf32, #tpu.memory_space<vmem_shared>>) target_semaphore(%run_scoped3A_229 : memref<!tpu.dma_semaphore, #tpu.memory_space<semaphore_mem>>)
        %dma_wait3A_234 = arith.constant 0 : i32
        %dma_wait3A_235 = tpu.memref_slice %arg12[%mul3A_223, %dma_wait3A_234] : memref<10000x128xf32, #tpu.memory_space<vmem_shared>> -> memref<624x128xf32, #tpu.memory_space<vmem_shared>>
        %dma_wait3A_236 = arith.constant 0 : i32
        %dma_wait3A_237 = tpu.memref_slice %arg5[%mul3A_223, %dma_wait3A_236] : memref<10000x128xf32, #tpu.memory_space<hbm>> -> memref<624x128xf32, #tpu.memory_space<hbm>>
        tpu.wait_dma2 semaphore(%run_scoped3A_229 : memref<!tpu.dma_semaphore, #tpu.memory_space<semaphore_mem>>) src(%dma_wait3A_237 : memref<624x128xf32, #tpu.memory_space<hbm>>) dst(%dma_wait3A_235 : memref<624x128xf32, #tpu.memory_space<vmem_shared>>)
        tpu.yield
      }) : () -> ()
      %eq3A_224 = arith.constant 0 : i32
      %eq3A_225 = arith.cmpi eq, %arg1, %eq3A_224 : i32
      %convert_element_type3A_226 = arith.extui %eq3A_225 : i1 to i32
      %cond3A_227 = arith.constant 0 : i32
      %cond3A_228 = arith.cmpi ne, %convert_element_type3A_226, %cond3A_227 : i32
      scf.if %cond3A_228 {
        "tpu.region"() ({
          %run_scoped3A_229 = tpu.sem_alloc : memref<!tpu.dma_semaphore, #tpu.memory_space<semaphore_mem>>
          %dma_start3A_230 = arith.constant 9984 : i32
          %dma_start3A_231 = arith.constant 0 : i32
          %dma_start3A_232 = tpu.memref_slice %arg12[%dma_start3A_230, %dma_start3A_231] : memref<10000x128xf32, #tpu.memory_space<vmem_shared>> -> memref<16x128xf32, #tpu.memory_space<vmem_shared>>
          %dma_start3A_233 = arith.constant 9984 : i32
          %dma_start3A_234 = arith.constant 0 : i32
          %dma_start3A_235 = tpu.memref_slice %arg5[%dma_start3A_233, %dma_start3A_234] : memref<10000x128xf32, #tpu.memory_space<hbm>> -> memref<16x128xf32, #tpu.memory_space<hbm>>
          tpu.enqueue_dma source(%dma_start3A_235 : memref<16x128xf32, #tpu.memory_space<hbm>>) target(%dma_start3A_232 : memref<16x128xf32, #tpu.memory_space<vmem_shared>>) target_semaphore(%run_scoped3A_229 : memref<!tpu.dma_semaphore, #tpu.memory_space<semaphore_mem>>)
          %dma_wait3A_236 = arith.constant 9984 : i32
          %dma_wait3A_237 = arith.constant 0 : i32
          %dma_wait3A_238 = tpu.memref_slice %arg12[%dma_wait3A_236, %dma_wait3A_237] : memref<10000x128xf32, #tpu.memory_space<vmem_shared>> -> memref<16x128xf32, #tpu.memory_space<vmem_shared>>
          %dma_wait3A_239 = arith.constant 9984 : i32
          %dma_wait3A_240 = arith.constant 0 : i32
          %dma_wait3A_241 = tpu.memref_slice %arg5[%dma_wait3A_239, %dma_wait3A_240] : memref<10000x128xf32, #tpu.memory_space<hbm>> -> memref<16x128xf32, #tpu.memory_space<hbm>>
          tpu.wait_dma2 semaphore(%run_scoped3A_229 : memref<!tpu.dma_semaphore, #tpu.memory_space<semaphore_mem>>) src(%dma_wait3A_241 : memref<16x128xf32, #tpu.memory_space<hbm>>) dst(%dma_wait3A_238 : memref<16x128xf32, #tpu.memory_space<vmem_shared>>)
          tpu.yield
        }) : () -> ()
      } else {
      }
    } else {
    }
    %barrier3A = arith.constant 0 : index
    tpu.barrier barrier_id(%barrier3A)
    %scan3A = arith.constant 0 : i32
    %scan3A_144 = arith.constant 26 : i32
    %scan3A_145 = arith.addi %scan3A, %scan3A_144 : i32
    %scan3A_146 = arith.constant 1 : i32
    scf.for %scan3A_222 = %scan3A to %scan3A_145 step %scan3A_146  : i32 {
      %mul3A_223 = arith.constant 1 : i32
      %mul3A_224 = arith.muli %scan3A_222, %mul3A_223 : i32
      %add3A_225 = arith.constant 0 : i32
      %add3A_226 = arith.addi %add3A_225, %mul3A_224 : i32
      %mul3A_227 = arith.constant 3 : i32
      %mul3A_228 = arith.muli %mul3A_227, %add3A_226 : i32
      %add3A_229 = arith.constant 0 : i32
      %add3A_230 = arith.addi %mul3A_228, %add3A_229 : i32
      %dma_wait3A_231 = arith.constant 0 : i32
      %dma_wait3A_232 = arith.constant 0 : i32
      %dma_wait3A_233 = arith.constant 2 : i32
      %dma_wait3A_234 = arith.constant 0 : i32
      %dma_wait3A_235 = arith.constant 0 : i32
      %dma_wait3A_236 = arith.constant 0 : i32
      %dma_wait3A_237 = tpu.memref_slice %arg9[%dma_wait3A_232, %dma_wait3A_235, %dma_wait3A_236] : memref<3x128x128xf32, #tpu.memory_space<vmem>> -> memref<1x128x128xf32, #tpu.memory_space<vmem>>
      %dma_wait3A_238 = tpu.memref_squeeze %dma_wait3A_237 : memref<1x128x128xf32, #tpu.memory_space<vmem>> -> memref<128x128xf32, #tpu.memory_space<vmem>>
      %dma_wait3A_239 = arith.constant 0 : i32
      %dma_wait3A_240 = tpu.memref_slice %arg7[%dma_wait3A_231, %dma_wait3A_239] : memref<3x128xi32, #tpu.memory_space<vmem>> -> memref<1x128xi32, #tpu.memory_space<vmem>>
      %dma_wait3A_241 = tpu.memref_squeeze %dma_wait3A_240 : memref<1x128xi32, #tpu.memory_space<vmem>> -> memref<128xi32, #tpu.memory_space<vmem>>
      %dma_wait3A_242 = arith.constant 0 : i32
      %dma_wait3A_243 = arith.constant 0 : i32
      %dma_wait3A_244 = tpu.memref_slice %arg2[%dma_wait3A_242, %dma_wait3A_243] : memref<10000x128xf32, #tpu.memory_space<hbm>> -> memref<10000x128xf32, #tpu.memory_space<hbm>>
      %dma_wait3A_245 = tpu.memref_slice %arg13[%dma_wait3A_233, %dma_wait3A_234] : memref<4x3x!tpu.dma_semaphore, #tpu.memory_space<semaphore_mem>> -> memref<1x1x!tpu.dma_semaphore, #tpu.memory_space<semaphore_mem>>
      %dma_wait3A_246 = tpu.memref_squeeze %dma_wait3A_245 : memref<1x1x!tpu.dma_semaphore, #tpu.memory_space<semaphore_mem>> -> memref<!tpu.dma_semaphore, #tpu.memory_space<semaphore_mem>>
      tpu.wait_indirect_dma semaphore(%dma_wait3A_246 : memref<!tpu.dma_semaphore, #tpu.memory_space<semaphore_mem>>) src(%dma_wait3A_244 : memref<10000x128xf32, #tpu.memory_space<hbm>>) dst(%dma_wait3A_238 : memref<128x128xf32, #tpu.memory_space<vmem>>)
      %add3A_247 = arith.constant 3 : i32
      %add3A_248 = arith.addi %add3A_230, %add3A_247 : i32
      %lt3A = arith.constant 78 : i32
      %lt3A_249 = arith.cmpi slt, %add3A_248, %lt3A : i32
      %convert_element_type3A_250 = arith.extui %lt3A_249 : i1 to i32
      %cond3A_251 = arith.constant 0 : i32
      %cond3A_252 = arith.cmpi ne, %convert_element_type3A_250, %cond3A_251 : i32
      scf.if %cond3A_252 {
        %add3A_434 = arith.constant 3 : i32
        %add3A_435 = arith.addi %add3A_230, %add3A_434 : i32
        %mul3A_436 = arith.constant 128 : i32
        %mul3A_437 = arith.muli %add3A_435, %mul3A_436 : i32
        %add3A_438 = arith.addi %mul3A_2, %mul3A_437 : i32
        %dma_start3A_439 = arith.constant 0 : i32
        %dma_start3A_440 = arith.constant 0 : i32
        %dma_start3A_441 = arith.constant 0 : i32
        %dma_start3A_442 = arith.constant 0 : i32
        %dma_start3A_443 = tpu.memref_slice %arg7[%dma_start3A_439, %dma_start3A_442] : memref<3x128xi32, #tpu.memory_space<vmem>> -> memref<1x128xi32, #tpu.memory_space<vmem>>
        %dma_start3A_444 = tpu.memref_squeeze %dma_start3A_443 : memref<1x128xi32, #tpu.memory_space<vmem>> -> memref<128xi32, #tpu.memory_space<vmem>>
        %dma_start3A_445 = tpu.memref_slice %arg3[%add3A_438] : memref<320000xi32, #tpu.memory_space<hbm>> -> memref<128xi32, #tpu.memory_space<hbm>>
        %dma_start3A_446 = tpu.memref_slice %arg13[%dma_start3A_440, %dma_start3A_441] : memref<4x3x!tpu.dma_semaphore, #tpu.memory_space<semaphore_mem>> -> memref<1x1x!tpu.dma_semaphore, #tpu.memory_space<semaphore_mem>>
        %dma_start3A_447 = tpu.memref_squeeze %dma_start3A_446 : memref<1x1x!tpu.dma_semaphore, #tpu.memory_space<semaphore_mem>> -> memref<!tpu.dma_semaphore, #tpu.memory_space<semaphore_mem>>
        %dma_start3A_448 = arith.constant 0 : i32
        %dma_start3A_449 = tpu.memref_slice %arg7[%dma_start3A_439, %dma_start3A_448] : memref<3x128xi32, #tpu.memory_space<vmem>> -> memref<1x128xi32, #tpu.memory_space<vmem>>
        %dma_start3A_450 = tpu.memref_squeeze %dma_start3A_449 : memref<1x128xi32, #tpu.memory_space<vmem>> -> memref<128xi32, #tpu.memory_space<vmem>>
        %dma_start3A_451 = tpu.memref_slice %arg3[%add3A_438] : memref<320000xi32, #tpu.memory_space<hbm>> -> memref<128xi32, #tpu.memory_space<hbm>>
        tpu.enqueue_dma source(%dma_start3A_451 : memref<128xi32, #tpu.memory_space<hbm>>) target(%dma_start3A_450 : memref<128xi32, #tpu.memory_space<vmem>>) target_semaphore(%dma_start3A_447 : memref<!tpu.dma_semaphore, #tpu.memory_space<semaphore_mem>>)
      } else {
      }
      %ge3A = arith.constant 1 : i32
      %ge3A_253 = arith.cmpi sge, %add3A_230, %ge3A : i32
      %convert_element_type3A_254 = arith.extui %ge3A_253 : i1 to i32
      %cond3A_255 = arith.constant 0 : i32
      %cond3A_256 = arith.cmpi ne, %convert_element_type3A_254, %cond3A_255 : i32
      scf.if %cond3A_256 {
        %dma_wait3A_434 = arith.constant 2 : i32
        %dma_wait3A_435 = arith.constant 2 : i32
        %dma_wait3A_436 = arith.constant 3 : i32
        %dma_wait3A_437 = arith.constant 2 : i32
        %dma_wait3A_438 = arith.constant 0 : i32
        %dma_wait3A_439 = arith.constant 0 : i32
        %dma_wait3A_440 = tpu.memref_slice %arg9[%dma_wait3A_434, %dma_wait3A_438, %dma_wait3A_439] : memref<3x128x128xf32, #tpu.memory_space<vmem>> -> memref<1x128x128xf32, #tpu.memory_space<vmem>>
        %dma_wait3A_441 = tpu.memref_squeeze %dma_wait3A_440 : memref<1x128x128xf32, #tpu.memory_space<vmem>> -> memref<128x128xf32, #tpu.memory_space<vmem>>
        %dma_wait3A_442 = arith.constant 0 : i32
        %dma_wait3A_443 = tpu.memref_slice %arg8[%dma_wait3A_435, %dma_wait3A_442] : memref<3x128xi32, #tpu.memory_space<vmem>> -> memref<1x128xi32, #tpu.memory_space<vmem>>
        %dma_wait3A_444 = tpu.memref_squeeze %dma_wait3A_443 : memref<1x128xi32, #tpu.memory_space<vmem>> -> memref<128xi32, #tpu.memory_space<vmem>>
        %dma_wait3A_445 = arith.constant 0 : i32
        %dma_wait3A_446 = arith.constant 0 : i32
        %dma_wait3A_447 = tpu.memref_slice %arg12[%dma_wait3A_445, %dma_wait3A_446] : memref<10000x128xf32, #tpu.memory_space<vmem_shared>> -> memref<10000x128xf32, #tpu.memory_space<vmem_shared>>
        %dma_wait3A_448 = tpu.memref_slice %arg13[%dma_wait3A_436, %dma_wait3A_437] : memref<4x3x!tpu.dma_semaphore, #tpu.memory_space<semaphore_mem>> -> memref<1x1x!tpu.dma_semaphore, #tpu.memory_space<semaphore_mem>>
        %dma_wait3A_449 = tpu.memref_squeeze %dma_wait3A_448 : memref<1x1x!tpu.dma_semaphore, #tpu.memory_space<semaphore_mem>> -> memref<!tpu.dma_semaphore, #tpu.memory_space<semaphore_mem>>
        tpu.wait_indirect_dma semaphore(%dma_wait3A_449 : memref<!tpu.dma_semaphore, #tpu.memory_space<semaphore_mem>>) src(%dma_wait3A_441 : memref<128x128xf32, #tpu.memory_space<vmem>>) dst(%dma_wait3A_447 : memref<10000x128xf32, #tpu.memory_space<vmem_shared>>)
      } else {
      }
      %add3A_257 = arith.constant 2 : i32
      %add3A_258 = arith.addi %add3A_230, %add3A_257 : i32
      %lt3A_259 = arith.constant 78 : i32
      %lt3A_260 = arith.cmpi slt, %add3A_258, %lt3A_259 : i32
      %convert_element_type3A_261 = arith.extui %lt3A_260 : i1 to i32
      %cond3A_262 = arith.constant 0 : i32
      %cond3A_263 = arith.cmpi ne, %convert_element_type3A_261, %cond3A_262 : i32
      scf.if %cond3A_263 {
        %add3A_434 = arith.constant 2 : i32
        %add3A_435 = arith.addi %add3A_230, %add3A_434 : i32
        %mul3A_436 = arith.constant 128 : i32
        %mul3A_437 = arith.muli %add3A_435, %mul3A_436 : i32
        %add3A_438 = arith.addi %mul3A_2, %mul3A_437 : i32
        %dma_start3A_439 = arith.constant 2 : i32
        %dma_start3A_440 = arith.constant 1 : i32
        %dma_start3A_441 = arith.constant 2 : i32
        %dma_start3A_442 = arith.constant 0 : i32
        %dma_start3A_443 = tpu.memref_slice %arg8[%dma_start3A_439, %dma_start3A_442] : memref<3x128xi32, #tpu.memory_space<vmem>> -> memref<1x128xi32, #tpu.memory_space<vmem>>
        %dma_start3A_444 = tpu.memref_squeeze %dma_start3A_443 : memref<1x128xi32, #tpu.memory_space<vmem>> -> memref<128xi32, #tpu.memory_space<vmem>>
        %dma_start3A_445 = tpu.memref_slice %arg4[%add3A_438] : memref<320000xi32, #tpu.memory_space<hbm>> -> memref<128xi32, #tpu.memory_space<hbm>>
        %dma_start3A_446 = tpu.memref_slice %arg13[%dma_start3A_440, %dma_start3A_441] : memref<4x3x!tpu.dma_semaphore, #tpu.memory_space<semaphore_mem>> -> memref<1x1x!tpu.dma_semaphore, #tpu.memory_space<semaphore_mem>>
        %dma_start3A_447 = tpu.memref_squeeze %dma_start3A_446 : memref<1x1x!tpu.dma_semaphore, #tpu.memory_space<semaphore_mem>> -> memref<!tpu.dma_semaphore, #tpu.memory_space<semaphore_mem>>
        %dma_start3A_448 = arith.constant 0 : i32
        %dma_start3A_449 = tpu.memref_slice %arg8[%dma_start3A_439, %dma_start3A_448] : memref<3x128xi32, #tpu.memory_space<vmem>> -> memref<1x128xi32, #tpu.memory_space<vmem>>
        %dma_start3A_450 = tpu.memref_squeeze %dma_start3A_449 : memref<1x128xi32, #tpu.memory_space<vmem>> -> memref<128xi32, #tpu.memory_space<vmem>>
        %dma_start3A_451 = tpu.memref_slice %arg4[%add3A_438] : memref<320000xi32, #tpu.memory_space<hbm>> -> memref<128xi32, #tpu.memory_space<hbm>>
        tpu.enqueue_dma source(%dma_start3A_451 : memref<128xi32, #tpu.memory_space<hbm>>) target(%dma_start3A_450 : memref<128xi32, #tpu.memory_space<vmem>>) target_semaphore(%dma_start3A_447 : memref<!tpu.dma_semaphore, #tpu.memory_space<semaphore_mem>>)
        %add3A_452 = arith.constant 2 : i32
        %add3A_453 = arith.addi %add3A_230, %add3A_452 : i32
        %mul3A_454 = arith.constant 128 : i32
        %mul3A_455 = arith.muli %add3A_453, %mul3A_454 : i32
        %add3A_456 = arith.addi %mul3A_2, %mul3A_455 : i32
        %dma_wait3A_457 = arith.constant 2 : i32
        %dma_wait3A_458 = arith.constant 0 : i32
        %dma_wait3A_459 = arith.constant 2 : i32
        %dma_wait3A_460 = arith.constant 0 : i32
        %dma_wait3A_461 = tpu.memref_slice %arg7[%dma_wait3A_457, %dma_wait3A_460] : memref<3x128xi32, #tpu.memory_space<vmem>> -> memref<1x128xi32, #tpu.memory_space<vmem>>
        %dma_wait3A_462 = tpu.memref_squeeze %dma_wait3A_461 : memref<1x128xi32, #tpu.memory_space<vmem>> -> memref<128xi32, #tpu.memory_space<vmem>>
        %dma_wait3A_463 = tpu.memref_slice %arg3[%add3A_456] : memref<320000xi32, #tpu.memory_space<hbm>> -> memref<128xi32, #tpu.memory_space<hbm>>
        %dma_wait3A_464 = tpu.memref_slice %arg13[%dma_wait3A_458, %dma_wait3A_459] : memref<4x3x!tpu.dma_semaphore, #tpu.memory_space<semaphore_mem>> -> memref<1x1x!tpu.dma_semaphore, #tpu.memory_space<semaphore_mem>>
        %dma_wait3A_465 = tpu.memref_squeeze %dma_wait3A_464 : memref<1x1x!tpu.dma_semaphore, #tpu.memory_space<semaphore_mem>> -> memref<!tpu.dma_semaphore, #tpu.memory_space<semaphore_mem>>
        %dma_wait3A_466 = arith.constant 0 : i32
        %dma_wait3A_467 = tpu.memref_slice %arg7[%dma_wait3A_457, %dma_wait3A_466] : memref<3x128xi32, #tpu.memory_space<vmem>> -> memref<1x128xi32, #tpu.memory_space<vmem>>
        %dma_wait3A_468 = tpu.memref_squeeze %dma_wait3A_467 : memref<1x128xi32, #tpu.memory_space<vmem>> -> memref<128xi32, #tpu.memory_space<vmem>>
        %dma_wait3A_469 = tpu.memref_slice %arg3[%add3A_456] : memref<320000xi32, #tpu.memory_space<hbm>> -> memref<128xi32, #tpu.memory_space<hbm>>
        tpu.wait_dma2 semaphore(%dma_wait3A_465 : memref<!tpu.dma_semaphore, #tpu.memory_space<semaphore_mem>>) src(%dma_wait3A_469 : memref<128xi32, #tpu.memory_space<hbm>>) dst(%dma_wait3A_468 : memref<128xi32, #tpu.memory_space<vmem>>)
        %add3A_470 = arith.constant 2 : i32
        %add3A_471 = arith.addi %add3A_230, %add3A_470 : i32
        %dma_start3A_472 = arith.constant 2 : i32
        %dma_start3A_473 = arith.constant 2 : i32
        %dma_start3A_474 = arith.constant 2 : i32
        %dma_start3A_475 = arith.constant 2 : i32
        %dma_start3A_476 = arith.constant 0 : i32
        %dma_start3A_477 = arith.constant 0 : i32
        %dma_start3A_478 = tpu.memref_slice %arg9[%dma_start3A_473, %dma_start3A_476, %dma_start3A_477] : memref<3x128x128xf32, #tpu.memory_space<vmem>> -> memref<1x128x128xf32, #tpu.memory_space<vmem>>
        %dma_start3A_479 = tpu.memref_squeeze %dma_start3A_478 : memref<1x128x128xf32, #tpu.memory_space<vmem>> -> memref<128x128xf32, #tpu.memory_space<vmem>>
        %dma_start3A_480 = arith.constant 0 : i32
        %dma_start3A_481 = tpu.memref_slice %arg7[%dma_start3A_472, %dma_start3A_480] : memref<3x128xi32, #tpu.memory_space<vmem>> -> memref<1x128xi32, #tpu.memory_space<vmem>>
        %dma_start3A_482 = tpu.memref_squeeze %dma_start3A_481 : memref<1x128xi32, #tpu.memory_space<vmem>> -> memref<128xi32, #tpu.memory_space<vmem>>
        %dma_start3A_483 = arith.constant 0 : i32
        %dma_start3A_484 = arith.constant 0 : i32
        %dma_start3A_485 = tpu.memref_slice %arg2[%dma_start3A_483, %dma_start3A_484] : memref<10000x128xf32, #tpu.memory_space<hbm>> -> memref<10000x128xf32, #tpu.memory_space<hbm>>
        %dma_start3A_486 = tpu.memref_slice %arg13[%dma_start3A_474, %dma_start3A_475] : memref<4x3x!tpu.dma_semaphore, #tpu.memory_space<semaphore_mem>> -> memref<1x1x!tpu.dma_semaphore, #tpu.memory_space<semaphore_mem>>
        %dma_start3A_487 = tpu.memref_squeeze %dma_start3A_486 : memref<1x1x!tpu.dma_semaphore, #tpu.memory_space<semaphore_mem>> -> memref<!tpu.dma_semaphore, #tpu.memory_space<semaphore_mem>>
        tpu.enqueue_indirect_dma source(%dma_start3A_485 : memref<10000x128xf32, #tpu.memory_space<hbm>>) target(%dma_start3A_479 : memref<128x128xf32, #tpu.memory_space<vmem>>) offsets(%dma_start3A_482 : memref<128xi32, #tpu.memory_space<vmem>>) semaphore(%dma_start3A_487 : memref<!tpu.dma_semaphore, #tpu.memory_space<semaphore_mem>>)
      } else {
      }
      %mul3A_264 = arith.constant 128 : i32
      %mul3A_265 = arith.muli %add3A_230, %mul3A_264 : i32
      %add3A_266 = arith.addi %mul3A_2, %mul3A_265 : i32
      %dma_wait3A_267 = arith.constant 0 : i32
      %dma_wait3A_268 = arith.constant 1 : i32
      %dma_wait3A_269 = arith.constant 0 : i32
      %dma_wait3A_270 = arith.constant 0 : i32
      %dma_wait3A_271 = tpu.memref_slice %arg8[%dma_wait3A_267, %dma_wait3A_270] : memref<3x128xi32, #tpu.memory_space<vmem>> -> memref<1x128xi32, #tpu.memory_space<vmem>>
      %dma_wait3A_272 = tpu.memref_squeeze %dma_wait3A_271 : memref<1x128xi32, #tpu.memory_space<vmem>> -> memref<128xi32, #tpu.memory_space<vmem>>
      %dma_wait3A_273 = tpu.memref_slice %arg4[%add3A_266] : memref<320000xi32, #tpu.memory_space<hbm>> -> memref<128xi32, #tpu.memory_space<hbm>>
      %dma_wait3A_274 = tpu.memref_slice %arg13[%dma_wait3A_268, %dma_wait3A_269] : memref<4x3x!tpu.dma_semaphore, #tpu.memory_space<semaphore_mem>> -> memref<1x1x!tpu.dma_semaphore, #tpu.memory_space<semaphore_mem>>
      %dma_wait3A_275 = tpu.memref_squeeze %dma_wait3A_274 : memref<1x1x!tpu.dma_semaphore, #tpu.memory_space<semaphore_mem>> -> memref<!tpu.dma_semaphore, #tpu.memory_space<semaphore_mem>>
      %dma_wait3A_276 = arith.constant 0 : i32
      %dma_wait3A_277 = tpu.memref_slice %arg8[%dma_wait3A_267, %dma_wait3A_276] : memref<3x128xi32, #tpu.memory_space<vmem>> -> memref<1x128xi32, #tpu.memory_space<vmem>>
      %dma_wait3A_278 = tpu.memref_squeeze %dma_wait3A_277 : memref<1x128xi32, #tpu.memory_space<vmem>> -> memref<128xi32, #tpu.memory_space<vmem>>
      %dma_wait3A_279 = tpu.memref_slice %arg4[%add3A_266] : memref<320000xi32, #tpu.memory_space<hbm>> -> memref<128xi32, #tpu.memory_space<hbm>>
      tpu.wait_dma2 semaphore(%dma_wait3A_275 : memref<!tpu.dma_semaphore, #tpu.memory_space<semaphore_mem>>) src(%dma_wait3A_279 : memref<128xi32, #tpu.memory_space<hbm>>) dst(%dma_wait3A_278 : memref<128xi32, #tpu.memory_space<vmem>>)
      %dma_start3A_280 = arith.constant 0 : i32
      %dma_start3A_281 = arith.constant 0 : i32
      %dma_start3A_282 = arith.constant 3 : i32
      %dma_start3A_283 = arith.constant 0 : i32
      %dma_start3A_284 = arith.constant 0 : i32
      %dma_start3A_285 = arith.constant 0 : i32
      %dma_start3A_286 = tpu.memref_slice %arg9[%dma_start3A_280, %dma_start3A_284, %dma_start3A_285] : memref<3x128x128xf32, #tpu.memory_space<vmem>> -> memref<1x128x128xf32, #tpu.memory_space<vmem>>
      %dma_start3A_287 = tpu.memref_squeeze %dma_start3A_286 : memref<1x128x128xf32, #tpu.memory_space<vmem>> -> memref<128x128xf32, #tpu.memory_space<vmem>>
      %dma_start3A_288 = arith.constant 0 : i32
      %dma_start3A_289 = tpu.memref_slice %arg8[%dma_start3A_281, %dma_start3A_288] : memref<3x128xi32, #tpu.memory_space<vmem>> -> memref<1x128xi32, #tpu.memory_space<vmem>>
      %dma_start3A_290 = tpu.memref_squeeze %dma_start3A_289 : memref<1x128xi32, #tpu.memory_space<vmem>> -> memref<128xi32, #tpu.memory_space<vmem>>
      %dma_start3A_291 = arith.constant 0 : i32
      %dma_start3A_292 = arith.constant 0 : i32
      %dma_start3A_293 = tpu.memref_slice %arg12[%dma_start3A_291, %dma_start3A_292] : memref<10000x128xf32, #tpu.memory_space<vmem_shared>> -> memref<10000x128xf32, #tpu.memory_space<vmem_shared>>
      %dma_start3A_294 = tpu.memref_slice %arg13[%dma_start3A_282, %dma_start3A_283] : memref<4x3x!tpu.dma_semaphore, #tpu.memory_space<semaphore_mem>> -> memref<1x1x!tpu.dma_semaphore, #tpu.memory_space<semaphore_mem>>
      %dma_start3A_295 = tpu.memref_squeeze %dma_start3A_294 : memref<1x1x!tpu.dma_semaphore, #tpu.memory_space<semaphore_mem>> -> memref<!tpu.dma_semaphore, #tpu.memory_space<semaphore_mem>>
      tpu.enqueue_indirect_dma source(%dma_start3A_287 : memref<128x128xf32, #tpu.memory_space<vmem>>) target(%dma_start3A_293 : memref<10000x128xf32, #tpu.memory_space<vmem_shared>>) offsets(%dma_start3A_290 : memref<128xi32, #tpu.memory_space<vmem>>) semaphore(%dma_start3A_295 : memref<!tpu.dma_semaphore, #tpu.memory_space<semaphore_mem>>) {add = true}
      %add3A_296 = arith.constant 1 : i32
      %add3A_297 = arith.addi %mul3A_228, %add3A_296 : i32
      %dma_wait3A_298 = arith.constant 1 : i32
      %dma_wait3A_299 = arith.constant 1 : i32
      %dma_wait3A_300 = arith.constant 2 : i32
      %dma_wait3A_301 = arith.constant 1 : i32
      %dma_wait3A_302 = arith.constant 0 : i32
      %dma_wait3A_303 = arith.constant 0 : i32
      %dma_wait3A_304 = tpu.memref_slice %arg9[%dma_wait3A_299, %dma_wait3A_302, %dma_wait3A_303] : memref<3x128x128xf32, #tpu.memory_space<vmem>> -> memref<1x128x128xf32, #tpu.memory_space<vmem>>
      %dma_wait3A_305 = tpu.memref_squeeze %dma_wait3A_304 : memref<1x128x128xf32, #tpu.memory_space<vmem>> -> memref<128x128xf32, #tpu.memory_space<vmem>>
      %dma_wait3A_306 = arith.constant 0 : i32
      %dma_wait3A_307 = tpu.memref_slice %arg7[%dma_wait3A_298, %dma_wait3A_306] : memref<3x128xi32, #tpu.memory_space<vmem>> -> memref<1x128xi32, #tpu.memory_space<vmem>>
      %dma_wait3A_308 = tpu.memref_squeeze %dma_wait3A_307 : memref<1x128xi32, #tpu.memory_space<vmem>> -> memref<128xi32, #tpu.memory_space<vmem>>
      %dma_wait3A_309 = arith.constant 0 : i32
      %dma_wait3A_310 = arith.constant 0 : i32
      %dma_wait3A_311 = tpu.memref_slice %arg2[%dma_wait3A_309, %dma_wait3A_310] : memref<10000x128xf32, #tpu.memory_space<hbm>> -> memref<10000x128xf32, #tpu.memory_space<hbm>>
      %dma_wait3A_312 = tpu.memref_slice %arg13[%dma_wait3A_300, %dma_wait3A_301] : memref<4x3x!tpu.dma_semaphore, #tpu.memory_space<semaphore_mem>> -> memref<1x1x!tpu.dma_semaphore, #tpu.memory_space<semaphore_mem>>
      %dma_wait3A_313 = tpu.memref_squeeze %dma_wait3A_312 : memref<1x1x!tpu.dma_semaphore, #tpu.memory_space<semaphore_mem>> -> memref<!tpu.dma_semaphore, #tpu.memory_space<semaphore_mem>>
      tpu.wait_indirect_dma semaphore(%dma_wait3A_313 : memref<!tpu.dma_semaphore, #tpu.memory_space<semaphore_mem>>) src(%dma_wait3A_311 : memref<10000x128xf32, #tpu.memory_space<hbm>>) dst(%dma_wait3A_305 : memref<128x128xf32, #tpu.memory_space<vmem>>)
      %add3A_314 = arith.constant 3 : i32
      %add3A_315 = arith.addi %add3A_297, %add3A_314 : i32
      %lt3A_316 = arith.constant 78 : i32
      %lt3A_317 = arith.cmpi slt, %add3A_315, %lt3A_316 : i32
      %convert_element_type3A_318 = arith.extui %lt3A_317 : i1 to i32
      %cond3A_319 = arith.constant 0 : i32
      %cond3A_320 = arith.cmpi ne, %convert_element_type3A_318, %cond3A_319 : i32
      scf.if %cond3A_320 {
        %add3A_434 = arith.constant 3 : i32
        %add3A_435 = arith.addi %add3A_297, %add3A_434 : i32
        %mul3A_436 = arith.constant 128 : i32
        %mul3A_437 = arith.muli %add3A_435, %mul3A_436 : i32
        %add3A_438 = arith.addi %mul3A_2, %mul3A_437 : i32
        %dma_start3A_439 = arith.constant 1 : i32
        %dma_start3A_440 = arith.constant 0 : i32
        %dma_start3A_441 = arith.constant 1 : i32
        %dma_start3A_442 = arith.constant 0 : i32
        %dma_start3A_443 = tpu.memref_slice %arg7[%dma_start3A_439, %dma_start3A_442] : memref<3x128xi32, #tpu.memory_space<vmem>> -> memref<1x128xi32, #tpu.memory_space<vmem>>
        %dma_start3A_444 = tpu.memref_squeeze %dma_start3A_443 : memref<1x128xi32, #tpu.memory_space<vmem>> -> memref<128xi32, #tpu.memory_space<vmem>>
        %dma_start3A_445 = tpu.memref_slice %arg3[%add3A_438] : memref<320000xi32, #tpu.memory_space<hbm>> -> memref<128xi32, #tpu.memory_space<hbm>>
        %dma_start3A_446 = tpu.memref_slice %arg13[%dma_start3A_440, %dma_start3A_441] : memref<4x3x!tpu.dma_semaphore, #tpu.memory_space<semaphore_mem>> -> memref<1x1x!tpu.dma_semaphore, #tpu.memory_space<semaphore_mem>>
        %dma_start3A_447 = tpu.memref_squeeze %dma_start3A_446 : memref<1x1x!tpu.dma_semaphore, #tpu.memory_space<semaphore_mem>> -> memref<!tpu.dma_semaphore, #tpu.memory_space<semaphore_mem>>
        %dma_start3A_448 = arith.constant 0 : i32
        %dma_start3A_449 = tpu.memref_slice %arg7[%dma_start3A_439, %dma_start3A_448] : memref<3x128xi32, #tpu.memory_space<vmem>> -> memref<1x128xi32, #tpu.memory_space<vmem>>
        %dma_start3A_450 = tpu.memref_squeeze %dma_start3A_449 : memref<1x128xi32, #tpu.memory_space<vmem>> -> memref<128xi32, #tpu.memory_space<vmem>>
        %dma_start3A_451 = tpu.memref_slice %arg3[%add3A_438] : memref<320000xi32, #tpu.memory_space<hbm>> -> memref<128xi32, #tpu.memory_space<hbm>>
        tpu.enqueue_dma source(%dma_start3A_451 : memref<128xi32, #tpu.memory_space<hbm>>) target(%dma_start3A_450 : memref<128xi32, #tpu.memory_space<vmem>>) target_semaphore(%dma_start3A_447 : memref<!tpu.dma_semaphore, #tpu.memory_space<semaphore_mem>>)
      } else {
      }
      %ge3A_321 = arith.constant 1 : i32
      %ge3A_322 = arith.cmpi sge, %add3A_297, %ge3A_321 : i32
      %convert_element_type3A_323 = arith.extui %ge3A_322 : i1 to i32
      %cond3A_324 = arith.constant 0 : i32
      %cond3A_325 = arith.cmpi ne, %convert_element_type3A_323, %cond3A_324 : i32
      scf.if %cond3A_325 {
        %dma_wait3A_434 = arith.constant 0 : i32
        %dma_wait3A_435 = arith.constant 0 : i32
        %dma_wait3A_436 = arith.constant 3 : i32
        %dma_wait3A_437 = arith.constant 0 : i32
        %dma_wait3A_438 = arith.constant 0 : i32
        %dma_wait3A_439 = arith.constant 0 : i32
        %dma_wait3A_440 = tpu.memref_slice %arg9[%dma_wait3A_434, %dma_wait3A_438, %dma_wait3A_439] : memref<3x128x128xf32, #tpu.memory_space<vmem>> -> memref<1x128x128xf32, #tpu.memory_space<vmem>>
        %dma_wait3A_441 = tpu.memref_squeeze %dma_wait3A_440 : memref<1x128x128xf32, #tpu.memory_space<vmem>> -> memref<128x128xf32, #tpu.memory_space<vmem>>
        %dma_wait3A_442 = arith.constant 0 : i32
        %dma_wait3A_443 = tpu.memref_slice %arg8[%dma_wait3A_435, %dma_wait3A_442] : memref<3x128xi32, #tpu.memory_space<vmem>> -> memref<1x128xi32, #tpu.memory_space<vmem>>
        %dma_wait3A_444 = tpu.memref_squeeze %dma_wait3A_443 : memref<1x128xi32, #tpu.memory_space<vmem>> -> memref<128xi32, #tpu.memory_space<vmem>>
        %dma_wait3A_445 = arith.constant 0 : i32
        %dma_wait3A_446 = arith.constant 0 : i32
        %dma_wait3A_447 = tpu.memref_slice %arg12[%dma_wait3A_445, %dma_wait3A_446] : memref<10000x128xf32, #tpu.memory_space<vmem_shared>> -> memref<10000x128xf32, #tpu.memory_space<vmem_shared>>
        %dma_wait3A_448 = tpu.memref_slice %arg13[%dma_wait3A_436, %dma_wait3A_437] : memref<4x3x!tpu.dma_semaphore, #tpu.memory_space<semaphore_mem>> -> memref<1x1x!tpu.dma_semaphore, #tpu.memory_space<semaphore_mem>>
        %dma_wait3A_449 = tpu.memref_squeeze %dma_wait3A_448 : memref<1x1x!tpu.dma_semaphore, #tpu.memory_space<semaphore_mem>> -> memref<!tpu.dma_semaphore, #tpu.memory_space<semaphore_mem>>
        tpu.wait_indirect_dma semaphore(%dma_wait3A_449 : memref<!tpu.dma_semaphore, #tpu.memory_space<semaphore_mem>>) src(%dma_wait3A_441 : memref<128x128xf32, #tpu.memory_space<vmem>>) dst(%dma_wait3A_447 : memref<10000x128xf32, #tpu.memory_space<vmem_shared>>)
      } else {
      }
      %add3A_326 = arith.constant 2 : i32
      %add3A_327 = arith.addi %add3A_297, %add3A_326 : i32
      %lt3A_328 = arith.constant 78 : i32
      %lt3A_329 = arith.cmpi slt, %add3A_327, %lt3A_328 : i32
      %convert_element_type3A_330 = arith.extui %lt3A_329 : i1 to i32
      %cond3A_331 = arith.constant 0 : i32
      %cond3A_332 = arith.cmpi ne, %convert_element_type3A_330, %cond3A_331 : i32
      scf.if %cond3A_332 {
        %add3A_434 = arith.constant 2 : i32
        %add3A_435 = arith.addi %add3A_297, %add3A_434 : i32
        %mul3A_436 = arith.constant 128 : i32
        %mul3A_437 = arith.muli %add3A_435, %mul3A_436 : i32
        %add3A_438 = arith.addi %mul3A_2, %mul3A_437 : i32
        %dma_start3A_439 = arith.constant 0 : i32
        %dma_start3A_440 = arith.constant 1 : i32
        %dma_start3A_441 = arith.constant 0 : i32
        %dma_start3A_442 = arith.constant 0 : i32
        %dma_start3A_443 = tpu.memref_slice %arg8[%dma_start3A_439, %dma_start3A_442] : memref<3x128xi32, #tpu.memory_space<vmem>> -> memref<1x128xi32, #tpu.memory_space<vmem>>
        %dma_start3A_444 = tpu.memref_squeeze %dma_start3A_443 : memref<1x128xi32, #tpu.memory_space<vmem>> -> memref<128xi32, #tpu.memory_space<vmem>>
        %dma_start3A_445 = tpu.memref_slice %arg4[%add3A_438] : memref<320000xi32, #tpu.memory_space<hbm>> -> memref<128xi32, #tpu.memory_space<hbm>>
        %dma_start3A_446 = tpu.memref_slice %arg13[%dma_start3A_440, %dma_start3A_441] : memref<4x3x!tpu.dma_semaphore, #tpu.memory_space<semaphore_mem>> -> memref<1x1x!tpu.dma_semaphore, #tpu.memory_space<semaphore_mem>>
        %dma_start3A_447 = tpu.memref_squeeze %dma_start3A_446 : memref<1x1x!tpu.dma_semaphore, #tpu.memory_space<semaphore_mem>> -> memref<!tpu.dma_semaphore, #tpu.memory_space<semaphore_mem>>
        %dma_start3A_448 = arith.constant 0 : i32
        %dma_start3A_449 = tpu.memref_slice %arg8[%dma_start3A_439, %dma_start3A_448] : memref<3x128xi32, #tpu.memory_space<vmem>> -> memref<1x128xi32, #tpu.memory_space<vmem>>
        %dma_start3A_450 = tpu.memref_squeeze %dma_start3A_449 : memref<1x128xi32, #tpu.memory_space<vmem>> -> memref<128xi32, #tpu.memory_space<vmem>>
        %dma_start3A_451 = tpu.memref_slice %arg4[%add3A_438] : memref<320000xi32, #tpu.memory_space<hbm>> -> memref<128xi32, #tpu.memory_space<hbm>>
        tpu.enqueue_dma source(%dma_start3A_451 : memref<128xi32, #tpu.memory_space<hbm>>) target(%dma_start3A_450 : memref<128xi32, #tpu.memory_space<vmem>>) target_semaphore(%dma_start3A_447 : memref<!tpu.dma_semaphore, #tpu.memory_space<semaphore_mem>>)
        %add3A_452 = arith.constant 2 : i32
        %add3A_453 = arith.addi %add3A_297, %add3A_452 : i32
        %mul3A_454 = arith.constant 128 : i32
        %mul3A_455 = arith.muli %add3A_453, %mul3A_454 : i32
        %add3A_456 = arith.addi %mul3A_2, %mul3A_455 : i32
        %dma_wait3A_457 = arith.constant 0 : i32
        %dma_wait3A_458 = arith.constant 0 : i32
        %dma_wait3A_459 = arith.constant 0 : i32
        %dma_wait3A_460 = arith.constant 0 : i32
        %dma_wait3A_461 = tpu.memref_slice %arg7[%dma_wait3A_457, %dma_wait3A_460] : memref<3x128xi32, #tpu.memory_space<vmem>> -> memref<1x128xi32, #tpu.memory_space<vmem>>
        %dma_wait3A_462 = tpu.memref_squeeze %dma_wait3A_461 : memref<1x128xi32, #tpu.memory_space<vmem>> -> memref<128xi32, #tpu.memory_space<vmem>>
        %dma_wait3A_463 = tpu.memref_slice %arg3[%add3A_456] : memref<320000xi32, #tpu.memory_space<hbm>> -> memref<128xi32, #tpu.memory_space<hbm>>
        %dma_wait3A_464 = tpu.memref_slice %arg13[%dma_wait3A_458, %dma_wait3A_459] : memref<4x3x!tpu.dma_semaphore, #tpu.memory_space<semaphore_mem>> -> memref<1x1x!tpu.dma_semaphore, #tpu.memory_space<semaphore_mem>>
        %dma_wait3A_465 = tpu.memref_squeeze %dma_wait3A_464 : memref<1x1x!tpu.dma_semaphore, #tpu.memory_space<semaphore_mem>> -> memref<!tpu.dma_semaphore, #tpu.memory_space<semaphore_mem>>
        %dma_wait3A_466 = arith.constant 0 : i32
        %dma_wait3A_467 = tpu.memref_slice %arg7[%dma_wait3A_457, %dma_wait3A_466] : memref<3x128xi32, #tpu.memory_space<vmem>> -> memref<1x128xi32, #tpu.memory_space<vmem>>
        %dma_wait3A_468 = tpu.memref_squeeze %dma_wait3A_467 : memref<1x128xi32, #tpu.memory_space<vmem>> -> memref<128xi32, #tpu.memory_space<vmem>>
        %dma_wait3A_469 = tpu.memref_slice %arg3[%add3A_456] : memref<320000xi32, #tpu.memory_space<hbm>> -> memref<128xi32, #tpu.memory_space<hbm>>
        tpu.wait_dma2 semaphore(%dma_wait3A_465 : memref<!tpu.dma_semaphore, #tpu.memory_space<semaphore_mem>>) src(%dma_wait3A_469 : memref<128xi32, #tpu.memory_space<hbm>>) dst(%dma_wait3A_468 : memref<128xi32, #tpu.memory_space<vmem>>)
        %add3A_470 = arith.constant 2 : i32
        %add3A_471 = arith.addi %add3A_297, %add3A_470 : i32
        %dma_start3A_472 = arith.constant 0 : i32
        %dma_start3A_473 = arith.constant 0 : i32
        %dma_start3A_474 = arith.constant 2 : i32
        %dma_start3A_475 = arith.constant 0 : i32
        %dma_start3A_476 = arith.constant 0 : i32
        %dma_start3A_477 = arith.constant 0 : i32
        %dma_start3A_478 = tpu.memref_slice %arg9[%dma_start3A_473, %dma_start3A_476, %dma_start3A_477] : memref<3x128x128xf32, #tpu.memory_space<vmem>> -> memref<1x128x128xf32, #tpu.memory_space<vmem>>
        %dma_start3A_479 = tpu.memref_squeeze %dma_start3A_478 : memref<1x128x128xf32, #tpu.memory_space<vmem>> -> memref<128x128xf32, #tpu.memory_space<vmem>>
        %dma_start3A_480 = arith.constant 0 : i32
        %dma_start3A_481 = tpu.memref_slice %arg7[%dma_start3A_472, %dma_start3A_480] : memref<3x128xi32, #tpu.memory_space<vmem>> -> memref<1x128xi32, #tpu.memory_space<vmem>>
        %dma_start3A_482 = tpu.memref_squeeze %dma_start3A_481 : memref<1x128xi32, #tpu.memory_space<vmem>> -> memref<128xi32, #tpu.memory_space<vmem>>
        %dma_start3A_483 = arith.constant 0 : i32
        %dma_start3A_484 = arith.constant 0 : i32
        %dma_start3A_485 = tpu.memref_slice %arg2[%dma_start3A_483, %dma_start3A_484] : memref<10000x128xf32, #tpu.memory_space<hbm>> -> memref<10000x128xf32, #tpu.memory_space<hbm>>
        %dma_start3A_486 = tpu.memref_slice %arg13[%dma_start3A_474, %dma_start3A_475] : memref<4x3x!tpu.dma_semaphore, #tpu.memory_space<semaphore_mem>> -> memref<1x1x!tpu.dma_semaphore, #tpu.memory_space<semaphore_mem>>
        %dma_start3A_487 = tpu.memref_squeeze %dma_start3A_486 : memref<1x1x!tpu.dma_semaphore, #tpu.memory_space<semaphore_mem>> -> memref<!tpu.dma_semaphore, #tpu.memory_space<semaphore_mem>>
        tpu.enqueue_indirect_dma source(%dma_start3A_485 : memref<10000x128xf32, #tpu.memory_space<hbm>>) target(%dma_start3A_479 : memref<128x128xf32, #tpu.memory_space<vmem>>) offsets(%dma_start3A_482 : memref<128xi32, #tpu.memory_space<vmem>>) semaphore(%dma_start3A_487 : memref<!tpu.dma_semaphore, #tpu.memory_space<semaphore_mem>>)
      } else {
      }
      %mul3A_333 = arith.constant 128 : i32
      %mul3A_334 = arith.muli %add3A_297, %mul3A_333 : i32
      %add3A_335 = arith.addi %mul3A_2, %mul3A_334 : i32
      %dma_wait3A_336 = arith.constant 1 : i32
      %dma_wait3A_337 = arith.constant 1 : i32
      %dma_wait3A_338 = arith.constant 1 : i32
      %dma_wait3A_339 = arith.constant 0 : i32
      %dma_wait3A_340 = tpu.memref_slice %arg8[%dma_wait3A_336, %dma_wait3A_339] : memref<3x128xi32, #tpu.memory_space<vmem>> -> memref<1x128xi32, #tpu.memory_space<vmem>>
      %dma_wait3A_341 = tpu.memref_squeeze %dma_wait3A_340 : memref<1x128xi32, #tpu.memory_space<vmem>> -> memref<128xi32, #tpu.memory_space<vmem>>
      %dma_wait3A_342 = tpu.memref_slice %arg4[%add3A_335] : memref<320000xi32, #tpu.memory_space<hbm>> -> memref<128xi32, #tpu.memory_space<hbm>>
      %dma_wait3A_343 = tpu.memref_slice %arg13[%dma_wait3A_337, %dma_wait3A_338] : memref<4x3x!tpu.dma_semaphore, #tpu.memory_space<semaphore_mem>> -> memref<1x1x!tpu.dma_semaphore, #tpu.memory_space<semaphore_mem>>
      %dma_wait3A_344 = tpu.memref_squeeze %dma_wait3A_343 : memref<1x1x!tpu.dma_semaphore, #tpu.memory_space<semaphore_mem>> -> memref<!tpu.dma_semaphore, #tpu.memory_space<semaphore_mem>>
      %dma_wait3A_345 = arith.constant 0 : i32
      %dma_wait3A_346 = tpu.memref_slice %arg8[%dma_wait3A_336, %dma_wait3A_345] : memref<3x128xi32, #tpu.memory_space<vmem>> -> memref<1x128xi32, #tpu.memory_space<vmem>>
      %dma_wait3A_347 = tpu.memref_squeeze %dma_wait3A_346 : memref<1x128xi32, #tpu.memory_space<vmem>> -> memref<128xi32, #tpu.memory_space<vmem>>
      %dma_wait3A_348 = tpu.memref_slice %arg4[%add3A_335] : memref<320000xi32, #tpu.memory_space<hbm>> -> memref<128xi32, #tpu.memory_space<hbm>>
      tpu.wait_dma2 semaphore(%dma_wait3A_344 : memref<!tpu.dma_semaphore, #tpu.memory_space<semaphore_mem>>) src(%dma_wait3A_348 : memref<128xi32, #tpu.memory_space<hbm>>) dst(%dma_wait3A_347 : memref<128xi32, #tpu.memory_space<vmem>>)
      %dma_start3A_349 = arith.constant 1 : i32
      %dma_start3A_350 = arith.constant 1 : i32
      %dma_start3A_351 = arith.constant 3 : i32
      %dma_start3A_352 = arith.constant 1 : i32
      %dma_start3A_353 = arith.constant 0 : i32
      %dma_start3A_354 = arith.constant 0 : i32
      %dma_start3A_355 = tpu.memref_slice %arg9[%dma_start3A_349, %dma_start3A_353, %dma_start3A_354] : memref<3x128x128xf32, #tpu.memory_space<vmem>> -> memref<1x128x128xf32, #tpu.memory_space<vmem>>
      %dma_start3A_356 = tpu.memref_squeeze %dma_start3A_355 : memref<1x128x128xf32, #tpu.memory_space<vmem>> -> memref<128x128xf32, #tpu.memory_space<vmem>>
      %dma_start3A_357 = arith.constant 0 : i32
      %dma_start3A_358 = tpu.memref_slice %arg8[%dma_start3A_350, %dma_start3A_357] : memref<3x128xi32, #tpu.memory_space<vmem>> -> memref<1x128xi32, #tpu.memory_space<vmem>>
      %dma_start3A_359 = tpu.memref_squeeze %dma_start3A_358 : memref<1x128xi32, #tpu.memory_space<vmem>> -> memref<128xi32, #tpu.memory_space<vmem>>
      %dma_start3A_360 = arith.constant 0 : i32
      %dma_start3A_361 = arith.constant 0 : i32
      %dma_start3A_362 = tpu.memref_slice %arg12[%dma_start3A_360, %dma_start3A_361] : memref<10000x128xf32, #tpu.memory_space<vmem_shared>> -> memref<10000x128xf32, #tpu.memory_space<vmem_shared>>
      %dma_start3A_363 = tpu.memref_slice %arg13[%dma_start3A_351, %dma_start3A_352] : memref<4x3x!tpu.dma_semaphore, #tpu.memory_space<semaphore_mem>> -> memref<1x1x!tpu.dma_semaphore, #tpu.memory_space<semaphore_mem>>
      %dma_start3A_364 = tpu.memref_squeeze %dma_start3A_363 : memref<1x1x!tpu.dma_semaphore, #tpu.memory_space<semaphore_mem>> -> memref<!tpu.dma_semaphore, #tpu.memory_space<semaphore_mem>>
      tpu.enqueue_indirect_dma source(%dma_start3A_356 : memref<128x128xf32, #tpu.memory_space<vmem>>) target(%dma_start3A_362 : memref<10000x128xf32, #tpu.memory_space<vmem_shared>>) offsets(%dma_start3A_359 : memref<128xi32, #tpu.memory_space<vmem>>) semaphore(%dma_start3A_364 : memref<!tpu.dma_semaphore, #tpu.memory_space<semaphore_mem>>) {add = true}
      %add3A_365 = arith.constant 2 : i32
      %add3A_366 = arith.addi %mul3A_228, %add3A_365 : i32
      %dma_wait3A_367 = arith.constant 2 : i32
      %dma_wait3A_368 = arith.constant 2 : i32
      %dma_wait3A_369 = arith.constant 2 : i32
      %dma_wait3A_370 = arith.constant 2 : i32
      %dma_wait3A_371 = arith.constant 0 : i32
      %dma_wait3A_372 = arith.constant 0 : i32
      %dma_wait3A_373 = tpu.memref_slice %arg9[%dma_wait3A_368, %dma_wait3A_371, %dma_wait3A_372] : memref<3x128x128xf32, #tpu.memory_space<vmem>> -> memref<1x128x128xf32, #tpu.memory_space<vmem>>
      %dma_wait3A_374 = tpu.memref_squeeze %dma_wait3A_373 : memref<1x128x128xf32, #tpu.memory_space<vmem>> -> memref<128x128xf32, #tpu.memory_space<vmem>>
      %dma_wait3A_375 = arith.constant 0 : i32
      %dma_wait3A_376 = tpu.memref_slice %arg7[%dma_wait3A_367, %dma_wait3A_375] : memref<3x128xi32, #tpu.memory_space<vmem>> -> memref<1x128xi32, #tpu.memory_space<vmem>>
      %dma_wait3A_377 = tpu.memref_squeeze %dma_wait3A_376 : memref<1x128xi32, #tpu.memory_space<vmem>> -> memref<128xi32, #tpu.memory_space<vmem>>
      %dma_wait3A_378 = arith.constant 0 : i32
      %dma_wait3A_379 = arith.constant 0 : i32
      %dma_wait3A_380 = tpu.memref_slice %arg2[%dma_wait3A_378, %dma_wait3A_379] : memref<10000x128xf32, #tpu.memory_space<hbm>> -> memref<10000x128xf32, #tpu.memory_space<hbm>>
      %dma_wait3A_381 = tpu.memref_slice %arg13[%dma_wait3A_369, %dma_wait3A_370] : memref<4x3x!tpu.dma_semaphore, #tpu.memory_space<semaphore_mem>> -> memref<1x1x!tpu.dma_semaphore, #tpu.memory_space<semaphore_mem>>
      %dma_wait3A_382 = tpu.memref_squeeze %dma_wait3A_381 : memref<1x1x!tpu.dma_semaphore, #tpu.memory_space<semaphore_mem>> -> memref<!tpu.dma_semaphore, #tpu.memory_space<semaphore_mem>>
      tpu.wait_indirect_dma semaphore(%dma_wait3A_382 : memref<!tpu.dma_semaphore, #tpu.memory_space<semaphore_mem>>) src(%dma_wait3A_380 : memref<10000x128xf32, #tpu.memory_space<hbm>>) dst(%dma_wait3A_374 : memref<128x128xf32, #tpu.memory_space<vmem>>)
      %add3A_383 = arith.constant 3 : i32
      %add3A_384 = arith.addi %add3A_366, %add3A_383 : i32
      %lt3A_385 = arith.constant 78 : i32
      %lt3A_386 = arith.cmpi slt, %add3A_384, %lt3A_385 : i32
      %convert_element_type3A_387 = arith.extui %lt3A_386 : i1 to i32
      %cond3A_388 = arith.constant 0 : i32
      %cond3A_389 = arith.cmpi ne, %convert_element_type3A_387, %cond3A_388 : i32
      scf.if %cond3A_389 {
        %add3A_434 = arith.constant 3 : i32
        %add3A_435 = arith.addi %add3A_366, %add3A_434 : i32
        %mul3A_436 = arith.constant 128 : i32
        %mul3A_437 = arith.muli %add3A_435, %mul3A_436 : i32
        %add3A_438 = arith.addi %mul3A_2, %mul3A_437 : i32
        %dma_start3A_439 = arith.constant 2 : i32
        %dma_start3A_440 = arith.constant 0 : i32
        %dma_start3A_441 = arith.constant 2 : i32
        %dma_start3A_442 = arith.constant 0 : i32
        %dma_start3A_443 = tpu.memref_slice %arg7[%dma_start3A_439, %dma_start3A_442] : memref<3x128xi32, #tpu.memory_space<vmem>> -> memref<1x128xi32, #tpu.memory_space<vmem>>
        %dma_start3A_444 = tpu.memref_squeeze %dma_start3A_443 : memref<1x128xi32, #tpu.memory_space<vmem>> -> memref<128xi32, #tpu.memory_space<vmem>>
        %dma_start3A_445 = tpu.memref_slice %arg3[%add3A_438] : memref<320000xi32, #tpu.memory_space<hbm>> -> memref<128xi32, #tpu.memory_space<hbm>>
        %dma_start3A_446 = tpu.memref_slice %arg13[%dma_start3A_440, %dma_start3A_441] : memref<4x3x!tpu.dma_semaphore, #tpu.memory_space<semaphore_mem>> -> memref<1x1x!tpu.dma_semaphore, #tpu.memory_space<semaphore_mem>>
        %dma_start3A_447 = tpu.memref_squeeze %dma_start3A_446 : memref<1x1x!tpu.dma_semaphore, #tpu.memory_space<semaphore_mem>> -> memref<!tpu.dma_semaphore, #tpu.memory_space<semaphore_mem>>
        %dma_start3A_448 = arith.constant 0 : i32
        %dma_start3A_449 = tpu.memref_slice %arg7[%dma_start3A_439, %dma_start3A_448] : memref<3x128xi32, #tpu.memory_space<vmem>> -> memref<1x128xi32, #tpu.memory_space<vmem>>
        %dma_start3A_450 = tpu.memref_squeeze %dma_start3A_449 : memref<1x128xi32, #tpu.memory_space<vmem>> -> memref<128xi32, #tpu.memory_space<vmem>>
        %dma_start3A_451 = tpu.memref_slice %arg3[%add3A_438] : memref<320000xi32, #tpu.memory_space<hbm>> -> memref<128xi32, #tpu.memory_space<hbm>>
        tpu.enqueue_dma source(%dma_start3A_451 : memref<128xi32, #tpu.memory_space<hbm>>) target(%dma_start3A_450 : memref<128xi32, #tpu.memory_space<vmem>>) target_semaphore(%dma_start3A_447 : memref<!tpu.dma_semaphore, #tpu.memory_space<semaphore_mem>>)
      } else {
      }
      %ge3A_390 = arith.constant 1 : i32
      %ge3A_391 = arith.cmpi sge, %add3A_366, %ge3A_390 : i32
      %convert_element_type3A_392 = arith.extui %ge3A_391 : i1 to i32
      %cond3A_393 = arith.constant 0 : i32
      %cond3A_394 = arith.cmpi ne, %convert_element_type3A_392, %cond3A_393 : i32
      scf.if %cond3A_394 {
        %dma_wait3A_434 = arith.constant 1 : i32
        %dma_wait3A_435 = arith.constant 1 : i32
        %dma_wait3A_436 = arith.constant 3 : i32
        %dma_wait3A_437 = arith.constant 1 : i32
        %dma_wait3A_438 = arith.constant 0 : i32
        %dma_wait3A_439 = arith.constant 0 : i32
        %dma_wait3A_440 = tpu.memref_slice %arg9[%dma_wait3A_434, %dma_wait3A_438, %dma_wait3A_439] : memref<3x128x128xf32, #tpu.memory_space<vmem>> -> memref<1x128x128xf32, #tpu.memory_space<vmem>>
        %dma_wait3A_441 = tpu.memref_squeeze %dma_wait3A_440 : memref<1x128x128xf32, #tpu.memory_space<vmem>> -> memref<128x128xf32, #tpu.memory_space<vmem>>
        %dma_wait3A_442 = arith.constant 0 : i32
        %dma_wait3A_443 = tpu.memref_slice %arg8[%dma_wait3A_435, %dma_wait3A_442] : memref<3x128xi32, #tpu.memory_space<vmem>> -> memref<1x128xi32, #tpu.memory_space<vmem>>
        %dma_wait3A_444 = tpu.memref_squeeze %dma_wait3A_443 : memref<1x128xi32, #tpu.memory_space<vmem>> -> memref<128xi32, #tpu.memory_space<vmem>>
        %dma_wait3A_445 = arith.constant 0 : i32
        %dma_wait3A_446 = arith.constant 0 : i32
        %dma_wait3A_447 = tpu.memref_slice %arg12[%dma_wait3A_445, %dma_wait3A_446] : memref<10000x128xf32, #tpu.memory_space<vmem_shared>> -> memref<10000x128xf32, #tpu.memory_space<vmem_shared>>
        %dma_wait3A_448 = tpu.memref_slice %arg13[%dma_wait3A_436, %dma_wait3A_437] : memref<4x3x!tpu.dma_semaphore, #tpu.memory_space<semaphore_mem>> -> memref<1x1x!tpu.dma_semaphore, #tpu.memory_space<semaphore_mem>>
        %dma_wait3A_449 = tpu.memref_squeeze %dma_wait3A_448 : memref<1x1x!tpu.dma_semaphore, #tpu.memory_space<semaphore_mem>> -> memref<!tpu.dma_semaphore, #tpu.memory_space<semaphore_mem>>
        tpu.wait_indirect_dma semaphore(%dma_wait3A_449 : memref<!tpu.dma_semaphore, #tpu.memory_space<semaphore_mem>>) src(%dma_wait3A_441 : memref<128x128xf32, #tpu.memory_space<vmem>>) dst(%dma_wait3A_447 : memref<10000x128xf32, #tpu.memory_space<vmem_shared>>)
      } else {
      }
      %add3A_395 = arith.constant 2 : i32
      %add3A_396 = arith.addi %add3A_366, %add3A_395 : i32
      %lt3A_397 = arith.constant 78 : i32
      %lt3A_398 = arith.cmpi slt, %add3A_396, %lt3A_397 : i32
      %convert_element_type3A_399 = arith.extui %lt3A_398 : i1 to i32
      %cond3A_400 = arith.constant 0 : i32
      %cond3A_401 = arith.cmpi ne, %convert_element_type3A_399, %cond3A_400 : i32
      scf.if %cond3A_401 {
        %add3A_434 = arith.constant 2 : i32
        %add3A_435 = arith.addi %add3A_366, %add3A_434 : i32
        %mul3A_436 = arith.constant 128 : i32
        %mul3A_437 = arith.muli %add3A_435, %mul3A_436 : i32
        %add3A_438 = arith.addi %mul3A_2, %mul3A_437 : i32
        %dma_start3A_439 = arith.constant 1 : i32
        %dma_start3A_440 = arith.constant 1 : i32
        %dma_start3A_441 = arith.constant 1 : i32
        %dma_start3A_442 = arith.constant 0 : i32
        %dma_start3A_443 = tpu.memref_slice %arg8[%dma_start3A_439, %dma_start3A_442] : memref<3x128xi32, #tpu.memory_space<vmem>> -> memref<1x128xi32, #tpu.memory_space<vmem>>
        %dma_start3A_444 = tpu.memref_squeeze %dma_start3A_443 : memref<1x128xi32, #tpu.memory_space<vmem>> -> memref<128xi32, #tpu.memory_space<vmem>>
        %dma_start3A_445 = tpu.memref_slice %arg4[%add3A_438] : memref<320000xi32, #tpu.memory_space<hbm>> -> memref<128xi32, #tpu.memory_space<hbm>>
        %dma_start3A_446 = tpu.memref_slice %arg13[%dma_start3A_440, %dma_start3A_441] : memref<4x3x!tpu.dma_semaphore, #tpu.memory_space<semaphore_mem>> -> memref<1x1x!tpu.dma_semaphore, #tpu.memory_space<semaphore_mem>>
        %dma_start3A_447 = tpu.memref_squeeze %dma_start3A_446 : memref<1x1x!tpu.dma_semaphore, #tpu.memory_space<semaphore_mem>> -> memref<!tpu.dma_semaphore, #tpu.memory_space<semaphore_mem>>
        %dma_start3A_448 = arith.constant 0 : i32
        %dma_start3A_449 = tpu.memref_slice %arg8[%dma_start3A_439, %dma_start3A_448] : memref<3x128xi32, #tpu.memory_space<vmem>> -> memref<1x128xi32, #tpu.memory_space<vmem>>
        %dma_start3A_450 = tpu.memref_squeeze %dma_start3A_449 : memref<1x128xi32, #tpu.memory_space<vmem>> -> memref<128xi32, #tpu.memory_space<vmem>>
        %dma_start3A_451 = tpu.memref_slice %arg4[%add3A_438] : memref<320000xi32, #tpu.memory_space<hbm>> -> memref<128xi32, #tpu.memory_space<hbm>>
        tpu.enqueue_dma source(%dma_start3A_451 : memref<128xi32, #tpu.memory_space<hbm>>) target(%dma_start3A_450 : memref<128xi32, #tpu.memory_space<vmem>>) target_semaphore(%dma_start3A_447 : memref<!tpu.dma_semaphore, #tpu.memory_space<semaphore_mem>>)
        %add3A_452 = arith.constant 2 : i32
        %add3A_453 = arith.addi %add3A_366, %add3A_452 : i32
        %mul3A_454 = arith.constant 128 : i32
        %mul3A_455 = arith.muli %add3A_453, %mul3A_454 : i32
        %add3A_456 = arith.addi %mul3A_2, %mul3A_455 : i32
        %dma_wait3A_457 = arith.constant 1 : i32
        %dma_wait3A_458 = arith.constant 0 : i32
        %dma_wait3A_459 = arith.constant 1 : i32
        %dma_wait3A_460 = arith.constant 0 : i32
        %dma_wait3A_461 = tpu.memref_slice %arg7[%dma_wait3A_457, %dma_wait3A_460] : memref<3x128xi32, #tpu.memory_space<vmem>> -> memref<1x128xi32, #tpu.memory_space<vmem>>
        %dma_wait3A_462 = tpu.memref_squeeze %dma_wait3A_461 : memref<1x128xi32, #tpu.memory_space<vmem>> -> memref<128xi32, #tpu.memory_space<vmem>>
        %dma_wait3A_463 = tpu.memref_slice %arg3[%add3A_456] : memref<320000xi32, #tpu.memory_space<hbm>> -> memref<128xi32, #tpu.memory_space<hbm>>
        %dma_wait3A_464 = tpu.memref_slice %arg13[%dma_wait3A_458, %dma_wait3A_459] : memref<4x3x!tpu.dma_semaphore, #tpu.memory_space<semaphore_mem>> -> memref<1x1x!tpu.dma_semaphore, #tpu.memory_space<semaphore_mem>>
        %dma_wait3A_465 = tpu.memref_squeeze %dma_wait3A_464 : memref<1x1x!tpu.dma_semaphore, #tpu.memory_space<semaphore_mem>> -> memref<!tpu.dma_semaphore, #tpu.memory_space<semaphore_mem>>
        %dma_wait3A_466 = arith.constant 0 : i32
        %dma_wait3A_467 = tpu.memref_slice %arg7[%dma_wait3A_457, %dma_wait3A_466] : memref<3x128xi32, #tpu.memory_space<vmem>> -> memref<1x128xi32, #tpu.memory_space<vmem>>
        %dma_wait3A_468 = tpu.memref_squeeze %dma_wait3A_467 : memref<1x128xi32, #tpu.memory_space<vmem>> -> memref<128xi32, #tpu.memory_space<vmem>>
        %dma_wait3A_469 = tpu.memref_slice %arg3[%add3A_456] : memref<320000xi32, #tpu.memory_space<hbm>> -> memref<128xi32, #tpu.memory_space<hbm>>
        tpu.wait_dma2 semaphore(%dma_wait3A_465 : memref<!tpu.dma_semaphore, #tpu.memory_space<semaphore_mem>>) src(%dma_wait3A_469 : memref<128xi32, #tpu.memory_space<hbm>>) dst(%dma_wait3A_468 : memref<128xi32, #tpu.memory_space<vmem>>)
        %add3A_470 = arith.constant 2 : i32
        %add3A_471 = arith.addi %add3A_366, %add3A_470 : i32
        %dma_start3A_472 = arith.constant 1 : i32
        %dma_start3A_473 = arith.constant 1 : i32
        %dma_start3A_474 = arith.constant 2 : i32
        %dma_start3A_475 = arith.constant 1 : i32
        %dma_start3A_476 = arith.constant 0 : i32
        %dma_start3A_477 = arith.constant 0 : i32
        %dma_start3A_478 = tpu.memref_slice %arg9[%dma_start3A_473, %dma_start3A_476, %dma_start3A_477] : memref<3x128x128xf32, #tpu.memory_space<vmem>> -> memref<1x128x128xf32, #tpu.memory_space<vmem>>
        %dma_start3A_479 = tpu.memref_squeeze %dma_start3A_478 : memref<1x128x128xf32, #tpu.memory_space<vmem>> -> memref<128x128xf32, #tpu.memory_space<vmem>>
        %dma_start3A_480 = arith.constant 0 : i32
        %dma_start3A_481 = tpu.memref_slice %arg7[%dma_start3A_472, %dma_start3A_480] : memref<3x128xi32, #tpu.memory_space<vmem>> -> memref<1x128xi32, #tpu.memory_space<vmem>>
        %dma_start3A_482 = tpu.memref_squeeze %dma_start3A_481 : memref<1x128xi32, #tpu.memory_space<vmem>> -> memref<128xi32, #tpu.memory_space<vmem>>
        %dma_start3A_483 = arith.constant 0 : i32
        %dma_start3A_484 = arith.constant 0 : i32
        %dma_start3A_485 = tpu.memref_slice %arg2[%dma_start3A_483, %dma_start3A_484] : memref<10000x128xf32, #tpu.memory_space<hbm>> -> memref<10000x128xf32, #tpu.memory_space<hbm>>
        %dma_start3A_486 = tpu.memref_slice %arg13[%dma_start3A_474, %dma_start3A_475] : memref<4x3x!tpu.dma_semaphore, #tpu.memory_space<semaphore_mem>> -> memref<1x1x!tpu.dma_semaphore, #tpu.memory_space<semaphore_mem>>
        %dma_start3A_487 = tpu.memref_squeeze %dma_start3A_486 : memref<1x1x!tpu.dma_semaphore, #tpu.memory_space<semaphore_mem>> -> memref<!tpu.dma_semaphore, #tpu.memory_space<semaphore_mem>>
        tpu.enqueue_indirect_dma source(%dma_start3A_485 : memref<10000x128xf32, #tpu.memory_space<hbm>>) target(%dma_start3A_479 : memref<128x128xf32, #tpu.memory_space<vmem>>) offsets(%dma_start3A_482 : memref<128xi32, #tpu.memory_space<vmem>>) semaphore(%dma_start3A_487 : memref<!tpu.dma_semaphore, #tpu.memory_space<semaphore_mem>>)
      } else {
      }
      %mul3A_402 = arith.constant 128 : i32
      %mul3A_403 = arith.muli %add3A_366, %mul3A_402 : i32
      %add3A_404 = arith.addi %mul3A_2, %mul3A_403 : i32
      %dma_wait3A_405 = arith.constant 2 : i32
      %dma_wait3A_406 = arith.constant 1 : i32
      %dma_wait3A_407 = arith.constant 2 : i32
      %dma_wait3A_408 = arith.constant 0 : i32
      %dma_wait3A_409 = tpu.memref_slice %arg8[%dma_wait3A_405, %dma_wait3A_408] : memref<3x128xi32, #tpu.memory_space<vmem>> -> memref<1x128xi32, #tpu.memory_space<vmem>>
      %dma_wait3A_410 = tpu.memref_squeeze %dma_wait3A_409 : memref<1x128xi32, #tpu.memory_space<vmem>> -> memref<128xi32, #tpu.memory_space<vmem>>
      %dma_wait3A_411 = tpu.memref_slice %arg4[%add3A_404] : memref<320000xi32, #tpu.memory_space<hbm>> -> memref<128xi32, #tpu.memory_space<hbm>>
      %dma_wait3A_412 = tpu.memref_slice %arg13[%dma_wait3A_406, %dma_wait3A_407] : memref<4x3x!tpu.dma_semaphore, #tpu.memory_space<semaphore_mem>> -> memref<1x1x!tpu.dma_semaphore, #tpu.memory_space<semaphore_mem>>
      %dma_wait3A_413 = tpu.memref_squeeze %dma_wait3A_412 : memref<1x1x!tpu.dma_semaphore, #tpu.memory_space<semaphore_mem>> -> memref<!tpu.dma_semaphore, #tpu.memory_space<semaphore_mem>>
      %dma_wait3A_414 = arith.constant 0 : i32
      %dma_wait3A_415 = tpu.memref_slice %arg8[%dma_wait3A_405, %dma_wait3A_414] : memref<3x128xi32, #tpu.memory_space<vmem>> -> memref<1x128xi32, #tpu.memory_space<vmem>>
      %dma_wait3A_416 = tpu.memref_squeeze %dma_wait3A_415 : memref<1x128xi32, #tpu.memory_space<vmem>> -> memref<128xi32, #tpu.memory_space<vmem>>
      %dma_wait3A_417 = tpu.memref_slice %arg4[%add3A_404] : memref<320000xi32, #tpu.memory_space<hbm>> -> memref<128xi32, #tpu.memory_space<hbm>>
      tpu.wait_dma2 semaphore(%dma_wait3A_413 : memref<!tpu.dma_semaphore, #tpu.memory_space<semaphore_mem>>) src(%dma_wait3A_417 : memref<128xi32, #tpu.memory_space<hbm>>) dst(%dma_wait3A_416 : memref<128xi32, #tpu.memory_space<vmem>>)
      %dma_start3A_418 = arith.constant 2 : i32
      %dma_start3A_419 = arith.constant 2 : i32
      %dma_start3A_420 = arith.constant 3 : i32
      %dma_start3A_421 = arith.constant 2 : i32
      %dma_start3A_422 = arith.constant 0 : i32
      %dma_start3A_423 = arith.constant 0 : i32
      %dma_start3A_424 = tpu.memref_slice %arg9[%dma_start3A_418, %dma_start3A_422, %dma_start3A_423] : memref<3x128x128xf32, #tpu.memory_space<vmem>> -> memref<1x128x128xf32, #tpu.memory_space<vmem>>
      %dma_start3A_425 = tpu.memref_squeeze %dma_start3A_424 : memref<1x128x128xf32, #tpu.memory_space<vmem>> -> memref<128x128xf32, #tpu.memory_space<vmem>>
      %dma_start3A_426 = arith.constant 0 : i32
      %dma_start3A_427 = tpu.memref_slice %arg8[%dma_start3A_419, %dma_start3A_426] : memref<3x128xi32, #tpu.memory_space<vmem>> -> memref<1x128xi32, #tpu.memory_space<vmem>>
      %dma_start3A_428 = tpu.memref_squeeze %dma_start3A_427 : memref<1x128xi32, #tpu.memory_space<vmem>> -> memref<128xi32, #tpu.memory_space<vmem>>
      %dma_start3A_429 = arith.constant 0 : i32
      %dma_start3A_430 = arith.constant 0 : i32
      %dma_start3A_431 = tpu.memref_slice %arg12[%dma_start3A_429, %dma_start3A_430] : memref<10000x128xf32, #tpu.memory_space<vmem_shared>> -> memref<10000x128xf32, #tpu.memory_space<vmem_shared>>
      %dma_start3A_432 = tpu.memref_slice %arg13[%dma_start3A_420, %dma_start3A_421] : memref<4x3x!tpu.dma_semaphore, #tpu.memory_space<semaphore_mem>> -> memref<1x1x!tpu.dma_semaphore, #tpu.memory_space<semaphore_mem>>
      %dma_start3A_433 = tpu.memref_squeeze %dma_start3A_432 : memref<1x1x!tpu.dma_semaphore, #tpu.memory_space<semaphore_mem>> -> memref<!tpu.dma_semaphore, #tpu.memory_space<semaphore_mem>>
      tpu.enqueue_indirect_dma source(%dma_start3A_425 : memref<128x128xf32, #tpu.memory_space<vmem>>) target(%dma_start3A_431 : memref<10000x128xf32, #tpu.memory_space<vmem_shared>>) offsets(%dma_start3A_428 : memref<128xi32, #tpu.memory_space<vmem>>) semaphore(%dma_start3A_433 : memref<!tpu.dma_semaphore, #tpu.memory_space<semaphore_mem>>) {add = true}
    }
    %scan3A_147 = arith.constant 26 : i32
    %dma_wait3A_148 = arith.constant 2 : i32
    %dma_wait3A_149 = arith.constant 2 : i32
    %dma_wait3A_150 = arith.constant 3 : i32
    %dma_wait3A_151 = arith.constant 2 : i32
    %dma_wait3A_152 = arith.constant 0 : i32
    %dma_wait3A_153 = arith.constant 0 : i32
    %dma_wait3A_154 = tpu.memref_slice %arg9[%dma_wait3A_148, %dma_wait3A_152, %dma_wait3A_153] : memref<3x128x128xf32, #tpu.memory_space<vmem>> -> memref<1x128x128xf32, #tpu.memory_space<vmem>>
    %dma_wait3A_155 = tpu.memref_squeeze %dma_wait3A_154 : memref<1x128x128xf32, #tpu.memory_space<vmem>> -> memref<128x128xf32, #tpu.memory_space<vmem>>
    %dma_wait3A_156 = arith.constant 0 : i32
    %dma_wait3A_157 = tpu.memref_slice %arg8[%dma_wait3A_149, %dma_wait3A_156] : memref<3x128xi32, #tpu.memory_space<vmem>> -> memref<1x128xi32, #tpu.memory_space<vmem>>
    %dma_wait3A_158 = tpu.memref_squeeze %dma_wait3A_157 : memref<1x128xi32, #tpu.memory_space<vmem>> -> memref<128xi32, #tpu.memory_space<vmem>>
    %dma_wait3A_159 = arith.constant 0 : i32
    %dma_wait3A_160 = arith.constant 0 : i32
    %dma_wait3A_161 = tpu.memref_slice %arg12[%dma_wait3A_159, %dma_wait3A_160] : memref<10000x128xf32, #tpu.memory_space<vmem_shared>> -> memref<10000x128xf32, #tpu.memory_space<vmem_shared>>
    %dma_wait3A_162 = tpu.memref_slice %arg13[%dma_wait3A_150, %dma_wait3A_151] : memref<4x3x!tpu.dma_semaphore, #tpu.memory_space<semaphore_mem>> -> memref<1x1x!tpu.dma_semaphore, #tpu.memory_space<semaphore_mem>>
    %dma_wait3A_163 = tpu.memref_squeeze %dma_wait3A_162 : memref<1x1x!tpu.dma_semaphore, #tpu.memory_space<semaphore_mem>> -> memref<!tpu.dma_semaphore, #tpu.memory_space<semaphore_mem>>
    tpu.wait_indirect_dma semaphore(%dma_wait3A_163 : memref<!tpu.dma_semaphore, #tpu.memory_space<semaphore_mem>>) src(%dma_wait3A_155 : memref<128x128xf32, #tpu.memory_space<vmem>>) dst(%dma_wait3A_161 : memref<10000x128xf32, #tpu.memory_space<vmem_shared>>)
    %add3A_164 = arith.constant 9984 : i32
    %add3A_165 = arith.addi %mul3A_2, %add3A_164 : i32
    %dma_start3A_166 = arith.constant 0 : i32
    %dma_start3A_167 = arith.constant 0 : i32
    %dma_start3A_168 = tpu.memref_slice %arg3[%add3A_165] : memref<320000xi32, #tpu.memory_space<hbm>> -> memref<16xi32, #tpu.memory_space<hbm>>
    %dma_start3A_169 = tpu.memref_slice %arg13[%dma_start3A_166, %dma_start3A_167] : memref<4x3x!tpu.dma_semaphore, #tpu.memory_space<semaphore_mem>> -> memref<1x1x!tpu.dma_semaphore, #tpu.memory_space<semaphore_mem>>
    %dma_start3A_170 = tpu.memref_squeeze %dma_start3A_169 : memref<1x1x!tpu.dma_semaphore, #tpu.memory_space<semaphore_mem>> -> memref<!tpu.dma_semaphore, #tpu.memory_space<semaphore_mem>>
    %dma_start3A_171 = tpu.memref_slice %arg3[%add3A_165] : memref<320000xi32, #tpu.memory_space<hbm>> -> memref<16xi32, #tpu.memory_space<hbm>>
    tpu.enqueue_dma source(%dma_start3A_171 : memref<16xi32, #tpu.memory_space<hbm>>) target(%arg10 : memref<16xi32, #tpu.memory_space<vmem>>) target_semaphore(%dma_start3A_170 : memref<!tpu.dma_semaphore, #tpu.memory_space<semaphore_mem>>)
    %dma_start3A_172 = arith.constant 1 : i32
    %dma_start3A_173 = arith.constant 0 : i32
    %dma_start3A_174 = tpu.memref_slice %arg4[%add3A_165] : memref<320000xi32, #tpu.memory_space<hbm>> -> memref<16xi32, #tpu.memory_space<hbm>>
    %dma_start3A_175 = tpu.memref_slice %arg13[%dma_start3A_172, %dma_start3A_173] : memref<4x3x!tpu.dma_semaphore, #tpu.memory_space<semaphore_mem>> -> memref<1x1x!tpu.dma_semaphore, #tpu.memory_space<semaphore_mem>>
    %dma_start3A_176 = tpu.memref_squeeze %dma_start3A_175 : memref<1x1x!tpu.dma_semaphore, #tpu.memory_space<semaphore_mem>> -> memref<!tpu.dma_semaphore, #tpu.memory_space<semaphore_mem>>
    %dma_start3A_177 = tpu.memref_slice %arg4[%add3A_165] : memref<320000xi32, #tpu.memory_space<hbm>> -> memref<16xi32, #tpu.memory_space<hbm>>
    tpu.enqueue_dma source(%dma_start3A_177 : memref<16xi32, #tpu.memory_space<hbm>>) target(%arg11 : memref<16xi32, #tpu.memory_space<vmem>>) target_semaphore(%dma_start3A_176 : memref<!tpu.dma_semaphore, #tpu.memory_space<semaphore_mem>>)
    %dma_wait3A_178 = arith.constant 0 : i32
    %dma_wait3A_179 = arith.constant 0 : i32
    %dma_wait3A_180 = tpu.memref_slice %arg3[%add3A_165] : memref<320000xi32, #tpu.memory_space<hbm>> -> memref<16xi32, #tpu.memory_space<hbm>>
    %dma_wait3A_181 = tpu.memref_slice %arg13[%dma_wait3A_178, %dma_wait3A_179] : memref<4x3x!tpu.dma_semaphore, #tpu.memory_space<semaphore_mem>> -> memref<1x1x!tpu.dma_semaphore, #tpu.memory_space<semaphore_mem>>
    %dma_wait3A_182 = tpu.memref_squeeze %dma_wait3A_181 : memref<1x1x!tpu.dma_semaphore, #tpu.memory_space<semaphore_mem>> -> memref<!tpu.dma_semaphore, #tpu.memory_space<semaphore_mem>>
    %dma_wait3A_183 = tpu.memref_slice %arg3[%add3A_165] : memref<320000xi32, #tpu.memory_space<hbm>> -> memref<16xi32, #tpu.memory_space<hbm>>
    tpu.wait_dma2 semaphore(%dma_wait3A_182 : memref<!tpu.dma_semaphore, #tpu.memory_space<semaphore_mem>>) src(%dma_wait3A_183 : memref<16xi32, #tpu.memory_space<hbm>>) dst(%arg10 : memref<16xi32, #tpu.memory_space<vmem>>)
    %dma_start3A_184 = arith.constant 0 : i32
    %dma_start3A_185 = arith.constant 2 : i32
    %dma_start3A_186 = arith.constant 0 : i32
    %dma_start3A_187 = arith.constant 0 : i32
    %dma_start3A_188 = arith.constant 0 : i32
    %dma_start3A_189 = tpu.memref_slice %arg9[%dma_start3A_184, %dma_start3A_187, %dma_start3A_188] : memref<3x128x128xf32, #tpu.memory_space<vmem>> -> memref<1x16x128xf32, #tpu.memory_space<vmem>>
    %dma_start3A_190 = tpu.memref_squeeze %dma_start3A_189 : memref<1x16x128xf32, #tpu.memory_space<vmem>> -> memref<16x128xf32, #tpu.memory_space<vmem>>
    %dma_start3A_191 = arith.constant 0 : i32
    %dma_start3A_192 = arith.constant 0 : i32
    %dma_start3A_193 = tpu.memref_slice %arg2[%dma_start3A_191, %dma_start3A_192] : memref<10000x128xf32, #tpu.memory_space<hbm>> -> memref<10000x128xf32, #tpu.memory_space<hbm>>
    %dma_start3A_194 = tpu.memref_slice %arg13[%dma_start3A_185, %dma_start3A_186] : memref<4x3x!tpu.dma_semaphore, #tpu.memory_space<semaphore_mem>> -> memref<1x1x!tpu.dma_semaphore, #tpu.memory_space<semaphore_mem>>
    %dma_start3A_195 = tpu.memref_squeeze %dma_start3A_194 : memref<1x1x!tpu.dma_semaphore, #tpu.memory_space<semaphore_mem>> -> memref<!tpu.dma_semaphore, #tpu.memory_space<semaphore_mem>>
    tpu.enqueue_indirect_dma source(%dma_start3A_193 : memref<10000x128xf32, #tpu.memory_space<hbm>>) target(%dma_start3A_190 : memref<16x128xf32, #tpu.memory_space<vmem>>) offsets(%arg10 : memref<16xi32, #tpu.memory_space<vmem>>) semaphore(%dma_start3A_195 : memref<!tpu.dma_semaphore, #tpu.memory_space<semaphore_mem>>)
    %dma_wait3A_196 = arith.constant 0 : i32
    %dma_wait3A_197 = arith.constant 2 : i32
    %dma_wait3A_198 = arith.constant 0 : i32
    %dma_wait3A_199 = arith.constant 0 : i32
    %dma_wait3A_200 = arith.constant 0 : i32
    %dma_wait3A_201 = tpu.memref_slice %arg9[%dma_wait3A_196, %dma_wait3A_199, %dma_wait3A_200] : memref<3x128x128xf32, #tpu.memory_space<vmem>> -> memref<1x16x128xf32, #tpu.memory_space<vmem>>
    %dma_wait3A_202 = tpu.memref_squeeze %dma_wait3A_201 : memref<1x16x128xf32, #tpu.memory_space<vmem>> -> memref<16x128xf32, #tpu.memory_space<vmem>>
    %dma_wait3A_203 = arith.constant 0 : i32
    %dma_wait3A_204 = arith.constant 0 : i32
    %dma_wait3A_205 = tpu.memref_slice %arg2[%dma_wait3A_203, %dma_wait3A_204] : memref<10000x128xf32, #tpu.memory_space<hbm>> -> memref<10000x128xf32, #tpu.memory_space<hbm>>
    %dma_wait3A_206 = tpu.memref_slice %arg13[%dma_wait3A_197, %dma_wait3A_198] : memref<4x3x!tpu.dma_semaphore, #tpu.memory_space<semaphore_mem>> -> memref<1x1x!tpu.dma_semaphore, #tpu.memory_space<semaphore_mem>>
    %dma_wait3A_207 = tpu.memref_squeeze %dma_wait3A_206 : memref<1x1x!tpu.dma_semaphore, #tpu.memory_space<semaphore_mem>> -> memref<!tpu.dma_semaphore, #tpu.memory_space<semaphore_mem>>
    tpu.wait_indirect_dma semaphore(%dma_wait3A_207 : memref<!tpu.dma_semaphore, #tpu.memory_space<semaphore_mem>>) src(%dma_wait3A_205 : memref<10000x128xf32, #tpu.memory_space<hbm>>) dst(%dma_wait3A_202 : memref<16x128xf32, #tpu.memory_space<vmem>>)
    %dma_wait3A_208 = arith.constant 1 : i32
    %dma_wait3A_209 = arith.constant 0 : i32
    %dma_wait3A_210 = tpu.memref_slice %arg4[%add3A_165] : memref<320000xi32, #tpu.memory_space<hbm>> -> memref<16xi32, #tpu.memory_space<hbm>>
    %dma_wait3A_211 = tpu.memref_slice %arg13[%dma_wait3A_208, %dma_wait3A_209] : memref<4x3x!tpu.dma_semaphore, #tpu.memory_space<semaphore_mem>> -> memref<1x1x!tpu.dma_semaphore, #tpu.memory_space<semaphore_mem>>
    %dma_wait3A_212 = tpu.memref_squeeze %dma_wait3A_211 : memref<1x1x!tpu.dma_semaphore, #tpu.memory_space<semaphore_mem>> -> memref<!tpu.dma_semaphore, #tpu.memory_space<semaphore_mem>>
    %dma_wait3A_213 = tpu.memref_slice %arg4[%add3A_165] : memref<320000xi32, #tpu.memory_space<hbm>> -> memref<16xi32, #tpu.memory_space<hbm>>
    tpu.wait_dma2 semaphore(%dma_wait3A_212 : memref<!tpu.dma_semaphore, #tpu.memory_space<semaphore_mem>>) src(%dma_wait3A_213 : memref<16xi32, #tpu.memory_space<hbm>>) dst(%arg11 : memref<16xi32, #tpu.memory_space<vmem>>)
    %run_scoped3A = arith.constant 0 : i32
    "tpu.region"() ({
      %run_scoped3A_222 = tpu.sem_alloc : memref<!tpu.dma_semaphore, #tpu.memory_space<semaphore_mem>>
      %dma_start3A_223 = arith.constant 0 : i32
      %dma_start3A_224 = arith.constant 0 : i32
      %dma_start3A_225 = tpu.memref_slice %arg9[%run_scoped3A, %dma_start3A_223, %dma_start3A_224] : memref<3x128x128xf32, #tpu.memory_space<vmem>> -> memref<1x16x128xf32, #tpu.memory_space<vmem>>
      %dma_start3A_226 = tpu.memref_squeeze %dma_start3A_225 : memref<1x16x128xf32, #tpu.memory_space<vmem>> -> memref<16x128xf32, #tpu.memory_space<vmem>>
      %dma_start3A_227 = arith.constant 0 : i32
      %dma_start3A_228 = arith.constant 0 : i32
      %dma_start3A_229 = tpu.memref_slice %arg12[%dma_start3A_227, %dma_start3A_228] : memref<10000x128xf32, #tpu.memory_space<vmem_shared>> -> memref<10000x128xf32, #tpu.memory_space<vmem_shared>>
      tpu.enqueue_indirect_dma source(%dma_start3A_226 : memref<16x128xf32, #tpu.memory_space<vmem>>) target(%dma_start3A_229 : memref<10000x128xf32, #tpu.memory_space<vmem_shared>>) offsets(%arg11 : memref<16xi32, #tpu.memory_space<vmem>>) semaphore(%run_scoped3A_222 : memref<!tpu.dma_semaphore, #tpu.memory_space<semaphore_mem>>) {add = true}
      %dma_wait3A_230 = arith.constant 0 : i32
      %dma_wait3A_231 = arith.constant 0 : i32
      %dma_wait3A_232 = tpu.memref_slice %arg9[%run_scoped3A, %dma_wait3A_230, %dma_wait3A_231] : memref<3x128x128xf32, #tpu.memory_space<vmem>> -> memref<1x16x128xf32, #tpu.memory_space<vmem>>
      %dma_wait3A_233 = tpu.memref_squeeze %dma_wait3A_232 : memref<1x16x128xf32, #tpu.memory_space<vmem>> -> memref<16x128xf32, #tpu.memory_space<vmem>>
      %dma_wait3A_234 = arith.constant 0 : i32
      %dma_wait3A_235 = arith.constant 0 : i32
      %dma_wait3A_236 = tpu.memref_slice %arg12[%dma_wait3A_234, %dma_wait3A_235] : memref<10000x128xf32, #tpu.memory_space<vmem_shared>> -> memref<10000x128xf32, #tpu.memory_space<vmem_shared>>
      tpu.wait_indirect_dma semaphore(%run_scoped3A_222 : memref<!tpu.dma_semaphore, #tpu.memory_space<semaphore_mem>>) src(%dma_wait3A_233 : memref<16x128xf32, #tpu.memory_space<vmem>>) dst(%dma_wait3A_236 : memref<10000x128xf32, #tpu.memory_space<vmem_shared>>)
      tpu.yield
    }) : () -> ()
    %barrier3A_214 = arith.constant 0 : index
    tpu.barrier barrier_id(%barrier3A_214)
    %mul3A_215 = arith.constant 624 : i32
    %mul3A_216 = arith.muli %arg1, %mul3A_215 : i32
    "tpu.region"() ({
      %run_scoped3A_222 = tpu.sem_alloc : memref<!tpu.dma_semaphore, #tpu.memory_space<semaphore_mem>>
      %dma_start3A_223 = arith.constant 0 : i32
      %dma_start3A_224 = arith.constant 0 : i32
      %dma_start3A_225 = tpu.memref_slice %arg6[%arg0, %dma_start3A_223, %dma_start3A_224] : memref<2x10000x128xf32, #tpu.memory_space<hbm>> -> memref<1x10000x128xf32, #tpu.memory_space<hbm>>
      %dma_start3A_226 = tpu.memref_squeeze %dma_start3A_225 : memref<1x10000x128xf32, #tpu.memory_space<hbm>> -> memref<10000x128xf32, #tpu.memory_space<hbm>>
      %dma_start3A_227 = arith.constant 0 : i32
      %dma_start3A_228 = tpu.memref_slice %dma_start3A_226[%mul3A_216, %dma_start3A_227] : memref<10000x128xf32, #tpu.memory_space<hbm>> -> memref<624x128xf32, #tpu.memory_space<hbm>>
      %dma_start3A_229 = arith.constant 0 : i32
      %dma_start3A_230 = tpu.memref_slice %arg12[%mul3A_216, %dma_start3A_229] : memref<10000x128xf32, #tpu.memory_space<vmem_shared>> -> memref<624x128xf32, #tpu.memory_space<vmem_shared>>
      tpu.enqueue_dma source(%dma_start3A_230 : memref<624x128xf32, #tpu.memory_space<vmem_shared>>) target(%dma_start3A_228 : memref<624x128xf32, #tpu.memory_space<hbm>>) target_semaphore(%run_scoped3A_222 : memref<!tpu.dma_semaphore, #tpu.memory_space<semaphore_mem>>)
      %dma_wait3A_231 = arith.constant 0 : i32
      %dma_wait3A_232 = arith.constant 0 : i32
      %dma_wait3A_233 = tpu.memref_slice %arg6[%arg0, %dma_wait3A_231, %dma_wait3A_232] : memref<2x10000x128xf32, #tpu.memory_space<hbm>> -> memref<1x10000x128xf32, #tpu.memory_space<hbm>>
      %dma_wait3A_234 = tpu.memref_squeeze %dma_wait3A_233 : memref<1x10000x128xf32, #tpu.memory_space<hbm>> -> memref<10000x128xf32, #tpu.memory_space<hbm>>
      %dma_wait3A_235 = arith.constant 0 : i32
      %dma_wait3A_236 = tpu.memref_slice %dma_wait3A_234[%mul3A_216, %dma_wait3A_235] : memref<10000x128xf32, #tpu.memory_space<hbm>> -> memref<624x128xf32, #tpu.memory_space<hbm>>
      %dma_wait3A_237 = arith.constant 0 : i32
      %dma_wait3A_238 = tpu.memref_slice %arg12[%mul3A_216, %dma_wait3A_237] : memref<10000x128xf32, #tpu.memory_space<vmem_shared>> -> memref<624x128xf32, #tpu.memory_space<vmem_shared>>
      tpu.wait_dma2 semaphore(%run_scoped3A_222 : memref<!tpu.dma_semaphore, #tpu.memory_space<semaphore_mem>>) src(%dma_wait3A_238 : memref<624x128xf32, #tpu.memory_space<vmem_shared>>) dst(%dma_wait3A_236 : memref<624x128xf32, #tpu.memory_space<hbm>>)
      tpu.yield
    }) : () -> ()
    %eq3A_217 = arith.constant 0 : i32
    %eq3A_218 = arith.cmpi eq, %arg1, %eq3A_217 : i32
    %convert_element_type3A_219 = arith.extui %eq3A_218 : i1 to i32
    %cond3A_220 = arith.constant 0 : i32
    %cond3A_221 = arith.cmpi ne, %convert_element_type3A_219, %cond3A_220 : i32
    scf.if %cond3A_221 {
      "tpu.region"() ({
        %run_scoped3A_222 = tpu.sem_alloc : memref<!tpu.dma_semaphore, #tpu.memory_space<semaphore_mem>>
        %dma_start3A_223 = arith.constant 0 : i32
        %dma_start3A_224 = arith.constant 0 : i32
        %dma_start3A_225 = tpu.memref_slice %arg6[%arg0, %dma_start3A_223, %dma_start3A_224] : memref<2x10000x128xf32, #tpu.memory_space<hbm>> -> memref<1x10000x128xf32, #tpu.memory_space<hbm>>
        %dma_start3A_226 = tpu.memref_squeeze %dma_start3A_225 : memref<1x10000x128xf32, #tpu.memory_space<hbm>> -> memref<10000x128xf32, #tpu.memory_space<hbm>>
        %dma_start3A_227 = arith.constant 9984 : i32
        %dma_start3A_228 = arith.constant 0 : i32
        %dma_start3A_229 = tpu.memref_slice %dma_start3A_226[%dma_start3A_227, %dma_start3A_228] : memref<10000x128xf32, #tpu.memory_space<hbm>> -> memref<16x128xf32, #tpu.memory_space<hbm>>
        %dma_start3A_230 = arith.constant 9984 : i32
        %dma_start3A_231 = arith.constant 0 : i32
        %dma_start3A_232 = tpu.memref_slice %arg12[%dma_start3A_230, %dma_start3A_231] : memref<10000x128xf32, #tpu.memory_space<vmem_shared>> -> memref<16x128xf32, #tpu.memory_space<vmem_shared>>
        tpu.enqueue_dma source(%dma_start3A_232 : memref<16x128xf32, #tpu.memory_space<vmem_shared>>) target(%dma_start3A_229 : memref<16x128xf32, #tpu.memory_space<hbm>>) target_semaphore(%run_scoped3A_222 : memref<!tpu.dma_semaphore, #tpu.memory_space<semaphore_mem>>)
        %dma_wait3A_233 = arith.constant 0 : i32
        %dma_wait3A_234 = arith.constant 0 : i32
        %dma_wait3A_235 = tpu.memref_slice %arg6[%arg0, %dma_wait3A_233, %dma_wait3A_234] : memref<2x10000x128xf32, #tpu.memory_space<hbm>> -> memref<1x10000x128xf32, #tpu.memory_space<hbm>>
        %dma_wait3A_236 = tpu.memref_squeeze %dma_wait3A_235 : memref<1x10000x128xf32, #tpu.memory_space<hbm>> -> memref<10000x128xf32, #tpu.memory_space<hbm>>
        %dma_wait3A_237 = arith.constant 9984 : i32
        %dma_wait3A_238 = arith.constant 0 : i32
        %dma_wait3A_239 = tpu.memref_slice %dma_wait3A_236[%dma_wait3A_237, %dma_wait3A_238] : memref<10000x128xf32, #tpu.memory_space<hbm>> -> memref<16x128xf32, #tpu.memory_space<hbm>>
        %dma_wait3A_240 = arith.constant 9984 : i32
        %dma_wait3A_241 = arith.constant 0 : i32
        %dma_wait3A_242 = tpu.memref_slice %arg12[%dma_wait3A_240, %dma_wait3A_241] : memref<10000x128xf32, #tpu.memory_space<vmem_shared>> -> memref<16x128xf32, #tpu.memory_space<vmem_shared>>
        tpu.wait_dma2 semaphore(%run_scoped3A_222 : memref<!tpu.dma_semaphore, #tpu.memory_space<semaphore_mem>>) src(%dma_wait3A_242 : memref<16x128xf32, #tpu.memory_space<vmem_shared>>) dst(%dma_wait3A_239 : memref<16x128xf32, #tpu.memory_space<hbm>>)
        tpu.yield
      }) : () -> ()
    } else {
    }
    return
  }
}

module attributes {stable_mosaic.version = 14 : i64} {
  func.func @body(%arg0: i32, %arg1: memref<2x5000x128xf32, #tpu.memory_space<vmem>>, %arg2: memref<128x256xf32, #tpu.memory_space<vmem>>, %arg3: memref<1x256xf32, #tpu.memory_space<vmem>>, %arg4: memref<256x256xf32, #tpu.memory_space<vmem>>, %arg5: memref<1x256xf32, #tpu.memory_space<vmem>>, %arg6: memref<2x5000x128xf32, #tpu.memory_space<vmem>>) attributes {dimension_semantics = [#tpu.dimension_semantics<arbitrary>], iteration_bounds = array<i64: 2>, scalar_prefetch = 0 : i64, scratch_operands = 0 : i64, tpu.core_type = #tpu.core_type<tc>, window_params = [{transform_indices = @transform_0, window_bounds = array<i64: 2, 5000, 128>}, {pipeline_mode = #tpu.pipeline_mode<synchronous>, transform_indices = @transform_1, window_bounds = array<i64: 128, 256>}, {pipeline_mode = #tpu.pipeline_mode<synchronous>, transform_indices = @transform_2, window_bounds = array<i64: 1, 256>}, {pipeline_mode = #tpu.pipeline_mode<synchronous>, transform_indices = @transform_3, window_bounds = array<i64: 256, 256>}, {pipeline_mode = #tpu.pipeline_mode<synchronous>, transform_indices = @transform_4, window_bounds = array<i64: 1, 256>}, {transform_indices = @transform_5, window_bounds = array<i64: 2, 5000, 128>}]} {
    %get3A = arith.constant 0 : index
    %get3A_0 = arith.constant 0 : index
    %get3A_1 = arith.constant 0 : index
    %get3A_2 = vector.load %arg1[%get3A, %get3A_0, %get3A_1] : memref<2x5000x128xf32, #tpu.memory_space<vmem>>, vector<1x5000x128xf32>
    %get3A_3 = vector.shape_cast %get3A_2 : vector<1x5000x128xf32> to vector<5000x128xf32>
    %get3A_4 = arith.constant 1 : index
    %get3A_5 = arith.constant 0 : index
    %get3A_6 = arith.constant 0 : index
    %get3A_7 = vector.load %arg1[%get3A_4, %get3A_5, %get3A_6] : memref<2x5000x128xf32, #tpu.memory_space<vmem>>, vector<1x5000x128xf32>
    %get3A_8 = vector.shape_cast %get3A_7 : vector<1x5000x128xf32> to vector<5000x128xf32>
    %add3A = arith.addf %get3A_3, %get3A_8 : vector<5000x128xf32>
    %get3A_9 = arith.constant 0 : index
    %get3A_10 = arith.constant 0 : index
    %get3A_11 = vector.load %arg2[%get3A_9, %get3A_10] : memref<128x256xf32, #tpu.memory_space<vmem>>, vector<128x256xf32>
    %dot_general3A = arith.constant dense<0.000000e+00> : vector<5000x256xf32>
    %dot_general3A_12 = tpu.matmul %add3A, %get3A_11, %dot_general3A {dimension_numbers = #tpu.dot_dimension_numbers<[1], [0], [0], [1], [0, 0, 1, 1], [], []>, transpose_lhs_hint = false} : vector<5000x128xf32>, vector<128x256xf32>, vector<5000x256xf32> -> vector<5000x256xf32>
    %get3A_13 = arith.constant 0 : index
    %get3A_14 = arith.constant 0 : index
    %get3A_15 = vector.load %arg3[%get3A_13, %get3A_14] : memref<1x256xf32, #tpu.memory_space<vmem>>, vector<1x256xf32>
    %add3A_16 = vector.broadcast %get3A_15 : vector<1x256xf32> to vector<5000x256xf32>
    %add3A_17 = arith.addf %dot_general3A_12, %add3A_16 : vector<5000x256xf32>
    %max3A = arith.constant 0.000000e+00 : f32
    %max3A_18 = vector.broadcast %max3A : f32 to vector<5000x256xf32>
    %max3A_19 = arith.maximumf %add3A_17, %max3A_18 : vector<5000x256xf32>
    %get3A_20 = arith.constant 0 : index
    %get3A_21 = arith.constant 0 : index
    %get3A_22 = vector.load %arg4[%get3A_20, %get3A_21] : memref<256x256xf32, #tpu.memory_space<vmem>>, vector<256x256xf32>
    %dot_general3A_23 = arith.constant dense<0.000000e+00> : vector<5000x256xf32>
    %dot_general3A_24 = tpu.matmul %max3A_19, %get3A_22, %dot_general3A_23 {dimension_numbers = #tpu.dot_dimension_numbers<[1], [0], [0], [1], [0, 0, 1, 1], [], []>, transpose_lhs_hint = false} : vector<5000x256xf32>, vector<256x256xf32>, vector<5000x256xf32> -> vector<5000x256xf32>
    %get3A_25 = arith.constant 0 : index
    %get3A_26 = arith.constant 0 : index
    %get3A_27 = vector.load %arg5[%get3A_25, %get3A_26] : memref<1x256xf32, #tpu.memory_space<vmem>>, vector<1x256xf32>
    %add3A_28 = vector.broadcast %get3A_27 : vector<1x256xf32> to vector<5000x256xf32>
    %add3A_29 = arith.addf %dot_general3A_24, %add3A_28 : vector<5000x256xf32>
    %max3A_30 = arith.constant 0.000000e+00 : f32
    %max3A_31 = vector.broadcast %max3A_30 : f32 to vector<5000x256xf32>
    %max3A_32 = arith.maximumf %add3A_29, %max3A_31 : vector<5000x256xf32>
    %slice3A = vector.extract_strided_slice %max3A_32 {offsets = [0, 0], sizes = [5000, 128], strides = [1, 1]} : vector<5000x256xf32> to vector<5000x128xf32>
    %swap3A = arith.constant 0 : index
    %swap3A_33 = arith.constant 0 : index
    %swap3A_34 = arith.constant 0 : index
    %swap3A_35 = vector.load %arg6[%swap3A, %swap3A_33, %swap3A_34] : memref<2x5000x128xf32, #tpu.memory_space<vmem>>, vector<1x5000x128xf32>
    %swap3A_36 = vector.shape_cast %swap3A_35 : vector<1x5000x128xf32> to vector<5000x128xf32>
    %swap3A_37 = vector.shape_cast %slice3A : vector<5000x128xf32> to vector<1x5000x128xf32>
    tpu.vector_store %arg6[%swap3A, %swap3A_33, %swap3A_34], %swap3A_37 {strides = array<i32>} : memref<2x5000x128xf32, #tpu.memory_space<vmem>>, vector<1x5000x128xf32>,
    %slice3A_38 = vector.extract_strided_slice %max3A_32 {offsets = [0, 128], sizes = [5000, 128], strides = [1, 1]} : vector<5000x256xf32> to vector<5000x128xf32>
    %swap3A_39 = arith.constant 1 : index
    %swap3A_40 = arith.constant 0 : index
    %swap3A_41 = arith.constant 0 : index
    %swap3A_42 = vector.load %arg6[%swap3A_39, %swap3A_40, %swap3A_41] : memref<2x5000x128xf32, #tpu.memory_space<vmem>>, vector<1x5000x128xf32>
    %swap3A_43 = vector.shape_cast %swap3A_42 : vector<1x5000x128xf32> to vector<5000x128xf32>
    %swap3A_44 = vector.shape_cast %slice3A_38 : vector<5000x128xf32> to vector<1x5000x128xf32>
    tpu.vector_store %arg6[%swap3A_39, %swap3A_40, %swap3A_41], %swap3A_44 {strides = array<i32>} : memref<2x5000x128xf32, #tpu.memory_space<vmem>>, vector<1x5000x128xf32>,
    return
  }
  func.func @transform_0(%arg0: i32) -> (i32, i32, i32) {
    %c0_i32 = arith.constant 0 : i32
    %c0_i32_0 = arith.constant 0 : i32
    %c0_i32_1 = arith.constant 0 : i32
    return %c0_i32, %arg0, %c0_i32_0 : i32, i32, i32
  }
  func.func @transform_1(%arg0: i32) -> (i32, i32) {
    %c0_i32 = arith.constant 0 : i32
    %c0_i32_0 = arith.constant 0 : i32
    %c0_i32_1 = arith.constant 0 : i32
    return %c0_i32, %c0_i32_0 : i32, i32
  }
  func.func @transform_2(%arg0: i32) -> (i32, i32) {
    %c0_i32 = arith.constant 0 : i32
    %c0_i32_0 = arith.constant 0 : i32
    %c0_i32_1 = arith.constant 0 : i32
    return %c0_i32, %c0_i32_0 : i32, i32
  }
  func.func @transform_3(%arg0: i32) -> (i32, i32) {
    %c0_i32 = arith.constant 0 : i32
    %c0_i32_0 = arith.constant 0 : i32
    %c0_i32_1 = arith.constant 0 : i32
    return %c0_i32, %c0_i32_0 : i32, i32
  }
  func.func @transform_4(%arg0: i32) -> (i32, i32) {
    %c0_i32 = arith.constant 0 : i32
    %c0_i32_0 = arith.constant 0 : i32
    %c0_i32_1 = arith.constant 0 : i32
    return %c0_i32, %c0_i32_0 : i32, i32
  }
  func.func @transform_5(%arg0: i32) -> (i32, i32, i32) {
    %c0_i32 = arith.constant 0 : i32
    %c0_i32_0 = arith.constant 0 : i32
    %c0_i32_1 = arith.constant 0 : i32
    return %c0_i32, %arg0, %c0_i32_0 : i32, i32, i32
  }
}

module attributes {stable_mosaic.version = 14 : i64} {
  func.func @body(%arg0: i32, %arg1: memref<2x5000x128xf32, #tpu.memory_space<vmem>>, %arg2: memref<256x256xf32, #tpu.memory_space<vmem>>, %arg3: memref<1x256xf32, #tpu.memory_space<vmem>>, %arg4: memref<256x128xf32, #tpu.memory_space<vmem>>, %arg5: memref<1x128xf32, #tpu.memory_space<vmem>>, %arg6: memref<64x128xf32, #tpu.memory_space<vmem>>, %arg7: memref<2x256xi32, #tpu.memory_space<vmem>>, %arg8: memref<128x128xf32, #tpu.memory_space<vmem>>, %arg9: memref<1x128xf32, #tpu.memory_space<vmem>>, %arg10: memref<128x128xf32, #tpu.memory_space<vmem>>, %arg11: memref<1x128xf32, #tpu.memory_space<vmem>>, %arg12: memref<128x128xf32, #tpu.memory_space<vmem>>, %arg13: memref<1x128xf32, #tpu.memory_space<vmem>>, %arg14: memref<128x128xf32, #tpu.memory_space<vmem>>, %arg15: memref<1x128xf32, #tpu.memory_space<vmem>>, %arg16: memref<256x128xf32, #tpu.memory_space<vmem>>, %arg17: memref<1x128xf32, #tpu.memory_space<vmem>>, %arg18: memref<128x64xf32, #tpu.memory_space<vmem>>, %arg19: memref<1x64xf32, #tpu.memory_space<vmem>>, %arg20: memref<64x8xf32, #tpu.memory_space<vmem>>, %arg21: memref<1x8xf32, #tpu.memory_space<vmem>>, %arg22: memref<1x8xf32, #tpu.memory_space<vmem>>, %arg23: memref<1x128xf32, #tpu.memory_space<vmem>>) attributes {dimension_semantics = [#tpu.dimension_semantics<arbitrary>], iteration_bounds = array<i64: 2>, scalar_prefetch = 0 : i64, scratch_operands = 1 : i64, tpu.core_type = #tpu.core_type<tc>, window_params = [{transform_indices = @transform_0, window_bounds = array<i64: 2, 5000, 128>}, {pipeline_mode = #tpu.pipeline_mode<synchronous>, transform_indices = @transform_1, window_bounds = array<i64: 256, 256>}, {pipeline_mode = #tpu.pipeline_mode<synchronous>, transform_indices = @transform_2, window_bounds = array<i64: 1, 256>}, {pipeline_mode = #tpu.pipeline_mode<synchronous>, transform_indices = @transform_3, window_bounds = array<i64: 256, 128>}, {pipeline_mode = #tpu.pipeline_mode<synchronous>, transform_indices = @transform_4, window_bounds = array<i64: 1, 128>}, {pipeline_mode = #tpu.pipeline_mode<synchronous>, transform_indices = @transform_5, window_bounds = array<i64: 64, 128>}, {pipeline_mode = #tpu.pipeline_mode<synchronous>, transform_indices = @transform_6, window_bounds = array<i64: 2, 256>}, {pipeline_mode = #tpu.pipeline_mode<synchronous>, transform_indices = @transform_7, window_bounds = array<i64: 128, 128>}, {pipeline_mode = #tpu.pipeline_mode<synchronous>, transform_indices = @transform_8, window_bounds = array<i64: 1, 128>}, {pipeline_mode = #tpu.pipeline_mode<synchronous>, transform_indices = @transform_9, window_bounds = array<i64: 128, 128>}, {pipeline_mode = #tpu.pipeline_mode<synchronous>, transform_indices = @transform_10, window_bounds = array<i64: 1, 128>}, {pipeline_mode = #tpu.pipeline_mode<synchronous>, transform_indices = @transform_11, window_bounds = array<i64: 128, 128>}, {pipeline_mode = #tpu.pipeline_mode<synchronous>, transform_indices = @transform_12, window_bounds = array<i64: 1, 128>}, {pipeline_mode = #tpu.pipeline_mode<synchronous>, transform_indices = @transform_13, window_bounds = array<i64: 128, 128>}, {pipeline_mode = #tpu.pipeline_mode<synchronous>, transform_indices = @transform_14, window_bounds = array<i64: 1, 128>}, {pipeline_mode = #tpu.pipeline_mode<synchronous>, transform_indices = @transform_15, window_bounds = array<i64: 256, 128>}, {pipeline_mode = #tpu.pipeline_mode<synchronous>, transform_indices = @transform_16, window_bounds = array<i64: 1, 128>}, {pipeline_mode = #tpu.pipeline_mode<synchronous>, transform_indices = @transform_17, window_bounds = array<i64: 128, 64>}, {pipeline_mode = #tpu.pipeline_mode<synchronous>, transform_indices = @transform_18, window_bounds = array<i64: 1, 64>}, {pipeline_mode = #tpu.pipeline_mode<synchronous>, transform_indices = @transform_19, window_bounds = array<i64: 64, 8>}, {pipeline_mode = #tpu.pipeline_mode<synchronous>, transform_indices = @transform_20, window_bounds = array<i64: 1, 8>}, {pipeline_mode = #tpu.pipeline_mode<synchronous>, transform_indices = @transform_21, window_bounds = array<i64: 1, 8>}]} {
    %get3A = arith.constant 0 : index
    %get3A_0 = arith.constant 0 : index
    %get3A_1 = arith.constant 0 : index
    %get3A_2 = vector.load %arg1[%get3A, %get3A_0, %get3A_1] : memref<2x5000x128xf32, #tpu.memory_space<vmem>>, vector<1x5000x128xf32>
    %get3A_3 = vector.shape_cast %get3A_2 : vector<1x5000x128xf32> to vector<5000x128xf32>
    %get3A_4 = arith.constant 1 : index
    %get3A_5 = arith.constant 0 : index
    %get3A_6 = arith.constant 0 : index
    %get3A_7 = vector.load %arg1[%get3A_4, %get3A_5, %get3A_6] : memref<2x5000x128xf32, #tpu.memory_space<vmem>>, vector<1x5000x128xf32>
    %get3A_8 = vector.shape_cast %get3A_7 : vector<1x5000x128xf32> to vector<5000x128xf32>
    %concatenate3A = tpu.concatenate %get3A_3, %get3A_8 in 1 : vector<5000x128xf32>, vector<5000x128xf32> -> vector<5000x256xf32>
    %get3A_9 = arith.constant 0 : index
    %get3A_10 = arith.constant 0 : index
    %get3A_11 = vector.load %arg2[%get3A_9, %get3A_10] : memref<256x256xf32, #tpu.memory_space<vmem>>, vector<256x256xf32>
    %dot_general3A = arith.constant dense<0.000000e+00> : vector<5000x256xf32>
    %dot_general3A_12 = tpu.matmul %concatenate3A, %get3A_11, %dot_general3A {dimension_numbers = #tpu.dot_dimension_numbers<[1], [0], [0], [1], [0, 0, 1, 1], [], []>, transpose_lhs_hint = false} : vector<5000x256xf32>, vector<256x256xf32>, vector<5000x256xf32> -> vector<5000x256xf32>
    %get3A_13 = arith.constant 0 : index
    %get3A_14 = arith.constant 0 : index
    %get3A_15 = vector.load %arg3[%get3A_13, %get3A_14] : memref<1x256xf32, #tpu.memory_space<vmem>>, vector<1x256xf32>
    %add3A = vector.broadcast %get3A_15 : vector<1x256xf32> to vector<5000x256xf32>
    %add3A_16 = arith.addf %dot_general3A_12, %add3A : vector<5000x256xf32>
    %max3A = arith.constant 0.000000e+00 : f32
    %max3A_17 = vector.broadcast %max3A : f32 to vector<5000x256xf32>
    %max3A_18 = arith.maximumf %add3A_16, %max3A_17 : vector<5000x256xf32>
    %get3A_19 = arith.constant 0 : index
    %get3A_20 = arith.constant 0 : index
    %get3A_21 = vector.load %arg4[%get3A_19, %get3A_20] : memref<256x128xf32, #tpu.memory_space<vmem>>, vector<256x128xf32>
    %dot_general3A_22 = arith.constant dense<0.000000e+00> : vector<5000x128xf32>
    %dot_general3A_23 = tpu.matmul %max3A_18, %get3A_21, %dot_general3A_22 {dimension_numbers = #tpu.dot_dimension_numbers<[1], [0], [0], [1], [0, 0, 1, 1], [], []>, transpose_lhs_hint = false} : vector<5000x256xf32>, vector<256x128xf32>, vector<5000x128xf32> -> vector<5000x128xf32>
    %get3A_24 = arith.constant 0 : index
    %get3A_25 = arith.constant 0 : index
    %get3A_26 = vector.load %arg5[%get3A_24, %get3A_25] : memref<1x128xf32, #tpu.memory_space<vmem>>, vector<1x128xf32>
    %add3A_27 = vector.broadcast %get3A_26 : vector<1x128xf32> to vector<5000x128xf32>
    %add3A_28 = arith.addf %dot_general3A_23, %add3A_27 : vector<5000x128xf32>
    %reduce_sum3A = arith.constant dense<0.000000e+00> : vector<128xf32>
    %reduce_sum3A_29 = vector.multi_reduction <add>, %add3A_28, %reduce_sum3A [0] : vector<5000x128xf32> to vector<128xf32>
    %broadcast_in_dim3A = vector.shape_cast %reduce_sum3A_29 : vector<128xf32> to vector<1x128xf32>
    %eq3A = arith.constant 0 : i32
    %eq3A_30 = arith.cmpi eq, %arg0, %eq3A : i32
    %convert_element_type3A = arith.extui %eq3A_30 : i1 to i32
    %cond3A = arith.constant 0 : i32
    %cond3A_31 = arith.cmpi ne, %convert_element_type3A, %cond3A : i32
    scf.if %cond3A_31 {
      %swap3A = arith.constant 0 : index
      %swap3A_41 = arith.constant 0 : index
      %swap3A_42 = vector.load %arg23[%swap3A, %swap3A_41] : memref<1x128xf32, #tpu.memory_space<vmem>>, vector<1x128xf32>
      tpu.vector_store %arg23[%swap3A, %swap3A_41], %broadcast_in_dim3A {strides = array<i32>} : memref<1x128xf32, #tpu.memory_space<vmem>>, vector<1x128xf32>,
    } else {
    }
    %ne3A = arith.constant 0 : i32
    %ne3A_32 = arith.cmpi ne, %arg0, %ne3A : i32
    %convert_element_type3A_33 = arith.extui %ne3A_32 : i1 to i32
    %cond3A_34 = arith.constant 0 : i32
    %cond3A_35 = arith.cmpi ne, %convert_element_type3A_33, %cond3A_34 : i32
    scf.if %cond3A_35 {
      %get3A_41 = arith.constant 0 : index
      %get3A_42 = arith.constant 0 : index
      %get3A_43 = vector.load %arg23[%get3A_41, %get3A_42] : memref<1x128xf32, #tpu.memory_space<vmem>>, vector<1x128xf32>
      %add3A_44 = arith.addf %get3A_43, %broadcast_in_dim3A : vector<1x128xf32>
      %swap3A = arith.constant 0 : index
      %swap3A_45 = arith.constant 0 : index
      %swap3A_46 = vector.load %arg23[%swap3A, %swap3A_45] : memref<1x128xf32, #tpu.memory_space<vmem>>, vector<1x128xf32>
      tpu.vector_store %arg23[%swap3A, %swap3A_45], %add3A_44 {strides = array<i32>} : memref<1x128xf32, #tpu.memory_space<vmem>>, vector<1x128xf32>,
    } else {
    }
    %eq3A_36 = arith.constant 1 : i32
    %eq3A_37 = arith.cmpi eq, %arg0, %eq3A_36 : i32
    %convert_element_type3A_38 = arith.extui %eq3A_37 : i1 to i32
    %cond3A_39 = arith.constant 0 : i32
    %cond3A_40 = arith.cmpi ne, %convert_element_type3A_38, %cond3A_39 : i32
    scf.if %cond3A_40 {
      %get3A_41 = arith.constant 0 : index
      %get3A_42 = arith.constant 0 : index
      %get3A_43 = vector.load %arg7[%get3A_41, %get3A_42] : memref<2x256xi32, #tpu.memory_space<vmem>>, vector<1x256xi32>
      %get3A_44 = vector.shape_cast %get3A_43 : vector<1x256xi32> to vector<256xi32>
      %get3A_45 = arith.constant 1 : index
      %get3A_46 = arith.constant 0 : index
      %get3A_47 = vector.load %arg7[%get3A_45, %get3A_46] : memref<2x256xi32, #tpu.memory_space<vmem>>, vector<1x256xi32>
      %get3A_48 = vector.shape_cast %get3A_47 : vector<1x256xi32> to vector<256xi32>
      %iota3A = tpu.iota {dimensions = array<i32: 1>} : vector<256x64xi32>
      %broadcast_in_dim3A_49 = vector.shape_cast %get3A_44 : vector<256xi32> to vector<256x1xi32>
      %eq3A_50 = vector.broadcast %broadcast_in_dim3A_49 : vector<256x1xi32> to vector<256x64xi32>
      %eq3A_51 = arith.cmpi eq, %iota3A, %eq3A_50 : vector<256x64xi32>
      %convert_element_type3A_52 = arith.extui %eq3A_51 : vector<256x64xi1> to vector<256x64xi32>
      %convert_element_type3A_53 = arith.sitofp %convert_element_type3A_52 : vector<256x64xi32> to vector<256x64xf32>
      %broadcast_in_dim3A_54 = vector.shape_cast %get3A_48 : vector<256xi32> to vector<256x1xi32>
      %eq3A_55 = vector.broadcast %broadcast_in_dim3A_54 : vector<256x1xi32> to vector<256x64xi32>
      %eq3A_56 = arith.cmpi eq, %iota3A, %eq3A_55 : vector<256x64xi32>
      %convert_element_type3A_57 = arith.extui %eq3A_56 : vector<256x64xi1> to vector<256x64xi32>
      %convert_element_type3A_58 = arith.sitofp %convert_element_type3A_57 : vector<256x64xi32> to vector<256x64xf32>
      %transpose3A = tpu.transpose %convert_element_type3A_58, [1, 0] : vector<256x64xf32> -> vector<64x256xf32>
      %get3A_59 = arith.constant 0 : index
      %get3A_60 = arith.constant 0 : index
      %get3A_61 = vector.load %arg6[%get3A_59, %get3A_60] : memref<64x128xf32, #tpu.memory_space<vmem>>, vector<64x128xf32>
      %dot_general3A_62 = arith.constant dense<0.000000e+00> : vector<256x128xf32>
      %dot_general3A_63 = tpu.matmul %convert_element_type3A_53, %get3A_61, %dot_general3A_62 {dimension_numbers = #tpu.dot_dimension_numbers<[1], [0], [0], [1], [0, 0, 1, 1], [], []>, precision = #tpu.contract_precision<fp32>, transpose_lhs_hint = false} : vector<256x64xf32>, vector<64x128xf32>, vector<256x128xf32> -> vector<256x128xf32>
      %dot_general3A_64 = arith.constant dense<0.000000e+00> : vector<64x128xf32>
      %dot_general3A_65 = tpu.matmul %transpose3A, %dot_general3A_63, %dot_general3A_64 {dimension_numbers = #tpu.dot_dimension_numbers<[1], [0], [0], [1], [0, 0, 1, 1], [], []>, precision = #tpu.contract_precision<fp32>, transpose_lhs_hint = false} : vector<64x256xf32>, vector<256x128xf32>, vector<64x128xf32> -> vector<64x128xf32>
      %add3A_66 = arith.addf %get3A_61, %dot_general3A_65 : vector<64x128xf32>
      %get3A_67 = arith.constant 0 : index
      %get3A_68 = arith.constant 0 : index
      %get3A_69 = vector.load %arg8[%get3A_67, %get3A_68] : memref<128x128xf32, #tpu.memory_space<vmem>>, vector<128x128xf32>
      %dot_general3A_70 = arith.constant dense<0.000000e+00> : vector<64x128xf32>
      %dot_general3A_71 = tpu.matmul %add3A_66, %get3A_69, %dot_general3A_70 {dimension_numbers = #tpu.dot_dimension_numbers<[1], [0], [0], [1], [0, 0, 1, 1], [], []>, transpose_lhs_hint = false} : vector<64x128xf32>, vector<128x128xf32>, vector<64x128xf32> -> vector<64x128xf32>
      %get3A_72 = arith.constant 0 : index
      %get3A_73 = arith.constant 0 : index
      %get3A_74 = vector.load %arg9[%get3A_72, %get3A_73] : memref<1x128xf32, #tpu.memory_space<vmem>>, vector<1x128xf32>
      %add3A_75 = vector.broadcast %get3A_74 : vector<1x128xf32> to vector<64x128xf32>
      %add3A_76 = arith.addf %dot_general3A_71, %add3A_75 : vector<64x128xf32>
      %max3A_77 = arith.constant 0.000000e+00 : f32
      %max3A_78 = vector.broadcast %max3A_77 : f32 to vector<64x128xf32>
      %max3A_79 = arith.maximumf %add3A_76, %max3A_78 : vector<64x128xf32>
      %get3A_80 = arith.constant 0 : index
      %get3A_81 = arith.constant 0 : index
      %get3A_82 = vector.load %arg10[%get3A_80, %get3A_81] : memref<128x128xf32, #tpu.memory_space<vmem>>, vector<128x128xf32>
      %dot_general3A_83 = arith.constant dense<0.000000e+00> : vector<64x128xf32>
      %dot_general3A_84 = tpu.matmul %max3A_79, %get3A_82, %dot_general3A_83 {dimension_numbers = #tpu.dot_dimension_numbers<[1], [0], [0], [1], [0, 0, 1, 1], [], []>, transpose_lhs_hint = false} : vector<64x128xf32>, vector<128x128xf32>, vector<64x128xf32> -> vector<64x128xf32>
      %get3A_85 = arith.constant 0 : index
      %get3A_86 = arith.constant 0 : index
      %get3A_87 = vector.load %arg11[%get3A_85, %get3A_86] : memref<1x128xf32, #tpu.memory_space<vmem>>, vector<1x128xf32>
      %add3A_88 = vector.broadcast %get3A_87 : vector<1x128xf32> to vector<64x128xf32>
      %add3A_89 = arith.addf %dot_general3A_84, %add3A_88 : vector<64x128xf32>
      %max3A_90 = arith.constant 0.000000e+00 : f32
      %max3A_91 = vector.broadcast %max3A_90 : f32 to vector<64x128xf32>
      %max3A_92 = arith.maximumf %add3A_89, %max3A_91 : vector<64x128xf32>
      %dot_general3A_93 = arith.constant dense<0.000000e+00> : vector<256x128xf32>
      %dot_general3A_94 = tpu.matmul %convert_element_type3A_53, %max3A_92, %dot_general3A_93 {dimension_numbers = #tpu.dot_dimension_numbers<[1], [0], [0], [1], [0, 0, 1, 1], [], []>, precision = #tpu.contract_precision<fp32>, transpose_lhs_hint = false} : vector<256x64xf32>, vector<64x128xf32>, vector<256x128xf32> -> vector<256x128xf32>
      %dot_general3A_95 = arith.constant dense<0.000000e+00> : vector<64x128xf32>
      %dot_general3A_96 = tpu.matmul %transpose3A, %dot_general3A_94, %dot_general3A_95 {dimension_numbers = #tpu.dot_dimension_numbers<[1], [0], [0], [1], [0, 0, 1, 1], [], []>, precision = #tpu.contract_precision<fp32>, transpose_lhs_hint = false} : vector<64x256xf32>, vector<256x128xf32>, vector<64x128xf32> -> vector<64x128xf32>
      %add3A_97 = arith.addf %max3A_92, %dot_general3A_96 : vector<64x128xf32>
      %get3A_98 = arith.constant 0 : index
      %get3A_99 = arith.constant 0 : index
      %get3A_100 = vector.load %arg12[%get3A_98, %get3A_99] : memref<128x128xf32, #tpu.memory_space<vmem>>, vector<128x128xf32>
      %dot_general3A_101 = arith.constant dense<0.000000e+00> : vector<64x128xf32>
      %dot_general3A_102 = tpu.matmul %add3A_97, %get3A_100, %dot_general3A_101 {dimension_numbers = #tpu.dot_dimension_numbers<[1], [0], [0], [1], [0, 0, 1, 1], [], []>, transpose_lhs_hint = false} : vector<64x128xf32>, vector<128x128xf32>, vector<64x128xf32> -> vector<64x128xf32>
      %get3A_103 = arith.constant 0 : index
      %get3A_104 = arith.constant 0 : index
      %get3A_105 = vector.load %arg13[%get3A_103, %get3A_104] : memref<1x128xf32, #tpu.memory_space<vmem>>, vector<1x128xf32>
      %add3A_106 = vector.broadcast %get3A_105 : vector<1x128xf32> to vector<64x128xf32>
      %add3A_107 = arith.addf %dot_general3A_102, %add3A_106 : vector<64x128xf32>
      %max3A_108 = arith.constant 0.000000e+00 : f32
      %max3A_109 = vector.broadcast %max3A_108 : f32 to vector<64x128xf32>
      %max3A_110 = arith.maximumf %add3A_107, %max3A_109 : vector<64x128xf32>
      %get3A_111 = arith.constant 0 : index
      %get3A_112 = arith.constant 0 : index
      %get3A_113 = vector.load %arg14[%get3A_111, %get3A_112] : memref<128x128xf32, #tpu.memory_space<vmem>>, vector<128x128xf32>
      %dot_general3A_114 = arith.constant dense<0.000000e+00> : vector<64x128xf32>
      %dot_general3A_115 = tpu.matmul %max3A_110, %get3A_113, %dot_general3A_114 {dimension_numbers = #tpu.dot_dimension_numbers<[1], [0], [0], [1], [0, 0, 1, 1], [], []>, transpose_lhs_hint = false} : vector<64x128xf32>, vector<128x128xf32>, vector<64x128xf32> -> vector<64x128xf32>
      %get3A_116 = arith.constant 0 : index
      %get3A_117 = arith.constant 0 : index
      %get3A_118 = vector.load %arg15[%get3A_116, %get3A_117] : memref<1x128xf32, #tpu.memory_space<vmem>>, vector<1x128xf32>
      %add3A_119 = vector.broadcast %get3A_118 : vector<1x128xf32> to vector<64x128xf32>
      %add3A_120 = arith.addf %dot_general3A_115, %add3A_119 : vector<64x128xf32>
      %reduce_sum3A_121 = arith.constant dense<0.000000e+00> : vector<128xf32>
      %reduce_sum3A_122 = vector.multi_reduction <add>, %add3A_120, %reduce_sum3A_121 [0] : vector<64x128xf32> to vector<128xf32>
      %broadcast_in_dim3A_123 = vector.shape_cast %reduce_sum3A_122 : vector<128xf32> to vector<1x128xf32>
      %get3A_124 = arith.constant 0 : index
      %get3A_125 = arith.constant 0 : index
      %get3A_126 = vector.load %arg23[%get3A_124, %get3A_125] : memref<1x128xf32, #tpu.memory_space<vmem>>, vector<1x128xf32>
      %concatenate3A_127 = tpu.concatenate %broadcast_in_dim3A_123, %get3A_126 in 1 : vector<1x128xf32>, vector<1x128xf32> -> vector<1x256xf32>
      %get3A_128 = arith.constant 0 : index
      %get3A_129 = arith.constant 0 : index
      %get3A_130 = vector.load %arg16[%get3A_128, %get3A_129] : memref<256x128xf32, #tpu.memory_space<vmem>>, vector<256x128xf32>
      %dot_general3A_131 = arith.constant dense<0.000000e+00> : vector<1x128xf32>
      %dot_general3A_132 = tpu.matmul %concatenate3A_127, %get3A_130, %dot_general3A_131 {dimension_numbers = #tpu.dot_dimension_numbers<[1], [0], [0], [1], [0, 0, 1, 1], [], []>, transpose_lhs_hint = false} : vector<1x256xf32>, vector<256x128xf32>, vector<1x128xf32> -> vector<1x128xf32>
      %get3A_133 = arith.constant 0 : index
      %get3A_134 = arith.constant 0 : index
      %get3A_135 = vector.load %arg17[%get3A_133, %get3A_134] : memref<1x128xf32, #tpu.memory_space<vmem>>, vector<1x128xf32>
      %add3A_136 = arith.addf %dot_general3A_132, %get3A_135 : vector<1x128xf32>
      %max3A_137 = arith.constant 0.000000e+00 : f32
      %max3A_138 = vector.broadcast %max3A_137 : f32 to vector<1x128xf32>
      %max3A_139 = arith.maximumf %add3A_136, %max3A_138 : vector<1x128xf32>
      %get3A_140 = arith.constant 0 : index
      %get3A_141 = arith.constant 0 : index
      %get3A_142 = vector.load %arg18[%get3A_140, %get3A_141] : memref<128x64xf32, #tpu.memory_space<vmem>>, vector<128x64xf32>
      %dot_general3A_143 = arith.constant dense<0.000000e+00> : vector<1x64xf32>
      %dot_general3A_144 = tpu.matmul %max3A_139, %get3A_142, %dot_general3A_143 {dimension_numbers = #tpu.dot_dimension_numbers<[1], [0], [0], [1], [0, 0, 1, 1], [], []>, transpose_lhs_hint = false} : vector<1x128xf32>, vector<128x64xf32>, vector<1x64xf32> -> vector<1x64xf32>
      %get3A_145 = arith.constant 0 : index
      %get3A_146 = arith.constant 0 : index
      %get3A_147 = vector.load %arg19[%get3A_145, %get3A_146] : memref<1x64xf32, #tpu.memory_space<vmem>>, vector<1x64xf32>
      %add3A_148 = arith.addf %dot_general3A_144, %get3A_147 : vector<1x64xf32>
      %max3A_149 = arith.constant 0.000000e+00 : f32
      %max3A_150 = vector.broadcast %max3A_149 : f32 to vector<1x64xf32>
      %max3A_151 = arith.maximumf %add3A_148, %max3A_150 : vector<1x64xf32>
      %get3A_152 = arith.constant 0 : index
      %get3A_153 = arith.constant 0 : index
      %get3A_154 = vector.load %arg20[%get3A_152, %get3A_153] : memref<64x8xf32, #tpu.memory_space<vmem>>, vector<64x8xf32>
      %dot_general3A_155 = arith.constant dense<0.000000e+00> : vector<1x8xf32>
      %dot_general3A_156 = tpu.matmul %max3A_151, %get3A_154, %dot_general3A_155 {dimension_numbers = #tpu.dot_dimension_numbers<[1], [0], [0], [1], [0, 0, 1, 1], [], []>, transpose_lhs_hint = false} : vector<1x64xf32>, vector<64x8xf32>, vector<1x8xf32> -> vector<1x8xf32>
      %get3A_157 = arith.constant 0 : index
      %get3A_158 = arith.constant 0 : index
      %get3A_159 = vector.load %arg21[%get3A_157, %get3A_158] : memref<1x8xf32, #tpu.memory_space<vmem>>, vector<1x8xf32>
      %add3A_160 = arith.addf %dot_general3A_156, %get3A_159 : vector<1x8xf32>
      %max3A_161 = arith.constant 0.000000e+00 : f32
      %max3A_162 = vector.broadcast %max3A_161 : f32 to vector<1x8xf32>
      %max3A_163 = arith.maximumf %add3A_160, %max3A_162 : vector<1x8xf32>
      %swap3A = arith.constant 0 : index
      %swap3A_164 = arith.constant 0 : index
      %swap3A_165 = vector.load %arg22[%swap3A, %swap3A_164] : memref<1x8xf32, #tpu.memory_space<vmem>>, vector<1x8xf32>
      tpu.vector_store %arg22[%swap3A, %swap3A_164], %max3A_163 {strides = array<i32>} : memref<1x8xf32, #tpu.memory_space<vmem>>, vector<1x8xf32>,
    } else {
    }
    return
  }
  func.func @transform_0(%arg0: i32) -> (i32, i32, i32) {
    %c0_i32 = arith.constant 0 : i32
    %c0_i32_0 = arith.constant 0 : i32
    %c0_i32_1 = arith.constant 0 : i32
    return %c0_i32, %arg0, %c0_i32_0 : i32, i32, i32
  }
  func.func @transform_1(%arg0: i32) -> (i32, i32) {
    %c0_i32 = arith.constant 0 : i32
    %c0_i32_0 = arith.constant 0 : i32
    %c0_i32_1 = arith.constant 0 : i32
    return %c0_i32, %c0_i32_0 : i32, i32
  }
  func.func @transform_2(%arg0: i32) -> (i32, i32) {
    %c0_i32 = arith.constant 0 : i32
    %c0_i32_0 = arith.constant 0 : i32
    %c0_i32_1 = arith.constant 0 : i32
    return %c0_i32, %c0_i32_0 : i32, i32
  }
  func.func @transform_3(%arg0: i32) -> (i32, i32) {
    %c0_i32 = arith.constant 0 : i32
    %c0_i32_0 = arith.constant 0 : i32
    %c0_i32_1 = arith.constant 0 : i32
    return %c0_i32, %c0_i32_0 : i32, i32
  }
  func.func @transform_4(%arg0: i32) -> (i32, i32) {
    %c0_i32 = arith.constant 0 : i32
    %c0_i32_0 = arith.constant 0 : i32
    %c0_i32_1 = arith.constant 0 : i32
    return %c0_i32, %c0_i32_0 : i32, i32
  }
  func.func @transform_5(%arg0: i32) -> (i32, i32) {
    %c0_i32 = arith.constant 0 : i32
    %c0_i32_0 = arith.constant 0 : i32
    %c0_i32_1 = arith.constant 0 : i32
    return %c0_i32, %c0_i32_0 : i32, i32
  }
  func.func @transform_6(%arg0: i32) -> (i32, i32) {
    %c0_i32 = arith.constant 0 : i32
    %c0_i32_0 = arith.constant 0 : i32
    %c0_i32_1 = arith.constant 0 : i32
    return %c0_i32, %c0_i32_0 : i32, i32
  }
  func.func @transform_7(%arg0: i32) -> (i32, i32) {
    %c0_i32 = arith.constant 0 : i32
    %c0_i32_0 = arith.constant 0 : i32
    %c0_i32_1 = arith.constant 0 : i32
    return %c0_i32, %c0_i32_0 : i32, i32
  }
  func.func @transform_8(%arg0: i32) -> (i32, i32) {
    %c0_i32 = arith.constant 0 : i32
    %c0_i32_0 = arith.constant 0 : i32
    %c0_i32_1 = arith.constant 0 : i32
    return %c0_i32, %c0_i32_0 : i32, i32
  }
  func.func @transform_9(%arg0: i32) -> (i32, i32) {
    %c0_i32 = arith.constant 0 : i32
    %c0_i32_0 = arith.constant 0 : i32
    %c0_i32_1 = arith.constant 0 : i32
    return %c0_i32, %c0_i32_0 : i32, i32
  }
  func.func @transform_10(%arg0: i32) -> (i32, i32) {
    %c0_i32 = arith.constant 0 : i32
    %c0_i32_0 = arith.constant 0 : i32
    %c0_i32_1 = arith.constant 0 : i32
    return %c0_i32, %c0_i32_0 : i32, i32
  }
  func.func @transform_11(%arg0: i32) -> (i32, i32) {
    %c0_i32 = arith.constant 0 : i32
    %c0_i32_0 = arith.constant 0 : i32
    %c0_i32_1 = arith.constant 0 : i32
    return %c0_i32, %c0_i32_0 : i32, i32
  }
  func.func @transform_12(%arg0: i32) -> (i32, i32) {
    %c0_i32 = arith.constant 0 : i32
    %c0_i32_0 = arith.constant 0 : i32
    %c0_i32_1 = arith.constant 0 : i32
    return %c0_i32, %c0_i32_0 : i32, i32
  }
  func.func @transform_13(%arg0: i32) -> (i32, i32) {
    %c0_i32 = arith.constant 0 : i32
    %c0_i32_0 = arith.constant 0 : i32
    %c0_i32_1 = arith.constant 0 : i32
    return %c0_i32, %c0_i32_0 : i32, i32
  }
  func.func @transform_14(%arg0: i32) -> (i32, i32) {
    %c0_i32 = arith.constant 0 : i32
    %c0_i32_0 = arith.constant 0 : i32
    %c0_i32_1 = arith.constant 0 : i32
    return %c0_i32, %c0_i32_0 : i32, i32
  }
  func.func @transform_15(%arg0: i32) -> (i32, i32) {
    %c0_i32 = arith.constant 0 : i32
    %c0_i32_0 = arith.constant 0 : i32
    %c0_i32_1 = arith.constant 0 : i32
    return %c0_i32, %c0_i32_0 : i32, i32
  }
  func.func @transform_16(%arg0: i32) -> (i32, i32) {
    %c0_i32 = arith.constant 0 : i32
    %c0_i32_0 = arith.constant 0 : i32
    %c0_i32_1 = arith.constant 0 : i32
    return %c0_i32, %c0_i32_0 : i32, i32
  }
  func.func @transform_17(%arg0: i32) -> (i32, i32) {
    %c0_i32 = arith.constant 0 : i32
    %c0_i32_0 = arith.constant 0 : i32
    %c0_i32_1 = arith.constant 0 : i32
    return %c0_i32, %c0_i32_0 : i32, i32
  }
  func.func @transform_18(%arg0: i32) -> (i32, i32) {
    %c0_i32 = arith.constant 0 : i32
    %c0_i32_0 = arith.constant 0 : i32
    %c0_i32_1 = arith.constant 0 : i32
    return %c0_i32, %c0_i32_0 : i32, i32
  }
  func.func @transform_19(%arg0: i32) -> (i32, i32) {
    %c0_i32 = arith.constant 0 : i32
    %c0_i32_0 = arith.constant 0 : i32
    %c0_i32_1 = arith.constant 0 : i32
    return %c0_i32, %c0_i32_0 : i32, i32
  }
  func.func @transform_20(%arg0: i32) -> (i32, i32) {
    %c0_i32 = arith.constant 0 : i32
    %c0_i32_0 = arith.constant 0 : i32
    %c0_i32_1 = arith.constant 0 : i32
    return %c0_i32, %c0_i32_0 : i32, i32
  }
  func.func @transform_21(%arg0: i32) -> (i32, i32) {
    %c0_i32 = arith.constant 0 : i32
    %c0_i32_0 = arith.constant 0 : i32
    %c0_i32_1 = arith.constant 0 : i32
    return %c0_i32, %c0_i32_0 : i32, i32
  }
}

</mosaic_0001>

<sc_bundles>
// kernel: kernel.6.cloned.1.call-start
scs
__scs_entry_jumppad:
0x0: {  	(pc) =	sbr.rel $0x88, $3  }
0x1: {  	(tag) =	ssettag $0x0;
	lr =	simm.s32 $0x1  }
0x2: {  	[smem:$0x3F87] =	sst lr;
	_ =	strace $0xD0000000  }
0x3: {  	_ = 	snop  }
0x4: {  	_ = 	snop  }
0x5: {  	_ = 	snop  }
0x6: {  	_ = 	snop  }
0x7: {  	_ = 	snop  }
__scs_overlays_trampoline_lowered:
0x8: {  	[smem:$0x3F96] =	sst s0  }
0x9: {  	[smem:$0x3F97] =	sst s1  }
0xa: {  	[smem:$0x3F98] =	sst s2  }
0xb: {  	[smem:$0x3F99] =	sst s3  }
0xc: {  	[smem:$0x3F9A] =	sst s4  }
0xd: {  	[smem:$0x3F9B] =	sst s5  }
0xe: {  	[smem:$0x3F9C] =	sst s6  }
0xf: {  	[smem:$0x3F9D] =	sst s7  }
0x10: {  	[smem:$0x3F9E] =	sst s8  }
0x11: {  	[smem:$0x3F9F] =	sst s9;
	s0 =	simm.s32 @!p0 $0x0  }
0x12: {  	s1 =	sld [smem:$0x3F85];
	s0 =	simm.s32 @p0 $0x1  }
0x13: {  	[smem:$0x3FA0] =	sst s0;
	s0 =	simm.s32 @!p1 $0x0  }
0x14: {  	s2 =	sld [smem:$0x3F84];
	s0 =	simm.s32 @p1 $0x1  }
0x15: {  	[smem:$0x3FA1] =	sst s0;
	s0 =	simm.s32 @!p2 $0x0  }
0x16: {  	s3 =	sld [smem:$0x3FDB];
	s0 =	simm.s32 @p2 $0x1  }
0x17: {  	s4 =	simm.s32 $0x1BF5;
	[smem:$0x3FA3] =	sst s0  }
0x18: {  	s0 =	sld [smem:$0x3F86];
	_ =	swait.ge [sflag:s4], $0x0  }
0x19: {  	s7 =	sld [smem:$0x3F87]  }
0x1a: {  	s8 =	sadd.s32 $0xFFFFE003, lr  }
0x1b: {  	s9 =	sadd.s32 $0xFFFFFEF7, lr;
	s5 =	simm.s32 $0xFFFFFFFF;
	p2 =	slt.u32 s8, $0xFFFFF086  }
0x1c: {  	p1 =	slt.u32 s9, $0xF7A;
	s5 =	simm.s32 @!p2 $0x0  }
0x1d: {  	s5 =	simm.s32 @p1 $0x1;
	p0 =	seq.s32 s7, s2  }
0x1e: {  	s7 =	smul.u32 @!p0 $0xF7A, s2;
	p2 =	seq.s32 @!p0 s5, $0x0  }
0x1f: {  	s9 =	smul.u32 $0xF7A, s1;
	s8 =	simm.s32 @!p0 $0x1BF5;
	p2 =	por !p2, p0  }
0x20: {  	[sflag:s8] =	ssyncset.s32 @!p0 $0xFFFFF086;
	s6 =	sadd.s32 @!p0 s3, s7;
	s7 =	simm.s32 @!p0 $0x108  }
0x21: {  	s3 =	sadd.s32 s3, s9;
	s6 =	sadd.s32 @!p0 $0x88, s6;
	s7 =	simm.s32 @p2 $0x1082  }
0x22: {  	[simem:s7], [sflag:s8] =	dma.local @!p0 [hbm:s6], $0xF7A  }
0x23: {  	s9 =	sor.u32 $0xD0000000, s2;
	s6 =	simm.s32 $0x108;
	_ =	swait.ge @!p0 [sflag:s8], $0x0  }
0x24: {  	s3 =	sadd.s32 $0x88, s3;
	s6 =	simm.s32 @!p1 $0x1082;
	[sflag:s4] =	ssyncset.s32 $0xFFFFF086  }
0x25: {  	[simem:s6], [sflag:s4] =	dma.local [hbm:s3], $0xF7A  }
0x26: {  	[smem:$0x3F87] =	sst s1;
	(tag) =	ssettag s2;
	_ =	strace s9  }
0x27: {  	s1 =	sld [smem:$0x3F97]  }
0x28: {  	s2 =	sld [smem:$0x3F98]  }
0x29: {  	s4 =	sld [smem:$0x3F9A]  }
0x2a: {  	p0 =	seq.s32 s5, $0x0;
	s5 =	sld [smem:$0x3F9B]  }
0x2b: {  	s6 =	sld [smem:$0x3F9C]  }
0x2c: {  	s7 =	sld [smem:$0x3F9D]  }
0x2d: {  	s3 =	simm.s32 $0x108;
	s8 =	sld [smem:$0x3F9E]  }
0x2e: {  	s3 =	simm.s32 @!p0 $0x1082;
	s9 =	sld [smem:$0x3F9F]  }
0x2f: {  	lr =	sadd.s32 s0, s3;
	s0 =	sld [smem:$0x3F96]  }
0x30: {  	s3 =	sld [smem:$0x3F99]  }
0x31: {  	[smem:$0x3FA2] =	sst s10  }
0x32: {  	s10 =	sld [smem:$0x3FA0];
	_ =	sdelay $0x3  }
0x33: {  	p0 =	seq.s32 s10, $0x1;
	s10 =	sld [smem:$0x3FA2];
	_ =	sdelay $0x3  }
0x34: {  	[smem:$0x3FA2] =	sst s10  }
0x35: {  	s10 =	sld [smem:$0x3FA1];
	_ =	sdelay $0x3  }
0x36: {  	p1 =	seq.s32 s10, $0x1;
	s10 =	sld [smem:$0x3FA2];
	_ =	sdelay $0x3  }
0x37: {  	[smem:$0x3FA2] =	sst s10  }
0x38: {  	s10 =	sld [smem:$0x3FA3]  }
0x39: {  	_ = 	snop;
	(pc) =	sbr.ind lr, $3  }
0x3a: {  	_ = 	snop  }
0x3b: {  	_ = 	snop  }
0x3c: {  	p2 =	seq.s32 s10, $0x1;
	s10 =	sld [smem:$0x3FA2]  }
0x3d: {  	_ =	shalt  }
0x3e: {  	_ =	shalt  }
0x3f: {  	_ =	shalt  }
0x40: {  	_ =	shalt  }
0x41: {  	_ =	shalt  }
0x42: {  	_ =	shalt  }
0x43: {  	_ =	shalt  }
0x44: {  	_ =	shalt  }
0x45: {  	_ =	shalt  }
0x46: {  	_ =	shalt  }
0x47: {  	_ =	shalt  }
0x48: {  	_ =	shalt  }
0x49: {  	_ =	shalt  }
0x4a: {  	_ =	shalt  }
0x4b: {  	_ =	shalt  }
0x4c: {  	_ =	shalt  }
0x4d: {  	_ =	shalt  }
0x4e: {  	_ =	shalt  }
0x4f: {  	_ =	shalt  }
0x50: {  	_ =	shalt  }
0x51: {  	_ =	shalt  }
0x52: {  	_ =	shalt  }
0x53: {  	_ =	shalt  }
0x54: {  	_ =	shalt  }
0x55: {  	_ =	shalt  }
0x56: {  	_ =	shalt  }
0x57: {  	_ =	shalt  }
0x58: {  	_ =	shalt  }
0x59: {  	_ =	shalt  }
0x5a: {  	_ =	shalt  }
0x5b: {  	_ =	shalt  }
0x5c: {  	_ =	shalt  }
0x5d: {  	_ =	shalt  }
0x5e: {  	_ =	shalt  }
0x5f: {  	_ =	shalt  }
0x60: {  	_ =	shalt  }
0x61: {  	_ =	shalt  }
0x62: {  	_ =	shalt  }
0x63: {  	_ =	shalt  }
0x64: {  	_ =	shalt  }
0x65: {  	_ =	shalt  }
0x66: {  	_ =	shalt  }
0x67: {  	_ =	shalt  }
0x68: {  	_ =	shalt  }
0x69: {  	_ =	shalt  }
0x6a: {  	_ =	shalt  }
0x6b: {  	_ =	shalt  }
0x6c: {  	_ =	shalt  }
0x6d: {  	_ =	shalt  }
0x6e: {  	_ =	shalt  }
0x6f: {  	_ =	shalt  }
0x70: {  	_ =	shalt  }
0x71: {  	_ =	shalt  }
0x72: {  	_ =	shalt  }
0x73: {  	_ =	shalt  }
0x74: {  	_ =	shalt  }
0x75: {  	_ =	shalt  }
0x76: {  	_ =	shalt  }
0x77: {  	_ =	shalt  }
0x78: {  	_ =	shalt  }
0x79: {  	_ =	shalt  }
0x7a: {  	_ =	shalt  }
0x7b: {  	_ =	shalt  }
0x7c: {  	_ =	shalt  }
0x7d: {  	_ =	shalt  }
0x7e: {  	_ =	shalt  }
0x7f: {  	_ =	shalt  }
0x80: {  	_ =	shalt  }
0x81: {  	_ =	shalt  }
0x82: {  	_ =	shalt  }
0x83: {  	_ =	shalt  }
0x84: {  	_ =	shalt  }
0x85: {  	_ =	shalt  }
0x86: {  	_ =	shalt  }
0x87: {  	_ =	shalt  }
.Lfunc_end0:
.L_simem_size_0:
called_computation_lowered:
.L_overlay_start_0:
0x88: {  	s2 =	sld [smem:$0x3FD9]  }
0x89: {  	s3 =	sld [smem:$0x3FFE];
	_ =	sdelay $0x1  }
0x8a: {  	s1 =	srdreg.scid  }
0x8b: {  	s0 =	sand.u32 $0x1, s1  }
0x8c: {  	s17 =	sshll.u32 s0, $0xA;
	s2 =	sadd.s32 s3, s2  }
0x8d: {  	s2 =	sadd.s32 s2, s17  }
0x8e: {  	[smem:$0x3FAE] =	sst s2  }
0x8f: {  	_ = 	snop  }
0x90: {  	s2 =	sld [smem:$0x3FC8];
	(tm) =	ssettm $0x1  }
0x91: {  	s18 =	sld [smem:$0x3FFB];
	_ =	sdelay $0x3  }
0x92: {  	_ =	strace s18  }
0x93: {  	s3 =	sld [smem:$0x3FFC];
	_ =	sdelay $0x3  }
0x94: {  	_ =	strace s3  }
0x95: {  	s3 =	sld [smem:$0x3FFD];
	_ =	sdelay $0x3  }
0x96: {  	_ =	strace s3  }
0x97: {  	_ =	strace $0x8FFFFFFF  }
0x98: {  	s19 =	sld [smem:$0x3FDB];
	_ =	sdelay $0x1  }
0x99: {  	s4 =	simm.s32 $_scs_section_size  }
0x9a: {  	s5 =	simm.s32 $_size__tile_overlayer_lowered;
	s6 =	simm.s32 $_tile_overlayer_lowered  }
0x9b: {  	s22 =	simm.s32 $0x1BFF;
	s21 =	sshll.u32 s6, $0x1;
	s3 =	sadd.s32 s4, s19  }
0x9c: {  	s7 =	simm.s32 $0x0;
	s20 =	sshll.u32 s5, $0x1;
	s5 =	sadd.s32 s21, s3  }
0x9d: {  	[timem:s7], [sflag:s22] =	dma.local [hbm:s5], s20  }
0x9e: {  	_ =	swait.ge [sflag:s22], s20  }
0x9f: {  	s4 =	ssub.s32 $0x0, s20;
	[sflag:s22] =	ssyncset.done $0x0  }
0xa0: {  	[sflag:s22] =	ssyncadd.s32 s4;
	_ =	sdelay $0x1  }
0xa1: {  	s23 =	simm.s32 $0x1B8B  }
0xa2: {  	_ =	swait.ge [sflag:s23], $0x1  }
0xa3: {  	[sflag:s23] =	ssyncset.done $0x0  }
0xa4: {  	s25 =	simm.s32 $0x1B8E;
	s24 =	sld [smem:$0x3FFE];
	[sflag:s23] =	ssyncadd.s32 $0xFFFFFFFF  }
0xa5: {  	s26 =	simm.s32 $execute0_lowered;
	[smem:$0x3FD2] =	sst s25  }
0xa6: {  	s5 =	sshll.u32 s26, $0x1;
	_ =	strace $0x80000046;
	[dreg:$0x1] =	wrdreg $0xFFFFFFFF  }
0xa7: {  	s28 =	simm.s32 $_size_execute0_lowered;
	s3 =	sadd.s32 s3, s5;
	[dreg:$0x0] =	wrdreg $0x0  }
0xa8: {  	s5 =	sshll.u32 s28, $0x1;
	[dreg:$0x2] =	wrdreg s3  }
0xa9: {  	[dreg:$0x3] =	wrdreg s5  }
0xaa: {  	[dreg:$0x4] =	wrdreg $0xC0  }
0xab: {  	_ =	task [dreg:s7], $0x5FFFF  }
0xac: {  	[dreg:$0x1] =	wrdreg $0xFFFFFFFF  }
0xad: {  	[dreg:$0x0] =	wrdreg $0x60  }
0xae: {  	[dreg:$0x2] =	wrdreg s2  }
0xaf: {  	[dreg:$0x3] =	wrdreg s24  }
0xb0: {  	[dreg:$0x4] =	wrdreg $0xC5000  }
0xb1: {  	[dreg:$0x5] =	wrdreg $0x9  }
0xb2: {  	_ =	task.clear_ibuf [dreg:s7], $0x6FFFF;
	_ =	strace $0x90000046  }
0xb3: {  	s29 =	simm.s32 $0x9;
	_ =	strace $0x80000048  }
0xb4: {  	_ =	swait.ge [sflag:s29], $0x1  }
0xb5: {  	[sflag:s29] =	ssyncadd.s32 $0xFFFFFFFF  }
0xb6: {  	_ =	strace $0x90000048  }
0xb7: {  	_ =	sfence  }
0xb8: {  	s30 =	sld [smem:$0x0];
	_ =	sdelay $0x2  }
0xb9: {  	s31 =	sshll.u32 s1, $0xD;
	s1 =	sshrl.u32 s1, $0x2  }
0xba: {  	s3 =	sand.u32 $0x4000, s31;
	s1 =	sadd.s32 s1, s30  }
0xbb: {  	s0 =	sor.u32 s3, s0;
	s1 =	sshll.u32 s1, $0x11  }
0xbc: {  	s0 =	sor.u32 s1, s0  }
0xbd: {  	s0 =	sadd.s32 $0x8F2B, s0  }
0xbe: {  	[sflag:s0] =	ssyncadd.remote.s32 $0x1  }
0xbf: {  	_ =	sfence.sel $0xFFFF  }
0xc0: {  	[dreg:$0x0] =	wrdreg $0xFFFFFFFF;
	(pc) =	sbr.abs _section_cstart, $3  }
0xc1: {  	[dreg:$0x1] =	wrdreg $0xFFFFFFFF  }
0xc2: {  	_ =	task.clear_ibuf [dreg:s7], $0x2FFFF;
	_ =	strace $0x9FFFFFFF  }
0xc3: {  	(tm) =	ssettm $0x7FFFFFFF  }
tec
execute0_lowered:
.L_overlay_start_1:
0x0: {  	(tag) =	ssettag $0x1  }
0x1: {  	s1 =	rddreg [dreg:$0x0]  }
0x2: {  	s0 =	rddreg [dreg:$0x1]  }
0x3: {  	s2 =	rddreg [dreg:$0x2]  }
0x4: {  	s4 =	srdreg.scid;
	s3 =	simm.s32 $0x0;
	s13 =	stileid.u32  }
0x5: {  	s28 =	simm.s32 $0x80;
	s29 =	simm.s32 $0x100;
	s30 =	simm.s32 $0x200  }
0x6: {  	s31 =	simm.s32 $0x280;
	s4 =	sand.u32 $0x1, s4;
	s11 =	smul.u32 $0x4E000, s13  }
0x7: {  	[smem:$0x7FF] =	sst s3;
	s14 =	sadd.s32 $0x17200, s0;
	s25 =	smul.u32 $0x2710, s13  }
0x8: {  	p2 =	seq.s32 s13, $0x0;
	p1 =	sne.s32 s13, $0x0;
	s5 =	sshll.u32 s4, $0x4  }
0x9: {  	_ =	strace $0x80000047;
	s7 =	smul.u32 $0x27100, s4;
	s8 =	ssub.s32 $0x2, s4  }
0xa: {  	[dreg:$0x4] =	wrdreg s14;
	p0 =	sne.s32 s4, $0x0;
	s4 =	simm.s32 $0x4400  }
0xb: {  	s6 =	sor.u32 s13, s5;
	s5 =	sadd.s32 $0xD400, s0;
	s10 =	sshrl.u32 s8, $0x1  }
0xc: {  	s11 =	sshrl.u32 s11, $0x2;
	s9 =	smul.u32 $0x2710, s6;
	s6 =	sadd.s32 $0x3600, s0  }
0xd: {  	s0 =	sadd.s32 s7, s0;
	s26 =	sadd.s32 s11, s2;
	s7 =	sadd.s32 s25, s7  }
0xe: {  	s8 =	ssub.s32 s8, s10;
	[dreg:$0xb] =	wrdreg s26;
	s17 =	sadd.s32 $0x200, s7  }
0xf: {  	s0 =	sadd.s32 $0x3E400, s0;
	s18 =	smax.u32 s8, $0x1;
	s20 =	sadd.s32 $0x280, s7  }
0x10: {  	s8 =	simm.s32 $0x8400;
	s9 =	sshrl.u32 s9, $0x3;
	[dreg:$0x10] =	wrdreg s0  }
0x11: {  	[dreg:$0x11] =	wrdreg s18;
	s19 =	sshrl.u32 s17, $0x3;
	s0 =	sshrl.u32 s20, $0x3  }
0x12: {  	s17 =	simm.s32 $0x5;
	s18 =	simm.s32 $0x9;
	s12 =	sadd.s32 s5, s9  }
0x13: {  	s23 =	sadd.s32 $0x10, s9;
	s24 =	sadd.s32 s6, s9;
	[dreg:$0x5] =	wrdreg s12  }
0x14: {  	s20 =	simm.s32 $0x6;
	s15 =	sadd.s32 s5, s23;
	[dreg:$0x9] =	wrdreg s24  }
0x15: {  	s9 =	sadd.s32 $0x4E0, s9;
	s12 =	sadd.s32 $0x20, s12;
	[dreg:$0x6] =	wrdreg s15  }
0x16: {  	s21 =	sadd.s32 s19, s6;
	s10 =	sadd.s32 s6, s23;
	[dreg:$0x7] =	wrdreg s12  }
0x17: {  	s22 =	sadd.s32 s19, s5;
	s16 =	sadd.s32 s5, s9;
	[dreg:$0xa] =	wrdreg s10  }
0x18: {  	s19 =	simm.s32 $0x1;
	s9 =	sadd.s32 s6, s9;
	[dreg:$0xe] =	wrdreg s16  }
0x19: {  	s23 =	sadd.s32 $0x100, s7;
	s7 =	sadd.s32 $0x180, s7;
	[dreg:$0xf] =	wrdreg s9  }
0x1a: {  	s24 =	sadd.s32 s0, s5;
	s15 =	smul.u32 $0x2700, s13;
	[dreg:$0x12] =	wrdreg s7  }
0x1b: {  	s25 =	sshrl.u32 s23, $0x3;
	s23 =	simm.s32 $0xD;
	s9 =	simm.s32 $0x7  }
0x1c: {  	s10 =	simm.s32 $0x300;
	s12 =	simm.s32 $0x3;
	s13 =	simm.s32 $0x4  }
0x1d: {  	s16 =	simm.s32 $0x0;
	s11 =	sadd.s32 s14, s15;
	[dreg:$0x8] =	wrdreg s15  }
0x1e: {  	s25 =	sadd.s32 s25, s6;
	s14 =	sadd.s32 $0x138000, s2;
	[dreg:$0xc] =	wrdreg s11  }
0x1f: {  	s26 =	sadd.s32 s1, s15;
	s15 =	simm.s32 $0x400;
	[dreg:$0xd] =	wrdreg s14  }
0x20: {  	[dreg:$0x13] =	wrdreg s26;
	s14 =	simm.s32 $0x8;
	s11 =	simm.s32 $0xC  }
.LBB2_1:
0x21: {  	s0 =	rddreg [dreg:$0x5]  }
0x22: {  	[tilespmem:s3], [sflag:$0x1] =	stream.linear.gather [hbm4b:s0+s3], $0x80, $0x38;
	[tilespmem:$0x1FD80] =	vst v63  }
0x23: {  	s7 =	rddreg [dreg:$0x6]  }
0x24: {  	[tilespmem:s28], [sflag:$0x2] =	stream.linear.gather [hbm4b:s7+s3], $0x80, $0x38;
	[tilespmem:$0x1FD80] =	vst v63  }
0x25: {  	s26 =	rddreg [dreg:$0x7]  }
0x26: {  	[tilespmem:s29], [sflag:$0x3] =	stream.linear.gather [hbm4b:s26+s3], $0x80, $0x38;
	[tilespmem:$0x1FD80] =	vst v63  }
0x27: {  	s7 =	rddreg [dreg:$0x9]  }
0x28: {  	[tilespmem:s30], [sflag:$0x4] =	stream.linear.gather [hbm4b:s7+s3], $0x80, $0x38;
	[tilespmem:$0x1FD80] =	vst v63  }
0x29: {  	s26 =	rddreg [dreg:$0xa]  }
0x2a: {  	[tilespmem:s31], [sflag:$0x5] =	stream.linear.gather [hbm4b:s26+s3], $0x80, $0x38;
	[tilespmem:$0x1FD80] =	vst v63  }
0x2b: {  	_ =	swait.ge [sflag:s19], $0x80  }
0x2c: {  	[sflag:s19] =	ssyncset.done $0x0  }
0x2d: {  	s7 =	simm.s32 $0x2;
	[sflag:s19] =	ssyncadd.s32 $0xFFFFFF80  }
0x2e: {  	[tilespmem:s15], [sflag:$0x7] =	stream.indirect.gather [hbm4b:s1+s28], $0x80, s3, s28, $0xb8;
	[tilespmem:$0x1FD80] =	vst v63  }
0x2f: {  	_ =	swait.ge [sflag:s7], $0x80  }
.Ltmp0:
0x30: {  	s19 =	stileid.u32;
	[sflag:s7] =	ssyncset.done $0x0;
	(pc) =	sbr.rel @p0 .LBB2_3-.Ltmp0, $4  }
0x31: {  	s26 =	rddreg [dreg:$0xb];
	[sflag:s7] =	ssyncadd.s32 $0xFFFFFF80;
	s7 =	sshll.u32 s19, $0x6  }
0x32: {  	[tilespmem:s4], [sflag:$0x8] =	stream.indirect.gather [hbm4b:s1+s28], $0x80, s28, s28, $0xb8;
	[tilespmem:$0x1FD80] =	vst v63  }
0x33: {  	s19 =	sshrl.u32 s26, $0x3;
	[dreg:$0x15] =	wrdreg s7  }
0x34: {  	s0 =	sor.u32 $0x1C0D, s7;
	[dreg:$0x16] =	wrdreg s19  }
0x35: {  	s0 =	sor.u32 $0x1C0D, s7;
	s26 =	rddreg [dreg:$0x13]  }
0x36: {  	[spmem:s19], [sflag:s0] =	dma.local [hbm:s26], $0x2700  }
.Ltmp1:
0x37: {  	_ = 	snop;
	(pc) =	sbr.rel @!p2 .LBB2_5-.Ltmp1, $4  }
.Ltmp2:
0x38: {  	_ = 	snop;
	(pc) =	sbr.rel @p2 .LBB2_4-.Ltmp2, $4  }
0x39: {  	_ =	swait.ge [sflag:s23], $0x2700  }
0x3a: {  	[sflag:s23] =	ssyncset.done $0x0  }
0x3b: {  	s19 =	smov.u32 s1;
	[sflag:s23] =	ssyncadd.s32 $0xFFFFD900  }
0x3c: {  	_ = 	snop  }
.LBB2_3:
.Ltmp3:
0x3d: {  	s7 =	rddreg [dreg:$0xc];
	(pc) =	sbr.rel @p1 .LBB2_5-.Ltmp3, $4  }
0x3e: {  	[spmem:s19], [sflag:s0] =	dma.local [hbm:s7], $0x2700  }
0x3f: {  	_ =	swait.ge [sflag:s23], $0x2700  }
0x40: {  	[sflag:s23] =	ssyncset.done $0x0  }
0x41: {  	s19 =	rddreg [dreg:$0x4];
	[sflag:s23] =	ssyncadd.s32 $0xFFFFD900  }
.LBB2_4:
0x42: {  	s7 =	rddreg [dreg:$0xd]  }
0x43: {  	s19 =	sadd.s32 $0x27000, s19;
	s7 =	sshrl.u32 s7, $0x3  }
0x44: {  	[spmem:s7], [sflag:s0] =	dma.local [hbm:s19], $0x100  }
0x45: {  	_ =	swait.ge [sflag:s23], $0x100  }
0x46: {  	[sflag:s23] =	ssyncset.done $0x0  }
0x47: {  	[sflag:s23] =	ssyncadd.s32 $0xFFFFFF00  }
.LBB2_5:
0x48: {  	[dreg:$0x14] =	wrdreg s16  }
0x49: {  	[bflag:$0x0] =	sbarrier.arrive $0xFFFF  }
0x4a: {  	s19 =	simm.s32 $0x0;
	s0 =	rddreg [dreg:$0x12]  }
.LBB2_6:
0x4b: {  	_ =	swait.ge [sflag:s9], $0x4000;
	p3 =	seq.s32 s19, $0x4B0  }
0x4c: {  	[sflag:s9] =	ssyncset.done $0x0;
	s7 =	sshrl.u32 @!p3 s0, $0x3;
	s16 =	simm.s32 @!p3 $0x0  }
0x4d: {  	p4 =	seq.s32 @!p3 s19, $0x0;
	[sflag:s9] =	ssyncadd.s32 $0xFFFFC000;
	s7 =	sadd.s32 @!p3 s5, s7  }
0x4e: {  	[tilespmem:s16], [sflag:$0x1] =	stream.linear.gather @!p3 [hbm4b:s7+s16], $0x80, $0x38;
	[tilespmem:$0x1FD80] =	vst v63  }
0x4f: {  	p3 =	por p3, !p4  }
0x50: {  	_ =	swait.ge @p3 [sflag:s11], $0x4000  }
0x51: {  	[sflag:s11] =	ssyncset.done @p3 $0x0  }
0x52: {  	s26 =	sadd.s32 s19, s25;
	[sflag:s11] =	ssyncadd.s32 @p3 $0xFFFFC000  }
0x53: {  	[tilespmem:s10], [sflag:$0x6] =	stream.linear.gather [hbm4b:s26+s3], $0x80, $0x38;
	[tilespmem:$0x1FD80] =	vst v63  }
0x54: {  	_ =	swait.ge [sflag:s12], $0x80  }
0x55: {  	[sflag:s12] =	ssyncset.done $0x0  }
0x56: {  	[sflag:s12] =	ssyncadd.s32 $0xFFFFFF80  }
0x57: {  	[tilespmem:s8], [sflag:$0x9] =	stream.indirect.gather [hbm4b:s1+s28], $0x80, s29, s28, $0xb8;
	[tilespmem:$0x1FD80] =	vst v63  }
0x58: {  	_ =	swait.ge [sflag:s13], $0x80  }
0x59: {  	[sflag:s13] =	ssyncset.done $0x0  }
0x5a: {  	[sflag:s13] =	ssyncadd.s32 $0xFFFFFF80  }
0x5b: {  	[spmem:s2] =	stream.indirect.scatter.add.f32 [tilespmem:s15], [sflag:$0xA], $0x80, s30, s28, $0xb8;
	[tilespmem:$0x1FD80] =	vst v63  }
0x5c: {  	p3 =	sne.s32 s19, $0x4B0;
	_ =	swait.ge [sflag:s14], $0x4000  }
0x5d: {  	s7 =	sadd.s32 @p3 s19, s22;
	[sflag:s14] =	ssyncset.done $0x0  }
0x5e: {  	s16 =	simm.s32 @p3 $0x0;
	s26 =	simm.s32 @p3 $0x80;
	[sflag:s14] =	ssyncadd.s32 $0xFFFFC000  }
0x5f: {  	[tilespmem:s26], [sflag:$0x2] =	stream.linear.gather @p3 [hbm4b:s7+s16], $0x80, $0x38;
	[tilespmem:$0x1FD80] =	vst v63  }
0x60: {  	s7 =	simm.s32 @p3 $0xA  }
0x61: {  	_ =	swait.ge @p3 [sflag:s7], $0x4000  }
0x62: {  	s23 =	sshrl.u32 @p3 s0, $0x3;
	[sflag:s7] =	ssyncset.done @p3 $0x0  }
0x63: {  	[sflag:s7] =	ssyncadd.s32 @p3 $0xFFFFC000;
	s7 =	sadd.s32 @p3 s6, s23;
	s23 =	simm.s32 @p3 $0x200  }
0x64: {  	[tilespmem:s23], [sflag:$0x4] =	stream.linear.gather @p3 [hbm4b:s7+s16], $0x80, $0x38;
	[tilespmem:$0x1FD80] =	vst v63  }
0x65: {  	s7 =	simm.s32 @p3 $0x1  }
0x66: {  	_ =	swait.ge @p3 [sflag:s7], $0x80  }
0x67: {  	[sflag:s7] =	ssyncset.done @p3 $0x0  }
0x68: {  	[sflag:s7] =	ssyncadd.s32 @p3 $0xFFFFFF80;
	s7 =	simm.s32 @p3 $0x400  }
0x69: {  	[tilespmem:s7], [sflag:$0x7] =	stream.indirect.gather @p3 [hbm4b:s1+s26], $0x80, s16, s26, $0xb8;
	[tilespmem:$0x1FD80] =	vst v63  }
0x6a: {  	s7 =	simm.s32 @!p3 $0xA  }
0x6b: {  	_ =	swait.ge @!p3 [sflag:s7], $0x4000  }
0x6c: {  	[sflag:s7] =	ssyncset.done @!p3 $0x0  }
0x6d: {  	[sflag:s7] =	ssyncadd.s32 @!p3 $0xFFFFC000  }
0x6e: {  	_ =	swait.ge [sflag:s17], $0x80  }
0x6f: {  	[sflag:s17] =	ssyncset.done $0x0  }
0x70: {  	[sflag:s17] =	ssyncadd.s32 $0xFFFFFF80  }
0x71: {  	[spmem:s2] =	stream.indirect.scatter.add.f32 [tilespmem:s4], [sflag:$0xB], $0x80, s31, s28, $0xb8;
	[tilespmem:$0x1FD80] =	vst v63  }
0x72: {  	_ =	swait.ge [sflag:s18], $0x4000  }
0x73: {  	[sflag:s18] =	ssyncset.done $0x0  }
0x74: {  	s23 =	simm.s32 @p3 $0x100;
	s7 =	sadd.s32 @p3 s19, s24;
	[sflag:s18] =	ssyncadd.s32 $0xFFFFC000  }
0x75: {  	[tilespmem:s23], [sflag:$0x3] =	stream.linear.gather @p3 [hbm4b:s7+s16], $0x80, $0x38;
	[tilespmem:$0x1FD80] =	vst v63  }
0x76: {  	s7 =	simm.s32 @p3 $0xB  }
0x77: {  	_ =	swait.ge @p3 [sflag:s7], $0x4000  }
0x78: {  	[sflag:s7] =	ssyncset.done @p3 $0x0  }
0x79: {  	s23 =	simm.s32 @p3 $0x280;
	[sflag:s7] =	ssyncadd.s32 @p3 $0xFFFFC000;
	s7 =	sadd.s32 @p3 s19, s21  }
0x7a: {  	[tilespmem:s23], [sflag:$0x5] =	stream.linear.gather @p3 [hbm4b:s7+s16], $0x80, $0x38;
	[tilespmem:$0x1FD80] =	vst v63  }
0x7b: {  	s7 =	simm.s32 @p3 $0x2  }
0x7c: {  	_ =	swait.ge @p3 [sflag:s7], $0x80  }
0x7d: {  	[sflag:s7] =	ssyncset.done @p3 $0x0  }
0x7e: {  	[sflag:s7] =	ssyncadd.s32 @p3 $0xFFFFFF80;
	s7 =	simm.s32 @p3 $0x4400  }
0x7f: {  	[tilespmem:s7], [sflag:$0x8] =	stream.indirect.gather @p3 [hbm4b:s1+s26], $0x80, s26, s26, $0xb8;
	[tilespmem:$0x1FD80] =	vst v63  }
0x80: {  	s7 =	simm.s32 @!p3 $0xB  }
0x81: {  	_ =	swait.ge @!p3 [sflag:s7], $0x4000  }
0x82: {  	s19 =	sadd.s32 $0x30, s19;
	[sflag:s7] =	ssyncset.done @!p3 $0x0  }
0x83: {  	[sflag:s7] =	ssyncadd.s32 @!p3 $0xFFFFC000;
	p3 =	sne.s32 s19, $0x4E0  }
.Ltmp4:
0x84: {  	_ = 	snop;
	(pc) =	sbr.rel @p3 .LBB2_6-.Ltmp4, $4  }
0x85: {  	_ =	swait.ge [sflag:s20], $0x80  }
0x86: {  	[sflag:s20] =	ssyncset.done $0x0  }
0x87: {  	s0 =	sadd.s32 $0x180, s0;
	[sflag:s20] =	ssyncadd.s32 $0xFFFFFF80  }
0x88: {  	[spmem:s2] =	stream.indirect.scatter.add.f32 [tilespmem:s8], [sflag:$0xC], $0x80, s10, s28, $0xb8;
	[tilespmem:$0x1FD80] =	vst v63  }
0x89: {  	_ =	swait.ge [sflag:s11], $0x4000  }
0x8a: {  	[sflag:s11] =	ssyncset.done $0x0  }
0x8b: {  	s7 =	simm.s32 $0xC400;
	s0 =	rddreg [dreg:$0xe];
	[sflag:s11] =	ssyncadd.s32 $0xFFFFC000  }
0x8c: {  	[tilespmem:s7], [sflag:$0x1] =	stream.linear.gather [hbm4b:s0+s3], $0x10, $0x38;
	[tilespmem:$0x1FD80] =	vst v63  }
0x8d: {  	s16 =	simm.s32 $0xC480;
	s19 =	simm.s32 $0x1;
	s23 =	rddreg [dreg:$0xf]  }
0x8e: {  	[tilespmem:s16], [sflag:$0x4] =	stream.linear.gather [hbm4b:s23+s3], $0x10, $0x38;
	[tilespmem:$0x1FD80] =	vst v63  }
0x8f: {  	_ =	swait.ge [sflag:s19], $0x10  }
0x90: {  	[sflag:s19] =	ssyncset.done $0x0  }
0x91: {  	s26 =	simm.s32 $0x10;
	[sflag:s19] =	ssyncadd.s32 $0xFFFFFFF0  }
0x92: {  	[tilespmem:s15], [sflag:$0x7] =	stream.indirect.gather [hbm4b:s1+s26], $0x80, s7, s26, $0xb8;
	[tilespmem:$0x1FD80] =	vst v63  }
0x93: {  	_ =	swait.ge [sflag:s9], $0x800  }
0x94: {  	[sflag:s9] =	ssyncset.done $0x0  }
0x95: {  	[sflag:s9] =	ssyncadd.s32 $0xFFFFF800  }
0x96: {  	_ =	swait.ge [sflag:s13], $0x10  }
0x97: {  	[sflag:s13] =	ssyncset.done $0x0  }
0x98: {  	s23 =	simm.s32 $0xD;
	[sflag:s13] =	ssyncadd.s32 $0xFFFFFFF0  }
0x99: {  	[spmem:s2] =	stream.indirect.scatter.add.f32 [tilespmem:s15], [sflag:$0xD], $0x80, s16, s26, $0xb8;
	[tilespmem:$0x1FD80] =	vst v63  }
0x9a: {  	_ =	swait.ge [sflag:s23], $0x800  }
0x9b: {  	[sflag:s23] =	ssyncset.done $0x0  }
0x9c: {  	[sflag:s23] =	ssyncadd.s32 $0xFFFFF800  }
0x9d: {  	[bflag:$0x0] =	sbarrier.arrive $0xFFFF  }
0x9e: {  	s7 =	rddreg [dreg:$0x8]  }
0x9f: {  	s16 =	rddreg [dreg:$0x10]  }
0xa0: {  	s26 =	rddreg [dreg:$0x15]  }
0xa1: {  	s0 =	sadd.s32 s7, s16;
	s7 =	sor.u32 $0x1C0D, s26;
	s26 =	rddreg [dreg:$0x16]  }
0xa2: {  	[hbm:s0], [sflag:s7] =	dma.local [spmem:s26], $0x2700  }
0xa3: {  	_ =	swait.ge [sflag:s23], $0x2700  }
0xa4: {  	s0 =	sadd.s32 @!p1 $0x27000, s16;
	[sflag:s23] =	ssyncset.done $0x0;
	s16 =	rddreg [dreg:$0xd]  }
0xa5: {  	[sflag:s23] =	ssyncadd.s32 $0xFFFFD900;
	s16 =	sshrl.u32 @!p1 s16, $0x3  }
0xa6: {  	[hbm:s0], [sflag:s7] =	dma.local @!p1 [spmem:s16], $0x100  }
0xa7: {  	s0 =	simm.s32 @!p1 $0xD  }
0xa8: {  	_ =	swait.ge @!p1 [sflag:s0], $0x100  }
0xa9: {  	s7 =	rddreg [dreg:$0x14]  }
0xaa: {  	s26 =	rddreg [dreg:$0x11];
	s16 =	sadd.s32 $0x1, s7  }
0xab: {  	p3 =	sne.s32 s16, s26  }
.Ltmp5:
0xac: {  	_ = 	snop;
	(pc) =	sbr.rel @p3 .LBB2_1-.Ltmp5, $3  }
0xad: {  	_ =	sdelay $0x1  }
0xae: {  	[sflag:s0] =	ssyncset.done @!p1 $0x0  }
0xaf: {  	[sflag:s0] =	ssyncadd.s32 @!p1 $0xFFFFFF00  }
0xb0: {  	_ =	sfence.sel $0x180000  }
0xb1: {  	[bflag:$0x0] =	sbarrier.arrive $0xFFFF  }
0xb2: {  	_ =	strace $0x90000047  }
0xb3: {  	[bflag:$0x2] =	sbarrier.arrive $0xFFFF  }
0xb4: {  	s0 =	rddreg [dreg:$0x3]  }
0xb5: {  	s0 =	sadd.s32 @!p1 $0x100000, s0  }
0xb6: {  	[sflag:s0] =	ssyncadd.tile.s32 @!p1 $0x1;
	_ =	shalt  }
.Lfunc_end2:
_tile_overlayer_lowered:
.L_overlay_start_2:
0xb7: {  	(tag) =	ssettag $0x2  }
0xb8: {  	s0 =	rddreg [dreg:$0x0];
	s2 =	stileid.u32  }
0xb9: {  	s1 =	rddreg [dreg:$0x1];
	p0 =	sne.s32 s2, $0x0  }
0xba: {  	s3 =	rddreg [dreg:$0x2];
	[bflag:$0x3] =	sbarrier.arrive $0xFFFF;
	s2 =	simm.s32 @!p0 $0x1C0D  }
0xbb: {  	[timem:s3], [sflag:s2] =	dma.local @!p0 [hbm:s0], s1  }
0xbc: {  	s0 =	simm.s32 @!p0 $0xD  }
0xbd: {  	_ =	swait.ge @!p0 [sflag:s0], s1  }
0xbe: {  	s1 =	ssub.s32 @!p0 $0x0, s1;
	[sflag:s0] =	ssyncset.done @!p0 $0x0  }
0xbf: {  	[sflag:s0] =	ssyncadd.s32 @!p0 s1  }
0xc0: {  	[bflag:$0x3] =	sbarrier.arrive $0xFFFF  }
0xc1: {  	_ =	shalt  }

// kernel: kernel.9.cloned.1.call-start
scs
__scs_entry_jumppad:
0x0: {  	(pc) =	sbr.rel $0x88, $3  }
0x1: {  	(tag) =	ssettag $0x0;
	lr =	simm.s32 $0x1  }
0x2: {  	[smem:$0x3F87] =	sst lr;
	_ =	strace $0xD0000000  }
0x3: {  	_ = 	snop  }
0x4: {  	_ = 	snop  }
0x5: {  	_ = 	snop  }
0x6: {  	_ = 	snop  }
0x7: {  	_ = 	snop  }
__scs_overlays_trampoline_lowered:
0x8: {  	[smem:$0x3F96] =	sst s0  }
0x9: {  	[smem:$0x3F97] =	sst s1  }
0xa: {  	[smem:$0x3F98] =	sst s2  }
0xb: {  	[smem:$0x3F99] =	sst s3  }
0xc: {  	[smem:$0x3F9A] =	sst s4  }
0xd: {  	[smem:$0x3F9B] =	sst s5  }
0xe: {  	[smem:$0x3F9C] =	sst s6  }
0xf: {  	[smem:$0x3F9D] =	sst s7  }
0x10: {  	[smem:$0x3F9E] =	sst s8  }
0x11: {  	[smem:$0x3F9F] =	sst s9;
	s0 =	simm.s32 @!p0 $0x0  }
0x12: {  	s1 =	sld [smem:$0x3F85];
	s0 =	simm.s32 @p0 $0x1  }
0x13: {  	[smem:$0x3FA0] =	sst s0;
	s0 =	simm.s32 @!p1 $0x0  }
0x14: {  	s2 =	sld [smem:$0x3F84];
	s0 =	simm.s32 @p1 $0x1  }
0x15: {  	[smem:$0x3FA1] =	sst s0;
	s0 =	simm.s32 @!p2 $0x0  }
0x16: {  	s3 =	sld [smem:$0x3FDB];
	s0 =	simm.s32 @p2 $0x1  }
0x17: {  	s4 =	simm.s32 $0x1BF5;
	[smem:$0x3FA3] =	sst s0  }
0x18: {  	s0 =	sld [smem:$0x3F86];
	_ =	swait.ge [sflag:s4], $0x0  }
0x19: {  	s7 =	sld [smem:$0x3F87]  }
0x1a: {  	s8 =	sadd.s32 $0xFFFFE003, lr  }
0x1b: {  	s9 =	sadd.s32 $0xFFFFFEF7, lr;
	s5 =	simm.s32 $0xFFFFFFFF;
	p2 =	slt.u32 s8, $0xFFFFF086  }
0x1c: {  	p1 =	slt.u32 s9, $0xF7A;
	s5 =	simm.s32 @!p2 $0x0  }
0x1d: {  	s5 =	simm.s32 @p1 $0x1;
	p0 =	seq.s32 s7, s2  }
0x1e: {  	s7 =	smul.u32 @!p0 $0xF7A, s2;
	p2 =	seq.s32 @!p0 s5, $0x0  }
0x1f: {  	s9 =	smul.u32 $0xF7A, s1;
	s8 =	simm.s32 @!p0 $0x1BF5;
	p2 =	por !p2, p0  }
0x20: {  	[sflag:s8] =	ssyncset.s32 @!p0 $0xFFFFF086;
	s6 =	sadd.s32 @!p0 s3, s7;
	s7 =	simm.s32 @!p0 $0x108  }
0x21: {  	s3 =	sadd.s32 s3, s9;
	s6 =	sadd.s32 @!p0 $0x88, s6;
	s7 =	simm.s32 @p2 $0x1082  }
0x22: {  	[simem:s7], [sflag:s8] =	dma.local @!p0 [hbm:s6], $0xF7A  }
0x23: {  	s9 =	sor.u32 $0xD0000000, s2;
	s6 =	simm.s32 $0x108;
	_ =	swait.ge @!p0 [sflag:s8], $0x0  }
0x24: {  	s3 =	sadd.s32 $0x88, s3;
	s6 =	simm.s32 @!p1 $0x1082;
	[sflag:s4] =	ssyncset.s32 $0xFFFFF086  }
0x25: {  	[simem:s6], [sflag:s4] =	dma.local [hbm:s3], $0xF7A  }
0x26: {  	[smem:$0x3F87] =	sst s1;
	(tag) =	ssettag s2;
	_ =	strace s9  }
0x27: {  	s1 =	sld [smem:$0x3F97]  }
0x28: {  	s2 =	sld [smem:$0x3F98]  }
0x29: {  	s4 =	sld [smem:$0x3F9A]  }
0x2a: {  	p0 =	seq.s32 s5, $0x0;
	s5 =	sld [smem:$0x3F9B]  }
0x2b: {  	s6 =	sld [smem:$0x3F9C]  }
0x2c: {  	s7 =	sld [smem:$0x3F9D]  }
0x2d: {  	s3 =	simm.s32 $0x108;
	s8 =	sld [smem:$0x3F9E]  }
0x2e: {  	s3 =	simm.s32 @!p0 $0x1082;
	s9 =	sld [smem:$0x3F9F]  }
0x2f: {  	lr =	sadd.s32 s0, s3;
	s0 =	sld [smem:$0x3F96]  }
0x30: {  	s3 =	sld [smem:$0x3F99]  }
0x31: {  	[smem:$0x3FA2] =	sst s10  }
0x32: {  	s10 =	sld [smem:$0x3FA0];
	_ =	sdelay $0x3  }
0x33: {  	p0 =	seq.s32 s10, $0x1;
	s10 =	sld [smem:$0x3FA2];
	_ =	sdelay $0x3  }
0x34: {  	[smem:$0x3FA2] =	sst s10  }
0x35: {  	s10 =	sld [smem:$0x3FA1];
	_ =	sdelay $0x3  }
0x36: {  	p1 =	seq.s32 s10, $0x1;
	s10 =	sld [smem:$0x3FA2];
	_ =	sdelay $0x3  }
0x37: {  	[smem:$0x3FA2] =	sst s10  }
0x38: {  	s10 =	sld [smem:$0x3FA3]  }
0x39: {  	_ = 	snop;
	(pc) =	sbr.ind lr, $3  }
0x3a: {  	_ = 	snop  }
0x3b: {  	_ = 	snop  }
0x3c: {  	p2 =	seq.s32 s10, $0x1;
	s10 =	sld [smem:$0x3FA2]  }
0x3d: {  	_ =	shalt  }
0x3e: {  	_ =	shalt  }
0x3f: {  	_ =	shalt  }
0x40: {  	_ =	shalt  }
0x41: {  	_ =	shalt  }
0x42: {  	_ =	shalt  }
0x43: {  	_ =	shalt  }
0x44: {  	_ =	shalt  }
0x45: {  	_ =	shalt  }
0x46: {  	_ =	shalt  }
0x47: {  	_ =	shalt  }
0x48: {  	_ =	shalt  }
0x49: {  	_ =	shalt  }
0x4a: {  	_ =	shalt  }
0x4b: {  	_ =	shalt  }
0x4c: {  	_ =	shalt  }
0x4d: {  	_ =	shalt  }
0x4e: {  	_ =	shalt  }
0x4f: {  	_ =	shalt  }
0x50: {  	_ =	shalt  }
0x51: {  	_ =	shalt  }
0x52: {  	_ =	shalt  }
0x53: {  	_ =	shalt  }
0x54: {  	_ =	shalt  }
0x55: {  	_ =	shalt  }
0x56: {  	_ =	shalt  }
0x57: {  	_ =	shalt  }
0x58: {  	_ =	shalt  }
0x59: {  	_ =	shalt  }
0x5a: {  	_ =	shalt  }
0x5b: {  	_ =	shalt  }
0x5c: {  	_ =	shalt  }
0x5d: {  	_ =	shalt  }
0x5e: {  	_ =	shalt  }
0x5f: {  	_ =	shalt  }
0x60: {  	_ =	shalt  }
0x61: {  	_ =	shalt  }
0x62: {  	_ =	shalt  }
0x63: {  	_ =	shalt  }
0x64: {  	_ =	shalt  }
0x65: {  	_ =	shalt  }
0x66: {  	_ =	shalt  }
0x67: {  	_ =	shalt  }
0x68: {  	_ =	shalt  }
0x69: {  	_ =	shalt  }
0x6a: {  	_ =	shalt  }
0x6b: {  	_ =	shalt  }
0x6c: {  	_ =	shalt  }
0x6d: {  	_ =	shalt  }
0x6e: {  	_ =	shalt  }
0x6f: {  	_ =	shalt  }
0x70: {  	_ =	shalt  }
0x71: {  	_ =	shalt  }
0x72: {  	_ =	shalt  }
0x73: {  	_ =	shalt  }
0x74: {  	_ =	shalt  }
0x75: {  	_ =	shalt  }
0x76: {  	_ =	shalt  }
0x77: {  	_ =	shalt  }
0x78: {  	_ =	shalt  }
0x79: {  	_ =	shalt  }
0x7a: {  	_ =	shalt  }
0x7b: {  	_ =	shalt  }
0x7c: {  	_ =	shalt  }
0x7d: {  	_ =	shalt  }
0x7e: {  	_ =	shalt  }
0x7f: {  	_ =	shalt  }
0x80: {  	_ =	shalt  }
0x81: {  	_ =	shalt  }
0x82: {  	_ =	shalt  }
0x83: {  	_ =	shalt  }
0x84: {  	_ =	shalt  }
0x85: {  	_ =	shalt  }
0x86: {  	_ =	shalt  }
0x87: {  	_ =	shalt  }
.Lfunc_end0:
.L_simem_size_0:
called_computation.1_lowered:
.L_overlay_start_0:
0x88: {  	s2 =	sld [smem:$0x3FD9]  }
0x89: {  	s3 =	sld [smem:$0x3FFE];
	_ =	sdelay $0x1  }
0x8a: {  	s1 =	srdreg.scid  }
0x8b: {  	s0 =	sand.u32 $0x1, s1  }
0x8c: {  	s16 =	sshll.u32 s0, $0xA;
	s2 =	sadd.s32 s3, s2  }
0x8d: {  	s2 =	sadd.s32 s2, s16  }
0x8e: {  	[smem:$0x3FAE] =	sst s2  }
0x8f: {  	_ = 	snop  }
0x90: {  	(tm) =	ssettm $0x1  }
0x91: {  	s17 =	sld [smem:$0x3FFB];
	_ =	sdelay $0x3  }
0x92: {  	_ =	strace s17  }
0x93: {  	s2 =	sld [smem:$0x3FFC];
	_ =	sdelay $0x3  }
0x94: {  	_ =	strace s2  }
0x95: {  	s2 =	sld [smem:$0x3FFD];
	_ =	sdelay $0x3  }
0x96: {  	_ =	strace s2  }
0x97: {  	_ =	strace $0x8FFFFFFF  }
0x98: {  	s18 =	sld [smem:$0x3FDB];
	_ =	sdelay $0x1  }
0x99: {  	s19 =	simm.s32 $_scs_section_size  }
0x9a: {  	s4 =	simm.s32 $_size__tile_overlayer_lowered;
	s5 =	simm.s32 $_tile_overlayer_lowered  }
0x9b: {  	s22 =	simm.s32 $0x1BFF;
	s21 =	sshll.u32 s5, $0x1;
	s2 =	sadd.s32 s19, s18  }
0x9c: {  	s6 =	simm.s32 $0x0;
	s20 =	sshll.u32 s4, $0x1;
	s4 =	sadd.s32 s21, s2  }
0x9d: {  	[timem:s6], [sflag:s22] =	dma.local [hbm:s4], s20  }
0x9e: {  	_ =	swait.ge [sflag:s22], s20  }
0x9f: {  	s3 =	ssub.s32 $0x0, s20;
	[sflag:s22] =	ssyncset.done $0x0  }
0xa0: {  	[sflag:s22] =	ssyncadd.s32 s3;
	_ =	sdelay $0x1  }
0xa1: {  	s23 =	simm.s32 $0x1B8B  }
0xa2: {  	_ =	swait.ge [sflag:s23], $0x1  }
0xa3: {  	[sflag:s23] =	ssyncset.done $0x0  }
0xa4: {  	s25 =	simm.s32 $0x1B8E;
	s24 =	sld [smem:$0x3FFE];
	[sflag:s23] =	ssyncadd.s32 $0xFFFFFFFF  }
0xa5: {  	s26 =	simm.s32 $execute0_lowered;
	[smem:$0x3FD2] =	sst s25  }
0xa6: {  	s4 =	sshll.u32 s26, $0x1;
	_ =	strace $0x80000049;
	[dreg:$0x1] =	wrdreg $0xFFFFFFFF  }
0xa7: {  	s28 =	simm.s32 $_size_execute0_lowered;
	s2 =	sadd.s32 s2, s4;
	[dreg:$0x0] =	wrdreg $0x0  }
0xa8: {  	s4 =	sshll.u32 s28, $0x1;
	[dreg:$0x2] =	wrdreg s2  }
0xa9: {  	[dreg:$0x3] =	wrdreg s4  }
0xaa: {  	[dreg:$0x4] =	wrdreg $0xC0  }
0xab: {  	_ =	task [dreg:s6], $0x5FFFF  }
0xac: {  	[dreg:$0x1] =	wrdreg $0xFFFFFFFF  }
0xad: {  	[dreg:$0x0] =	wrdreg $0x60  }
0xae: {  	[dreg:$0x2] =	wrdreg s24  }
0xaf: {  	[dreg:$0x3] =	wrdreg $0xC5000  }
0xb0: {  	[dreg:$0x4] =	wrdreg $0x9  }
0xb1: {  	_ =	task.clear_ibuf [dreg:s6], $0x5FFFF;
	_ =	strace $0x90000049  }
0xb2: {  	s29 =	simm.s32 $0x9;
	_ =	strace $0x8000004B  }
0xb3: {  	_ =	swait.ge [sflag:s29], $0x1  }
0xb4: {  	[sflag:s29] =	ssyncadd.s32 $0xFFFFFFFF  }
0xb5: {  	_ =	strace $0x9000004B  }
0xb6: {  	_ =	sfence  }
0xb7: {  	s30 =	sld [smem:$0x0];
	_ =	sdelay $0x2  }
0xb8: {  	s31 =	sshll.u32 s1, $0xD;
	s1 =	sshrl.u32 s1, $0x2  }
0xb9: {  	s3 =	sand.u32 $0x4000, s31;
	s1 =	sadd.s32 s1, s30  }
0xba: {  	s0 =	sor.u32 s3, s0;
	s1 =	sshll.u32 s1, $0x11  }
0xbb: {  	s0 =	sor.u32 s1, s0  }
0xbc: {  	s0 =	sadd.s32 $0x8F2B, s0  }
0xbd: {  	[sflag:s0] =	ssyncadd.remote.s32 $0x1  }
0xbe: {  	_ =	sfence.sel $0xFFFF  }
0xbf: {  	[dreg:$0x0] =	wrdreg $0xFFFFFFFF;
	(pc) =	sbr.abs _section_cstart, $3  }
0xc0: {  	[dreg:$0x1] =	wrdreg $0xFFFFFFFF  }
0xc1: {  	_ =	task.clear_ibuf [dreg:s6], $0x2FFFF;
	_ =	strace $0x9FFFFFFF  }
0xc2: {  	(tm) =	ssettm $0x7FFFFFFF  }
0xc3: {  	_ =	shalt  }
tec
execute0_lowered:
.L_overlay_start_1:
0x0: {  	(tag) =	ssettag $0x1  }
0x1: {  	s0 =	rddreg [dreg:$0x0]  }
0x2: {  	s1 =	rddreg [dreg:$0x1];
	s2 =	simm.s32 $0x0;
	s3 =	srdreg.scid  }
0x3: {  	s18 =	stileid.u32;
	s29 =	simm.s32 $0x1;
	s28 =	simm.s32 $0x400  }
0x4: {  	s30 =	simm.s32 $0x4400;
	s31 =	simm.s32 $0xD;
	s6 =	smul.u32 $0x4E20, s18  }
0x5: {  	s13 =	simm.s32 $0xC;
	[smem:$0x7FF] =	sst s2;
	s15 =	smul.u32 $0x4E000, s18  }
0x6: {  	s3 =	sand.u32 $0x1, s3;
	s4 =	sadd.s32 $0x17200, s0;
	s19 =	smul.u32 $0x2700, s18  }
0x7: {  	s7 =	sadd.s32 $0xD400, s0;
	s8 =	sadd.s32 $0x3600, s0;
	s23 =	smul.u32 $0x9C4, s18  }
0x8: {  	s20 =	sadd.s32 $0x138000, s1;
	p0 =	sne.s32 s18, $0x0;
	s5 =	smul.u32 $0x27100, s3  }
0x9: {  	_ =	strace $0x8000004A;
	s9 =	ssub.s32 $0x2, s3;
	[dreg:$0xa] =	wrdreg s20  }
0xa: {  	p1 =	sne.s32 s3, $0x0;
	s3 =	simm.s32 $0x9;
	s10 =	sshrl.u32 s9, $0x1  }
0xb: {  	s6 =	sshrl.u32 s6, $0x3;
	s17 =	sshrl.u32 s15, $0x2;
	[dreg:$0x8] =	wrdreg s19  }
0xc: {  	s22 =	sadd.s32 s4, s19;
	s20 =	sadd.s32 s23, s8;
	s5 =	sadd.s32 s5, s0  }
0xd: {  	s9 =	ssub.s32 s9, s10;
	s11 =	sadd.s32 s7, s6;
	s14 =	sadd.s32 $0x10, s6  }
0xe: {  	s16 =	sadd.s32 s8, s6;
	s6 =	sadd.s32 $0x9C0, s6;
	[dreg:$0xd] =	wrdreg s22  }
0xf: {  	s26 =	sadd.s32 s17, s1;
	s22 =	simm.s32 $0x80;
	[dreg:$0x3] =	wrdreg s11  }
0x10: {  	s17 =	simm.s32 $0x3;
	s12 =	sadd.s32 s7, s14;
	[dreg:$0x6] =	wrdreg s16  }
0x11: {  	s11 =	sadd.s32 $0x20, s11;
	s10 =	sadd.s32 s8, s14;
	[dreg:$0x9] =	wrdreg s26  }
0x12: {  	s21 =	sadd.s32 s7, s6;
	s6 =	sadd.s32 s8, s6;
	[dreg:$0x4] =	wrdreg s12  }
0x13: {  	s24 =	sadd.s32 $0x65400, s5;
	s25 =	smax.u32 s9, $0x1;
	[dreg:$0x5] =	wrdreg s11  }
0x14: {  	s16 =	simm.s32 $0x300;
	s8 =	simm.s32 $0x8;
	[dreg:$0x7] =	wrdreg s10  }
0x15: {  	s9 =	simm.s32 $0x5;
	s5 =	simm.s32 $0x6;
	[dreg:$0xb] =	wrdreg s21  }
.Ltmp0:
0x16: {  	s14 =	simm.s32 $0x0;
	[dreg:$0xc] =	wrdreg s6;
	(pc) =	sbr.rel .LBB2_1-.Ltmp0, $4  }
0x17: {  	s10 =	sadd.s32 $0x3E300, s0;
	s0 =	sadd.s32 $0x3E200, s0;
	[dreg:$0xf] =	wrdreg s24  }
0x18: {  	[dreg:$0x10] =	wrdreg s25;
	s21 =	sadd.s32 s23, s7;
	s23 =	simm.s32 $0x100  }
0x19: {  	s24 =	simm.s32 $0x200;
	s25 =	simm.s32 $0x280;
	s6 =	simm.s32 $0x8400  }
0x1a: {  	s7 =	simm.s32 $0x4;
	[dreg:$0xe] =	wrdreg s0;
	s0 =	simm.s32 $0x7  }
.LBB2_7:
0x1b: {  	s19 =	smov.u32 s10  }
.LBB2_8:
0x1c: {  	_ =	swait.ge [sflag:s13], $0x4000  }
0x1d: {  	[sflag:s13] =	ssyncset.done $0x0  }
0x1e: {  	s12 =	simm.s32 $0xC400;
	s11 =	rddreg [dreg:$0xb];
	[sflag:s13] =	ssyncadd.s32 $0xFFFFC000  }
0x1f: {  	[tilespmem:s12], [sflag:$0x1] =	stream.linear.gather [hbm4b:s11+s2], $0x20, $0x38;
	[tilespmem:$0x1FD80] =	vst v63  }
0x20: {  	s15 =	simm.s32 $0xC480;
	s29 =	simm.s32 $0x1;
	s26 =	rddreg [dreg:$0xc]  }
0x21: {  	[tilespmem:s15], [sflag:$0x4] =	stream.linear.gather [hbm4b:s26+s2], $0x20, $0x38;
	[tilespmem:$0x1FD80] =	vst v63  }
0x22: {  	_ =	swait.ge [sflag:s29], $0x20  }
0x23: {  	[sflag:s29] =	ssyncset.done $0x0  }
0x24: {  	s18 =	simm.s32 $0x20;
	[sflag:s29] =	ssyncadd.s32 $0xFFFFFFE0  }
0x25: {  	[tilespmem:s28], [sflag:$0x7] =	stream.indirect.gather [hbm4b:s19+s18], $0x80, s12, s18, $0xb8;
	[tilespmem:$0x1FD80] =	vst v63  }
0x26: {  	_ =	swait.ge [sflag:s0], $0x1000  }
0x27: {  	[sflag:s0] =	ssyncset.done $0x0  }
0x28: {  	[sflag:s0] =	ssyncadd.s32 $0xFFFFF000  }
0x29: {  	_ =	swait.ge [sflag:s7], $0x20  }
0x2a: {  	[sflag:s7] =	ssyncset.done $0x0  }
0x2b: {  	[sflag:s7] =	ssyncadd.s32 $0xFFFFFFE0  }
0x2c: {  	[spmem:s1] =	stream.indirect.scatter.add.f32 [tilespmem:s28], [sflag:$0xD], $0x80, s15, s18, $0xb8;
	[tilespmem:$0x1FD80] =	vst v63  }
0x2d: {  	_ =	swait.ge [sflag:s31], $0x1000  }
0x2e: {  	[sflag:s31] =	ssyncset.done $0x0  }
0x2f: {  	[sflag:s31] =	ssyncadd.s32 $0xFFFFF000  }
0x30: {  	[bflag:$0x0] =	sbarrier.arrive $0xFFFF  }
0x31: {  	s18 =	stileid.u32;
	s15 =	rddreg [dreg:$0x8]  }
0x32: {  	s26 =	sshll.u32 s18, $0x6;
	s19 =	rddreg [dreg:$0xf]  }
0x33: {  	s11 =	sor.u32 $0x1C0D, s26;
	s26 =	rddreg [dreg:$0x9]  }
0x34: {  	s12 =	sadd.s32 s15, s19;
	s15 =	sshrl.u32 s26, $0x3  }
0x35: {  	[hbm:s12], [sflag:s11] =	dma.local [spmem:s15], $0x2700  }
0x36: {  	_ =	swait.ge [sflag:s31], $0x2700  }
0x37: {  	[sflag:s31] =	ssyncset.done $0x0  }
0x38: {  	s12 =	sadd.s32 @!p0 $0x27000, s19;
	s15 =	rddreg [dreg:$0x11];
	[sflag:s31] =	ssyncadd.s32 $0xFFFFD900  }
0x39: {  	[hbm:s12], [sflag:s11] =	dma.local @!p0 [spmem:s15], $0x100  }
0x3a: {  	s11 =	simm.s32 @!p0 $0xD  }
0x3b: {  	_ =	swait.ge @!p0 [sflag:s11], $0x100  }
0x3c: {  	s14 =	sadd.s32 $0x1, s14;
	s19 =	rddreg [dreg:$0x10]  }
0x3d: {  	p2 =	sne.s32 s14, s19  }
.Ltmp1:
0x3e: {  	_ = 	snop;
	(pc) =	sbr.rel @!p2 .LBB2_9-.Ltmp1, $3  }
0x3f: {  	_ =	sdelay $0x1  }
0x40: {  	[sflag:s11] =	ssyncset.done @!p0 $0x0  }
0x41: {  	[sflag:s11] =	ssyncadd.s32 @!p0 $0xFFFFFF00  }
.LBB2_1:
0x42: {  	s11 =	rddreg [dreg:$0x3]  }
0x43: {  	[tilespmem:s2], [sflag:$0x1] =	stream.linear.gather [hbm4b:s11+s2], $0x80, $0x38;
	[tilespmem:$0x1FD80] =	vst v63  }
0x44: {  	s19 =	rddreg [dreg:$0x4]  }
0x45: {  	[tilespmem:s22], [sflag:$0x2] =	stream.linear.gather [hbm4b:s19+s2], $0x80, $0x38;
	[tilespmem:$0x1FD80] =	vst v63  }
0x46: {  	s12 =	rddreg [dreg:$0x5]  }
0x47: {  	[tilespmem:s23], [sflag:$0x3] =	stream.linear.gather [hbm4b:s12+s2], $0x80, $0x38;
	[tilespmem:$0x1FD80] =	vst v63  }
0x48: {  	s15 =	rddreg [dreg:$0x6]  }
0x49: {  	[tilespmem:s24], [sflag:$0x4] =	stream.linear.gather [hbm4b:s15+s2], $0x80, $0x38;
	[tilespmem:$0x1FD80] =	vst v63  }
0x4a: {  	s19 =	rddreg [dreg:$0x7]  }
0x4b: {  	[tilespmem:s25], [sflag:$0x5] =	stream.linear.gather [hbm4b:s19+s2], $0x80, $0x38;
	[tilespmem:$0x1FD80] =	vst v63  }
.Ltmp2:
0x4c: {  	_ = 	snop;
	(pc) =	sbr.rel @p1 .LBB2_5-.Ltmp2, $4  }
0x4d: {  	_ =	swait.ge [sflag:s29], $0x80  }
0x4e: {  	[sflag:s29] =	ssyncset.done $0x0;
	s11 =	rddreg [dreg:$0xa]  }
0x4f: {  	[sflag:s29] =	ssyncadd.s32 $0xFFFFFF80;
	s29 =	sshrl.u32 @!p0 s11, $0x3  }
0x50: {  	[dreg:$0x11] =	wrdreg s29  }
0x51: {  	[tilespmem:s28], [sflag:$0x7] =	stream.indirect.gather [hbm4b:s4+s22], $0x80, s2, s22, $0xb8;
	[tilespmem:$0x1FD80] =	vst v63  }
0x52: {  	s11 =	simm.s32 $0x2  }
0x53: {  	_ =	swait.ge [sflag:s11], $0x80  }
0x54: {  	s19 =	sshll.u32 s18, $0x6;
	s26 =	sshrl.u32 s26, $0x3;
	[sflag:s11] =	ssyncset.done $0x0  }
0x55: {  	s19 =	sor.u32 $0x1C0D, s19;
	s12 =	rddreg [dreg:$0xd];
	[sflag:s11] =	ssyncadd.s32 $0xFFFFFF80  }
0x56: {  	[tilespmem:s30], [sflag:$0x8] =	stream.indirect.gather [hbm4b:s4+s22], $0x80, s22, s22, $0xb8;
	[tilespmem:$0x1FD80] =	vst v63  }
0x57: {  	[spmem:s26], [sflag:s19] =	dma.local [hbm:s12], $0x2700  }
0x58: {  	_ =	swait.ge [sflag:s31], $0x2700  }
0x59: {  	[sflag:s31] =	ssyncset.done $0x0  }
0x5a: {  	s11 =	rddreg [dreg:$0xe];
	[sflag:s31] =	ssyncadd.s32 $0xFFFFD900  }
0x5b: {  	[spmem:s29], [sflag:s19] =	dma.local @!p0 [hbm:s11], $0x100  }
0x5c: {  	s11 =	simm.s32 @!p0 $0xD  }
0x5d: {  	_ =	swait.ge @!p0 [sflag:s11], $0x100  }
0x5e: {  	[sflag:s11] =	ssyncset.done @!p0 $0x0  }
0x5f: {  	[sflag:s11] =	ssyncadd.s32 @!p0 $0xFFFFFF00  }
0x60: {  	s19 =	simm.s32 $0x0;
	[bflag:$0x0] =	sbarrier.arrive $0xFFFF  }
.LBB2_3:
0x61: {  	_ =	swait.ge [sflag:s0], $0x4000;
	p2 =	seq.s32 s19, $0x990  }
0x62: {  	[sflag:s0] =	ssyncset.done $0x0;
	s11 =	sadd.s32 @!p2 s19, s21;
	s29 =	simm.s32 @!p2 $0x0  }
0x63: {  	p3 =	seq.s32 @!p2 s19, $0x0;
	[sflag:s0] =	ssyncadd.s32 $0xFFFFC000;
	s11 =	sadd.s32 @!p2 $0x30, s11  }
0x64: {  	[tilespmem:s29], [sflag:$0x1] =	stream.linear.gather @!p2 [hbm4b:s11+s29], $0x80, $0x38;
	[tilespmem:$0x1FD80] =	vst v63  }
0x65: {  	p2 =	por p2, !p3  }
0x66: {  	_ =	swait.ge @p2 [sflag:s13], $0x4000  }
0x67: {  	s29 =	sadd.s32 s19, s20;
	[sflag:s13] =	ssyncset.done @p2 $0x0  }
0x68: {  	s11 =	sadd.s32 $0x20, s29;
	[sflag:s13] =	ssyncadd.s32 @p2 $0xFFFFC000  }
0x69: {  	[tilespmem:s16], [sflag:$0x6] =	stream.linear.gather [hbm4b:s11+s2], $0x80, $0x38;
	[tilespmem:$0x1FD80] =	vst v63  }
0x6a: {  	_ =	swait.ge [sflag:s17], $0x80  }
0x6b: {  	[sflag:s17] =	ssyncset.done $0x0  }
0x6c: {  	[sflag:s17] =	ssyncadd.s32 $0xFFFFFF80  }
0x6d: {  	[tilespmem:s6], [sflag:$0x9] =	stream.indirect.gather [hbm4b:s4+s22], $0x80, s23, s22, $0xb8;
	[tilespmem:$0x1FD80] =	vst v63  }
0x6e: {  	_ =	swait.ge [sflag:s7], $0x80  }
0x6f: {  	[sflag:s7] =	ssyncset.done $0x0  }
0x70: {  	[sflag:s7] =	ssyncadd.s32 $0xFFFFFF80  }
0x71: {  	[spmem:s1] =	stream.indirect.scatter.add.f32 [tilespmem:s28], [sflag:$0xA], $0x80, s24, s22, $0xb8;
	[tilespmem:$0x1FD80] =	vst v63  }
0x72: {  	p2 =	sne.s32 s19, $0x990;
	_ =	swait.ge [sflag:s8], $0x4000  }
0x73: {  	s11 =	sadd.s32 @p2 s19, s21;
	s12 =	simm.s32 @p2 $0x0;
	[sflag:s8] =	ssyncset.done $0x0  }
0x74: {  	s18 =	simm.s32 @p2 $0x80;
	s29 =	sadd.s32 @p2 $0x40, s11;
	[sflag:s8] =	ssyncadd.s32 $0xFFFFC000  }
0x75: {  	[tilespmem:s18], [sflag:$0x2] =	stream.linear.gather @p2 [hbm4b:s29+s12], $0x80, $0x38;
	[tilespmem:$0x1FD80] =	vst v63  }
0x76: {  	s29 =	simm.s32 @p2 $0xA  }
0x77: {  	_ =	swait.ge @p2 [sflag:s29], $0x4000  }
0x78: {  	s26 =	sadd.s32 @p2 s19, s20;
	[sflag:s29] =	ssyncset.done @p2 $0x0  }
0x79: {  	s15 =	simm.s32 @p2 $0x200;
	[sflag:s29] =	ssyncadd.s32 @p2 $0xFFFFC000;
	s29 =	sadd.s32 @p2 $0x30, s26  }
0x7a: {  	[tilespmem:s15], [sflag:$0x4] =	stream.linear.gather @p2 [hbm4b:s29+s12], $0x80, $0x38;
	[tilespmem:$0x1FD80] =	vst v63  }
0x7b: {  	s15 =	simm.s32 @p2 $0x1  }
0x7c: {  	_ =	swait.ge @p2 [sflag:s15], $0x80  }
0x7d: {  	[sflag:s15] =	ssyncset.done @p2 $0x0  }
0x7e: {  	[sflag:s15] =	ssyncadd.s32 @p2 $0xFFFFFF80;
	s15 =	simm.s32 @p2 $0x400  }
0x7f: {  	[tilespmem:s15], [sflag:$0x7] =	stream.indirect.gather @p2 [hbm4b:s4+s18], $0x80, s12, s18, $0xb8;
	[tilespmem:$0x1FD80] =	vst v63  }
0x80: {  	s15 =	simm.s32 @!p2 $0xA  }
0x81: {  	_ =	swait.ge @!p2 [sflag:s15], $0x4000  }
0x82: {  	[sflag:s15] =	ssyncset.done @!p2 $0x0  }
0x83: {  	[sflag:s15] =	ssyncadd.s32 @!p2 $0xFFFFC000  }
0x84: {  	_ =	swait.ge [sflag:s9], $0x80  }
0x85: {  	[sflag:s9] =	ssyncset.done $0x0  }
0x86: {  	[sflag:s9] =	ssyncadd.s32 $0xFFFFFF80  }
0x87: {  	[spmem:s1] =	stream.indirect.scatter.add.f32 [tilespmem:s30], [sflag:$0xB], $0x80, s25, s22, $0xb8;
	[tilespmem:$0x1FD80] =	vst v63  }
0x88: {  	_ =	swait.ge [sflag:s3], $0x4000  }
0x89: {  	[sflag:s3] =	ssyncset.done $0x0  }
0x8a: {  	s11 =	sadd.s32 @p2 $0x50, s11;
	s15 =	simm.s32 @p2 $0x100;
	[sflag:s3] =	ssyncadd.s32 $0xFFFFC000  }
0x8b: {  	[tilespmem:s15], [sflag:$0x3] =	stream.linear.gather @p2 [hbm4b:s11+s12], $0x80, $0x38;
	[tilespmem:$0x1FD80] =	vst v63  }
0x8c: {  	s11 =	simm.s32 @p2 $0xB  }
0x8d: {  	_ =	swait.ge @p2 [sflag:s11], $0x4000  }
0x8e: {  	[sflag:s11] =	ssyncset.done @p2 $0x0  }
0x8f: {  	s15 =	simm.s32 @p2 $0x280;
	[sflag:s11] =	ssyncadd.s32 @p2 $0xFFFFC000;
	s11 =	sadd.s32 @p2 $0x40, s26  }
0x90: {  	[tilespmem:s15], [sflag:$0x5] =	stream.linear.gather @p2 [hbm4b:s11+s12], $0x80, $0x38;
	[tilespmem:$0x1FD80] =	vst v63  }
0x91: {  	s11 =	simm.s32 @p2 $0x2  }
0x92: {  	_ =	swait.ge @p2 [sflag:s11], $0x80  }
0x93: {  	[sflag:s11] =	ssyncset.done @p2 $0x0  }
0x94: {  	[sflag:s11] =	ssyncadd.s32 @p2 $0xFFFFFF80;
	s11 =	simm.s32 @p2 $0x4400  }
0x95: {  	[tilespmem:s11], [sflag:$0x8] =	stream.indirect.gather @p2 [hbm4b:s4+s18], $0x80, s18, s18, $0xb8;
	[tilespmem:$0x1FD80] =	vst v63  }
0x96: {  	s11 =	simm.s32 @!p2 $0xB  }
0x97: {  	_ =	swait.ge @!p2 [sflag:s11], $0x4000  }
0x98: {  	s19 =	sadd.s32 $0x30, s19;
	[sflag:s11] =	ssyncset.done @!p2 $0x0  }
0x99: {  	[sflag:s11] =	ssyncadd.s32 @!p2 $0xFFFFC000;
	p2 =	seq.s32 s19, $0x9C0  }
.Ltmp3:
0x9a: {  	_ = 	snop;
	(pc) =	sbr.rel @!p2 .LBB2_3-.Ltmp3, $4  }
0x9b: {  	_ =	swait.ge [sflag:s5], $0x80  }
0x9c: {  	[sflag:s5] =	ssyncset.done $0x0  }
0x9d: {  	[sflag:s5] =	ssyncadd.s32 $0xFFFFFF80  }
0x9e: {  	[spmem:s1] =	stream.indirect.scatter.add.f32 [tilespmem:s6], [sflag:$0xC], $0x80, s16, s22, $0xb8;
	[tilespmem:$0x1FD80] =	vst v63  }
.Ltmp4:
0x9f: {  	(pc) =	sbr.rel .LBB2_8-.Ltmp4, $2  }
0xa0: {  	_ =	sdelay $0x2  }
0xa1: {  	s19 =	smov.u32 s4  }
.LBB2_5:
0xa2: {  	[tilespmem:s28], [sflag:$0x7] =	stream.indirect.gather [hbm4b:s10+s22], $0x80, s2, s22, $0xb8;
	[tilespmem:$0x1FD80] =	vst v63  }
0xa3: {  	s11 =	simm.s32 $0x2  }
0xa4: {  	s19 =	sshll.u32 s18, $0x6;
	_ =	swait.ge [sflag:s11], $0x80  }
0xa5: {  	s15 =	sshrl.u32 s26, $0x3;
	[sflag:s11] =	ssyncset.done $0x0;
	s12 =	rddreg [dreg:$0x8]  }
0xa6: {  	[sflag:s11] =	ssyncadd.s32 $0xFFFFFF80;
	s12 =	sadd.s32 s12, s10;
	s11 =	sor.u32 $0x1C0D, s19  }
0xa7: {  	[tilespmem:s30], [sflag:$0x8] =	stream.indirect.gather [hbm4b:s10+s22], $0x80, s22, s22, $0xb8;
	[tilespmem:$0x1FD80] =	vst v63  }
0xa8: {  	[spmem:s15], [sflag:s11] =	dma.local [hbm:s12], $0x2700  }
0xa9: {  	_ =	swait.ge [sflag:s31], $0x2700  }
0xaa: {  	[sflag:s31] =	ssyncset.done $0x0  }
0xab: {  	s12 =	sadd.s32 @!p0 $0x27000, s10;
	[sflag:s31] =	ssyncadd.s32 $0xFFFFD900  }
0xac: {  	[spmem:s29], [sflag:s11] =	dma.local @!p0 [hbm:s12], $0x100  }
0xad: {  	s11 =	simm.s32 @!p0 $0xD  }
0xae: {  	_ =	swait.ge @!p0 [sflag:s11], $0x100  }
0xaf: {  	[sflag:s11] =	ssyncset.done @!p0 $0x0  }
0xb0: {  	[sflag:s11] =	ssyncadd.s32 @!p0 $0xFFFFFF00  }
0xb1: {  	s19 =	simm.s32 $0x0;
	[bflag:$0x0] =	sbarrier.arrive $0xFFFF  }
.LBB2_6:
0xb2: {  	_ =	swait.ge [sflag:s0], $0x4000;
	p2 =	seq.s32 s19, $0x990  }
0xb3: {  	[sflag:s0] =	ssyncset.done $0x0;
	s11 =	sadd.s32 @!p2 s19, s21;
	s12 =	simm.s32 @!p2 $0x0  }
0xb4: {  	p3 =	seq.s32 @!p2 s19, $0x0;
	[sflag:s0] =	ssyncadd.s32 $0xFFFFC000;
	s11 =	sadd.s32 @!p2 $0x30, s11  }
0xb5: {  	[tilespmem:s12], [sflag:$0x1] =	stream.linear.gather @!p2 [hbm4b:s11+s12], $0x80, $0x38;
	[tilespmem:$0x1FD80] =	vst v63  }
0xb6: {  	p2 =	por p2, !p3  }
0xb7: {  	_ =	swait.ge @p2 [sflag:s13], $0x4000  }
0xb8: {  	s29 =	sadd.s32 s19, s20;
	[sflag:s13] =	ssyncset.done @p2 $0x0  }
0xb9: {  	s11 =	sadd.s32 $0x20, s29;
	[sflag:s13] =	ssyncadd.s32 @p2 $0xFFFFC000  }
0xba: {  	[tilespmem:s16], [sflag:$0x6] =	stream.linear.gather [hbm4b:s11+s2], $0x80, $0x38;
	[tilespmem:$0x1FD80] =	vst v63  }
0xbb: {  	_ =	swait.ge [sflag:s17], $0x80  }
0xbc: {  	[sflag:s17] =	ssyncset.done $0x0  }
0xbd: {  	[sflag:s17] =	ssyncadd.s32 $0xFFFFFF80  }
0xbe: {  	[tilespmem:s6], [sflag:$0x9] =	stream.indirect.gather [hbm4b:s10+s22], $0x80, s23, s22, $0xb8;
	[tilespmem:$0x1FD80] =	vst v63  }
0xbf: {  	_ =	swait.ge [sflag:s7], $0x80  }
0xc0: {  	[sflag:s7] =	ssyncset.done $0x0  }
0xc1: {  	[sflag:s7] =	ssyncadd.s32 $0xFFFFFF80  }
0xc2: {  	[spmem:s1] =	stream.indirect.scatter.add.f32 [tilespmem:s28], [sflag:$0xA], $0x80, s24, s22, $0xb8;
	[tilespmem:$0x1FD80] =	vst v63  }
0xc3: {  	p2 =	sne.s32 s19, $0x990;
	_ =	swait.ge [sflag:s8], $0x4000  }
0xc4: {  	s11 =	sadd.s32 @p2 s19, s21;
	s15 =	simm.s32 @p2 $0x0;
	[sflag:s8] =	ssyncset.done $0x0  }
0xc5: {  	s18 =	simm.s32 @p2 $0x80;
	s12 =	sadd.s32 @p2 $0x40, s11;
	[sflag:s8] =	ssyncadd.s32 $0xFFFFC000  }
0xc6: {  	[tilespmem:s18], [sflag:$0x2] =	stream.linear.gather @p2 [hbm4b:s12+s15], $0x80, $0x38;
	[tilespmem:$0x1FD80] =	vst v63  }
0xc7: {  	s12 =	simm.s32 @p2 $0xA  }
0xc8: {  	_ =	swait.ge @p2 [sflag:s12], $0x4000  }
0xc9: {  	s26 =	sadd.s32 @p2 s19, s20;
	[sflag:s12] =	ssyncset.done @p2 $0x0  }
0xca: {  	s29 =	simm.s32 @p2 $0x200;
	[sflag:s12] =	ssyncadd.s32 @p2 $0xFFFFC000;
	s12 =	sadd.s32 @p2 $0x30, s26  }
0xcb: {  	[tilespmem:s29], [sflag:$0x4] =	stream.linear.gather @p2 [hbm4b:s12+s15], $0x80, $0x38;
	[tilespmem:$0x1FD80] =	vst v63  }
0xcc: {  	s12 =	simm.s32 @p2 $0x1  }
0xcd: {  	_ =	swait.ge @p2 [sflag:s12], $0x80  }
0xce: {  	[sflag:s12] =	ssyncset.done @p2 $0x0  }
0xcf: {  	[sflag:s12] =	ssyncadd.s32 @p2 $0xFFFFFF80;
	s12 =	simm.s32 @p2 $0x400  }
0xd0: {  	[tilespmem:s12], [sflag:$0x7] =	stream.indirect.gather @p2 [hbm4b:s10+s18], $0x80, s15, s18, $0xb8;
	[tilespmem:$0x1FD80] =	vst v63  }
0xd1: {  	s12 =	simm.s32 @!p2 $0xA  }
0xd2: {  	_ =	swait.ge @!p2 [sflag:s12], $0x4000  }
0xd3: {  	[sflag:s12] =	ssyncset.done @!p2 $0x0  }
0xd4: {  	[sflag:s12] =	ssyncadd.s32 @!p2 $0xFFFFC000  }
0xd5: {  	_ =	swait.ge [sflag:s9], $0x80  }
0xd6: {  	[sflag:s9] =	ssyncset.done $0x0  }
0xd7: {  	[sflag:s9] =	ssyncadd.s32 $0xFFFFFF80  }
0xd8: {  	[spmem:s1] =	stream.indirect.scatter.add.f32 [tilespmem:s30], [sflag:$0xB], $0x80, s25, s22, $0xb8;
	[tilespmem:$0x1FD80] =	vst v63  }
0xd9: {  	_ =	swait.ge [sflag:s3], $0x4000  }
0xda: {  	[sflag:s3] =	ssyncset.done $0x0  }
0xdb: {  	s11 =	sadd.s32 @p2 $0x50, s11;
	s12 =	simm.s32 @p2 $0x100;
	[sflag:s3] =	ssyncadd.s32 $0xFFFFC000  }
0xdc: {  	[tilespmem:s12], [sflag:$0x3] =	stream.linear.gather @p2 [hbm4b:s11+s15], $0x80, $0x38;
	[tilespmem:$0x1FD80] =	vst v63  }
0xdd: {  	s11 =	simm.s32 @p2 $0xB  }
0xde: {  	_ =	swait.ge @p2 [sflag:s11], $0x4000  }
0xdf: {  	[sflag:s11] =	ssyncset.done @p2 $0x0  }
0xe0: {  	s12 =	simm.s32 @p2 $0x280;
	[sflag:s11] =	ssyncadd.s32 @p2 $0xFFFFC000;
	s11 =	sadd.s32 @p2 $0x40, s26  }
0xe1: {  	[tilespmem:s12], [sflag:$0x5] =	stream.linear.gather @p2 [hbm4b:s11+s15], $0x80, $0x38;
	[tilespmem:$0x1FD80] =	vst v63  }
0xe2: {  	s11 =	simm.s32 @p2 $0x2  }
0xe3: {  	_ =	swait.ge @p2 [sflag:s11], $0x80  }
0xe4: {  	[sflag:s11] =	ssyncset.done @p2 $0x0  }
0xe5: {  	[sflag:s11] =	ssyncadd.s32 @p2 $0xFFFFFF80;
	s11 =	simm.s32 @p2 $0x4400  }
0xe6: {  	[tilespmem:s11], [sflag:$0x8] =	stream.indirect.gather @p2 [hbm4b:s10+s18], $0x80, s18, s18, $0xb8;
	[tilespmem:$0x1FD80] =	vst v63  }
0xe7: {  	s11 =	simm.s32 @!p2 $0xB  }
0xe8: {  	_ =	swait.ge @!p2 [sflag:s11], $0x4000  }
0xe9: {  	s19 =	sadd.s32 $0x30, s19;
	[sflag:s11] =	ssyncset.done @!p2 $0x0  }
0xea: {  	[sflag:s11] =	ssyncadd.s32 @!p2 $0xFFFFC000;
	p2 =	sne.s32 s19, $0x9C0  }
.Ltmp5:
0xeb: {  	_ = 	snop;
	(pc) =	sbr.rel @p2 .LBB2_6-.Ltmp5, $4  }
0xec: {  	_ =	swait.ge [sflag:s5], $0x80  }
0xed: {  	[sflag:s5] =	ssyncset.done $0x0  }
0xee: {  	[sflag:s5] =	ssyncadd.s32 $0xFFFFFF80  }
0xef: {  	[spmem:s1] =	stream.indirect.scatter.add.f32 [tilespmem:s6], [sflag:$0xC], $0x80, s16, s22, $0xb8;
	[tilespmem:$0x1FD80] =	vst v63  }
.Ltmp6:
0xf0: {  	_ = 	snop;
	(pc) =	sbr.rel .LBB2_7-.Ltmp6, $1  }
0xf1: {  	_ =	sdelay $0x3  }
.LBB2_9:
0xf2: {  	_ =	sfence.sel $0x180000  }
0xf3: {  	[bflag:$0x0] =	sbarrier.arrive $0xFFFF  }
0xf4: {  	_ =	strace $0x9000004A  }
0xf5: {  	[bflag:$0x2] =	sbarrier.arrive $0xFFFF  }
0xf6: {  	s0 =	rddreg [dreg:$0x2]  }
0xf7: {  	s0 =	sadd.s32 @!p0 $0x100000, s0  }
0xf8: {  	[sflag:s0] =	ssyncadd.tile.s32 @!p0 $0x1;
	_ =	shalt  }
.Lfunc_end2:
_tile_overlayer_lowered:
.L_overlay_start_2:
0xf9: {  	(tag) =	ssettag $0x2  }
0xfa: {  	s0 =	rddreg [dreg:$0x0];
	s2 =	stileid.u32  }
0xfb: {  	s1 =	rddreg [dreg:$0x1];
	p0 =	sne.s32 s2, $0x0  }
0xfc: {  	s3 =	rddreg [dreg:$0x2];
	[bflag:$0x3] =	sbarrier.arrive $0xFFFF;
	s2 =	simm.s32 @!p0 $0x1C0D  }
0xfd: {  	[timem:s3], [sflag:s2] =	dma.local @!p0 [hbm:s0], s1  }
0xfe: {  	s0 =	simm.s32 @!p0 $0xD  }
0xff: {  	_ =	swait.ge @!p0 [sflag:s0], s1  }
0x100: {  	s1 =	ssub.s32 @!p0 $0x0, s1;
	[sflag:s0] =	ssyncset.done @!p0 $0x0  }
0x101: {  	[sflag:s0] =	ssyncadd.s32 @!p0 s1  }
0x102: {  	[bflag:$0x3] =	sbarrier.arrive $0xFFFF  }
0x103: {  	_ =	shalt  }

</sc_bundles>
